<compile_context>
chip_gen: v7x
topology: tpu7x:2x2x1
jax: 0.10.2.dev20260603
libtpu: 0.0.44.dev20260713+nightly
codegen_flags: <defaults>
</compile_context>

<pallas_src>
import functools

import jax
import jax.numpy as jnp
from jax import lax
from jax.experimental import pallas as pl
from jax.experimental.pallas import tpu as pltpu
from jax.experimental.pallas import tpu_sc as plsc

BATCH = 16384
EMB_D = 16
NROWS = 1000000
NC = 2
NS = 16
NW = NC * NS
B_PER_W = BATCH // NW
KF = 16
NGRP = B_PER_W // KF
LAST_BLK = NROWS // 128 - 1
EDGE = (NROWS // 128) * 128
EDGE_W = NROWS - EDGE


def _gather_body(uidx_hbm, iidx_hbm, uembT_hbm, iembT_hbm,
                 uoutT_hbm, ioutT_hbm,
                 idx_v, ublk_v, iblk_v, urows_v, irows_v, edge_v,
                 usem, isem, esem):
    wid = lax.axis_index("s") * NC + lax.axis_index("c")
    base = wid * B_PER_W
    pltpu.sync_copy(uidx_hbm.at[pl.ds(base, B_PER_W)], idx_v.at[0])
    pltpu.sync_copy(iidx_hbm.at[pl.ds(base, B_PER_W)], idx_v.at[1])
    pltpu.async_copy(uembT_hbm.at[:, pl.ds(EDGE, EDGE_W)], edge_v.at[0],
                     esem).wait()
    pltpu.async_copy(iembT_hbm.at[:, pl.ds(EDGE, EDGE_W)], edge_v.at[1],
                     esem).wait()

    iota16 = lax.iota(jnp.int32, 16)

    def splat(x):
        return jnp.full((16,), x, jnp.int32)

    def ldv(toff, g):
        return idx_v[toff, pl.ds(16 * g, 16)]

    def fire(toff, table, blk_v, sem, g):
        v = ldv(toff, g)
        for k in range(KF):
            r = v[k]
            cb = jnp.minimum(r >> 7, LAST_BLK)
            pltpu.async_copy(table.at[:, pl.ds(cb * 128, 128)],
                             blk_v.at[k], sem)

    def drain_extract(toff, table, blk_v, rows_v, sem, g):
        v = ldv(toff, g)
        for k in range(KF):
            pltpu.make_async_copy(table.at[:, pl.ds(0, 128)],
                                  blk_v.at[k], sem).wait()
        for k in range(KF):
            i = g * KF + k
            x = plsc.load_gather(blk_v, [splat(k), iota16,
                                         splat(v[k] & 127)])
            plsc.store_scatter(rows_v, [iota16, splat(i)], x)

    fire(0, uembT_hbm, ublk_v, usem, 0)

    def grp(g, _):
        fire(1, iembT_hbm, iblk_v, isem, g)
        drain_extract(0, uembT_hbm, ublk_v, urows_v, usem, g)
        @pl.when(g < NGRP - 1)
        def _():
            fire(0, uembT_hbm, ublk_v, usem, g + 1)
        drain_extract(1, iembT_hbm, iblk_v, irows_v, isem, g)
        return 0

    lax.fori_loop(0, NGRP, grp, 0)

    def tail(g, _):
        vu = ldv(0, g)
        vi = ldv(1, g)
        @pl.when(jnp.any(vu >= EDGE))
        def _():
            for k in range(KF):
                i = g * KF + k
                ru = vu[k]
                @pl.when(ru >= EDGE)
                def _():
                    x = plsc.load_gather(edge_v, [splat(0), iota16,
                                                  splat(ru - EDGE)])
                    plsc.store_scatter(urows_v, [iota16, splat(i)], x)
        @pl.when(jnp.any(vi >= EDGE))
        def _():
            for k in range(KF):
                i = g * KF + k
                ri = vi[k]
                @pl.when(ri >= EDGE)
                def _():
                    x = plsc.load_gather(edge_v, [splat(1), iota16,
                                                  splat(ri - EDGE)])
                    plsc.store_scatter(irows_v, [iota16, splat(i)], x)
        return 0

    lax.fori_loop(0, NGRP, tail, 0)

    pltpu.sync_copy(urows_v, uoutT_hbm.at[:, pl.ds(base, B_PER_W)])
    pltpu.sync_copy(irows_v, ioutT_hbm.at[:, pl.ds(base, B_PER_W)])


@jax.jit
def _sc_gather(uidx, iidx, uembT, iembT):
    mesh = plsc.VectorSubcoreMesh(core_axis_name="c", subcore_axis_name="s")
    out_t = (jax.ShapeDtypeStruct((EMB_D, BATCH), jnp.float32),
             jax.ShapeDtypeStruct((EMB_D, BATCH), jnp.float32))
    fn = functools.partial(
        pl.kernel, mesh=mesh, out_type=out_t,
        compiler_params=pltpu.CompilerParams(needs_layout_passes=False),
        scratch_types=[
            pltpu.VMEM((2, B_PER_W), jnp.int32),
            pltpu.VMEM((KF, EMB_D, 128), jnp.float32),
            pltpu.VMEM((KF, EMB_D, 128), jnp.float32),
            pltpu.VMEM((EMB_D, B_PER_W), jnp.float32),
            pltpu.VMEM((EMB_D, B_PER_W), jnp.float32),
            pltpu.VMEM((2, EMB_D, EDGE_W), jnp.float32),
            pltpu.SemaphoreType.DMA,
            pltpu.SemaphoreType.DMA,
            pltpu.SemaphoreType.DMA,
        ],
    )(_gather_body)
    return fn(uidx, iidx, uembT, iembT)


def _mlp_body(u_ref, i_ref, w1u_ref, w1i_ref, b1_ref, w2_ref, b2_ref,
              w3_ref, b3_ref, o_ref):
    h = (jnp.dot(w1u_ref[...], u_ref[...], preferred_element_type=jnp.float32)
         + jnp.dot(w1i_ref[...], i_ref[...], preferred_element_type=jnp.float32)
         + b1_ref[...])
    h = jnp.maximum(h, 0.0)
    h = jnp.maximum(
        jnp.dot(w2_ref[...], h, preferred_element_type=jnp.float32) + b2_ref[...],
        0.0)
    o_ref[...] = (jnp.dot(w3_ref[...], h, preferred_element_type=jnp.float32)
                  + b3_ref[...])


@jax.jit
def _tc_mlp(uT, iT, w1u, w1i, b1, w2, b2, w3, b3):
    grid = 1
    blk = BATCH // grid
    full = lambda shape: pl.BlockSpec(shape, lambda g: (0,) * len(shape))
    return pl.pallas_call(
        _mlp_body,
        grid=(grid,),
        in_specs=[
            pl.BlockSpec((EMB_D, blk), lambda g: (0, g)),
            pl.BlockSpec((EMB_D, blk), lambda g: (0, g)),
            full((16, EMB_D)), full((16, EMB_D)), full((16, 1)),
            full((8, 16)), full((8, 1)),
            full((1, 8)), full((1, 1)),
        ],
        out_specs=pl.BlockSpec((1, blk), lambda g: (0, g)),
        out_shape=jax.ShapeDtypeStruct((1, BATCH), jnp.float32),
    )(uT, iT, w1u, w1i, b1, w2, b2, w3, b3)


def kernel(user_input, item_input, user_emb, item_emb, W1, b1, W2, b2, W3, b3):
    uidx = user_input.astype(jnp.int32)
    iidx = item_input.astype(jnp.int32)
    uT, iT = _sc_gather(uidx, iidx, user_emb.T, item_emb.T)
    w1u = W1[:, :EMB_D]
    w1i = W1[:, EMB_D:]
    outT = _tc_mlp(uT, iT, w1u, w1i, b1.reshape(16, 1), W2,
                   b2.reshape(8, 1), W3, b3.reshape(1, 1))
    return outT.reshape(BATCH, 1)

# --- scband reference (transcript-rebuilt; emitter-appended) ---
"""Pipeline reference for scband-rec-sys-model-4509715661320 (READ-ONLY COPY).

The authoritative reference and input builder live on the scoring server;
editing this copy changes nothing except your own understanding.
"""

import jax, jax.numpy as jnp
import numpy as np

NUM_USERS = 1000000
NUM_ITEMS = 1000000
LAYERS = [32, 16, 8]
BATCH = 16384

def setup_inputs(seed: int = 0) -> dict:
    key = jax.random.key(seed)
    ks = jax.random.split(key, 10)
    user_input = jax.random.randint(ks[0], (BATCH,), 0, NUM_USERS)
    item_input = jax.random.randint(ks[1], (BATCH,), 0, NUM_ITEMS)
    emb_dim = LAYERS[0] // 2
    user_emb = jax.random.normal(ks[2], (NUM_USERS, emb_dim), dtype=jnp.float32) * 0.01
    item_emb = jax.random.normal(ks[3], (NUM_ITEMS, emb_dim), dtype=jnp.float32) * 0.01
    # Linear layers: W stored as [out, in] like torch; y = x @ W.T + b
    def lin(k, out_f, in_f):
        bound = 1.0 / np.sqrt(in_f)
        kw, kb = jax.random.split(k)
        W = jax.random.uniform(kw, (out_f, in_f), minval=-bound, maxval=bound, dtype=jnp.float32)
        b = jax.random.uniform(kb, (out_f,), minval=-bound, maxval=bound, dtype=jnp.float32)
        return W, b
    W1, b1 = lin(ks[4], LAYERS[1], LAYERS[0])
    W2, b2 = lin(ks[5], LAYERS[2], LAYERS[1])
    W3, b3 = lin(ks[6], 1, LAYERS[2])
    return {"user_input": user_input, "item_input": item_input,
            "user_emb": user_emb, "item_emb": item_emb,
            "W1": W1, "b1": b1, "W2": W2, "b2": b2, "W3": W3, "b3": b3}

def reference(user_input, item_input, user_emb, item_emb, W1, b1, W2, b2, W3, b3):
    # Embedding lookups (gather)
    user_latent = jnp.take(user_emb, user_input, axis=0)
    item_latent = jnp.take(item_emb, item_input, axis=0)
    vector = jnp.concatenate([user_latent, item_latent], axis=-1)
    # fc_layers: Linear -> ReLU -> Dropout(eval: identity), twice
    vector = jax.nn.relu(vector @ W1.T + b1)
    vector = jax.nn.relu(vector @ W2.T + b2)
    prediction = vector @ W3.T + b3
    return prediction

if __name__ == "__main__":
    import jax
    _d = setup_inputs()
    print(jax.jit(kernel)(*tuple(_d.values())))

</pallas_src>

<mosaic_0001>
#map = affine_map<(d0, d1) -> (0)>
#map1 = affine_map<(d0, d1) -> (0, 0)>
module attributes {stable_mosaic.version = 14 : i64} {
  func.func @_gather_body(%arg0: i32, %arg1: i32, %arg2: memref<16384xi32, #tpu.memory_space<hbm>>, %arg3: memref<16384xi32, #tpu.memory_space<hbm>>, %arg4: memref<16x1000000xf32, #tpu.memory_space<hbm>>, %arg5: memref<16x1000000xf32, #tpu.memory_space<hbm>>, %arg6: memref<16x16384xf32, #tpu.memory_space<hbm>>, %arg7: memref<16x16384xf32, #tpu.memory_space<hbm>>, %arg8: memref<2x512xi32, #tpu.memory_space<vmem>>, %arg9: memref<16x16x128xf32, #tpu.memory_space<vmem>>, %arg10: memref<16x16x128xf32, #tpu.memory_space<vmem>>, %arg11: memref<16x512xf32, #tpu.memory_space<vmem>>, %arg12: memref<16x512xf32, #tpu.memory_space<vmem>>, %arg13: memref<2x16x64xf32, #tpu.memory_space<vmem>>, %arg14: memref<!tpu.dma_semaphore, #tpu.memory_space<semaphore_mem>>, %arg15: memref<!tpu.dma_semaphore, #tpu.memory_space<semaphore_mem>>, %arg16: memref<!tpu.dma_semaphore, #tpu.memory_space<semaphore_mem>>) attributes {dimension_semantics = [#tpu.dimension_semantics<core_parallel>, #tpu.dimension_semantics<subcore_parallel>], iteration_bounds = array<i64: 2, 16>, scalar_prefetch = 0 : i64, scratch_operands = 9 : i64, tpu.core_type = #tpu.core_type<sc_vector_subcore>, window_params = [{transform_indices = #map}, {transform_indices = #map}, {transform_indices = #map1}, {transform_indices = #map1}, {transform_indices = #map1}, {transform_indices = #map1}]} {
    %mul3A = arith.constant 2 : i32
    %mul3A_0 = arith.muli %arg1, %mul3A : i32
    %add3A = arith.addi %mul3A_0, %arg0 : i32
    %mul3A_1 = arith.constant 512 : i32
    %mul3A_2 = arith.muli %add3A, %mul3A_1 : i32
    %run_scoped3A = arith.constant 0 : i32
    "tpu.region"() ({
      %run_scoped3A_410 = tpu.sem_alloc : memref<!tpu.dma_semaphore, #tpu.memory_space<semaphore_mem>>
      %dma_start3A_411 = arith.constant 0 : i32
      %dma_start3A_412 = tpu.memref_slice %arg8[%run_scoped3A, %dma_start3A_411] : memref<2x512xi32, #tpu.memory_space<vmem>> -> memref<1x512xi32, #tpu.memory_space<vmem>>
      %dma_start3A_413 = tpu.memref_squeeze %dma_start3A_412 : memref<1x512xi32, #tpu.memory_space<vmem>> -> memref<512xi32, #tpu.memory_space<vmem>>
      %dma_start3A_414 = tpu.memref_slice %arg2[%mul3A_2] : memref<16384xi32, #tpu.memory_space<hbm>> -> memref<512xi32, #tpu.memory_space<hbm>>
      %dma_start3A_415 = arith.constant 0 : i32
      %dma_start3A_416 = tpu.memref_slice %arg8[%run_scoped3A, %dma_start3A_415] : memref<2x512xi32, #tpu.memory_space<vmem>> -> memref<1x512xi32, #tpu.memory_space<vmem>>
      %dma_start3A_417 = tpu.memref_squeeze %dma_start3A_416 : memref<1x512xi32, #tpu.memory_space<vmem>> -> memref<512xi32, #tpu.memory_space<vmem>>
      %dma_start3A_418 = tpu.memref_slice %arg2[%mul3A_2] : memref<16384xi32, #tpu.memory_space<hbm>> -> memref<512xi32, #tpu.memory_space<hbm>>
      tpu.enqueue_dma source(%dma_start3A_418 : memref<512xi32, #tpu.memory_space<hbm>>) target(%dma_start3A_417 : memref<512xi32, #tpu.memory_space<vmem>>) target_semaphore(%run_scoped3A_410 : memref<!tpu.dma_semaphore, #tpu.memory_space<semaphore_mem>>)
      %dma_wait3A_419 = arith.constant 0 : i32
      %dma_wait3A_420 = tpu.memref_slice %arg8[%run_scoped3A, %dma_wait3A_419] : memref<2x512xi32, #tpu.memory_space<vmem>> -> memref<1x512xi32, #tpu.memory_space<vmem>>
      %dma_wait3A_421 = tpu.memref_squeeze %dma_wait3A_420 : memref<1x512xi32, #tpu.memory_space<vmem>> -> memref<512xi32, #tpu.memory_space<vmem>>
      %dma_wait3A_422 = tpu.memref_slice %arg2[%mul3A_2] : memref<16384xi32, #tpu.memory_space<hbm>> -> memref<512xi32, #tpu.memory_space<hbm>>
      %dma_wait3A_423 = arith.constant 0 : i32
      %dma_wait3A_424 = tpu.memref_slice %arg8[%run_scoped3A, %dma_wait3A_423] : memref<2x512xi32, #tpu.memory_space<vmem>> -> memref<1x512xi32, #tpu.memory_space<vmem>>
      %dma_wait3A_425 = tpu.memref_squeeze %dma_wait3A_424 : memref<1x512xi32, #tpu.memory_space<vmem>> -> memref<512xi32, #tpu.memory_space<vmem>>
      %dma_wait3A_426 = tpu.memref_slice %arg2[%mul3A_2] : memref<16384xi32, #tpu.memory_space<hbm>> -> memref<512xi32, #tpu.memory_space<hbm>>
      tpu.wait_dma2 semaphore(%run_scoped3A_410 : memref<!tpu.dma_semaphore, #tpu.memory_space<semaphore_mem>>) src(%dma_wait3A_426 : memref<512xi32, #tpu.memory_space<hbm>>) dst(%dma_wait3A_425 : memref<512xi32, #tpu.memory_space<vmem>>)
      tpu.yield
    }) : () -> ()
    %run_scoped3A_3 = arith.constant 1 : i32
    "tpu.region"() ({
      %run_scoped3A_410 = tpu.sem_alloc : memref<!tpu.dma_semaphore, #tpu.memory_space<semaphore_mem>>
      %dma_start3A_411 = arith.constant 0 : i32
      %dma_start3A_412 = tpu.memref_slice %arg8[%run_scoped3A_3, %dma_start3A_411] : memref<2x512xi32, #tpu.memory_space<vmem>> -> memref<1x512xi32, #tpu.memory_space<vmem>>
      %dma_start3A_413 = tpu.memref_squeeze %dma_start3A_412 : memref<1x512xi32, #tpu.memory_space<vmem>> -> memref<512xi32, #tpu.memory_space<vmem>>
      %dma_start3A_414 = tpu.memref_slice %arg3[%mul3A_2] : memref<16384xi32, #tpu.memory_space<hbm>> -> memref<512xi32, #tpu.memory_space<hbm>>
      %dma_start3A_415 = arith.constant 0 : i32
      %dma_start3A_416 = tpu.memref_slice %arg8[%run_scoped3A_3, %dma_start3A_415] : memref<2x512xi32, #tpu.memory_space<vmem>> -> memref<1x512xi32, #tpu.memory_space<vmem>>
      %dma_start3A_417 = tpu.memref_squeeze %dma_start3A_416 : memref<1x512xi32, #tpu.memory_space<vmem>> -> memref<512xi32, #tpu.memory_space<vmem>>
      %dma_start3A_418 = tpu.memref_slice %arg3[%mul3A_2] : memref<16384xi32, #tpu.memory_space<hbm>> -> memref<512xi32, #tpu.memory_space<hbm>>
      tpu.enqueue_dma source(%dma_start3A_418 : memref<512xi32, #tpu.memory_space<hbm>>) target(%dma_start3A_417 : memref<512xi32, #tpu.memory_space<vmem>>) target_semaphore(%run_scoped3A_410 : memref<!tpu.dma_semaphore, #tpu.memory_space<semaphore_mem>>)
      %dma_wait3A_419 = arith.constant 0 : i32
      %dma_wait3A_420 = tpu.memref_slice %arg8[%run_scoped3A_3, %dma_wait3A_419] : memref<2x512xi32, #tpu.memory_space<vmem>> -> memref<1x512xi32, #tpu.memory_space<vmem>>
      %dma_wait3A_421 = tpu.memref_squeeze %dma_wait3A_420 : memref<1x512xi32, #tpu.memory_space<vmem>> -> memref<512xi32, #tpu.memory_space<vmem>>
      %dma_wait3A_422 = tpu.memref_slice %arg3[%mul3A_2] : memref<16384xi32, #tpu.memory_space<hbm>> -> memref<512xi32, #tpu.memory_space<hbm>>
      %dma_wait3A_423 = arith.constant 0 : i32
      %dma_wait3A_424 = tpu.memref_slice %arg8[%run_scoped3A_3, %dma_wait3A_423] : memref<2x512xi32, #tpu.memory_space<vmem>> -> memref<1x512xi32, #tpu.memory_space<vmem>>
      %dma_wait3A_425 = tpu.memref_squeeze %dma_wait3A_424 : memref<1x512xi32, #tpu.memory_space<vmem>> -> memref<512xi32, #tpu.memory_space<vmem>>
      %dma_wait3A_426 = tpu.memref_slice %arg3[%mul3A_2] : memref<16384xi32, #tpu.memory_space<hbm>> -> memref<512xi32, #tpu.memory_space<hbm>>
      tpu.wait_dma2 semaphore(%run_scoped3A_410 : memref<!tpu.dma_semaphore, #tpu.memory_space<semaphore_mem>>) src(%dma_wait3A_426 : memref<512xi32, #tpu.memory_space<hbm>>) dst(%dma_wait3A_425 : memref<512xi32, #tpu.memory_space<vmem>>)
      tpu.yield
    }) : () -> ()
    %dma_start3A = arith.constant 0 : i32
    %dma_start3A_4 = arith.constant 0 : i32
    %dma_start3A_5 = arith.constant 0 : i32
    %dma_start3A_6 = tpu.memref_slice %arg13[%dma_start3A, %dma_start3A_4, %dma_start3A_5] : memref<2x16x64xf32, #tpu.memory_space<vmem>> -> memref<1x16x64xf32, #tpu.memory_space<vmem>>
    %dma_start3A_7 = tpu.memref_squeeze %dma_start3A_6 : memref<1x16x64xf32, #tpu.memory_space<vmem>> -> memref<16x64xf32, #tpu.memory_space<vmem>>
    %dma_start3A_8 = arith.constant 0 : i32
    %dma_start3A_9 = arith.constant 999936 : i32
    %dma_start3A_10 = tpu.memref_slice %arg4[%dma_start3A_8, %dma_start3A_9] : memref<16x1000000xf32, #tpu.memory_space<hbm>> -> memref<16x64xf32, #tpu.memory_space<hbm>>
    %dma_start3A_11 = arith.constant 0 : i32
    %dma_start3A_12 = arith.constant 0 : i32
    %dma_start3A_13 = tpu.memref_slice %arg13[%dma_start3A, %dma_start3A_11, %dma_start3A_12] : memref<2x16x64xf32, #tpu.memory_space<vmem>> -> memref<1x16x64xf32, #tpu.memory_space<vmem>>
    %dma_start3A_14 = tpu.memref_squeeze %dma_start3A_13 : memref<1x16x64xf32, #tpu.memory_space<vmem>> -> memref<16x64xf32, #tpu.memory_space<vmem>>
    %dma_start3A_15 = arith.constant 0 : i32
    %dma_start3A_16 = arith.constant 999936 : i32
    %dma_start3A_17 = tpu.memref_slice %arg4[%dma_start3A_15, %dma_start3A_16] : memref<16x1000000xf32, #tpu.memory_space<hbm>> -> memref<16x64xf32, #tpu.memory_space<hbm>>
    tpu.enqueue_dma source(%dma_start3A_17 : memref<16x64xf32, #tpu.memory_space<hbm>>) target(%dma_start3A_14 : memref<16x64xf32, #tpu.memory_space<vmem>>) target_semaphore(%arg16 : memref<!tpu.dma_semaphore, #tpu.memory_space<semaphore_mem>>)
    %dma_wait3A = arith.constant 0 : i32
    %dma_wait3A_18 = arith.constant 0 : i32
    %dma_wait3A_19 = arith.constant 0 : i32
    %dma_wait3A_20 = tpu.memref_slice %arg13[%dma_wait3A, %dma_wait3A_18, %dma_wait3A_19] : memref<2x16x64xf32, #tpu.memory_space<vmem>> -> memref<1x16x64xf32, #tpu.memory_space<vmem>>
    %dma_wait3A_21 = tpu.memref_squeeze %dma_wait3A_20 : memref<1x16x64xf32, #tpu.memory_space<vmem>> -> memref<16x64xf32, #tpu.memory_space<vmem>>
    %dma_wait3A_22 = arith.constant 0 : i32
    %dma_wait3A_23 = arith.constant 999936 : i32
    %dma_wait3A_24 = tpu.memref_slice %arg4[%dma_wait3A_22, %dma_wait3A_23] : memref<16x1000000xf32, #tpu.memory_space<hbm>> -> memref<16x64xf32, #tpu.memory_space<hbm>>
    %dma_wait3A_25 = arith.constant 0 : i32
    %dma_wait3A_26 = arith.constant 0 : i32
    %dma_wait3A_27 = tpu.memref_slice %arg13[%dma_wait3A, %dma_wait3A_25, %dma_wait3A_26] : memref<2x16x64xf32, #tpu.memory_space<vmem>> -> memref<1x16x64xf32, #tpu.memory_space<vmem>>
    %dma_wait3A_28 = tpu.memref_squeeze %dma_wait3A_27 : memref<1x16x64xf32, #tpu.memory_space<vmem>> -> memref<16x64xf32, #tpu.memory_space<vmem>>
    %dma_wait3A_29 = arith.constant 0 : i32
    %dma_wait3A_30 = arith.constant 999936 : i32
    %dma_wait3A_31 = tpu.memref_slice %arg4[%dma_wait3A_29, %dma_wait3A_30] : memref<16x1000000xf32, #tpu.memory_space<hbm>> -> memref<16x64xf32, #tpu.memory_space<hbm>>
    tpu.wait_dma2 semaphore(%arg16 : memref<!tpu.dma_semaphore, #tpu.memory_space<semaphore_mem>>) src(%dma_wait3A_31 : memref<16x64xf32, #tpu.memory_space<hbm>>) dst(%dma_wait3A_28 : memref<16x64xf32, #tpu.memory_space<vmem>>)
    %dma_start3A_32 = arith.constant 1 : i32
    %dma_start3A_33 = arith.constant 0 : i32
    %dma_start3A_34 = arith.constant 0 : i32
    %dma_start3A_35 = tpu.memref_slice %arg13[%dma_start3A_32, %dma_start3A_33, %dma_start3A_34] : memref<2x16x64xf32, #tpu.memory_space<vmem>> -> memref<1x16x64xf32, #tpu.memory_space<vmem>>
    %dma_start3A_36 = tpu.memref_squeeze %dma_start3A_35 : memref<1x16x64xf32, #tpu.memory_space<vmem>> -> memref<16x64xf32, #tpu.memory_space<vmem>>
    %dma_start3A_37 = arith.constant 0 : i32
    %dma_start3A_38 = arith.constant 999936 : i32
    %dma_start3A_39 = tpu.memref_slice %arg5[%dma_start3A_37, %dma_start3A_38] : memref<16x1000000xf32, #tpu.memory_space<hbm>> -> memref<16x64xf32, #tpu.memory_space<hbm>>
    %dma_start3A_40 = arith.constant 0 : i32
    %dma_start3A_41 = arith.constant 0 : i32
    %dma_start3A_42 = tpu.memref_slice %arg13[%dma_start3A_32, %dma_start3A_40, %dma_start3A_41] : memref<2x16x64xf32, #tpu.memory_space<vmem>> -> memref<1x16x64xf32, #tpu.memory_space<vmem>>
    %dma_start3A_43 = tpu.memref_squeeze %dma_start3A_42 : memref<1x16x64xf32, #tpu.memory_space<vmem>> -> memref<16x64xf32, #tpu.memory_space<vmem>>
    %dma_start3A_44 = arith.constant 0 : i32
    %dma_start3A_45 = arith.constant 999936 : i32
    %dma_start3A_46 = tpu.memref_slice %arg5[%dma_start3A_44, %dma_start3A_45] : memref<16x1000000xf32, #tpu.memory_space<hbm>> -> memref<16x64xf32, #tpu.memory_space<hbm>>
    tpu.enqueue_dma source(%dma_start3A_46 : memref<16x64xf32, #tpu.memory_space<hbm>>) target(%dma_start3A_43 : memref<16x64xf32, #tpu.memory_space<vmem>>) target_semaphore(%arg16 : memref<!tpu.dma_semaphore, #tpu.memory_space<semaphore_mem>>)
    %dma_wait3A_47 = arith.constant 1 : i32
    %dma_wait3A_48 = arith.constant 0 : i32
    %dma_wait3A_49 = arith.constant 0 : i32
    %dma_wait3A_50 = tpu.memref_slice %arg13[%dma_wait3A_47, %dma_wait3A_48, %dma_wait3A_49] : memref<2x16x64xf32, #tpu.memory_space<vmem>> -> memref<1x16x64xf32, #tpu.memory_space<vmem>>
    %dma_wait3A_51 = tpu.memref_squeeze %dma_wait3A_50 : memref<1x16x64xf32, #tpu.memory_space<vmem>> -> memref<16x64xf32, #tpu.memory_space<vmem>>
    %dma_wait3A_52 = arith.constant 0 : i32
    %dma_wait3A_53 = arith.constant 999936 : i32
    %dma_wait3A_54 = tpu.memref_slice %arg5[%dma_wait3A_52, %dma_wait3A_53] : memref<16x1000000xf32, #tpu.memory_space<hbm>> -> memref<16x64xf32, #tpu.memory_space<hbm>>
    %dma_wait3A_55 = arith.constant 0 : i32
    %dma_wait3A_56 = arith.constant 0 : i32
    %dma_wait3A_57 = tpu.memref_slice %arg13[%dma_wait3A_47, %dma_wait3A_55, %dma_wait3A_56] : memref<2x16x64xf32, #tpu.memory_space<vmem>> -> memref<1x16x64xf32, #tpu.memory_space<vmem>>
    %dma_wait3A_58 = tpu.memref_squeeze %dma_wait3A_57 : memref<1x16x64xf32, #tpu.memory_space<vmem>> -> memref<16x64xf32, #tpu.memory_space<vmem>>
    %dma_wait3A_59 = arith.constant 0 : i32
    %dma_wait3A_60 = arith.constant 999936 : i32
    %dma_wait3A_61 = tpu.memref_slice %arg5[%dma_wait3A_59, %dma_wait3A_60] : memref<16x1000000xf32, #tpu.memory_space<hbm>> -> memref<16x64xf32, #tpu.memory_space<hbm>>
    tpu.wait_dma2 semaphore(%arg16 : memref<!tpu.dma_semaphore, #tpu.memory_space<semaphore_mem>>) src(%dma_wait3A_61 : memref<16x64xf32, #tpu.memory_space<hbm>>) dst(%dma_wait3A_58 : memref<16x64xf32, #tpu.memory_space<vmem>>)
    %iota3A = tpu.iota {dimensions = array<i32: 0>} : vector<16xi32>
    %get3A = arith.constant 0 : i32
    %get3A_62 = arith.index_cast %get3A : i32 to index
    %get3A_63 = arith.constant 0 : index
    %get3A_64 = tpu.vector_load %arg8[%get3A_62, %get3A_63] {strides = array<i32>} : memref<2x512xi32, #tpu.memory_space<vmem>>, vector<16xi32>,
    %slice3A = vector.extract_strided_slice %get3A_64 {offsets = [0], sizes = [1], strides = [1]} : vector<16xi32> to vector<1xi32>
    %squeeze3A = vector.extract %slice3A[0] : i32 from vector<1xi32>
    %shift_right_arithmetic3A = arith.constant 7 : i32
    %shift_right_arithmetic3A_65 = arith.shrsi %squeeze3A, %shift_right_arithmetic3A : i32
    %min3A = arith.constant 7811 : i32
    %min3A_66 = arith.minsi %shift_right_arithmetic3A_65, %min3A : i32
    %mul3A_67 = arith.constant 128 : i32
    %mul3A_68 = arith.muli %min3A_66, %mul3A_67 : i32
    %dma_start3A_69 = arith.constant 0 : i32
    %dma_start3A_70 = arith.constant 0 : i32
    %dma_start3A_71 = arith.constant 0 : i32
    %dma_start3A_72 = tpu.memref_slice %arg9[%dma_start3A_69, %dma_start3A_70, %dma_start3A_71] : memref<16x16x128xf32, #tpu.memory_space<vmem>> -> memref<1x16x128xf32, #tpu.memory_space<vmem>>
    %dma_start3A_73 = tpu.memref_squeeze %dma_start3A_72 : memref<1x16x128xf32, #tpu.memory_space<vmem>> -> memref<16x128xf32, #tpu.memory_space<vmem>>
    %dma_start3A_74 = arith.constant 0 : i32
    %dma_start3A_75 = tpu.memref_slice %arg4[%dma_start3A_74, %mul3A_68] : memref<16x1000000xf32, #tpu.memory_space<hbm>> -> memref<16x128xf32, #tpu.memory_space<hbm>>
    %dma_start3A_76 = arith.constant 0 : i32
    %dma_start3A_77 = arith.constant 0 : i32
    %dma_start3A_78 = tpu.memref_slice %arg9[%dma_start3A_69, %dma_start3A_76, %dma_start3A_77] : memref<16x16x128xf32, #tpu.memory_space<vmem>> -> memref<1x16x128xf32, #tpu.memory_space<vmem>>
    %dma_start3A_79 = tpu.memref_squeeze %dma_start3A_78 : memref<1x16x128xf32, #tpu.memory_space<vmem>> -> memref<16x128xf32, #tpu.memory_space<vmem>>
    %dma_start3A_80 = arith.constant 0 : i32
    %dma_start3A_81 = tpu.memref_slice %arg4[%dma_start3A_80, %mul3A_68] : memref<16x1000000xf32, #tpu.memory_space<hbm>> -> memref<16x128xf32, #tpu.memory_space<hbm>>
    tpu.enqueue_dma source(%dma_start3A_81 : memref<16x128xf32, #tpu.memory_space<hbm>>) target(%dma_start3A_79 : memref<16x128xf32, #tpu.memory_space<vmem>>) target_semaphore(%arg14 : memref<!tpu.dma_semaphore, #tpu.memory_space<semaphore_mem>>)
    %slice3A_82 = vector.extract_strided_slice %get3A_64 {offsets = [1], sizes = [1], strides = [1]} : vector<16xi32> to vector<1xi32>
    %squeeze3A_83 = vector.extract %slice3A_82[0] : i32 from vector<1xi32>
    %shift_right_arithmetic3A_84 = arith.constant 7 : i32
    %shift_right_arithmetic3A_85 = arith.shrsi %squeeze3A_83, %shift_right_arithmetic3A_84 : i32
    %min3A_86 = arith.constant 7811 : i32
    %min3A_87 = arith.minsi %shift_right_arithmetic3A_85, %min3A_86 : i32
    %mul3A_88 = arith.constant 128 : i32
    %mul3A_89 = arith.muli %min3A_87, %mul3A_88 : i32
    %dma_start3A_90 = arith.constant 1 : i32
    %dma_start3A_91 = arith.constant 0 : i32
    %dma_start3A_92 = arith.constant 0 : i32
    %dma_start3A_93 = tpu.memref_slice %arg9[%dma_start3A_90, %dma_start3A_91, %dma_start3A_92] : memref<16x16x128xf32, #tpu.memory_space<vmem>> -> memref<1x16x128xf32, #tpu.memory_space<vmem>>
    %dma_start3A_94 = tpu.memref_squeeze %dma_start3A_93 : memref<1x16x128xf32, #tpu.memory_space<vmem>> -> memref<16x128xf32, #tpu.memory_space<vmem>>
    %dma_start3A_95 = arith.constant 0 : i32
    %dma_start3A_96 = tpu.memref_slice %arg4[%dma_start3A_95, %mul3A_89] : memref<16x1000000xf32, #tpu.memory_space<hbm>> -> memref<16x128xf32, #tpu.memory_space<hbm>>
    %dma_start3A_97 = arith.constant 0 : i32
    %dma_start3A_98 = arith.constant 0 : i32
    %dma_start3A_99 = tpu.memref_slice %arg9[%dma_start3A_90, %dma_start3A_97, %dma_start3A_98] : memref<16x16x128xf32, #tpu.memory_space<vmem>> -> memref<1x16x128xf32, #tpu.memory_space<vmem>>
    %dma_start3A_100 = tpu.memref_squeeze %dma_start3A_99 : memref<1x16x128xf32, #tpu.memory_space<vmem>> -> memref<16x128xf32, #tpu.memory_space<vmem>>
    %dma_start3A_101 = arith.constant 0 : i32
    %dma_start3A_102 = tpu.memref_slice %arg4[%dma_start3A_101, %mul3A_89] : memref<16x1000000xf32, #tpu.memory_space<hbm>> -> memref<16x128xf32, #tpu.memory_space<hbm>>
    tpu.enqueue_dma source(%dma_start3A_102 : memref<16x128xf32, #tpu.memory_space<hbm>>) target(%dma_start3A_100 : memref<16x128xf32, #tpu.memory_space<vmem>>) target_semaphore(%arg14 : memref<!tpu.dma_semaphore, #tpu.memory_space<semaphore_mem>>)
    %slice3A_103 = vector.extract_strided_slice %get3A_64 {offsets = [2], sizes = [1], strides = [1]} : vector<16xi32> to vector<1xi32>
    %squeeze3A_104 = vector.extract %slice3A_103[0] : i32 from vector<1xi32>
    %shift_right_arithmetic3A_105 = arith.constant 7 : i32
    %shift_right_arithmetic3A_106 = arith.shrsi %squeeze3A_104, %shift_right_arithmetic3A_105 : i32
    %min3A_107 = arith.constant 7811 : i32
    %min3A_108 = arith.minsi %shift_right_arithmetic3A_106, %min3A_107 : i32
    %mul3A_109 = arith.constant 128 : i32
    %mul3A_110 = arith.muli %min3A_108, %mul3A_109 : i32
    %dma_start3A_111 = arith.constant 2 : i32
    %dma_start3A_112 = arith.constant 0 : i32
    %dma_start3A_113 = arith.constant 0 : i32
    %dma_start3A_114 = tpu.memref_slice %arg9[%dma_start3A_111, %dma_start3A_112, %dma_start3A_113] : memref<16x16x128xf32, #tpu.memory_space<vmem>> -> memref<1x16x128xf32, #tpu.memory_space<vmem>>
    %dma_start3A_115 = tpu.memref_squeeze %dma_start3A_114 : memref<1x16x128xf32, #tpu.memory_space<vmem>> -> memref<16x128xf32, #tpu.memory_space<vmem>>
    %dma_start3A_116 = arith.constant 0 : i32
    %dma_start3A_117 = tpu.memref_slice %arg4[%dma_start3A_116, %mul3A_110] : memref<16x1000000xf32, #tpu.memory_space<hbm>> -> memref<16x128xf32, #tpu.memory_space<hbm>>
    %dma_start3A_118 = arith.constant 0 : i32
    %dma_start3A_119 = arith.constant 0 : i32
    %dma_start3A_120 = tpu.memref_slice %arg9[%dma_start3A_111, %dma_start3A_118, %dma_start3A_119] : memref<16x16x128xf32, #tpu.memory_space<vmem>> -> memref<1x16x128xf32, #tpu.memory_space<vmem>>
    %dma_start3A_121 = tpu.memref_squeeze %dma_start3A_120 : memref<1x16x128xf32, #tpu.memory_space<vmem>> -> memref<16x128xf32, #tpu.memory_space<vmem>>
    %dma_start3A_122 = arith.constant 0 : i32
    %dma_start3A_123 = tpu.memref_slice %arg4[%dma_start3A_122, %mul3A_110] : memref<16x1000000xf32, #tpu.memory_space<hbm>> -> memref<16x128xf32, #tpu.memory_space<hbm>>
    tpu.enqueue_dma source(%dma_start3A_123 : memref<16x128xf32, #tpu.memory_space<hbm>>) target(%dma_start3A_121 : memref<16x128xf32, #tpu.memory_space<vmem>>) target_semaphore(%arg14 : memref<!tpu.dma_semaphore, #tpu.memory_space<semaphore_mem>>)
    %slice3A_124 = vector.extract_strided_slice %get3A_64 {offsets = [3], sizes = [1], strides = [1]} : vector<16xi32> to vector<1xi32>
    %squeeze3A_125 = vector.extract %slice3A_124[0] : i32 from vector<1xi32>
    %shift_right_arithmetic3A_126 = arith.constant 7 : i32
    %shift_right_arithmetic3A_127 = arith.shrsi %squeeze3A_125, %shift_right_arithmetic3A_126 : i32
    %min3A_128 = arith.constant 7811 : i32
    %min3A_129 = arith.minsi %shift_right_arithmetic3A_127, %min3A_128 : i32
    %mul3A_130 = arith.constant 128 : i32
    %mul3A_131 = arith.muli %min3A_129, %mul3A_130 : i32
    %dma_start3A_132 = arith.constant 3 : i32
    %dma_start3A_133 = arith.constant 0 : i32
    %dma_start3A_134 = arith.constant 0 : i32
    %dma_start3A_135 = tpu.memref_slice %arg9[%dma_start3A_132, %dma_start3A_133, %dma_start3A_134] : memref<16x16x128xf32, #tpu.memory_space<vmem>> -> memref<1x16x128xf32, #tpu.memory_space<vmem>>
    %dma_start3A_136 = tpu.memref_squeeze %dma_start3A_135 : memref<1x16x128xf32, #tpu.memory_space<vmem>> -> memref<16x128xf32, #tpu.memory_space<vmem>>
    %dma_start3A_137 = arith.constant 0 : i32
    %dma_start3A_138 = tpu.memref_slice %arg4[%dma_start3A_137, %mul3A_131] : memref<16x1000000xf32, #tpu.memory_space<hbm>> -> memref<16x128xf32, #tpu.memory_space<hbm>>
    %dma_start3A_139 = arith.constant 0 : i32
    %dma_start3A_140 = arith.constant 0 : i32
    %dma_start3A_141 = tpu.memref_slice %arg9[%dma_start3A_132, %dma_start3A_139, %dma_start3A_140] : memref<16x16x128xf32, #tpu.memory_space<vmem>> -> memref<1x16x128xf32, #tpu.memory_space<vmem>>
    %dma_start3A_142 = tpu.memref_squeeze %dma_start3A_141 : memref<1x16x128xf32, #tpu.memory_space<vmem>> -> memref<16x128xf32, #tpu.memory_space<vmem>>
    %dma_start3A_143 = arith.constant 0 : i32
    %dma_start3A_144 = tpu.memref_slice %arg4[%dma_start3A_143, %mul3A_131] : memref<16x1000000xf32, #tpu.memory_space<hbm>> -> memref<16x128xf32, #tpu.memory_space<hbm>>
    tpu.enqueue_dma source(%dma_start3A_144 : memref<16x128xf32, #tpu.memory_space<hbm>>) target(%dma_start3A_142 : memref<16x128xf32, #tpu.memory_space<vmem>>) target_semaphore(%arg14 : memref<!tpu.dma_semaphore, #tpu.memory_space<semaphore_mem>>)
    %slice3A_145 = vector.extract_strided_slice %get3A_64 {offsets = [4], sizes = [1], strides = [1]} : vector<16xi32> to vector<1xi32>
    %squeeze3A_146 = vector.extract %slice3A_145[0] : i32 from vector<1xi32>
    %shift_right_arithmetic3A_147 = arith.constant 7 : i32
    %shift_right_arithmetic3A_148 = arith.shrsi %squeeze3A_146, %shift_right_arithmetic3A_147 : i32
    %min3A_149 = arith.constant 7811 : i32
    %min3A_150 = arith.minsi %shift_right_arithmetic3A_148, %min3A_149 : i32
    %mul3A_151 = arith.constant 128 : i32
    %mul3A_152 = arith.muli %min3A_150, %mul3A_151 : i32
    %dma_start3A_153 = arith.constant 4 : i32
    %dma_start3A_154 = arith.constant 0 : i32
    %dma_start3A_155 = arith.constant 0 : i32
    %dma_start3A_156 = tpu.memref_slice %arg9[%dma_start3A_153, %dma_start3A_154, %dma_start3A_155] : memref<16x16x128xf32, #tpu.memory_space<vmem>> -> memref<1x16x128xf32, #tpu.memory_space<vmem>>
    %dma_start3A_157 = tpu.memref_squeeze %dma_start3A_156 : memref<1x16x128xf32, #tpu.memory_space<vmem>> -> memref<16x128xf32, #tpu.memory_space<vmem>>
    %dma_start3A_158 = arith.constant 0 : i32
    %dma_start3A_159 = tpu.memref_slice %arg4[%dma_start3A_158, %mul3A_152] : memref<16x1000000xf32, #tpu.memory_space<hbm>> -> memref<16x128xf32, #tpu.memory_space<hbm>>
    %dma_start3A_160 = arith.constant 0 : i32
    %dma_start3A_161 = arith.constant 0 : i32
    %dma_start3A_162 = tpu.memref_slice %arg9[%dma_start3A_153, %dma_start3A_160, %dma_start3A_161] : memref<16x16x128xf32, #tpu.memory_space<vmem>> -> memref<1x16x128xf32, #tpu.memory_space<vmem>>
    %dma_start3A_163 = tpu.memref_squeeze %dma_start3A_162 : memref<1x16x128xf32, #tpu.memory_space<vmem>> -> memref<16x128xf32, #tpu.memory_space<vmem>>
    %dma_start3A_164 = arith.constant 0 : i32
    %dma_start3A_165 = tpu.memref_slice %arg4[%dma_start3A_164, %mul3A_152] : memref<16x1000000xf32, #tpu.memory_space<hbm>> -> memref<16x128xf32, #tpu.memory_space<hbm>>
    tpu.enqueue_dma source(%dma_start3A_165 : memref<16x128xf32, #tpu.memory_space<hbm>>) target(%dma_start3A_163 : memref<16x128xf32, #tpu.memory_space<vmem>>) target_semaphore(%arg14 : memref<!tpu.dma_semaphore, #tpu.memory_space<semaphore_mem>>)
    %slice3A_166 = vector.extract_strided_slice %get3A_64 {offsets = [5], sizes = [1], strides = [1]} : vector<16xi32> to vector<1xi32>
    %squeeze3A_167 = vector.extract %slice3A_166[0] : i32 from vector<1xi32>
    %shift_right_arithmetic3A_168 = arith.constant 7 : i32
    %shift_right_arithmetic3A_169 = arith.shrsi %squeeze3A_167, %shift_right_arithmetic3A_168 : i32
    %min3A_170 = arith.constant 7811 : i32
    %min3A_171 = arith.minsi %shift_right_arithmetic3A_169, %min3A_170 : i32
    %mul3A_172 = arith.constant 128 : i32
    %mul3A_173 = arith.muli %min3A_171, %mul3A_172 : i32
    %dma_start3A_174 = arith.constant 5 : i32
    %dma_start3A_175 = arith.constant 0 : i32
    %dma_start3A_176 = arith.constant 0 : i32
    %dma_start3A_177 = tpu.memref_slice %arg9[%dma_start3A_174, %dma_start3A_175, %dma_start3A_176] : memref<16x16x128xf32, #tpu.memory_space<vmem>> -> memref<1x16x128xf32, #tpu.memory_space<vmem>>
    %dma_start3A_178 = tpu.memref_squeeze %dma_start3A_177 : memref<1x16x128xf32, #tpu.memory_space<vmem>> -> memref<16x128xf32, #tpu.memory_space<vmem>>
    %dma_start3A_179 = arith.constant 0 : i32
    %dma_start3A_180 = tpu.memref_slice %arg4[%dma_start3A_179, %mul3A_173] : memref<16x1000000xf32, #tpu.memory_space<hbm>> -> memref<16x128xf32, #tpu.memory_space<hbm>>
    %dma_start3A_181 = arith.constant 0 : i32
    %dma_start3A_182 = arith.constant 0 : i32
    %dma_start3A_183 = tpu.memref_slice %arg9[%dma_start3A_174, %dma_start3A_181, %dma_start3A_182] : memref<16x16x128xf32, #tpu.memory_space<vmem>> -> memref<1x16x128xf32, #tpu.memory_space<vmem>>
    %dma_start3A_184 = tpu.memref_squeeze %dma_start3A_183 : memref<1x16x128xf32, #tpu.memory_space<vmem>> -> memref<16x128xf32, #tpu.memory_space<vmem>>
    %dma_start3A_185 = arith.constant 0 : i32
    %dma_start3A_186 = tpu.memref_slice %arg4[%dma_start3A_185, %mul3A_173] : memref<16x1000000xf32, #tpu.memory_space<hbm>> -> memref<16x128xf32, #tpu.memory_space<hbm>>
    tpu.enqueue_dma source(%dma_start3A_186 : memref<16x128xf32, #tpu.memory_space<hbm>>) target(%dma_start3A_184 : memref<16x128xf32, #tpu.memory_space<vmem>>) target_semaphore(%arg14 : memref<!tpu.dma_semaphore, #tpu.memory_space<semaphore_mem>>)
    %slice3A_187 = vector.extract_strided_slice %get3A_64 {offsets = [6], sizes = [1], strides = [1]} : vector<16xi32> to vector<1xi32>
    %squeeze3A_188 = vector.extract %slice3A_187[0] : i32 from vector<1xi32>
    %shift_right_arithmetic3A_189 = arith.constant 7 : i32
    %shift_right_arithmetic3A_190 = arith.shrsi %squeeze3A_188, %shift_right_arithmetic3A_189 : i32
    %min3A_191 = arith.constant 7811 : i32
    %min3A_192 = arith.minsi %shift_right_arithmetic3A_190, %min3A_191 : i32
    %mul3A_193 = arith.constant 128 : i32
    %mul3A_194 = arith.muli %min3A_192, %mul3A_193 : i32
    %dma_start3A_195 = arith.constant 6 : i32
    %dma_start3A_196 = arith.constant 0 : i32
    %dma_start3A_197 = arith.constant 0 : i32
    %dma_start3A_198 = tpu.memref_slice %arg9[%dma_start3A_195, %dma_start3A_196, %dma_start3A_197] : memref<16x16x128xf32, #tpu.memory_space<vmem>> -> memref<1x16x128xf32, #tpu.memory_space<vmem>>
    %dma_start3A_199 = tpu.memref_squeeze %dma_start3A_198 : memref<1x16x128xf32, #tpu.memory_space<vmem>> -> memref<16x128xf32, #tpu.memory_space<vmem>>
    %dma_start3A_200 = arith.constant 0 : i32
    %dma_start3A_201 = tpu.memref_slice %arg4[%dma_start3A_200, %mul3A_194] : memref<16x1000000xf32, #tpu.memory_space<hbm>> -> memref<16x128xf32, #tpu.memory_space<hbm>>
    %dma_start3A_202 = arith.constant 0 : i32
    %dma_start3A_203 = arith.constant 0 : i32
    %dma_start3A_204 = tpu.memref_slice %arg9[%dma_start3A_195, %dma_start3A_202, %dma_start3A_203] : memref<16x16x128xf32, #tpu.memory_space<vmem>> -> memref<1x16x128xf32, #tpu.memory_space<vmem>>
    %dma_start3A_205 = tpu.memref_squeeze %dma_start3A_204 : memref<1x16x128xf32, #tpu.memory_space<vmem>> -> memref<16x128xf32, #tpu.memory_space<vmem>>
    %dma_start3A_206 = arith.constant 0 : i32
    %dma_start3A_207 = tpu.memref_slice %arg4[%dma_start3A_206, %mul3A_194] : memref<16x1000000xf32, #tpu.memory_space<hbm>> -> memref<16x128xf32, #tpu.memory_space<hbm>>
    tpu.enqueue_dma source(%dma_start3A_207 : memref<16x128xf32, #tpu.memory_space<hbm>>) target(%dma_start3A_205 : memref<16x128xf32, #tpu.memory_space<vmem>>) target_semaphore(%arg14 : memref<!tpu.dma_semaphore, #tpu.memory_space<semaphore_mem>>)
    %slice3A_208 = vector.extract_strided_slice %get3A_64 {offsets = [7], sizes = [1], strides = [1]} : vector<16xi32> to vector<1xi32>
    %squeeze3A_209 = vector.extract %slice3A_208[0] : i32 from vector<1xi32>
    %shift_right_arithmetic3A_210 = arith.constant 7 : i32
    %shift_right_arithmetic3A_211 = arith.shrsi %squeeze3A_209, %shift_right_arithmetic3A_210 : i32
    %min3A_212 = arith.constant 7811 : i32
    %min3A_213 = arith.minsi %shift_right_arithmetic3A_211, %min3A_212 : i32
    %mul3A_214 = arith.constant 128 : i32
    %mul3A_215 = arith.muli %min3A_213, %mul3A_214 : i32
    %dma_start3A_216 = arith.constant 7 : i32
    %dma_start3A_217 = arith.constant 0 : i32
    %dma_start3A_218 = arith.constant 0 : i32
    %dma_start3A_219 = tpu.memref_slice %arg9[%dma_start3A_216, %dma_start3A_217, %dma_start3A_218] : memref<16x16x128xf32, #tpu.memory_space<vmem>> -> memref<1x16x128xf32, #tpu.memory_space<vmem>>
    %dma_start3A_220 = tpu.memref_squeeze %dma_start3A_219 : memref<1x16x128xf32, #tpu.memory_space<vmem>> -> memref<16x128xf32, #tpu.memory_space<vmem>>
    %dma_start3A_221 = arith.constant 0 : i32
    %dma_start3A_222 = tpu.memref_slice %arg4[%dma_start3A_221, %mul3A_215] : memref<16x1000000xf32, #tpu.memory_space<hbm>> -> memref<16x128xf32, #tpu.memory_space<hbm>>
    %dma_start3A_223 = arith.constant 0 : i32
    %dma_start3A_224 = arith.constant 0 : i32
    %dma_start3A_225 = tpu.memref_slice %arg9[%dma_start3A_216, %dma_start3A_223, %dma_start3A_224] : memref<16x16x128xf32, #tpu.memory_space<vmem>> -> memref<1x16x128xf32, #tpu.memory_space<vmem>>
    %dma_start3A_226 = tpu.memref_squeeze %dma_start3A_225 : memref<1x16x128xf32, #tpu.memory_space<vmem>> -> memref<16x128xf32, #tpu.memory_space<vmem>>
    %dma_start3A_227 = arith.constant 0 : i32
    %dma_start3A_228 = tpu.memref_slice %arg4[%dma_start3A_227, %mul3A_215] : memref<16x1000000xf32, #tpu.memory_space<hbm>> -> memref<16x128xf32, #tpu.memory_space<hbm>>
    tpu.enqueue_dma source(%dma_start3A_228 : memref<16x128xf32, #tpu.memory_space<hbm>>) target(%dma_start3A_226 : memref<16x128xf32, #tpu.memory_space<vmem>>) target_semaphore(%arg14 : memref<!tpu.dma_semaphore, #tpu.memory_space<semaphore_mem>>)
    %slice3A_229 = vector.extract_strided_slice %get3A_64 {offsets = [8], sizes = [1], strides = [1]} : vector<16xi32> to vector<1xi32>
    %squeeze3A_230 = vector.extract %slice3A_229[0] : i32 from vector<1xi32>
    %shift_right_arithmetic3A_231 = arith.constant 7 : i32
    %shift_right_arithmetic3A_232 = arith.shrsi %squeeze3A_230, %shift_right_arithmetic3A_231 : i32
    %min3A_233 = arith.constant 7811 : i32
    %min3A_234 = arith.minsi %shift_right_arithmetic3A_232, %min3A_233 : i32
    %mul3A_235 = arith.constant 128 : i32
    %mul3A_236 = arith.muli %min3A_234, %mul3A_235 : i32
    %dma_start3A_237 = arith.constant 8 : i32
    %dma_start3A_238 = arith.constant 0 : i32
    %dma_start3A_239 = arith.constant 0 : i32
    %dma_start3A_240 = tpu.memref_slice %arg9[%dma_start3A_237, %dma_start3A_238, %dma_start3A_239] : memref<16x16x128xf32, #tpu.memory_space<vmem>> -> memref<1x16x128xf32, #tpu.memory_space<vmem>>
    %dma_start3A_241 = tpu.memref_squeeze %dma_start3A_240 : memref<1x16x128xf32, #tpu.memory_space<vmem>> -> memref<16x128xf32, #tpu.memory_space<vmem>>
    %dma_start3A_242 = arith.constant 0 : i32
    %dma_start3A_243 = tpu.memref_slice %arg4[%dma_start3A_242, %mul3A_236] : memref<16x1000000xf32, #tpu.memory_space<hbm>> -> memref<16x128xf32, #tpu.memory_space<hbm>>
    %dma_start3A_244 = arith.constant 0 : i32
    %dma_start3A_245 = arith.constant 0 : i32
    %dma_start3A_246 = tpu.memref_slice %arg9[%dma_start3A_237, %dma_start3A_244, %dma_start3A_245] : memref<16x16x128xf32, #tpu.memory_space<vmem>> -> memref<1x16x128xf32, #tpu.memory_space<vmem>>
    %dma_start3A_247 = tpu.memref_squeeze %dma_start3A_246 : memref<1x16x128xf32, #tpu.memory_space<vmem>> -> memref<16x128xf32, #tpu.memory_space<vmem>>
    %dma_start3A_248 = arith.constant 0 : i32
    %dma_start3A_249 = tpu.memref_slice %arg4[%dma_start3A_248, %mul3A_236] : memref<16x1000000xf32, #tpu.memory_space<hbm>> -> memref<16x128xf32, #tpu.memory_space<hbm>>
    tpu.enqueue_dma source(%dma_start3A_249 : memref<16x128xf32, #tpu.memory_space<hbm>>) target(%dma_start3A_247 : memref<16x128xf32, #tpu.memory_space<vmem>>) target_semaphore(%arg14 : memref<!tpu.dma_semaphore, #tpu.memory_space<semaphore_mem>>)
    %slice3A_250 = vector.extract_strided_slice %get3A_64 {offsets = [9], sizes = [1], strides = [1]} : vector<16xi32> to vector<1xi32>
    %squeeze3A_251 = vector.extract %slice3A_250[0] : i32 from vector<1xi32>
    %shift_right_arithmetic3A_252 = arith.constant 7 : i32
    %shift_right_arithmetic3A_253 = arith.shrsi %squeeze3A_251, %shift_right_arithmetic3A_252 : i32
    %min3A_254 = arith.constant 7811 : i32
    %min3A_255 = arith.minsi %shift_right_arithmetic3A_253, %min3A_254 : i32
    %mul3A_256 = arith.constant 128 : i32
    %mul3A_257 = arith.muli %min3A_255, %mul3A_256 : i32
    %dma_start3A_258 = arith.constant 9 : i32
    %dma_start3A_259 = arith.constant 0 : i32
    %dma_start3A_260 = arith.constant 0 : i32
    %dma_start3A_261 = tpu.memref_slice %arg9[%dma_start3A_258, %dma_start3A_259, %dma_start3A_260] : memref<16x16x128xf32, #tpu.memory_space<vmem>> -> memref<1x16x128xf32, #tpu.memory_space<vmem>>
    %dma_start3A_262 = tpu.memref_squeeze %dma_start3A_261 : memref<1x16x128xf32, #tpu.memory_space<vmem>> -> memref<16x128xf32, #tpu.memory_space<vmem>>
    %dma_start3A_263 = arith.constant 0 : i32
    %dma_start3A_264 = tpu.memref_slice %arg4[%dma_start3A_263, %mul3A_257] : memref<16x1000000xf32, #tpu.memory_space<hbm>> -> memref<16x128xf32, #tpu.memory_space<hbm>>
    %dma_start3A_265 = arith.constant 0 : i32
    %dma_start3A_266 = arith.constant 0 : i32
    %dma_start3A_267 = tpu.memref_slice %arg9[%dma_start3A_258, %dma_start3A_265, %dma_start3A_266] : memref<16x16x128xf32, #tpu.memory_space<vmem>> -> memref<1x16x128xf32, #tpu.memory_space<vmem>>
    %dma_start3A_268 = tpu.memref_squeeze %dma_start3A_267 : memref<1x16x128xf32, #tpu.memory_space<vmem>> -> memref<16x128xf32, #tpu.memory_space<vmem>>
    %dma_start3A_269 = arith.constant 0 : i32
    %dma_start3A_270 = tpu.memref_slice %arg4[%dma_start3A_269, %mul3A_257] : memref<16x1000000xf32, #tpu.memory_space<hbm>> -> memref<16x128xf32, #tpu.memory_space<hbm>>
    tpu.enqueue_dma source(%dma_start3A_270 : memref<16x128xf32, #tpu.memory_space<hbm>>) target(%dma_start3A_268 : memref<16x128xf32, #tpu.memory_space<vmem>>) target_semaphore(%arg14 : memref<!tpu.dma_semaphore, #tpu.memory_space<semaphore_mem>>)
    %slice3A_271 = vector.extract_strided_slice %get3A_64 {offsets = [10], sizes = [1], strides = [1]} : vector<16xi32> to vector<1xi32>
    %squeeze3A_272 = vector.extract %slice3A_271[0] : i32 from vector<1xi32>
    %shift_right_arithmetic3A_273 = arith.constant 7 : i32
    %shift_right_arithmetic3A_274 = arith.shrsi %squeeze3A_272, %shift_right_arithmetic3A_273 : i32
    %min3A_275 = arith.constant 7811 : i32
    %min3A_276 = arith.minsi %shift_right_arithmetic3A_274, %min3A_275 : i32
    %mul3A_277 = arith.constant 128 : i32
    %mul3A_278 = arith.muli %min3A_276, %mul3A_277 : i32
    %dma_start3A_279 = arith.constant 10 : i32
    %dma_start3A_280 = arith.constant 0 : i32
    %dma_start3A_281 = arith.constant 0 : i32
    %dma_start3A_282 = tpu.memref_slice %arg9[%dma_start3A_279, %dma_start3A_280, %dma_start3A_281] : memref<16x16x128xf32, #tpu.memory_space<vmem>> -> memref<1x16x128xf32, #tpu.memory_space<vmem>>
    %dma_start3A_283 = tpu.memref_squeeze %dma_start3A_282 : memref<1x16x128xf32, #tpu.memory_space<vmem>> -> memref<16x128xf32, #tpu.memory_space<vmem>>
    %dma_start3A_284 = arith.constant 0 : i32
    %dma_start3A_285 = tpu.memref_slice %arg4[%dma_start3A_284, %mul3A_278] : memref<16x1000000xf32, #tpu.memory_space<hbm>> -> memref<16x128xf32, #tpu.memory_space<hbm>>
    %dma_start3A_286 = arith.constant 0 : i32
    %dma_start3A_287 = arith.constant 0 : i32
    %dma_start3A_288 = tpu.memref_slice %arg9[%dma_start3A_279, %dma_start3A_286, %dma_start3A_287] : memref<16x16x128xf32, #tpu.memory_space<vmem>> -> memref<1x16x128xf32, #tpu.memory_space<vmem>>
    %dma_start3A_289 = tpu.memref_squeeze %dma_start3A_288 : memref<1x16x128xf32, #tpu.memory_space<vmem>> -> memref<16x128xf32, #tpu.memory_space<vmem>>
    %dma_start3A_290 = arith.constant 0 : i32
    %dma_start3A_291 = tpu.memref_slice %arg4[%dma_start3A_290, %mul3A_278] : memref<16x1000000xf32, #tpu.memory_space<hbm>> -> memref<16x128xf32, #tpu.memory_space<hbm>>
    tpu.enqueue_dma source(%dma_start3A_291 : memref<16x128xf32, #tpu.memory_space<hbm>>) target(%dma_start3A_289 : memref<16x128xf32, #tpu.memory_space<vmem>>) target_semaphore(%arg14 : memref<!tpu.dma_semaphore, #tpu.memory_space<semaphore_mem>>)
    %slice3A_292 = vector.extract_strided_slice %get3A_64 {offsets = [11], sizes = [1], strides = [1]} : vector<16xi32> to vector<1xi32>
    %squeeze3A_293 = vector.extract %slice3A_292[0] : i32 from vector<1xi32>
    %shift_right_arithmetic3A_294 = arith.constant 7 : i32
    %shift_right_arithmetic3A_295 = arith.shrsi %squeeze3A_293, %shift_right_arithmetic3A_294 : i32
    %min3A_296 = arith.constant 7811 : i32
    %min3A_297 = arith.minsi %shift_right_arithmetic3A_295, %min3A_296 : i32
    %mul3A_298 = arith.constant 128 : i32
    %mul3A_299 = arith.muli %min3A_297, %mul3A_298 : i32
    %dma_start3A_300 = arith.constant 11 : i32
    %dma_start3A_301 = arith.constant 0 : i32
    %dma_start3A_302 = arith.constant 0 : i32
    %dma_start3A_303 = tpu.memref_slice %arg9[%dma_start3A_300, %dma_start3A_301, %dma_start3A_302] : memref<16x16x128xf32, #tpu.memory_space<vmem>> -> memref<1x16x128xf32, #tpu.memory_space<vmem>>
    %dma_start3A_304 = tpu.memref_squeeze %dma_start3A_303 : memref<1x16x128xf32, #tpu.memory_space<vmem>> -> memref<16x128xf32, #tpu.memory_space<vmem>>
    %dma_start3A_305 = arith.constant 0 : i32
    %dma_start3A_306 = tpu.memref_slice %arg4[%dma_start3A_305, %mul3A_299] : memref<16x1000000xf32, #tpu.memory_space<hbm>> -> memref<16x128xf32, #tpu.memory_space<hbm>>
    %dma_start3A_307 = arith.constant 0 : i32
    %dma_start3A_308 = arith.constant 0 : i32
    %dma_start3A_309 = tpu.memref_slice %arg9[%dma_start3A_300, %dma_start3A_307, %dma_start3A_308] : memref<16x16x128xf32, #tpu.memory_space<vmem>> -> memref<1x16x128xf32, #tpu.memory_space<vmem>>
    %dma_start3A_310 = tpu.memref_squeeze %dma_start3A_309 : memref<1x16x128xf32, #tpu.memory_space<vmem>> -> memref<16x128xf32, #tpu.memory_space<vmem>>
    %dma_start3A_311 = arith.constant 0 : i32
    %dma_start3A_312 = tpu.memref_slice %arg4[%dma_start3A_311, %mul3A_299] : memref<16x1000000xf32, #tpu.memory_space<hbm>> -> memref<16x128xf32, #tpu.memory_space<hbm>>
    tpu.enqueue_dma source(%dma_start3A_312 : memref<16x128xf32, #tpu.memory_space<hbm>>) target(%dma_start3A_310 : memref<16x128xf32, #tpu.memory_space<vmem>>) target_semaphore(%arg14 : memref<!tpu.dma_semaphore, #tpu.memory_space<semaphore_mem>>)
    %slice3A_313 = vector.extract_strided_slice %get3A_64 {offsets = [12], sizes = [1], strides = [1]} : vector<16xi32> to vector<1xi32>
    %squeeze3A_314 = vector.extract %slice3A_313[0] : i32 from vector<1xi32>
    %shift_right_arithmetic3A_315 = arith.constant 7 : i32
    %shift_right_arithmetic3A_316 = arith.shrsi %squeeze3A_314, %shift_right_arithmetic3A_315 : i32
    %min3A_317 = arith.constant 7811 : i32
    %min3A_318 = arith.minsi %shift_right_arithmetic3A_316, %min3A_317 : i32
    %mul3A_319 = arith.constant 128 : i32
    %mul3A_320 = arith.muli %min3A_318, %mul3A_319 : i32
    %dma_start3A_321 = arith.constant 12 : i32
    %dma_start3A_322 = arith.constant 0 : i32
    %dma_start3A_323 = arith.constant 0 : i32
    %dma_start3A_324 = tpu.memref_slice %arg9[%dma_start3A_321, %dma_start3A_322, %dma_start3A_323] : memref<16x16x128xf32, #tpu.memory_space<vmem>> -> memref<1x16x128xf32, #tpu.memory_space<vmem>>
    %dma_start3A_325 = tpu.memref_squeeze %dma_start3A_324 : memref<1x16x128xf32, #tpu.memory_space<vmem>> -> memref<16x128xf32, #tpu.memory_space<vmem>>
    %dma_start3A_326 = arith.constant 0 : i32
    %dma_start3A_327 = tpu.memref_slice %arg4[%dma_start3A_326, %mul3A_320] : memref<16x1000000xf32, #tpu.memory_space<hbm>> -> memref<16x128xf32, #tpu.memory_space<hbm>>
    %dma_start3A_328 = arith.constant 0 : i32
    %dma_start3A_329 = arith.constant 0 : i32
    %dma_start3A_330 = tpu.memref_slice %arg9[%dma_start3A_321, %dma_start3A_328, %dma_start3A_329] : memref<16x16x128xf32, #tpu.memory_space<vmem>> -> memref<1x16x128xf32, #tpu.memory_space<vmem>>
    %dma_start3A_331 = tpu.memref_squeeze %dma_start3A_330 : memref<1x16x128xf32, #tpu.memory_space<vmem>> -> memref<16x128xf32, #tpu.memory_space<vmem>>
    %dma_start3A_332 = arith.constant 0 : i32
    %dma_start3A_333 = tpu.memref_slice %arg4[%dma_start3A_332, %mul3A_320] : memref<16x1000000xf32, #tpu.memory_space<hbm>> -> memref<16x128xf32, #tpu.memory_space<hbm>>
    tpu.enqueue_dma source(%dma_start3A_333 : memref<16x128xf32, #tpu.memory_space<hbm>>) target(%dma_start3A_331 : memref<16x128xf32, #tpu.memory_space<vmem>>) target_semaphore(%arg14 : memref<!tpu.dma_semaphore, #tpu.memory_space<semaphore_mem>>)
    %slice3A_334 = vector.extract_strided_slice %get3A_64 {offsets = [13], sizes = [1], strides = [1]} : vector<16xi32> to vector<1xi32>
    %squeeze3A_335 = vector.extract %slice3A_334[0] : i32 from vector<1xi32>
    %shift_right_arithmetic3A_336 = arith.constant 7 : i32
    %shift_right_arithmetic3A_337 = arith.shrsi %squeeze3A_335, %shift_right_arithmetic3A_336 : i32
    %min3A_338 = arith.constant 7811 : i32
    %min3A_339 = arith.minsi %shift_right_arithmetic3A_337, %min3A_338 : i32
    %mul3A_340 = arith.constant 128 : i32
    %mul3A_341 = arith.muli %min3A_339, %mul3A_340 : i32
    %dma_start3A_342 = arith.constant 13 : i32
    %dma_start3A_343 = arith.constant 0 : i32
    %dma_start3A_344 = arith.constant 0 : i32
    %dma_start3A_345 = tpu.memref_slice %arg9[%dma_start3A_342, %dma_start3A_343, %dma_start3A_344] : memref<16x16x128xf32, #tpu.memory_space<vmem>> -> memref<1x16x128xf32, #tpu.memory_space<vmem>>
    %dma_start3A_346 = tpu.memref_squeeze %dma_start3A_345 : memref<1x16x128xf32, #tpu.memory_space<vmem>> -> memref<16x128xf32, #tpu.memory_space<vmem>>
    %dma_start3A_347 = arith.constant 0 : i32
    %dma_start3A_348 = tpu.memref_slice %arg4[%dma_start3A_347, %mul3A_341] : memref<16x1000000xf32, #tpu.memory_space<hbm>> -> memref<16x128xf32, #tpu.memory_space<hbm>>
    %dma_start3A_349 = arith.constant 0 : i32
    %dma_start3A_350 = arith.constant 0 : i32
    %dma_start3A_351 = tpu.memref_slice %arg9[%dma_start3A_342, %dma_start3A_349, %dma_start3A_350] : memref<16x16x128xf32, #tpu.memory_space<vmem>> -> memref<1x16x128xf32, #tpu.memory_space<vmem>>
    %dma_start3A_352 = tpu.memref_squeeze %dma_start3A_351 : memref<1x16x128xf32, #tpu.memory_space<vmem>> -> memref<16x128xf32, #tpu.memory_space<vmem>>
    %dma_start3A_353 = arith.constant 0 : i32
    %dma_start3A_354 = tpu.memref_slice %arg4[%dma_start3A_353, %mul3A_341] : memref<16x1000000xf32, #tpu.memory_space<hbm>> -> memref<16x128xf32, #tpu.memory_space<hbm>>
    tpu.enqueue_dma source(%dma_start3A_354 : memref<16x128xf32, #tpu.memory_space<hbm>>) target(%dma_start3A_352 : memref<16x128xf32, #tpu.memory_space<vmem>>) target_semaphore(%arg14 : memref<!tpu.dma_semaphore, #tpu.memory_space<semaphore_mem>>)
    %slice3A_355 = vector.extract_strided_slice %get3A_64 {offsets = [14], sizes = [1], strides = [1]} : vector<16xi32> to vector<1xi32>
    %squeeze3A_356 = vector.extract %slice3A_355[0] : i32 from vector<1xi32>
    %shift_right_arithmetic3A_357 = arith.constant 7 : i32
    %shift_right_arithmetic3A_358 = arith.shrsi %squeeze3A_356, %shift_right_arithmetic3A_357 : i32
    %min3A_359 = arith.constant 7811 : i32
    %min3A_360 = arith.minsi %shift_right_arithmetic3A_358, %min3A_359 : i32
    %mul3A_361 = arith.constant 128 : i32
    %mul3A_362 = arith.muli %min3A_360, %mul3A_361 : i32
    %dma_start3A_363 = arith.constant 14 : i32
    %dma_start3A_364 = arith.constant 0 : i32
    %dma_start3A_365 = arith.constant 0 : i32
    %dma_start3A_366 = tpu.memref_slice %arg9[%dma_start3A_363, %dma_start3A_364, %dma_start3A_365] : memref<16x16x128xf32, #tpu.memory_space<vmem>> -> memref<1x16x128xf32, #tpu.memory_space<vmem>>
    %dma_start3A_367 = tpu.memref_squeeze %dma_start3A_366 : memref<1x16x128xf32, #tpu.memory_space<vmem>> -> memref<16x128xf32, #tpu.memory_space<vmem>>
    %dma_start3A_368 = arith.constant 0 : i32
    %dma_start3A_369 = tpu.memref_slice %arg4[%dma_start3A_368, %mul3A_362] : memref<16x1000000xf32, #tpu.memory_space<hbm>> -> memref<16x128xf32, #tpu.memory_space<hbm>>
    %dma_start3A_370 = arith.constant 0 : i32
    %dma_start3A_371 = arith.constant 0 : i32
    %dma_start3A_372 = tpu.memref_slice %arg9[%dma_start3A_363, %dma_start3A_370, %dma_start3A_371] : memref<16x16x128xf32, #tpu.memory_space<vmem>> -> memref<1x16x128xf32, #tpu.memory_space<vmem>>
    %dma_start3A_373 = tpu.memref_squeeze %dma_start3A_372 : memref<1x16x128xf32, #tpu.memory_space<vmem>> -> memref<16x128xf32, #tpu.memory_space<vmem>>
    %dma_start3A_374 = arith.constant 0 : i32
    %dma_start3A_375 = tpu.memref_slice %arg4[%dma_start3A_374, %mul3A_362] : memref<16x1000000xf32, #tpu.memory_space<hbm>> -> memref<16x128xf32, #tpu.memory_space<hbm>>
    tpu.enqueue_dma source(%dma_start3A_375 : memref<16x128xf32, #tpu.memory_space<hbm>>) target(%dma_start3A_373 : memref<16x128xf32, #tpu.memory_space<vmem>>) target_semaphore(%arg14 : memref<!tpu.dma_semaphore, #tpu.memory_space<semaphore_mem>>)
    %slice3A_376 = vector.extract_strided_slice %get3A_64 {offsets = [15], sizes = [1], strides = [1]} : vector<16xi32> to vector<1xi32>
    %squeeze3A_377 = vector.extract %slice3A_376[0] : i32 from vector<1xi32>
    %shift_right_arithmetic3A_378 = arith.constant 7 : i32
    %shift_right_arithmetic3A_379 = arith.shrsi %squeeze3A_377, %shift_right_arithmetic3A_378 : i32
    %min3A_380 = arith.constant 7811 : i32
    %min3A_381 = arith.minsi %shift_right_arithmetic3A_379, %min3A_380 : i32
    %mul3A_382 = arith.constant 128 : i32
    %mul3A_383 = arith.muli %min3A_381, %mul3A_382 : i32
    %dma_start3A_384 = arith.constant 15 : i32
    %dma_start3A_385 = arith.constant 0 : i32
    %dma_start3A_386 = arith.constant 0 : i32
    %dma_start3A_387 = tpu.memref_slice %arg9[%dma_start3A_384, %dma_start3A_385, %dma_start3A_386] : memref<16x16x128xf32, #tpu.memory_space<vmem>> -> memref<1x16x128xf32, #tpu.memory_space<vmem>>
    %dma_start3A_388 = tpu.memref_squeeze %dma_start3A_387 : memref<1x16x128xf32, #tpu.memory_space<vmem>> -> memref<16x128xf32, #tpu.memory_space<vmem>>
    %dma_start3A_389 = arith.constant 0 : i32
    %dma_start3A_390 = tpu.memref_slice %arg4[%dma_start3A_389, %mul3A_383] : memref<16x1000000xf32, #tpu.memory_space<hbm>> -> memref<16x128xf32, #tpu.memory_space<hbm>>
    %dma_start3A_391 = arith.constant 0 : i32
    %dma_start3A_392 = arith.constant 0 : i32
    %dma_start3A_393 = tpu.memref_slice %arg9[%dma_start3A_384, %dma_start3A_391, %dma_start3A_392] : memref<16x16x128xf32, #tpu.memory_space<vmem>> -> memref<1x16x128xf32, #tpu.memory_space<vmem>>
    %dma_start3A_394 = tpu.memref_squeeze %dma_start3A_393 : memref<1x16x128xf32, #tpu.memory_space<vmem>> -> memref<16x128xf32, #tpu.memory_space<vmem>>
    %dma_start3A_395 = arith.constant 0 : i32
    %dma_start3A_396 = tpu.memref_slice %arg4[%dma_start3A_395, %mul3A_383] : memref<16x1000000xf32, #tpu.memory_space<hbm>> -> memref<16x128xf32, #tpu.memory_space<hbm>>
    tpu.enqueue_dma source(%dma_start3A_396 : memref<16x128xf32, #tpu.memory_space<hbm>>) target(%dma_start3A_394 : memref<16x128xf32, #tpu.memory_space<vmem>>) target_semaphore(%arg14 : memref<!tpu.dma_semaphore, #tpu.memory_space<semaphore_mem>>)
    %scan3A = arith.constant 0 : i32
    %scan3A_397 = arith.constant 0 : i32
    %scan3A_398 = arith.constant 32 : i32
    %scan3A_399 = arith.addi %scan3A_397, %scan3A_398 : i32
    %scan3A_400 = arith.constant 1 : i32
    %scan3A_401 = scf.for %scan3A_410 = %scan3A_397 to %scan3A_399 step %scan3A_400 iter_args(%scan3A_411 = %scan3A) -> (i32)  : i32 {
      %mul3A_412 = arith.constant 16 : i32
      %mul3A_413 = arith.muli %mul3A_412, %scan3A_410 : i32
      %get3A_414 = arith.constant 1 : i32
      %get3A_415 = arith.index_cast %get3A_414 : i32 to index
      %get3A_416 = arith.index_cast %mul3A_413 : i32 to index
      %get3A_417 = tpu.vector_load %arg8[%get3A_415, %get3A_416] {strides = array<i32>} : memref<2x512xi32, #tpu.memory_space<vmem>>, vector<16xi32>,
      %slice3A_418 = vector.extract_strided_slice %get3A_417 {offsets = [0], sizes = [1], strides = [1]} : vector<16xi32> to vector<1xi32>
      %squeeze3A_419 = vector.extract %slice3A_418[0] : i32 from vector<1xi32>
      %shift_right_arithmetic3A_420 = arith.constant 7 : i32
      %shift_right_arithmetic3A_421 = arith.shrsi %squeeze3A_419, %shift_right_arithmetic3A_420 : i32
      %min3A_422 = arith.constant 7811 : i32
      %min3A_423 = arith.minsi %shift_right_arithmetic3A_421, %min3A_422 : i32
      %mul3A_424 = arith.constant 128 : i32
      %mul3A_425 = arith.muli %min3A_423, %mul3A_424 : i32
      %dma_start3A_426 = arith.constant 0 : i32
      %dma_start3A_427 = arith.constant 0 : i32
      %dma_start3A_428 = arith.constant 0 : i32
      %dma_start3A_429 = tpu.memref_slice %arg10[%dma_start3A_426, %dma_start3A_427, %dma_start3A_428] : memref<16x16x128xf32, #tpu.memory_space<vmem>> -> memref<1x16x128xf32, #tpu.memory_space<vmem>>
      %dma_start3A_430 = tpu.memref_squeeze %dma_start3A_429 : memref<1x16x128xf32, #tpu.memory_space<vmem>> -> memref<16x128xf32, #tpu.memory_space<vmem>>
      %dma_start3A_431 = arith.constant 0 : i32
      %dma_start3A_432 = tpu.memref_slice %arg5[%dma_start3A_431, %mul3A_425] : memref<16x1000000xf32, #tpu.memory_space<hbm>> -> memref<16x128xf32, #tpu.memory_space<hbm>>
      %dma_start3A_433 = arith.constant 0 : i32
      %dma_start3A_434 = arith.constant 0 : i32
      %dma_start3A_435 = tpu.memref_slice %arg10[%dma_start3A_426, %dma_start3A_433, %dma_start3A_434] : memref<16x16x128xf32, #tpu.memory_space<vmem>> -> memref<1x16x128xf32, #tpu.memory_space<vmem>>
      %dma_start3A_436 = tpu.memref_squeeze %dma_start3A_435 : memref<1x16x128xf32, #tpu.memory_space<vmem>> -> memref<16x128xf32, #tpu.memory_space<vmem>>
      %dma_start3A_437 = arith.constant 0 : i32
      %dma_start3A_438 = tpu.memref_slice %arg5[%dma_start3A_437, %mul3A_425] : memref<16x1000000xf32, #tpu.memory_space<hbm>> -> memref<16x128xf32, #tpu.memory_space<hbm>>
      tpu.enqueue_dma source(%dma_start3A_438 : memref<16x128xf32, #tpu.memory_space<hbm>>) target(%dma_start3A_436 : memref<16x128xf32, #tpu.memory_space<vmem>>) target_semaphore(%arg15 : memref<!tpu.dma_semaphore, #tpu.memory_space<semaphore_mem>>)
      %slice3A_439 = vector.extract_strided_slice %get3A_417 {offsets = [1], sizes = [1], strides = [1]} : vector<16xi32> to vector<1xi32>
      %squeeze3A_440 = vector.extract %slice3A_439[0] : i32 from vector<1xi32>
      %shift_right_arithmetic3A_441 = arith.constant 7 : i32
      %shift_right_arithmetic3A_442 = arith.shrsi %squeeze3A_440, %shift_right_arithmetic3A_441 : i32
      %min3A_443 = arith.constant 7811 : i32
      %min3A_444 = arith.minsi %shift_right_arithmetic3A_442, %min3A_443 : i32
      %mul3A_445 = arith.constant 128 : i32
      %mul3A_446 = arith.muli %min3A_444, %mul3A_445 : i32
      %dma_start3A_447 = arith.constant 1 : i32
      %dma_start3A_448 = arith.constant 0 : i32
      %dma_start3A_449 = arith.constant 0 : i32
      %dma_start3A_450 = tpu.memref_slice %arg10[%dma_start3A_447, %dma_start3A_448, %dma_start3A_449] : memref<16x16x128xf32, #tpu.memory_space<vmem>> -> memref<1x16x128xf32, #tpu.memory_space<vmem>>
      %dma_start3A_451 = tpu.memref_squeeze %dma_start3A_450 : memref<1x16x128xf32, #tpu.memory_space<vmem>> -> memref<16x128xf32, #tpu.memory_space<vmem>>
      %dma_start3A_452 = arith.constant 0 : i32
      %dma_start3A_453 = tpu.memref_slice %arg5[%dma_start3A_452, %mul3A_446] : memref<16x1000000xf32, #tpu.memory_space<hbm>> -> memref<16x128xf32, #tpu.memory_space<hbm>>
      %dma_start3A_454 = arith.constant 0 : i32
      %dma_start3A_455 = arith.constant 0 : i32
      %dma_start3A_456 = tpu.memref_slice %arg10[%dma_start3A_447, %dma_start3A_454, %dma_start3A_455] : memref<16x16x128xf32, #tpu.memory_space<vmem>> -> memref<1x16x128xf32, #tpu.memory_space<vmem>>
      %dma_start3A_457 = tpu.memref_squeeze %dma_start3A_456 : memref<1x16x128xf32, #tpu.memory_space<vmem>> -> memref<16x128xf32, #tpu.memory_space<vmem>>
      %dma_start3A_458 = arith.constant 0 : i32
      %dma_start3A_459 = tpu.memref_slice %arg5[%dma_start3A_458, %mul3A_446] : memref<16x1000000xf32, #tpu.memory_space<hbm>> -> memref<16x128xf32, #tpu.memory_space<hbm>>
      tpu.enqueue_dma source(%dma_start3A_459 : memref<16x128xf32, #tpu.memory_space<hbm>>) target(%dma_start3A_457 : memref<16x128xf32, #tpu.memory_space<vmem>>) target_semaphore(%arg15 : memref<!tpu.dma_semaphore, #tpu.memory_space<semaphore_mem>>)
      %slice3A_460 = vector.extract_strided_slice %get3A_417 {offsets = [2], sizes = [1], strides = [1]} : vector<16xi32> to vector<1xi32>
      %squeeze3A_461 = vector.extract %slice3A_460[0] : i32 from vector<1xi32>
      %shift_right_arithmetic3A_462 = arith.constant 7 : i32
      %shift_right_arithmetic3A_463 = arith.shrsi %squeeze3A_461, %shift_right_arithmetic3A_462 : i32
      %min3A_464 = arith.constant 7811 : i32
      %min3A_465 = arith.minsi %shift_right_arithmetic3A_463, %min3A_464 : i32
      %mul3A_466 = arith.constant 128 : i32
      %mul3A_467 = arith.muli %min3A_465, %mul3A_466 : i32
      %dma_start3A_468 = arith.constant 2 : i32
      %dma_start3A_469 = arith.constant 0 : i32
      %dma_start3A_470 = arith.constant 0 : i32
      %dma_start3A_471 = tpu.memref_slice %arg10[%dma_start3A_468, %dma_start3A_469, %dma_start3A_470] : memref<16x16x128xf32, #tpu.memory_space<vmem>> -> memref<1x16x128xf32, #tpu.memory_space<vmem>>
      %dma_start3A_472 = tpu.memref_squeeze %dma_start3A_471 : memref<1x16x128xf32, #tpu.memory_space<vmem>> -> memref<16x128xf32, #tpu.memory_space<vmem>>
      %dma_start3A_473 = arith.constant 0 : i32
      %dma_start3A_474 = tpu.memref_slice %arg5[%dma_start3A_473, %mul3A_467] : memref<16x1000000xf32, #tpu.memory_space<hbm>> -> memref<16x128xf32, #tpu.memory_space<hbm>>
      %dma_start3A_475 = arith.constant 0 : i32
      %dma_start3A_476 = arith.constant 0 : i32
      %dma_start3A_477 = tpu.memref_slice %arg10[%dma_start3A_468, %dma_start3A_475, %dma_start3A_476] : memref<16x16x128xf32, #tpu.memory_space<vmem>> -> memref<1x16x128xf32, #tpu.memory_space<vmem>>
      %dma_start3A_478 = tpu.memref_squeeze %dma_start3A_477 : memref<1x16x128xf32, #tpu.memory_space<vmem>> -> memref<16x128xf32, #tpu.memory_space<vmem>>
      %dma_start3A_479 = arith.constant 0 : i32
      %dma_start3A_480 = tpu.memref_slice %arg5[%dma_start3A_479, %mul3A_467] : memref<16x1000000xf32, #tpu.memory_space<hbm>> -> memref<16x128xf32, #tpu.memory_space<hbm>>
      tpu.enqueue_dma source(%dma_start3A_480 : memref<16x128xf32, #tpu.memory_space<hbm>>) target(%dma_start3A_478 : memref<16x128xf32, #tpu.memory_space<vmem>>) target_semaphore(%arg15 : memref<!tpu.dma_semaphore, #tpu.memory_space<semaphore_mem>>)
      %slice3A_481 = vector.extract_strided_slice %get3A_417 {offsets = [3], sizes = [1], strides = [1]} : vector<16xi32> to vector<1xi32>
      %squeeze3A_482 = vector.extract %slice3A_481[0] : i32 from vector<1xi32>
      %shift_right_arithmetic3A_483 = arith.constant 7 : i32
      %shift_right_arithmetic3A_484 = arith.shrsi %squeeze3A_482, %shift_right_arithmetic3A_483 : i32
      %min3A_485 = arith.constant 7811 : i32
      %min3A_486 = arith.minsi %shift_right_arithmetic3A_484, %min3A_485 : i32
      %mul3A_487 = arith.constant 128 : i32
      %mul3A_488 = arith.muli %min3A_486, %mul3A_487 : i32
      %dma_start3A_489 = arith.constant 3 : i32
      %dma_start3A_490 = arith.constant 0 : i32
      %dma_start3A_491 = arith.constant 0 : i32
      %dma_start3A_492 = tpu.memref_slice %arg10[%dma_start3A_489, %dma_start3A_490, %dma_start3A_491] : memref<16x16x128xf32, #tpu.memory_space<vmem>> -> memref<1x16x128xf32, #tpu.memory_space<vmem>>
      %dma_start3A_493 = tpu.memref_squeeze %dma_start3A_492 : memref<1x16x128xf32, #tpu.memory_space<vmem>> -> memref<16x128xf32, #tpu.memory_space<vmem>>
      %dma_start3A_494 = arith.constant 0 : i32
      %dma_start3A_495 = tpu.memref_slice %arg5[%dma_start3A_494, %mul3A_488] : memref<16x1000000xf32, #tpu.memory_space<hbm>> -> memref<16x128xf32, #tpu.memory_space<hbm>>
      %dma_start3A_496 = arith.constant 0 : i32
      %dma_start3A_497 = arith.constant 0 : i32
      %dma_start3A_498 = tpu.memref_slice %arg10[%dma_start3A_489, %dma_start3A_496, %dma_start3A_497] : memref<16x16x128xf32, #tpu.memory_space<vmem>> -> memref<1x16x128xf32, #tpu.memory_space<vmem>>
      %dma_start3A_499 = tpu.memref_squeeze %dma_start3A_498 : memref<1x16x128xf32, #tpu.memory_space<vmem>> -> memref<16x128xf32, #tpu.memory_space<vmem>>
      %dma_start3A_500 = arith.constant 0 : i32
      %dma_start3A_501 = tpu.memref_slice %arg5[%dma_start3A_500, %mul3A_488] : memref<16x1000000xf32, #tpu.memory_space<hbm>> -> memref<16x128xf32, #tpu.memory_space<hbm>>
      tpu.enqueue_dma source(%dma_start3A_501 : memref<16x128xf32, #tpu.memory_space<hbm>>) target(%dma_start3A_499 : memref<16x128xf32, #tpu.memory_space<vmem>>) target_semaphore(%arg15 : memref<!tpu.dma_semaphore, #tpu.memory_space<semaphore_mem>>)
      %slice3A_502 = vector.extract_strided_slice %get3A_417 {offsets = [4], sizes = [1], strides = [1]} : vector<16xi32> to vector<1xi32>
      %squeeze3A_503 = vector.extract %slice3A_502[0] : i32 from vector<1xi32>
      %shift_right_arithmetic3A_504 = arith.constant 7 : i32
      %shift_right_arithmetic3A_505 = arith.shrsi %squeeze3A_503, %shift_right_arithmetic3A_504 : i32
      %min3A_506 = arith.constant 7811 : i32
      %min3A_507 = arith.minsi %shift_right_arithmetic3A_505, %min3A_506 : i32
      %mul3A_508 = arith.constant 128 : i32
      %mul3A_509 = arith.muli %min3A_507, %mul3A_508 : i32
      %dma_start3A_510 = arith.constant 4 : i32
      %dma_start3A_511 = arith.constant 0 : i32
      %dma_start3A_512 = arith.constant 0 : i32
      %dma_start3A_513 = tpu.memref_slice %arg10[%dma_start3A_510, %dma_start3A_511, %dma_start3A_512] : memref<16x16x128xf32, #tpu.memory_space<vmem>> -> memref<1x16x128xf32, #tpu.memory_space<vmem>>
      %dma_start3A_514 = tpu.memref_squeeze %dma_start3A_513 : memref<1x16x128xf32, #tpu.memory_space<vmem>> -> memref<16x128xf32, #tpu.memory_space<vmem>>
      %dma_start3A_515 = arith.constant 0 : i32
      %dma_start3A_516 = tpu.memref_slice %arg5[%dma_start3A_515, %mul3A_509] : memref<16x1000000xf32, #tpu.memory_space<hbm>> -> memref<16x128xf32, #tpu.memory_space<hbm>>
      %dma_start3A_517 = arith.constant 0 : i32
      %dma_start3A_518 = arith.constant 0 : i32
      %dma_start3A_519 = tpu.memref_slice %arg10[%dma_start3A_510, %dma_start3A_517, %dma_start3A_518] : memref<16x16x128xf32, #tpu.memory_space<vmem>> -> memref<1x16x128xf32, #tpu.memory_space<vmem>>
      %dma_start3A_520 = tpu.memref_squeeze %dma_start3A_519 : memref<1x16x128xf32, #tpu.memory_space<vmem>> -> memref<16x128xf32, #tpu.memory_space<vmem>>
      %dma_start3A_521 = arith.constant 0 : i32
      %dma_start3A_522 = tpu.memref_slice %arg5[%dma_start3A_521, %mul3A_509] : memref<16x1000000xf32, #tpu.memory_space<hbm>> -> memref<16x128xf32, #tpu.memory_space<hbm>>
      tpu.enqueue_dma source(%dma_start3A_522 : memref<16x128xf32, #tpu.memory_space<hbm>>) target(%dma_start3A_520 : memref<16x128xf32, #tpu.memory_space<vmem>>) target_semaphore(%arg15 : memref<!tpu.dma_semaphore, #tpu.memory_space<semaphore_mem>>)
      %slice3A_523 = vector.extract_strided_slice %get3A_417 {offsets = [5], sizes = [1], strides = [1]} : vector<16xi32> to vector<1xi32>
      %squeeze3A_524 = vector.extract %slice3A_523[0] : i32 from vector<1xi32>
      %shift_right_arithmetic3A_525 = arith.constant 7 : i32
      %shift_right_arithmetic3A_526 = arith.shrsi %squeeze3A_524, %shift_right_arithmetic3A_525 : i32
      %min3A_527 = arith.constant 7811 : i32
      %min3A_528 = arith.minsi %shift_right_arithmetic3A_526, %min3A_527 : i32
      %mul3A_529 = arith.constant 128 : i32
      %mul3A_530 = arith.muli %min3A_528, %mul3A_529 : i32
      %dma_start3A_531 = arith.constant 5 : i32
      %dma_start3A_532 = arith.constant 0 : i32
      %dma_start3A_533 = arith.constant 0 : i32
      %dma_start3A_534 = tpu.memref_slice %arg10[%dma_start3A_531, %dma_start3A_532, %dma_start3A_533] : memref<16x16x128xf32, #tpu.memory_space<vmem>> -> memref<1x16x128xf32, #tpu.memory_space<vmem>>
      %dma_start3A_535 = tpu.memref_squeeze %dma_start3A_534 : memref<1x16x128xf32, #tpu.memory_space<vmem>> -> memref<16x128xf32, #tpu.memory_space<vmem>>
      %dma_start3A_536 = arith.constant 0 : i32
      %dma_start3A_537 = tpu.memref_slice %arg5[%dma_start3A_536, %mul3A_530] : memref<16x1000000xf32, #tpu.memory_space<hbm>> -> memref<16x128xf32, #tpu.memory_space<hbm>>
      %dma_start3A_538 = arith.constant 0 : i32
      %dma_start3A_539 = arith.constant 0 : i32
      %dma_start3A_540 = tpu.memref_slice %arg10[%dma_start3A_531, %dma_start3A_538, %dma_start3A_539] : memref<16x16x128xf32, #tpu.memory_space<vmem>> -> memref<1x16x128xf32, #tpu.memory_space<vmem>>
      %dma_start3A_541 = tpu.memref_squeeze %dma_start3A_540 : memref<1x16x128xf32, #tpu.memory_space<vmem>> -> memref<16x128xf32, #tpu.memory_space<vmem>>
      %dma_start3A_542 = arith.constant 0 : i32
      %dma_start3A_543 = tpu.memref_slice %arg5[%dma_start3A_542, %mul3A_530] : memref<16x1000000xf32, #tpu.memory_space<hbm>> -> memref<16x128xf32, #tpu.memory_space<hbm>>
      tpu.enqueue_dma source(%dma_start3A_543 : memref<16x128xf32, #tpu.memory_space<hbm>>) target(%dma_start3A_541 : memref<16x128xf32, #tpu.memory_space<vmem>>) target_semaphore(%arg15 : memref<!tpu.dma_semaphore, #tpu.memory_space<semaphore_mem>>)
      %slice3A_544 = vector.extract_strided_slice %get3A_417 {offsets = [6], sizes = [1], strides = [1]} : vector<16xi32> to vector<1xi32>
      %squeeze3A_545 = vector.extract %slice3A_544[0] : i32 from vector<1xi32>
      %shift_right_arithmetic3A_546 = arith.constant 7 : i32
      %shift_right_arithmetic3A_547 = arith.shrsi %squeeze3A_545, %shift_right_arithmetic3A_546 : i32
      %min3A_548 = arith.constant 7811 : i32
      %min3A_549 = arith.minsi %shift_right_arithmetic3A_547, %min3A_548 : i32
      %mul3A_550 = arith.constant 128 : i32
      %mul3A_551 = arith.muli %min3A_549, %mul3A_550 : i32
      %dma_start3A_552 = arith.constant 6 : i32
      %dma_start3A_553 = arith.constant 0 : i32
      %dma_start3A_554 = arith.constant 0 : i32
      %dma_start3A_555 = tpu.memref_slice %arg10[%dma_start3A_552, %dma_start3A_553, %dma_start3A_554] : memref<16x16x128xf32, #tpu.memory_space<vmem>> -> memref<1x16x128xf32, #tpu.memory_space<vmem>>
      %dma_start3A_556 = tpu.memref_squeeze %dma_start3A_555 : memref<1x16x128xf32, #tpu.memory_space<vmem>> -> memref<16x128xf32, #tpu.memory_space<vmem>>
      %dma_start3A_557 = arith.constant 0 : i32
      %dma_start3A_558 = tpu.memref_slice %arg5[%dma_start3A_557, %mul3A_551] : memref<16x1000000xf32, #tpu.memory_space<hbm>> -> memref<16x128xf32, #tpu.memory_space<hbm>>
      %dma_start3A_559 = arith.constant 0 : i32
      %dma_start3A_560 = arith.constant 0 : i32
      %dma_start3A_561 = tpu.memref_slice %arg10[%dma_start3A_552, %dma_start3A_559, %dma_start3A_560] : memref<16x16x128xf32, #tpu.memory_space<vmem>> -> memref<1x16x128xf32, #tpu.memory_space<vmem>>
      %dma_start3A_562 = tpu.memref_squeeze %dma_start3A_561 : memref<1x16x128xf32, #tpu.memory_space<vmem>> -> memref<16x128xf32, #tpu.memory_space<vmem>>
      %dma_start3A_563 = arith.constant 0 : i32
      %dma_start3A_564 = tpu.memref_slice %arg5[%dma_start3A_563, %mul3A_551] : memref<16x1000000xf32, #tpu.memory_space<hbm>> -> memref<16x128xf32, #tpu.memory_space<hbm>>
      tpu.enqueue_dma source(%dma_start3A_564 : memref<16x128xf32, #tpu.memory_space<hbm>>) target(%dma_start3A_562 : memref<16x128xf32, #tpu.memory_space<vmem>>) target_semaphore(%arg15 : memref<!tpu.dma_semaphore, #tpu.memory_space<semaphore_mem>>)
      %slice3A_565 = vector.extract_strided_slice %get3A_417 {offsets = [7], sizes = [1], strides = [1]} : vector<16xi32> to vector<1xi32>
      %squeeze3A_566 = vector.extract %slice3A_565[0] : i32 from vector<1xi32>
      %shift_right_arithmetic3A_567 = arith.constant 7 : i32
      %shift_right_arithmetic3A_568 = arith.shrsi %squeeze3A_566, %shift_right_arithmetic3A_567 : i32
      %min3A_569 = arith.constant 7811 : i32
      %min3A_570 = arith.minsi %shift_right_arithmetic3A_568, %min3A_569 : i32
      %mul3A_571 = arith.constant 128 : i32
      %mul3A_572 = arith.muli %min3A_570, %mul3A_571 : i32
      %dma_start3A_573 = arith.constant 7 : i32
      %dma_start3A_574 = arith.constant 0 : i32
      %dma_start3A_575 = arith.constant 0 : i32
      %dma_start3A_576 = tpu.memref_slice %arg10[%dma_start3A_573, %dma_start3A_574, %dma_start3A_575] : memref<16x16x128xf32, #tpu.memory_space<vmem>> -> memref<1x16x128xf32, #tpu.memory_space<vmem>>
      %dma_start3A_577 = tpu.memref_squeeze %dma_start3A_576 : memref<1x16x128xf32, #tpu.memory_space<vmem>> -> memref<16x128xf32, #tpu.memory_space<vmem>>
      %dma_start3A_578 = arith.constant 0 : i32
      %dma_start3A_579 = tpu.memref_slice %arg5[%dma_start3A_578, %mul3A_572] : memref<16x1000000xf32, #tpu.memory_space<hbm>> -> memref<16x128xf32, #tpu.memory_space<hbm>>
      %dma_start3A_580 = arith.constant 0 : i32
      %dma_start3A_581 = arith.constant 0 : i32
      %dma_start3A_582 = tpu.memref_slice %arg10[%dma_start3A_573, %dma_start3A_580, %dma_start3A_581] : memref<16x16x128xf32, #tpu.memory_space<vmem>> -> memref<1x16x128xf32, #tpu.memory_space<vmem>>
      %dma_start3A_583 = tpu.memref_squeeze %dma_start3A_582 : memref<1x16x128xf32, #tpu.memory_space<vmem>> -> memref<16x128xf32, #tpu.memory_space<vmem>>
      %dma_start3A_584 = arith.constant 0 : i32
      %dma_start3A_585 = tpu.memref_slice %arg5[%dma_start3A_584, %mul3A_572] : memref<16x1000000xf32, #tpu.memory_space<hbm>> -> memref<16x128xf32, #tpu.memory_space<hbm>>
      tpu.enqueue_dma source(%dma_start3A_585 : memref<16x128xf32, #tpu.memory_space<hbm>>) target(%dma_start3A_583 : memref<16x128xf32, #tpu.memory_space<vmem>>) target_semaphore(%arg15 : memref<!tpu.dma_semaphore, #tpu.memory_space<semaphore_mem>>)
      %slice3A_586 = vector.extract_strided_slice %get3A_417 {offsets = [8], sizes = [1], strides = [1]} : vector<16xi32> to vector<1xi32>
      %squeeze3A_587 = vector.extract %slice3A_586[0] : i32 from vector<1xi32>
      %shift_right_arithmetic3A_588 = arith.constant 7 : i32
      %shift_right_arithmetic3A_589 = arith.shrsi %squeeze3A_587, %shift_right_arithmetic3A_588 : i32
      %min3A_590 = arith.constant 7811 : i32
      %min3A_591 = arith.minsi %shift_right_arithmetic3A_589, %min3A_590 : i32
      %mul3A_592 = arith.constant 128 : i32
      %mul3A_593 = arith.muli %min3A_591, %mul3A_592 : i32
      %dma_start3A_594 = arith.constant 8 : i32
      %dma_start3A_595 = arith.constant 0 : i32
      %dma_start3A_596 = arith.constant 0 : i32
      %dma_start3A_597 = tpu.memref_slice %arg10[%dma_start3A_594, %dma_start3A_595, %dma_start3A_596] : memref<16x16x128xf32, #tpu.memory_space<vmem>> -> memref<1x16x128xf32, #tpu.memory_space<vmem>>
      %dma_start3A_598 = tpu.memref_squeeze %dma_start3A_597 : memref<1x16x128xf32, #tpu.memory_space<vmem>> -> memref<16x128xf32, #tpu.memory_space<vmem>>
      %dma_start3A_599 = arith.constant 0 : i32
      %dma_start3A_600 = tpu.memref_slice %arg5[%dma_start3A_599, %mul3A_593] : memref<16x1000000xf32, #tpu.memory_space<hbm>> -> memref<16x128xf32, #tpu.memory_space<hbm>>
      %dma_start3A_601 = arith.constant 0 : i32
      %dma_start3A_602 = arith.constant 0 : i32
      %dma_start3A_603 = tpu.memref_slice %arg10[%dma_start3A_594, %dma_start3A_601, %dma_start3A_602] : memref<16x16x128xf32, #tpu.memory_space<vmem>> -> memref<1x16x128xf32, #tpu.memory_space<vmem>>
      %dma_start3A_604 = tpu.memref_squeeze %dma_start3A_603 : memref<1x16x128xf32, #tpu.memory_space<vmem>> -> memref<16x128xf32, #tpu.memory_space<vmem>>
      %dma_start3A_605 = arith.constant 0 : i32
      %dma_start3A_606 = tpu.memref_slice %arg5[%dma_start3A_605, %mul3A_593] : memref<16x1000000xf32, #tpu.memory_space<hbm>> -> memref<16x128xf32, #tpu.memory_space<hbm>>
      tpu.enqueue_dma source(%dma_start3A_606 : memref<16x128xf32, #tpu.memory_space<hbm>>) target(%dma_start3A_604 : memref<16x128xf32, #tpu.memory_space<vmem>>) target_semaphore(%arg15 : memref<!tpu.dma_semaphore, #tpu.memory_space<semaphore_mem>>)
      %slice3A_607 = vector.extract_strided_slice %get3A_417 {offsets = [9], sizes = [1], strides = [1]} : vector<16xi32> to vector<1xi32>
      %squeeze3A_608 = vector.extract %slice3A_607[0] : i32 from vector<1xi32>
      %shift_right_arithmetic3A_609 = arith.constant 7 : i32
      %shift_right_arithmetic3A_610 = arith.shrsi %squeeze3A_608, %shift_right_arithmetic3A_609 : i32
      %min3A_611 = arith.constant 7811 : i32
      %min3A_612 = arith.minsi %shift_right_arithmetic3A_610, %min3A_611 : i32
      %mul3A_613 = arith.constant 128 : i32
      %mul3A_614 = arith.muli %min3A_612, %mul3A_613 : i32
      %dma_start3A_615 = arith.constant 9 : i32
      %dma_start3A_616 = arith.constant 0 : i32
      %dma_start3A_617 = arith.constant 0 : i32
      %dma_start3A_618 = tpu.memref_slice %arg10[%dma_start3A_615, %dma_start3A_616, %dma_start3A_617] : memref<16x16x128xf32, #tpu.memory_space<vmem>> -> memref<1x16x128xf32, #tpu.memory_space<vmem>>
      %dma_start3A_619 = tpu.memref_squeeze %dma_start3A_618 : memref<1x16x128xf32, #tpu.memory_space<vmem>> -> memref<16x128xf32, #tpu.memory_space<vmem>>
      %dma_start3A_620 = arith.constant 0 : i32
      %dma_start3A_621 = tpu.memref_slice %arg5[%dma_start3A_620, %mul3A_614] : memref<16x1000000xf32, #tpu.memory_space<hbm>> -> memref<16x128xf32, #tpu.memory_space<hbm>>
      %dma_start3A_622 = arith.constant 0 : i32
      %dma_start3A_623 = arith.constant 0 : i32
      %dma_start3A_624 = tpu.memref_slice %arg10[%dma_start3A_615, %dma_start3A_622, %dma_start3A_623] : memref<16x16x128xf32, #tpu.memory_space<vmem>> -> memref<1x16x128xf32, #tpu.memory_space<vmem>>
      %dma_start3A_625 = tpu.memref_squeeze %dma_start3A_624 : memref<1x16x128xf32, #tpu.memory_space<vmem>> -> memref<16x128xf32, #tpu.memory_space<vmem>>
      %dma_start3A_626 = arith.constant 0 : i32
      %dma_start3A_627 = tpu.memref_slice %arg5[%dma_start3A_626, %mul3A_614] : memref<16x1000000xf32, #tpu.memory_space<hbm>> -> memref<16x128xf32, #tpu.memory_space<hbm>>
      tpu.enqueue_dma source(%dma_start3A_627 : memref<16x128xf32, #tpu.memory_space<hbm>>) target(%dma_start3A_625 : memref<16x128xf32, #tpu.memory_space<vmem>>) target_semaphore(%arg15 : memref<!tpu.dma_semaphore, #tpu.memory_space<semaphore_mem>>)
      %slice3A_628 = vector.extract_strided_slice %get3A_417 {offsets = [10], sizes = [1], strides = [1]} : vector<16xi32> to vector<1xi32>
      %squeeze3A_629 = vector.extract %slice3A_628[0] : i32 from vector<1xi32>
      %shift_right_arithmetic3A_630 = arith.constant 7 : i32
      %shift_right_arithmetic3A_631 = arith.shrsi %squeeze3A_629, %shift_right_arithmetic3A_630 : i32
      %min3A_632 = arith.constant 7811 : i32
      %min3A_633 = arith.minsi %shift_right_arithmetic3A_631, %min3A_632 : i32
      %mul3A_634 = arith.constant 128 : i32
      %mul3A_635 = arith.muli %min3A_633, %mul3A_634 : i32
      %dma_start3A_636 = arith.constant 10 : i32
      %dma_start3A_637 = arith.constant 0 : i32
      %dma_start3A_638 = arith.constant 0 : i32
      %dma_start3A_639 = tpu.memref_slice %arg10[%dma_start3A_636, %dma_start3A_637, %dma_start3A_638] : memref<16x16x128xf32, #tpu.memory_space<vmem>> -> memref<1x16x128xf32, #tpu.memory_space<vmem>>
      %dma_start3A_640 = tpu.memref_squeeze %dma_start3A_639 : memref<1x16x128xf32, #tpu.memory_space<vmem>> -> memref<16x128xf32, #tpu.memory_space<vmem>>
      %dma_start3A_641 = arith.constant 0 : i32
      %dma_start3A_642 = tpu.memref_slice %arg5[%dma_start3A_641, %mul3A_635] : memref<16x1000000xf32, #tpu.memory_space<hbm>> -> memref<16x128xf32, #tpu.memory_space<hbm>>
      %dma_start3A_643 = arith.constant 0 : i32
      %dma_start3A_644 = arith.constant 0 : i32
      %dma_start3A_645 = tpu.memref_slice %arg10[%dma_start3A_636, %dma_start3A_643, %dma_start3A_644] : memref<16x16x128xf32, #tpu.memory_space<vmem>> -> memref<1x16x128xf32, #tpu.memory_space<vmem>>
      %dma_start3A_646 = tpu.memref_squeeze %dma_start3A_645 : memref<1x16x128xf32, #tpu.memory_space<vmem>> -> memref<16x128xf32, #tpu.memory_space<vmem>>
      %dma_start3A_647 = arith.constant 0 : i32
      %dma_start3A_648 = tpu.memref_slice %arg5[%dma_start3A_647, %mul3A_635] : memref<16x1000000xf32, #tpu.memory_space<hbm>> -> memref<16x128xf32, #tpu.memory_space<hbm>>
      tpu.enqueue_dma source(%dma_start3A_648 : memref<16x128xf32, #tpu.memory_space<hbm>>) target(%dma_start3A_646 : memref<16x128xf32, #tpu.memory_space<vmem>>) target_semaphore(%arg15 : memref<!tpu.dma_semaphore, #tpu.memory_space<semaphore_mem>>)
      %slice3A_649 = vector.extract_strided_slice %get3A_417 {offsets = [11], sizes = [1], strides = [1]} : vector<16xi32> to vector<1xi32>
      %squeeze3A_650 = vector.extract %slice3A_649[0] : i32 from vector<1xi32>
      %shift_right_arithmetic3A_651 = arith.constant 7 : i32
      %shift_right_arithmetic3A_652 = arith.shrsi %squeeze3A_650, %shift_right_arithmetic3A_651 : i32
      %min3A_653 = arith.constant 7811 : i32
      %min3A_654 = arith.minsi %shift_right_arithmetic3A_652, %min3A_653 : i32
      %mul3A_655 = arith.constant 128 : i32
      %mul3A_656 = arith.muli %min3A_654, %mul3A_655 : i32
      %dma_start3A_657 = arith.constant 11 : i32
      %dma_start3A_658 = arith.constant 0 : i32
      %dma_start3A_659 = arith.constant 0 : i32
      %dma_start3A_660 = tpu.memref_slice %arg10[%dma_start3A_657, %dma_start3A_658, %dma_start3A_659] : memref<16x16x128xf32, #tpu.memory_space<vmem>> -> memref<1x16x128xf32, #tpu.memory_space<vmem>>
      %dma_start3A_661 = tpu.memref_squeeze %dma_start3A_660 : memref<1x16x128xf32, #tpu.memory_space<vmem>> -> memref<16x128xf32, #tpu.memory_space<vmem>>
      %dma_start3A_662 = arith.constant 0 : i32
      %dma_start3A_663 = tpu.memref_slice %arg5[%dma_start3A_662, %mul3A_656] : memref<16x1000000xf32, #tpu.memory_space<hbm>> -> memref<16x128xf32, #tpu.memory_space<hbm>>
      %dma_start3A_664 = arith.constant 0 : i32
      %dma_start3A_665 = arith.constant 0 : i32
      %dma_start3A_666 = tpu.memref_slice %arg10[%dma_start3A_657, %dma_start3A_664, %dma_start3A_665] : memref<16x16x128xf32, #tpu.memory_space<vmem>> -> memref<1x16x128xf32, #tpu.memory_space<vmem>>
      %dma_start3A_667 = tpu.memref_squeeze %dma_start3A_666 : memref<1x16x128xf32, #tpu.memory_space<vmem>> -> memref<16x128xf32, #tpu.memory_space<vmem>>
      %dma_start3A_668 = arith.constant 0 : i32
      %dma_start3A_669 = tpu.memref_slice %arg5[%dma_start3A_668, %mul3A_656] : memref<16x1000000xf32, #tpu.memory_space<hbm>> -> memref<16x128xf32, #tpu.memory_space<hbm>>
      tpu.enqueue_dma source(%dma_start3A_669 : memref<16x128xf32, #tpu.memory_space<hbm>>) target(%dma_start3A_667 : memref<16x128xf32, #tpu.memory_space<vmem>>) target_semaphore(%arg15 : memref<!tpu.dma_semaphore, #tpu.memory_space<semaphore_mem>>)
      %slice3A_670 = vector.extract_strided_slice %get3A_417 {offsets = [12], sizes = [1], strides = [1]} : vector<16xi32> to vector<1xi32>
      %squeeze3A_671 = vector.extract %slice3A_670[0] : i32 from vector<1xi32>
      %shift_right_arithmetic3A_672 = arith.constant 7 : i32
      %shift_right_arithmetic3A_673 = arith.shrsi %squeeze3A_671, %shift_right_arithmetic3A_672 : i32
      %min3A_674 = arith.constant 7811 : i32
      %min3A_675 = arith.minsi %shift_right_arithmetic3A_673, %min3A_674 : i32
      %mul3A_676 = arith.constant 128 : i32
      %mul3A_677 = arith.muli %min3A_675, %mul3A_676 : i32
      %dma_start3A_678 = arith.constant 12 : i32
      %dma_start3A_679 = arith.constant 0 : i32
      %dma_start3A_680 = arith.constant 0 : i32
      %dma_start3A_681 = tpu.memref_slice %arg10[%dma_start3A_678, %dma_start3A_679, %dma_start3A_680] : memref<16x16x128xf32, #tpu.memory_space<vmem>> -> memref<1x16x128xf32, #tpu.memory_space<vmem>>
      %dma_start3A_682 = tpu.memref_squeeze %dma_start3A_681 : memref<1x16x128xf32, #tpu.memory_space<vmem>> -> memref<16x128xf32, #tpu.memory_space<vmem>>
      %dma_start3A_683 = arith.constant 0 : i32
      %dma_start3A_684 = tpu.memref_slice %arg5[%dma_start3A_683, %mul3A_677] : memref<16x1000000xf32, #tpu.memory_space<hbm>> -> memref<16x128xf32, #tpu.memory_space<hbm>>
      %dma_start3A_685 = arith.constant 0 : i32
      %dma_start3A_686 = arith.constant 0 : i32
      %dma_start3A_687 = tpu.memref_slice %arg10[%dma_start3A_678, %dma_start3A_685, %dma_start3A_686] : memref<16x16x128xf32, #tpu.memory_space<vmem>> -> memref<1x16x128xf32, #tpu.memory_space<vmem>>
      %dma_start3A_688 = tpu.memref_squeeze %dma_start3A_687 : memref<1x16x128xf32, #tpu.memory_space<vmem>> -> memref<16x128xf32, #tpu.memory_space<vmem>>
      %dma_start3A_689 = arith.constant 0 : i32
      %dma_start3A_690 = tpu.memref_slice %arg5[%dma_start3A_689, %mul3A_677] : memref<16x1000000xf32, #tpu.memory_space<hbm>> -> memref<16x128xf32, #tpu.memory_space<hbm>>
      tpu.enqueue_dma source(%dma_start3A_690 : memref<16x128xf32, #tpu.memory_space<hbm>>) target(%dma_start3A_688 : memref<16x128xf32, #tpu.memory_space<vmem>>) target_semaphore(%arg15 : memref<!tpu.dma_semaphore, #tpu.memory_space<semaphore_mem>>)
      %slice3A_691 = vector.extract_strided_slice %get3A_417 {offsets = [13], sizes = [1], strides = [1]} : vector<16xi32> to vector<1xi32>
      %squeeze3A_692 = vector.extract %slice3A_691[0] : i32 from vector<1xi32>
      %shift_right_arithmetic3A_693 = arith.constant 7 : i32
      %shift_right_arithmetic3A_694 = arith.shrsi %squeeze3A_692, %shift_right_arithmetic3A_693 : i32
      %min3A_695 = arith.constant 7811 : i32
      %min3A_696 = arith.minsi %shift_right_arithmetic3A_694, %min3A_695 : i32
      %mul3A_697 = arith.constant 128 : i32
      %mul3A_698 = arith.muli %min3A_696, %mul3A_697 : i32
      %dma_start3A_699 = arith.constant 13 : i32
      %dma_start3A_700 = arith.constant 0 : i32
      %dma_start3A_701 = arith.constant 0 : i32
      %dma_start3A_702 = tpu.memref_slice %arg10[%dma_start3A_699, %dma_start3A_700, %dma_start3A_701] : memref<16x16x128xf32, #tpu.memory_space<vmem>> -> memref<1x16x128xf32, #tpu.memory_space<vmem>>
      %dma_start3A_703 = tpu.memref_squeeze %dma_start3A_702 : memref<1x16x128xf32, #tpu.memory_space<vmem>> -> memref<16x128xf32, #tpu.memory_space<vmem>>
      %dma_start3A_704 = arith.constant 0 : i32
      %dma_start3A_705 = tpu.memref_slice %arg5[%dma_start3A_704, %mul3A_698] : memref<16x1000000xf32, #tpu.memory_space<hbm>> -> memref<16x128xf32, #tpu.memory_space<hbm>>
      %dma_start3A_706 = arith.constant 0 : i32
      %dma_start3A_707 = arith.constant 0 : i32
      %dma_start3A_708 = tpu.memref_slice %arg10[%dma_start3A_699, %dma_start3A_706, %dma_start3A_707] : memref<16x16x128xf32, #tpu.memory_space<vmem>> -> memref<1x16x128xf32, #tpu.memory_space<vmem>>
      %dma_start3A_709 = tpu.memref_squeeze %dma_start3A_708 : memref<1x16x128xf32, #tpu.memory_space<vmem>> -> memref<16x128xf32, #tpu.memory_space<vmem>>
      %dma_start3A_710 = arith.constant 0 : i32
      %dma_start3A_711 = tpu.memref_slice %arg5[%dma_start3A_710, %mul3A_698] : memref<16x1000000xf32, #tpu.memory_space<hbm>> -> memref<16x128xf32, #tpu.memory_space<hbm>>
      tpu.enqueue_dma source(%dma_start3A_711 : memref<16x128xf32, #tpu.memory_space<hbm>>) target(%dma_start3A_709 : memref<16x128xf32, #tpu.memory_space<vmem>>) target_semaphore(%arg15 : memref<!tpu.dma_semaphore, #tpu.memory_space<semaphore_mem>>)
      %slice3A_712 = vector.extract_strided_slice %get3A_417 {offsets = [14], sizes = [1], strides = [1]} : vector<16xi32> to vector<1xi32>
      %squeeze3A_713 = vector.extract %slice3A_712[0] : i32 from vector<1xi32>
      %shift_right_arithmetic3A_714 = arith.constant 7 : i32
      %shift_right_arithmetic3A_715 = arith.shrsi %squeeze3A_713, %shift_right_arithmetic3A_714 : i32
      %min3A_716 = arith.constant 7811 : i32
      %min3A_717 = arith.minsi %shift_right_arithmetic3A_715, %min3A_716 : i32
      %mul3A_718 = arith.constant 128 : i32
      %mul3A_719 = arith.muli %min3A_717, %mul3A_718 : i32
      %dma_start3A_720 = arith.constant 14 : i32
      %dma_start3A_721 = arith.constant 0 : i32
      %dma_start3A_722 = arith.constant 0 : i32
      %dma_start3A_723 = tpu.memref_slice %arg10[%dma_start3A_720, %dma_start3A_721, %dma_start3A_722] : memref<16x16x128xf32, #tpu.memory_space<vmem>> -> memref<1x16x128xf32, #tpu.memory_space<vmem>>
      %dma_start3A_724 = tpu.memref_squeeze %dma_start3A_723 : memref<1x16x128xf32, #tpu.memory_space<vmem>> -> memref<16x128xf32, #tpu.memory_space<vmem>>
      %dma_start3A_725 = arith.constant 0 : i32
      %dma_start3A_726 = tpu.memref_slice %arg5[%dma_start3A_725, %mul3A_719] : memref<16x1000000xf32, #tpu.memory_space<hbm>> -> memref<16x128xf32, #tpu.memory_space<hbm>>
      %dma_start3A_727 = arith.constant 0 : i32
      %dma_start3A_728 = arith.constant 0 : i32
      %dma_start3A_729 = tpu.memref_slice %arg10[%dma_start3A_720, %dma_start3A_727, %dma_start3A_728] : memref<16x16x128xf32, #tpu.memory_space<vmem>> -> memref<1x16x128xf32, #tpu.memory_space<vmem>>
      %dma_start3A_730 = tpu.memref_squeeze %dma_start3A_729 : memref<1x16x128xf32, #tpu.memory_space<vmem>> -> memref<16x128xf32, #tpu.memory_space<vmem>>
      %dma_start3A_731 = arith.constant 0 : i32
      %dma_start3A_732 = tpu.memref_slice %arg5[%dma_start3A_731, %mul3A_719] : memref<16x1000000xf32, #tpu.memory_space<hbm>> -> memref<16x128xf32, #tpu.memory_space<hbm>>
      tpu.enqueue_dma source(%dma_start3A_732 : memref<16x128xf32, #tpu.memory_space<hbm>>) target(%dma_start3A_730 : memref<16x128xf32, #tpu.memory_space<vmem>>) target_semaphore(%arg15 : memref<!tpu.dma_semaphore, #tpu.memory_space<semaphore_mem>>)
      %slice3A_733 = vector.extract_strided_slice %get3A_417 {offsets = [15], sizes = [1], strides = [1]} : vector<16xi32> to vector<1xi32>
      %squeeze3A_734 = vector.extract %slice3A_733[0] : i32 from vector<1xi32>
      %shift_right_arithmetic3A_735 = arith.constant 7 : i32
      %shift_right_arithmetic3A_736 = arith.shrsi %squeeze3A_734, %shift_right_arithmetic3A_735 : i32
      %min3A_737 = arith.constant 7811 : i32
      %min3A_738 = arith.minsi %shift_right_arithmetic3A_736, %min3A_737 : i32
      %mul3A_739 = arith.constant 128 : i32
      %mul3A_740 = arith.muli %min3A_738, %mul3A_739 : i32
      %dma_start3A_741 = arith.constant 15 : i32
      %dma_start3A_742 = arith.constant 0 : i32
      %dma_start3A_743 = arith.constant 0 : i32
      %dma_start3A_744 = tpu.memref_slice %arg10[%dma_start3A_741, %dma_start3A_742, %dma_start3A_743] : memref<16x16x128xf32, #tpu.memory_space<vmem>> -> memref<1x16x128xf32, #tpu.memory_space<vmem>>
      %dma_start3A_745 = tpu.memref_squeeze %dma_start3A_744 : memref<1x16x128xf32, #tpu.memory_space<vmem>> -> memref<16x128xf32, #tpu.memory_space<vmem>>
      %dma_start3A_746 = arith.constant 0 : i32
      %dma_start3A_747 = tpu.memref_slice %arg5[%dma_start3A_746, %mul3A_740] : memref<16x1000000xf32, #tpu.memory_space<hbm>> -> memref<16x128xf32, #tpu.memory_space<hbm>>
      %dma_start3A_748 = arith.constant 0 : i32
      %dma_start3A_749 = arith.constant 0 : i32
      %dma_start3A_750 = tpu.memref_slice %arg10[%dma_start3A_741, %dma_start3A_748, %dma_start3A_749] : memref<16x16x128xf32, #tpu.memory_space<vmem>> -> memref<1x16x128xf32, #tpu.memory_space<vmem>>
      %dma_start3A_751 = tpu.memref_squeeze %dma_start3A_750 : memref<1x16x128xf32, #tpu.memory_space<vmem>> -> memref<16x128xf32, #tpu.memory_space<vmem>>
      %dma_start3A_752 = arith.constant 0 : i32
      %dma_start3A_753 = tpu.memref_slice %arg5[%dma_start3A_752, %mul3A_740] : memref<16x1000000xf32, #tpu.memory_space<hbm>> -> memref<16x128xf32, #tpu.memory_space<hbm>>
      tpu.enqueue_dma source(%dma_start3A_753 : memref<16x128xf32, #tpu.memory_space<hbm>>) target(%dma_start3A_751 : memref<16x128xf32, #tpu.memory_space<vmem>>) target_semaphore(%arg15 : memref<!tpu.dma_semaphore, #tpu.memory_space<semaphore_mem>>)
      %mul3A_754 = arith.constant 16 : i32
      %mul3A_755 = arith.muli %mul3A_754, %scan3A_410 : i32
      %get3A_756 = arith.constant 0 : i32
      %get3A_757 = arith.index_cast %get3A_756 : i32 to index
      %get3A_758 = arith.index_cast %mul3A_755 : i32 to index
      %get3A_759 = tpu.vector_load %arg8[%get3A_757, %get3A_758] {strides = array<i32>} : memref<2x512xi32, #tpu.memory_space<vmem>>, vector<16xi32>,
      %dma_wait3A_760 = arith.constant 0 : i32
      %dma_wait3A_761 = arith.constant 0 : i32
      %dma_wait3A_762 = arith.constant 0 : i32
      %dma_wait3A_763 = tpu.memref_slice %arg9[%dma_wait3A_760, %dma_wait3A_761, %dma_wait3A_762] : memref<16x16x128xf32, #tpu.memory_space<vmem>> -> memref<1x16x128xf32, #tpu.memory_space<vmem>>
      %dma_wait3A_764 = tpu.memref_squeeze %dma_wait3A_763 : memref<1x16x128xf32, #tpu.memory_space<vmem>> -> memref<16x128xf32, #tpu.memory_space<vmem>>
      %dma_wait3A_765 = arith.constant 0 : i32
      %dma_wait3A_766 = arith.constant 0 : i32
      %dma_wait3A_767 = tpu.memref_slice %arg4[%dma_wait3A_765, %dma_wait3A_766] : memref<16x1000000xf32, #tpu.memory_space<hbm>> -> memref<16x128xf32, #tpu.memory_space<hbm>>
      %dma_wait3A_768 = arith.constant 0 : i32
      %dma_wait3A_769 = arith.constant 0 : i32
      %dma_wait3A_770 = tpu.memref_slice %arg9[%dma_wait3A_760, %dma_wait3A_768, %dma_wait3A_769] : memref<16x16x128xf32, #tpu.memory_space<vmem>> -> memref<1x16x128xf32, #tpu.memory_space<vmem>>
      %dma_wait3A_771 = tpu.memref_squeeze %dma_wait3A_770 : memref<1x16x128xf32, #tpu.memory_space<vmem>> -> memref<16x128xf32, #tpu.memory_space<vmem>>
      %dma_wait3A_772 = arith.constant 0 : i32
      %dma_wait3A_773 = arith.constant 0 : i32
      %dma_wait3A_774 = tpu.memref_slice %arg4[%dma_wait3A_772, %dma_wait3A_773] : memref<16x1000000xf32, #tpu.memory_space<hbm>> -> memref<16x128xf32, #tpu.memory_space<hbm>>
      tpu.wait_dma2 semaphore(%arg14 : memref<!tpu.dma_semaphore, #tpu.memory_space<semaphore_mem>>) src(%dma_wait3A_774 : memref<16x128xf32, #tpu.memory_space<hbm>>) dst(%dma_wait3A_771 : memref<16x128xf32, #tpu.memory_space<vmem>>)
      %dma_wait3A_775 = arith.constant 1 : i32
      %dma_wait3A_776 = arith.constant 0 : i32
      %dma_wait3A_777 = arith.constant 0 : i32
      %dma_wait3A_778 = tpu.memref_slice %arg9[%dma_wait3A_775, %dma_wait3A_776, %dma_wait3A_777] : memref<16x16x128xf32, #tpu.memory_space<vmem>> -> memref<1x16x128xf32, #tpu.memory_space<vmem>>
      %dma_wait3A_779 = tpu.memref_squeeze %dma_wait3A_778 : memref<1x16x128xf32, #tpu.memory_space<vmem>> -> memref<16x128xf32, #tpu.memory_space<vmem>>
      %dma_wait3A_780 = arith.constant 0 : i32
      %dma_wait3A_781 = arith.constant 0 : i32
      %dma_wait3A_782 = tpu.memref_slice %arg4[%dma_wait3A_780, %dma_wait3A_781] : memref<16x1000000xf32, #tpu.memory_space<hbm>> -> memref<16x128xf32, #tpu.memory_space<hbm>>
      %dma_wait3A_783 = arith.constant 0 : i32
      %dma_wait3A_784 = arith.constant 0 : i32
      %dma_wait3A_785 = tpu.memref_slice %arg9[%dma_wait3A_775, %dma_wait3A_783, %dma_wait3A_784] : memref<16x16x128xf32, #tpu.memory_space<vmem>> -> memref<1x16x128xf32, #tpu.memory_space<vmem>>
      %dma_wait3A_786 = tpu.memref_squeeze %dma_wait3A_785 : memref<1x16x128xf32, #tpu.memory_space<vmem>> -> memref<16x128xf32, #tpu.memory_space<vmem>>
      %dma_wait3A_787 = arith.constant 0 : i32
      %dma_wait3A_788 = arith.constant 0 : i32
      %dma_wait3A_789 = tpu.memref_slice %arg4[%dma_wait3A_787, %dma_wait3A_788] : memref<16x1000000xf32, #tpu.memory_space<hbm>> -> memref<16x128xf32, #tpu.memory_space<hbm>>
      tpu.wait_dma2 semaphore(%arg14 : memref<!tpu.dma_semaphore, #tpu.memory_space<semaphore_mem>>) src(%dma_wait3A_789 : memref<16x128xf32, #tpu.memory_space<hbm>>) dst(%dma_wait3A_786 : memref<16x128xf32, #tpu.memory_space<vmem>>)
      %dma_wait3A_790 = arith.constant 2 : i32
      %dma_wait3A_791 = arith.constant 0 : i32
      %dma_wait3A_792 = arith.constant 0 : i32
      %dma_wait3A_793 = tpu.memref_slice %arg9[%dma_wait3A_790, %dma_wait3A_791, %dma_wait3A_792] : memref<16x16x128xf32, #tpu.memory_space<vmem>> -> memref<1x16x128xf32, #tpu.memory_space<vmem>>
      %dma_wait3A_794 = tpu.memref_squeeze %dma_wait3A_793 : memref<1x16x128xf32, #tpu.memory_space<vmem>> -> memref<16x128xf32, #tpu.memory_space<vmem>>
      %dma_wait3A_795 = arith.constant 0 : i32
      %dma_wait3A_796 = arith.constant 0 : i32
      %dma_wait3A_797 = tpu.memref_slice %arg4[%dma_wait3A_795, %dma_wait3A_796] : memref<16x1000000xf32, #tpu.memory_space<hbm>> -> memref<16x128xf32, #tpu.memory_space<hbm>>
      %dma_wait3A_798 = arith.constant 0 : i32
      %dma_wait3A_799 = arith.constant 0 : i32
      %dma_wait3A_800 = tpu.memref_slice %arg9[%dma_wait3A_790, %dma_wait3A_798, %dma_wait3A_799] : memref<16x16x128xf32, #tpu.memory_space<vmem>> -> memref<1x16x128xf32, #tpu.memory_space<vmem>>
      %dma_wait3A_801 = tpu.memref_squeeze %dma_wait3A_800 : memref<1x16x128xf32, #tpu.memory_space<vmem>> -> memref<16x128xf32, #tpu.memory_space<vmem>>
      %dma_wait3A_802 = arith.constant 0 : i32
      %dma_wait3A_803 = arith.constant 0 : i32
      %dma_wait3A_804 = tpu.memref_slice %arg4[%dma_wait3A_802, %dma_wait3A_803] : memref<16x1000000xf32, #tpu.memory_space<hbm>> -> memref<16x128xf32, #tpu.memory_space<hbm>>
      tpu.wait_dma2 semaphore(%arg14 : memref<!tpu.dma_semaphore, #tpu.memory_space<semaphore_mem>>) src(%dma_wait3A_804 : memref<16x128xf32, #tpu.memory_space<hbm>>) dst(%dma_wait3A_801 : memref<16x128xf32, #tpu.memory_space<vmem>>)
      %dma_wait3A_805 = arith.constant 3 : i32
      %dma_wait3A_806 = arith.constant 0 : i32
      %dma_wait3A_807 = arith.constant 0 : i32
      %dma_wait3A_808 = tpu.memref_slice %arg9[%dma_wait3A_805, %dma_wait3A_806, %dma_wait3A_807] : memref<16x16x128xf32, #tpu.memory_space<vmem>> -> memref<1x16x128xf32, #tpu.memory_space<vmem>>
      %dma_wait3A_809 = tpu.memref_squeeze %dma_wait3A_808 : memref<1x16x128xf32, #tpu.memory_space<vmem>> -> memref<16x128xf32, #tpu.memory_space<vmem>>
      %dma_wait3A_810 = arith.constant 0 : i32
      %dma_wait3A_811 = arith.constant 0 : i32
      %dma_wait3A_812 = tpu.memref_slice %arg4[%dma_wait3A_810, %dma_wait3A_811] : memref<16x1000000xf32, #tpu.memory_space<hbm>> -> memref<16x128xf32, #tpu.memory_space<hbm>>
      %dma_wait3A_813 = arith.constant 0 : i32
      %dma_wait3A_814 = arith.constant 0 : i32
      %dma_wait3A_815 = tpu.memref_slice %arg9[%dma_wait3A_805, %dma_wait3A_813, %dma_wait3A_814] : memref<16x16x128xf32, #tpu.memory_space<vmem>> -> memref<1x16x128xf32, #tpu.memory_space<vmem>>
      %dma_wait3A_816 = tpu.memref_squeeze %dma_wait3A_815 : memref<1x16x128xf32, #tpu.memory_space<vmem>> -> memref<16x128xf32, #tpu.memory_space<vmem>>
      %dma_wait3A_817 = arith.constant 0 : i32
      %dma_wait3A_818 = arith.constant 0 : i32
      %dma_wait3A_819 = tpu.memref_slice %arg4[%dma_wait3A_817, %dma_wait3A_818] : memref<16x1000000xf32, #tpu.memory_space<hbm>> -> memref<16x128xf32, #tpu.memory_space<hbm>>
      tpu.wait_dma2 semaphore(%arg14 : memref<!tpu.dma_semaphore, #tpu.memory_space<semaphore_mem>>) src(%dma_wait3A_819 : memref<16x128xf32, #tpu.memory_space<hbm>>) dst(%dma_wait3A_816 : memref<16x128xf32, #tpu.memory_space<vmem>>)
      %dma_wait3A_820 = arith.constant 4 : i32
      %dma_wait3A_821 = arith.constant 0 : i32
      %dma_wait3A_822 = arith.constant 0 : i32
      %dma_wait3A_823 = tpu.memref_slice %arg9[%dma_wait3A_820, %dma_wait3A_821, %dma_wait3A_822] : memref<16x16x128xf32, #tpu.memory_space<vmem>> -> memref<1x16x128xf32, #tpu.memory_space<vmem>>
      %dma_wait3A_824 = tpu.memref_squeeze %dma_wait3A_823 : memref<1x16x128xf32, #tpu.memory_space<vmem>> -> memref<16x128xf32, #tpu.memory_space<vmem>>
      %dma_wait3A_825 = arith.constant 0 : i32
      %dma_wait3A_826 = arith.constant 0 : i32
      %dma_wait3A_827 = tpu.memref_slice %arg4[%dma_wait3A_825, %dma_wait3A_826] : memref<16x1000000xf32, #tpu.memory_space<hbm>> -> memref<16x128xf32, #tpu.memory_space<hbm>>
      %dma_wait3A_828 = arith.constant 0 : i32
      %dma_wait3A_829 = arith.constant 0 : i32
      %dma_wait3A_830 = tpu.memref_slice %arg9[%dma_wait3A_820, %dma_wait3A_828, %dma_wait3A_829] : memref<16x16x128xf32, #tpu.memory_space<vmem>> -> memref<1x16x128xf32, #tpu.memory_space<vmem>>
      %dma_wait3A_831 = tpu.memref_squeeze %dma_wait3A_830 : memref<1x16x128xf32, #tpu.memory_space<vmem>> -> memref<16x128xf32, #tpu.memory_space<vmem>>
      %dma_wait3A_832 = arith.constant 0 : i32
      %dma_wait3A_833 = arith.constant 0 : i32
      %dma_wait3A_834 = tpu.memref_slice %arg4[%dma_wait3A_832, %dma_wait3A_833] : memref<16x1000000xf32, #tpu.memory_space<hbm>> -> memref<16x128xf32, #tpu.memory_space<hbm>>
      tpu.wait_dma2 semaphore(%arg14 : memref<!tpu.dma_semaphore, #tpu.memory_space<semaphore_mem>>) src(%dma_wait3A_834 : memref<16x128xf32, #tpu.memory_space<hbm>>) dst(%dma_wait3A_831 : memref<16x128xf32, #tpu.memory_space<vmem>>)
      %dma_wait3A_835 = arith.constant 5 : i32
      %dma_wait3A_836 = arith.constant 0 : i32
      %dma_wait3A_837 = arith.constant 0 : i32
      %dma_wait3A_838 = tpu.memref_slice %arg9[%dma_wait3A_835, %dma_wait3A_836, %dma_wait3A_837] : memref<16x16x128xf32, #tpu.memory_space<vmem>> -> memref<1x16x128xf32, #tpu.memory_space<vmem>>
      %dma_wait3A_839 = tpu.memref_squeeze %dma_wait3A_838 : memref<1x16x128xf32, #tpu.memory_space<vmem>> -> memref<16x128xf32, #tpu.memory_space<vmem>>
      %dma_wait3A_840 = arith.constant 0 : i32
      %dma_wait3A_841 = arith.constant 0 : i32
      %dma_wait3A_842 = tpu.memref_slice %arg4[%dma_wait3A_840, %dma_wait3A_841] : memref<16x1000000xf32, #tpu.memory_space<hbm>> -> memref<16x128xf32, #tpu.memory_space<hbm>>
      %dma_wait3A_843 = arith.constant 0 : i32
      %dma_wait3A_844 = arith.constant 0 : i32
      %dma_wait3A_845 = tpu.memref_slice %arg9[%dma_wait3A_835, %dma_wait3A_843, %dma_wait3A_844] : memref<16x16x128xf32, #tpu.memory_space<vmem>> -> memref<1x16x128xf32, #tpu.memory_space<vmem>>
      %dma_wait3A_846 = tpu.memref_squeeze %dma_wait3A_845 : memref<1x16x128xf32, #tpu.memory_space<vmem>> -> memref<16x128xf32, #tpu.memory_space<vmem>>
      %dma_wait3A_847 = arith.constant 0 : i32
      %dma_wait3A_848 = arith.constant 0 : i32
      %dma_wait3A_849 = tpu.memref_slice %arg4[%dma_wait3A_847, %dma_wait3A_848] : memref<16x1000000xf32, #tpu.memory_space<hbm>> -> memref<16x128xf32, #tpu.memory_space<hbm>>
      tpu.wait_dma2 semaphore(%arg14 : memref<!tpu.dma_semaphore, #tpu.memory_space<semaphore_mem>>) src(%dma_wait3A_849 : memref<16x128xf32, #tpu.memory_space<hbm>>) dst(%dma_wait3A_846 : memref<16x128xf32, #tpu.memory_space<vmem>>)
      %dma_wait3A_850 = arith.constant 6 : i32
      %dma_wait3A_851 = arith.constant 0 : i32
      %dma_wait3A_852 = arith.constant 0 : i32
      %dma_wait3A_853 = tpu.memref_slice %arg9[%dma_wait3A_850, %dma_wait3A_851, %dma_wait3A_852] : memref<16x16x128xf32, #tpu.memory_space<vmem>> -> memref<1x16x128xf32, #tpu.memory_space<vmem>>
      %dma_wait3A_854 = tpu.memref_squeeze %dma_wait3A_853 : memref<1x16x128xf32, #tpu.memory_space<vmem>> -> memref<16x128xf32, #tpu.memory_space<vmem>>
      %dma_wait3A_855 = arith.constant 0 : i32
      %dma_wait3A_856 = arith.constant 0 : i32
      %dma_wait3A_857 = tpu.memref_slice %arg4[%dma_wait3A_855, %dma_wait3A_856] : memref<16x1000000xf32, #tpu.memory_space<hbm>> -> memref<16x128xf32, #tpu.memory_space<hbm>>
      %dma_wait3A_858 = arith.constant 0 : i32
      %dma_wait3A_859 = arith.constant 0 : i32
      %dma_wait3A_860 = tpu.memref_slice %arg9[%dma_wait3A_850, %dma_wait3A_858, %dma_wait3A_859] : memref<16x16x128xf32, #tpu.memory_space<vmem>> -> memref<1x16x128xf32, #tpu.memory_space<vmem>>
      %dma_wait3A_861 = tpu.memref_squeeze %dma_wait3A_860 : memref<1x16x128xf32, #tpu.memory_space<vmem>> -> memref<16x128xf32, #tpu.memory_space<vmem>>
      %dma_wait3A_862 = arith.constant 0 : i32
      %dma_wait3A_863 = arith.constant 0 : i32
      %dma_wait3A_864 = tpu.memref_slice %arg4[%dma_wait3A_862, %dma_wait3A_863] : memref<16x1000000xf32, #tpu.memory_space<hbm>> -> memref<16x128xf32, #tpu.memory_space<hbm>>
      tpu.wait_dma2 semaphore(%arg14 : memref<!tpu.dma_semaphore, #tpu.memory_space<semaphore_mem>>) src(%dma_wait3A_864 : memref<16x128xf32, #tpu.memory_space<hbm>>) dst(%dma_wait3A_861 : memref<16x128xf32, #tpu.memory_space<vmem>>)
      %dma_wait3A_865 = arith.constant 7 : i32
      %dma_wait3A_866 = arith.constant 0 : i32
      %dma_wait3A_867 = arith.constant 0 : i32
      %dma_wait3A_868 = tpu.memref_slice %arg9[%dma_wait3A_865, %dma_wait3A_866, %dma_wait3A_867] : memref<16x16x128xf32, #tpu.memory_space<vmem>> -> memref<1x16x128xf32, #tpu.memory_space<vmem>>
      %dma_wait3A_869 = tpu.memref_squeeze %dma_wait3A_868 : memref<1x16x128xf32, #tpu.memory_space<vmem>> -> memref<16x128xf32, #tpu.memory_space<vmem>>
      %dma_wait3A_870 = arith.constant 0 : i32
      %dma_wait3A_871 = arith.constant 0 : i32
      %dma_wait3A_872 = tpu.memref_slice %arg4[%dma_wait3A_870, %dma_wait3A_871] : memref<16x1000000xf32, #tpu.memory_space<hbm>> -> memref<16x128xf32, #tpu.memory_space<hbm>>
      %dma_wait3A_873 = arith.constant 0 : i32
      %dma_wait3A_874 = arith.constant 0 : i32
      %dma_wait3A_875 = tpu.memref_slice %arg9[%dma_wait3A_865, %dma_wait3A_873, %dma_wait3A_874] : memref<16x16x128xf32, #tpu.memory_space<vmem>> -> memref<1x16x128xf32, #tpu.memory_space<vmem>>
      %dma_wait3A_876 = tpu.memref_squeeze %dma_wait3A_875 : memref<1x16x128xf32, #tpu.memory_space<vmem>> -> memref<16x128xf32, #tpu.memory_space<vmem>>
      %dma_wait3A_877 = arith.constant 0 : i32
      %dma_wait3A_878 = arith.constant 0 : i32
      %dma_wait3A_879 = tpu.memref_slice %arg4[%dma_wait3A_877, %dma_wait3A_878] : memref<16x1000000xf32, #tpu.memory_space<hbm>> -> memref<16x128xf32, #tpu.memory_space<hbm>>
      tpu.wait_dma2 semaphore(%arg14 : memref<!tpu.dma_semaphore, #tpu.memory_space<semaphore_mem>>) src(%dma_wait3A_879 : memref<16x128xf32, #tpu.memory_space<hbm>>) dst(%dma_wait3A_876 : memref<16x128xf32, #tpu.memory_space<vmem>>)
      %dma_wait3A_880 = arith.constant 8 : i32
      %dma_wait3A_881 = arith.constant 0 : i32
      %dma_wait3A_882 = arith.constant 0 : i32
      %dma_wait3A_883 = tpu.memref_slice %arg9[%dma_wait3A_880, %dma_wait3A_881, %dma_wait3A_882] : memref<16x16x128xf32, #tpu.memory_space<vmem>> -> memref<1x16x128xf32, #tpu.memory_space<vmem>>
      %dma_wait3A_884 = tpu.memref_squeeze %dma_wait3A_883 : memref<1x16x128xf32, #tpu.memory_space<vmem>> -> memref<16x128xf32, #tpu.memory_space<vmem>>
      %dma_wait3A_885 = arith.constant 0 : i32
      %dma_wait3A_886 = arith.constant 0 : i32
      %dma_wait3A_887 = tpu.memref_slice %arg4[%dma_wait3A_885, %dma_wait3A_886] : memref<16x1000000xf32, #tpu.memory_space<hbm>> -> memref<16x128xf32, #tpu.memory_space<hbm>>
      %dma_wait3A_888 = arith.constant 0 : i32
      %dma_wait3A_889 = arith.constant 0 : i32
      %dma_wait3A_890 = tpu.memref_slice %arg9[%dma_wait3A_880, %dma_wait3A_888, %dma_wait3A_889] : memref<16x16x128xf32, #tpu.memory_space<vmem>> -> memref<1x16x128xf32, #tpu.memory_space<vmem>>
      %dma_wait3A_891 = tpu.memref_squeeze %dma_wait3A_890 : memref<1x16x128xf32, #tpu.memory_space<vmem>> -> memref<16x128xf32, #tpu.memory_space<vmem>>
      %dma_wait3A_892 = arith.constant 0 : i32
      %dma_wait3A_893 = arith.constant 0 : i32
      %dma_wait3A_894 = tpu.memref_slice %arg4[%dma_wait3A_892, %dma_wait3A_893] : memref<16x1000000xf32, #tpu.memory_space<hbm>> -> memref<16x128xf32, #tpu.memory_space<hbm>>
      tpu.wait_dma2 semaphore(%arg14 : memref<!tpu.dma_semaphore, #tpu.memory_space<semaphore_mem>>) src(%dma_wait3A_894 : memref<16x128xf32, #tpu.memory_space<hbm>>) dst(%dma_wait3A_891 : memref<16x128xf32, #tpu.memory_space<vmem>>)
      %dma_wait3A_895 = arith.constant 9 : i32
      %dma_wait3A_896 = arith.constant 0 : i32
      %dma_wait3A_897 = arith.constant 0 : i32
      %dma_wait3A_898 = tpu.memref_slice %arg9[%dma_wait3A_895, %dma_wait3A_896, %dma_wait3A_897] : memref<16x16x128xf32, #tpu.memory_space<vmem>> -> memref<1x16x128xf32, #tpu.memory_space<vmem>>
      %dma_wait3A_899 = tpu.memref_squeeze %dma_wait3A_898 : memref<1x16x128xf32, #tpu.memory_space<vmem>> -> memref<16x128xf32, #tpu.memory_space<vmem>>
      %dma_wait3A_900 = arith.constant 0 : i32
      %dma_wait3A_901 = arith.constant 0 : i32
      %dma_wait3A_902 = tpu.memref_slice %arg4[%dma_wait3A_900, %dma_wait3A_901] : memref<16x1000000xf32, #tpu.memory_space<hbm>> -> memref<16x128xf32, #tpu.memory_space<hbm>>
      %dma_wait3A_903 = arith.constant 0 : i32
      %dma_wait3A_904 = arith.constant 0 : i32
      %dma_wait3A_905 = tpu.memref_slice %arg9[%dma_wait3A_895, %dma_wait3A_903, %dma_wait3A_904] : memref<16x16x128xf32, #tpu.memory_space<vmem>> -> memref<1x16x128xf32, #tpu.memory_space<vmem>>
      %dma_wait3A_906 = tpu.memref_squeeze %dma_wait3A_905 : memref<1x16x128xf32, #tpu.memory_space<vmem>> -> memref<16x128xf32, #tpu.memory_space<vmem>>
      %dma_wait3A_907 = arith.constant 0 : i32
      %dma_wait3A_908 = arith.constant 0 : i32
      %dma_wait3A_909 = tpu.memref_slice %arg4[%dma_wait3A_907, %dma_wait3A_908] : memref<16x1000000xf32, #tpu.memory_space<hbm>> -> memref<16x128xf32, #tpu.memory_space<hbm>>
      tpu.wait_dma2 semaphore(%arg14 : memref<!tpu.dma_semaphore, #tpu.memory_space<semaphore_mem>>) src(%dma_wait3A_909 : memref<16x128xf32, #tpu.memory_space<hbm>>) dst(%dma_wait3A_906 : memref<16x128xf32, #tpu.memory_space<vmem>>)
      %dma_wait3A_910 = arith.constant 10 : i32
      %dma_wait3A_911 = arith.constant 0 : i32
      %dma_wait3A_912 = arith.constant 0 : i32
      %dma_wait3A_913 = tpu.memref_slice %arg9[%dma_wait3A_910, %dma_wait3A_911, %dma_wait3A_912] : memref<16x16x128xf32, #tpu.memory_space<vmem>> -> memref<1x16x128xf32, #tpu.memory_space<vmem>>
      %dma_wait3A_914 = tpu.memref_squeeze %dma_wait3A_913 : memref<1x16x128xf32, #tpu.memory_space<vmem>> -> memref<16x128xf32, #tpu.memory_space<vmem>>
      %dma_wait3A_915 = arith.constant 0 : i32
      %dma_wait3A_916 = arith.constant 0 : i32
      %dma_wait3A_917 = tpu.memref_slice %arg4[%dma_wait3A_915, %dma_wait3A_916] : memref<16x1000000xf32, #tpu.memory_space<hbm>> -> memref<16x128xf32, #tpu.memory_space<hbm>>
      %dma_wait3A_918 = arith.constant 0 : i32
      %dma_wait3A_919 = arith.constant 0 : i32
      %dma_wait3A_920 = tpu.memref_slice %arg9[%dma_wait3A_910, %dma_wait3A_918, %dma_wait3A_919] : memref<16x16x128xf32, #tpu.memory_space<vmem>> -> memref<1x16x128xf32, #tpu.memory_space<vmem>>
      %dma_wait3A_921 = tpu.memref_squeeze %dma_wait3A_920 : memref<1x16x128xf32, #tpu.memory_space<vmem>> -> memref<16x128xf32, #tpu.memory_space<vmem>>
      %dma_wait3A_922 = arith.constant 0 : i32
      %dma_wait3A_923 = arith.constant 0 : i32
      %dma_wait3A_924 = tpu.memref_slice %arg4[%dma_wait3A_922, %dma_wait3A_923] : memref<16x1000000xf32, #tpu.memory_space<hbm>> -> memref<16x128xf32, #tpu.memory_space<hbm>>
      tpu.wait_dma2 semaphore(%arg14 : memref<!tpu.dma_semaphore, #tpu.memory_space<semaphore_mem>>) src(%dma_wait3A_924 : memref<16x128xf32, #tpu.memory_space<hbm>>) dst(%dma_wait3A_921 : memref<16x128xf32, #tpu.memory_space<vmem>>)
      %dma_wait3A_925 = arith.constant 11 : i32
      %dma_wait3A_926 = arith.constant 0 : i32
      %dma_wait3A_927 = arith.constant 0 : i32
      %dma_wait3A_928 = tpu.memref_slice %arg9[%dma_wait3A_925, %dma_wait3A_926, %dma_wait3A_927] : memref<16x16x128xf32, #tpu.memory_space<vmem>> -> memref<1x16x128xf32, #tpu.memory_space<vmem>>
      %dma_wait3A_929 = tpu.memref_squeeze %dma_wait3A_928 : memref<1x16x128xf32, #tpu.memory_space<vmem>> -> memref<16x128xf32, #tpu.memory_space<vmem>>
      %dma_wait3A_930 = arith.constant 0 : i32
      %dma_wait3A_931 = arith.constant 0 : i32
      %dma_wait3A_932 = tpu.memref_slice %arg4[%dma_wait3A_930, %dma_wait3A_931] : memref<16x1000000xf32, #tpu.memory_space<hbm>> -> memref<16x128xf32, #tpu.memory_space<hbm>>
      %dma_wait3A_933 = arith.constant 0 : i32
      %dma_wait3A_934 = arith.constant 0 : i32
      %dma_wait3A_935 = tpu.memref_slice %arg9[%dma_wait3A_925, %dma_wait3A_933, %dma_wait3A_934] : memref<16x16x128xf32, #tpu.memory_space<vmem>> -> memref<1x16x128xf32, #tpu.memory_space<vmem>>
      %dma_wait3A_936 = tpu.memref_squeeze %dma_wait3A_935 : memref<1x16x128xf32, #tpu.memory_space<vmem>> -> memref<16x128xf32, #tpu.memory_space<vmem>>
      %dma_wait3A_937 = arith.constant 0 : i32
      %dma_wait3A_938 = arith.constant 0 : i32
      %dma_wait3A_939 = tpu.memref_slice %arg4[%dma_wait3A_937, %dma_wait3A_938] : memref<16x1000000xf32, #tpu.memory_space<hbm>> -> memref<16x128xf32, #tpu.memory_space<hbm>>
      tpu.wait_dma2 semaphore(%arg14 : memref<!tpu.dma_semaphore, #tpu.memory_space<semaphore_mem>>) src(%dma_wait3A_939 : memref<16x128xf32, #tpu.memory_space<hbm>>) dst(%dma_wait3A_936 : memref<16x128xf32, #tpu.memory_space<vmem>>)
      %dma_wait3A_940 = arith.constant 12 : i32
      %dma_wait3A_941 = arith.constant 0 : i32
      %dma_wait3A_942 = arith.constant 0 : i32
      %dma_wait3A_943 = tpu.memref_slice %arg9[%dma_wait3A_940, %dma_wait3A_941, %dma_wait3A_942] : memref<16x16x128xf32, #tpu.memory_space<vmem>> -> memref<1x16x128xf32, #tpu.memory_space<vmem>>
      %dma_wait3A_944 = tpu.memref_squeeze %dma_wait3A_943 : memref<1x16x128xf32, #tpu.memory_space<vmem>> -> memref<16x128xf32, #tpu.memory_space<vmem>>
      %dma_wait3A_945 = arith.constant 0 : i32
      %dma_wait3A_946 = arith.constant 0 : i32
      %dma_wait3A_947 = tpu.memref_slice %arg4[%dma_wait3A_945, %dma_wait3A_946] : memref<16x1000000xf32, #tpu.memory_space<hbm>> -> memref<16x128xf32, #tpu.memory_space<hbm>>
      %dma_wait3A_948 = arith.constant 0 : i32
      %dma_wait3A_949 = arith.constant 0 : i32
      %dma_wait3A_950 = tpu.memref_slice %arg9[%dma_wait3A_940, %dma_wait3A_948, %dma_wait3A_949] : memref<16x16x128xf32, #tpu.memory_space<vmem>> -> memref<1x16x128xf32, #tpu.memory_space<vmem>>
      %dma_wait3A_951 = tpu.memref_squeeze %dma_wait3A_950 : memref<1x16x128xf32, #tpu.memory_space<vmem>> -> memref<16x128xf32, #tpu.memory_space<vmem>>
      %dma_wait3A_952 = arith.constant 0 : i32
      %dma_wait3A_953 = arith.constant 0 : i32
      %dma_wait3A_954 = tpu.memref_slice %arg4[%dma_wait3A_952, %dma_wait3A_953] : memref<16x1000000xf32, #tpu.memory_space<hbm>> -> memref<16x128xf32, #tpu.memory_space<hbm>>
      tpu.wait_dma2 semaphore(%arg14 : memref<!tpu.dma_semaphore, #tpu.memory_space<semaphore_mem>>) src(%dma_wait3A_954 : memref<16x128xf32, #tpu.memory_space<hbm>>) dst(%dma_wait3A_951 : memref<16x128xf32, #tpu.memory_space<vmem>>)
      %dma_wait3A_955 = arith.constant 13 : i32
      %dma_wait3A_956 = arith.constant 0 : i32
      %dma_wait3A_957 = arith.constant 0 : i32
      %dma_wait3A_958 = tpu.memref_slice %arg9[%dma_wait3A_955, %dma_wait3A_956, %dma_wait3A_957] : memref<16x16x128xf32, #tpu.memory_space<vmem>> -> memref<1x16x128xf32, #tpu.memory_space<vmem>>
      %dma_wait3A_959 = tpu.memref_squeeze %dma_wait3A_958 : memref<1x16x128xf32, #tpu.memory_space<vmem>> -> memref<16x128xf32, #tpu.memory_space<vmem>>
      %dma_wait3A_960 = arith.constant 0 : i32
      %dma_wait3A_961 = arith.constant 0 : i32
      %dma_wait3A_962 = tpu.memref_slice %arg4[%dma_wait3A_960, %dma_wait3A_961] : memref<16x1000000xf32, #tpu.memory_space<hbm>> -> memref<16x128xf32, #tpu.memory_space<hbm>>
      %dma_wait3A_963 = arith.constant 0 : i32
      %dma_wait3A_964 = arith.constant 0 : i32
      %dma_wait3A_965 = tpu.memref_slice %arg9[%dma_wait3A_955, %dma_wait3A_963, %dma_wait3A_964] : memref<16x16x128xf32, #tpu.memory_space<vmem>> -> memref<1x16x128xf32, #tpu.memory_space<vmem>>
      %dma_wait3A_966 = tpu.memref_squeeze %dma_wait3A_965 : memref<1x16x128xf32, #tpu.memory_space<vmem>> -> memref<16x128xf32, #tpu.memory_space<vmem>>
      %dma_wait3A_967 = arith.constant 0 : i32
      %dma_wait3A_968 = arith.constant 0 : i32
      %dma_wait3A_969 = tpu.memref_slice %arg4[%dma_wait3A_967, %dma_wait3A_968] : memref<16x1000000xf32, #tpu.memory_space<hbm>> -> memref<16x128xf32, #tpu.memory_space<hbm>>
      tpu.wait_dma2 semaphore(%arg14 : memref<!tpu.dma_semaphore, #tpu.memory_space<semaphore_mem>>) src(%dma_wait3A_969 : memref<16x128xf32, #tpu.memory_space<hbm>>) dst(%dma_wait3A_966 : memref<16x128xf32, #tpu.memory_space<vmem>>)
      %dma_wait3A_970 = arith.constant 14 : i32
      %dma_wait3A_971 = arith.constant 0 : i32
      %dma_wait3A_972 = arith.constant 0 : i32
      %dma_wait3A_973 = tpu.memref_slice %arg9[%dma_wait3A_970, %dma_wait3A_971, %dma_wait3A_972] : memref<16x16x128xf32, #tpu.memory_space<vmem>> -> memref<1x16x128xf32, #tpu.memory_space<vmem>>
      %dma_wait3A_974 = tpu.memref_squeeze %dma_wait3A_973 : memref<1x16x128xf32, #tpu.memory_space<vmem>> -> memref<16x128xf32, #tpu.memory_space<vmem>>
      %dma_wait3A_975 = arith.constant 0 : i32
      %dma_wait3A_976 = arith.constant 0 : i32
      %dma_wait3A_977 = tpu.memref_slice %arg4[%dma_wait3A_975, %dma_wait3A_976] : memref<16x1000000xf32, #tpu.memory_space<hbm>> -> memref<16x128xf32, #tpu.memory_space<hbm>>
      %dma_wait3A_978 = arith.constant 0 : i32
      %dma_wait3A_979 = arith.constant 0 : i32
      %dma_wait3A_980 = tpu.memref_slice %arg9[%dma_wait3A_970, %dma_wait3A_978, %dma_wait3A_979] : memref<16x16x128xf32, #tpu.memory_space<vmem>> -> memref<1x16x128xf32, #tpu.memory_space<vmem>>
      %dma_wait3A_981 = tpu.memref_squeeze %dma_wait3A_980 : memref<1x16x128xf32, #tpu.memory_space<vmem>> -> memref<16x128xf32, #tpu.memory_space<vmem>>
      %dma_wait3A_982 = arith.constant 0 : i32
      %dma_wait3A_983 = arith.constant 0 : i32
      %dma_wait3A_984 = tpu.memref_slice %arg4[%dma_wait3A_982, %dma_wait3A_983] : memref<16x1000000xf32, #tpu.memory_space<hbm>> -> memref<16x128xf32, #tpu.memory_space<hbm>>
      tpu.wait_dma2 semaphore(%arg14 : memref<!tpu.dma_semaphore, #tpu.memory_space<semaphore_mem>>) src(%dma_wait3A_984 : memref<16x128xf32, #tpu.memory_space<hbm>>) dst(%dma_wait3A_981 : memref<16x128xf32, #tpu.memory_space<vmem>>)
      %dma_wait3A_985 = arith.constant 15 : i32
      %dma_wait3A_986 = arith.constant 0 : i32
      %dma_wait3A_987 = arith.constant 0 : i32
      %dma_wait3A_988 = tpu.memref_slice %arg9[%dma_wait3A_985, %dma_wait3A_986, %dma_wait3A_987] : memref<16x16x128xf32, #tpu.memory_space<vmem>> -> memref<1x16x128xf32, #tpu.memory_space<vmem>>
      %dma_wait3A_989 = tpu.memref_squeeze %dma_wait3A_988 : memref<1x16x128xf32, #tpu.memory_space<vmem>> -> memref<16x128xf32, #tpu.memory_space<vmem>>
      %dma_wait3A_990 = arith.constant 0 : i32
      %dma_wait3A_991 = arith.constant 0 : i32
      %dma_wait3A_992 = tpu.memref_slice %arg4[%dma_wait3A_990, %dma_wait3A_991] : memref<16x1000000xf32, #tpu.memory_space<hbm>> -> memref<16x128xf32, #tpu.memory_space<hbm>>
      %dma_wait3A_993 = arith.constant 0 : i32
      %dma_wait3A_994 = arith.constant 0 : i32
      %dma_wait3A_995 = tpu.memref_slice %arg9[%dma_wait3A_985, %dma_wait3A_993, %dma_wait3A_994] : memref<16x16x128xf32, #tpu.memory_space<vmem>> -> memref<1x16x128xf32, #tpu.memory_space<vmem>>
      %dma_wait3A_996 = tpu.memref_squeeze %dma_wait3A_995 : memref<1x16x128xf32, #tpu.memory_space<vmem>> -> memref<16x128xf32, #tpu.memory_space<vmem>>
      %dma_wait3A_997 = arith.constant 0 : i32
      %dma_wait3A_998 = arith.constant 0 : i32
      %dma_wait3A_999 = tpu.memref_slice %arg4[%dma_wait3A_997, %dma_wait3A_998] : memref<16x1000000xf32, #tpu.memory_space<hbm>> -> memref<16x128xf32, #tpu.memory_space<hbm>>
      tpu.wait_dma2 semaphore(%arg14 : memref<!tpu.dma_semaphore, #tpu.memory_space<semaphore_mem>>) src(%dma_wait3A_999 : memref<16x128xf32, #tpu.memory_space<hbm>>) dst(%dma_wait3A_996 : memref<16x128xf32, #tpu.memory_space<vmem>>)
      %mul3A_1000 = arith.constant 16 : i32
      %mul3A_1001 = arith.muli %scan3A_410, %mul3A_1000 : i32
      %add3A_1002 = arith.constant 0 : i32
      %add3A_1003 = arith.addi %mul3A_1001, %add3A_1002 : i32
      %broadcast_in_dim3A = arith.constant 0 : i32
      %broadcast_in_dim3A_1004 = vector.broadcast %broadcast_in_dim3A : i32 to vector<16xi32>
      %slice3A_1005 = vector.extract_strided_slice %get3A_759 {offsets = [0], sizes = [1], strides = [1]} : vector<16xi32> to vector<1xi32>
      %squeeze3A_1006 = vector.extract %slice3A_1005[0] : i32 from vector<1xi32>
      %and3A = arith.constant 127 : i32
      %and3A_1007 = arith.andi %squeeze3A_1006, %and3A : i32
      %broadcast_in_dim3A_1008 = vector.broadcast %and3A_1007 : i32 to vector<16xi32>
      %gather3A = tpu.vector_load_idx %arg9[%broadcast_in_dim3A_1004, %iota3A, %broadcast_in_dim3A_1008] : memref<16x16x128xf32, #tpu.memory_space<vmem>>[vector<16xi32>, vector<16xi32>, vector<16xi32>], vector<16xf32>,
      %broadcast_in_dim3A_1009 = vector.broadcast %add3A_1003 : i32 to vector<16xi32>
      tpu.vector_store_idx %arg11[%iota3A, %broadcast_in_dim3A_1009], %gather3A : memref<16x512xf32, #tpu.memory_space<vmem>>[vector<16xi32>, vector<16xi32>], vector<16xf32>,
      %mul3A_1010 = arith.constant 16 : i32
      %mul3A_1011 = arith.muli %scan3A_410, %mul3A_1010 : i32
      %add3A_1012 = arith.constant 1 : i32
      %add3A_1013 = arith.addi %mul3A_1011, %add3A_1012 : i32
      %broadcast_in_dim3A_1014 = arith.constant 1 : i32
      %broadcast_in_dim3A_1015 = vector.broadcast %broadcast_in_dim3A_1014 : i32 to vector<16xi32>
      %slice3A_1016 = vector.extract_strided_slice %get3A_759 {offsets = [1], sizes = [1], strides = [1]} : vector<16xi32> to vector<1xi32>
      %squeeze3A_1017 = vector.extract %slice3A_1016[0] : i32 from vector<1xi32>
      %and3A_1018 = arith.constant 127 : i32
      %and3A_1019 = arith.andi %squeeze3A_1017, %and3A_1018 : i32
      %broadcast_in_dim3A_1020 = vector.broadcast %and3A_1019 : i32 to vector<16xi32>
      %gather3A_1021 = tpu.vector_load_idx %arg9[%broadcast_in_dim3A_1015, %iota3A, %broadcast_in_dim3A_1020] : memref<16x16x128xf32, #tpu.memory_space<vmem>>[vector<16xi32>, vector<16xi32>, vector<16xi32>], vector<16xf32>,
      %broadcast_in_dim3A_1022 = vector.broadcast %add3A_1013 : i32 to vector<16xi32>
      tpu.vector_store_idx %arg11[%iota3A, %broadcast_in_dim3A_1022], %gather3A_1021 : memref<16x512xf32, #tpu.memory_space<vmem>>[vector<16xi32>, vector<16xi32>], vector<16xf32>,
      %mul3A_1023 = arith.constant 16 : i32
      %mul3A_1024 = arith.muli %scan3A_410, %mul3A_1023 : i32
      %add3A_1025 = arith.constant 2 : i32
      %add3A_1026 = arith.addi %mul3A_1024, %add3A_1025 : i32
      %broadcast_in_dim3A_1027 = arith.constant 2 : i32
      %broadcast_in_dim3A_1028 = vector.broadcast %broadcast_in_dim3A_1027 : i32 to vector<16xi32>
      %slice3A_1029 = vector.extract_strided_slice %get3A_759 {offsets = [2], sizes = [1], strides = [1]} : vector<16xi32> to vector<1xi32>
      %squeeze3A_1030 = vector.extract %slice3A_1029[0] : i32 from vector<1xi32>
      %and3A_1031 = arith.constant 127 : i32
      %and3A_1032 = arith.andi %squeeze3A_1030, %and3A_1031 : i32
      %broadcast_in_dim3A_1033 = vector.broadcast %and3A_1032 : i32 to vector<16xi32>
      %gather3A_1034 = tpu.vector_load_idx %arg9[%broadcast_in_dim3A_1028, %iota3A, %broadcast_in_dim3A_1033] : memref<16x16x128xf32, #tpu.memory_space<vmem>>[vector<16xi32>, vector<16xi32>, vector<16xi32>], vector<16xf32>,
      %broadcast_in_dim3A_1035 = vector.broadcast %add3A_1026 : i32 to vector<16xi32>
      tpu.vector_store_idx %arg11[%iota3A, %broadcast_in_dim3A_1035], %gather3A_1034 : memref<16x512xf32, #tpu.memory_space<vmem>>[vector<16xi32>, vector<16xi32>], vector<16xf32>,
      %mul3A_1036 = arith.constant 16 : i32
      %mul3A_1037 = arith.muli %scan3A_410, %mul3A_1036 : i32
      %add3A_1038 = arith.constant 3 : i32
      %add3A_1039 = arith.addi %mul3A_1037, %add3A_1038 : i32
      %broadcast_in_dim3A_1040 = arith.constant 3 : i32
      %broadcast_in_dim3A_1041 = vector.broadcast %broadcast_in_dim3A_1040 : i32 to vector<16xi32>
      %slice3A_1042 = vector.extract_strided_slice %get3A_759 {offsets = [3], sizes = [1], strides = [1]} : vector<16xi32> to vector<1xi32>
      %squeeze3A_1043 = vector.extract %slice3A_1042[0] : i32 from vector<1xi32>
      %and3A_1044 = arith.constant 127 : i32
      %and3A_1045 = arith.andi %squeeze3A_1043, %and3A_1044 : i32
      %broadcast_in_dim3A_1046 = vector.broadcast %and3A_1045 : i32 to vector<16xi32>
      %gather3A_1047 = tpu.vector_load_idx %arg9[%broadcast_in_dim3A_1041, %iota3A, %broadcast_in_dim3A_1046] : memref<16x16x128xf32, #tpu.memory_space<vmem>>[vector<16xi32>, vector<16xi32>, vector<16xi32>], vector<16xf32>,
      %broadcast_in_dim3A_1048 = vector.broadcast %add3A_1039 : i32 to vector<16xi32>
      tpu.vector_store_idx %arg11[%iota3A, %broadcast_in_dim3A_1048], %gather3A_1047 : memref<16x512xf32, #tpu.memory_space<vmem>>[vector<16xi32>, vector<16xi32>], vector<16xf32>,
      %mul3A_1049 = arith.constant 16 : i32
      %mul3A_1050 = arith.muli %scan3A_410, %mul3A_1049 : i32
      %add3A_1051 = arith.constant 4 : i32
      %add3A_1052 = arith.addi %mul3A_1050, %add3A_1051 : i32
      %broadcast_in_dim3A_1053 = arith.constant 4 : i32
      %broadcast_in_dim3A_1054 = vector.broadcast %broadcast_in_dim3A_1053 : i32 to vector<16xi32>
      %slice3A_1055 = vector.extract_strided_slice %get3A_759 {offsets = [4], sizes = [1], strides = [1]} : vector<16xi32> to vector<1xi32>
      %squeeze3A_1056 = vector.extract %slice3A_1055[0] : i32 from vector<1xi32>
      %and3A_1057 = arith.constant 127 : i32
      %and3A_1058 = arith.andi %squeeze3A_1056, %and3A_1057 : i32
      %broadcast_in_dim3A_1059 = vector.broadcast %and3A_1058 : i32 to vector<16xi32>
      %gather3A_1060 = tpu.vector_load_idx %arg9[%broadcast_in_dim3A_1054, %iota3A, %broadcast_in_dim3A_1059] : memref<16x16x128xf32, #tpu.memory_space<vmem>>[vector<16xi32>, vector<16xi32>, vector<16xi32>], vector<16xf32>,
      %broadcast_in_dim3A_1061 = vector.broadcast %add3A_1052 : i32 to vector<16xi32>
      tpu.vector_store_idx %arg11[%iota3A, %broadcast_in_dim3A_1061], %gather3A_1060 : memref<16x512xf32, #tpu.memory_space<vmem>>[vector<16xi32>, vector<16xi32>], vector<16xf32>,
      %mul3A_1062 = arith.constant 16 : i32
      %mul3A_1063 = arith.muli %scan3A_410, %mul3A_1062 : i32
      %add3A_1064 = arith.constant 5 : i32
      %add3A_1065 = arith.addi %mul3A_1063, %add3A_1064 : i32
      %broadcast_in_dim3A_1066 = arith.constant 5 : i32
      %broadcast_in_dim3A_1067 = vector.broadcast %broadcast_in_dim3A_1066 : i32 to vector<16xi32>
      %slice3A_1068 = vector.extract_strided_slice %get3A_759 {offsets = [5], sizes = [1], strides = [1]} : vector<16xi32> to vector<1xi32>
      %squeeze3A_1069 = vector.extract %slice3A_1068[0] : i32 from vector<1xi32>
      %and3A_1070 = arith.constant 127 : i32
      %and3A_1071 = arith.andi %squeeze3A_1069, %and3A_1070 : i32
      %broadcast_in_dim3A_1072 = vector.broadcast %and3A_1071 : i32 to vector<16xi32>
      %gather3A_1073 = tpu.vector_load_idx %arg9[%broadcast_in_dim3A_1067, %iota3A, %broadcast_in_dim3A_1072] : memref<16x16x128xf32, #tpu.memory_space<vmem>>[vector<16xi32>, vector<16xi32>, vector<16xi32>], vector<16xf32>,
      %broadcast_in_dim3A_1074 = vector.broadcast %add3A_1065 : i32 to vector<16xi32>
      tpu.vector_store_idx %arg11[%iota3A, %broadcast_in_dim3A_1074], %gather3A_1073 : memref<16x512xf32, #tpu.memory_space<vmem>>[vector<16xi32>, vector<16xi32>], vector<16xf32>,
      %mul3A_1075 = arith.constant 16 : i32
      %mul3A_1076 = arith.muli %scan3A_410, %mul3A_1075 : i32
      %add3A_1077 = arith.constant 6 : i32
      %add3A_1078 = arith.addi %mul3A_1076, %add3A_1077 : i32
      %broadcast_in_dim3A_1079 = arith.constant 6 : i32
      %broadcast_in_dim3A_1080 = vector.broadcast %broadcast_in_dim3A_1079 : i32 to vector<16xi32>
      %slice3A_1081 = vector.extract_strided_slice %get3A_759 {offsets = [6], sizes = [1], strides = [1]} : vector<16xi32> to vector<1xi32>
      %squeeze3A_1082 = vector.extract %slice3A_1081[0] : i32 from vector<1xi32>
      %and3A_1083 = arith.constant 127 : i32
      %and3A_1084 = arith.andi %squeeze3A_1082, %and3A_1083 : i32
      %broadcast_in_dim3A_1085 = vector.broadcast %and3A_1084 : i32 to vector<16xi32>
      %gather3A_1086 = tpu.vector_load_idx %arg9[%broadcast_in_dim3A_1080, %iota3A, %broadcast_in_dim3A_1085] : memref<16x16x128xf32, #tpu.memory_space<vmem>>[vector<16xi32>, vector<16xi32>, vector<16xi32>], vector<16xf32>,
      %broadcast_in_dim3A_1087 = vector.broadcast %add3A_1078 : i32 to vector<16xi32>
      tpu.vector_store_idx %arg11[%iota3A, %broadcast_in_dim3A_1087], %gather3A_1086 : memref<16x512xf32, #tpu.memory_space<vmem>>[vector<16xi32>, vector<16xi32>], vector<16xf32>,
      %mul3A_1088 = arith.constant 16 : i32
      %mul3A_1089 = arith.muli %scan3A_410, %mul3A_1088 : i32
      %add3A_1090 = arith.constant 7 : i32
      %add3A_1091 = arith.addi %mul3A_1089, %add3A_1090 : i32
      %broadcast_in_dim3A_1092 = arith.constant 7 : i32
      %broadcast_in_dim3A_1093 = vector.broadcast %broadcast_in_dim3A_1092 : i32 to vector<16xi32>
      %slice3A_1094 = vector.extract_strided_slice %get3A_759 {offsets = [7], sizes = [1], strides = [1]} : vector<16xi32> to vector<1xi32>
      %squeeze3A_1095 = vector.extract %slice3A_1094[0] : i32 from vector<1xi32>
      %and3A_1096 = arith.constant 127 : i32
      %and3A_1097 = arith.andi %squeeze3A_1095, %and3A_1096 : i32
      %broadcast_in_dim3A_1098 = vector.broadcast %and3A_1097 : i32 to vector<16xi32>
      %gather3A_1099 = tpu.vector_load_idx %arg9[%broadcast_in_dim3A_1093, %iota3A, %broadcast_in_dim3A_1098] : memref<16x16x128xf32, #tpu.memory_space<vmem>>[vector<16xi32>, vector<16xi32>, vector<16xi32>], vector<16xf32>,
      %broadcast_in_dim3A_1100 = vector.broadcast %add3A_1091 : i32 to vector<16xi32>
      tpu.vector_store_idx %arg11[%iota3A, %broadcast_in_dim3A_1100], %gather3A_1099 : memref<16x512xf32, #tpu.memory_space<vmem>>[vector<16xi32>, vector<16xi32>], vector<16xf32>,
      %mul3A_1101 = arith.constant 16 : i32
      %mul3A_1102 = arith.muli %scan3A_410, %mul3A_1101 : i32
      %add3A_1103 = arith.constant 8 : i32
      %add3A_1104 = arith.addi %mul3A_1102, %add3A_1103 : i32
      %broadcast_in_dim3A_1105 = arith.constant 8 : i32
      %broadcast_in_dim3A_1106 = vector.broadcast %broadcast_in_dim3A_1105 : i32 to vector<16xi32>
      %slice3A_1107 = vector.extract_strided_slice %get3A_759 {offsets = [8], sizes = [1], strides = [1]} : vector<16xi32> to vector<1xi32>
      %squeeze3A_1108 = vector.extract %slice3A_1107[0] : i32 from vector<1xi32>
      %and3A_1109 = arith.constant 127 : i32
      %and3A_1110 = arith.andi %squeeze3A_1108, %and3A_1109 : i32
      %broadcast_in_dim3A_1111 = vector.broadcast %and3A_1110 : i32 to vector<16xi32>
      %gather3A_1112 = tpu.vector_load_idx %arg9[%broadcast_in_dim3A_1106, %iota3A, %broadcast_in_dim3A_1111] : memref<16x16x128xf32, #tpu.memory_space<vmem>>[vector<16xi32>, vector<16xi32>, vector<16xi32>], vector<16xf32>,
      %broadcast_in_dim3A_1113 = vector.broadcast %add3A_1104 : i32 to vector<16xi32>
      tpu.vector_store_idx %arg11[%iota3A, %broadcast_in_dim3A_1113], %gather3A_1112 : memref<16x512xf32, #tpu.memory_space<vmem>>[vector<16xi32>, vector<16xi32>], vector<16xf32>,
      %mul3A_1114 = arith.constant 16 : i32
      %mul3A_1115 = arith.muli %scan3A_410, %mul3A_1114 : i32
      %add3A_1116 = arith.constant 9 : i32
      %add3A_1117 = arith.addi %mul3A_1115, %add3A_1116 : i32
      %broadcast_in_dim3A_1118 = arith.constant 9 : i32
      %broadcast_in_dim3A_1119 = vector.broadcast %broadcast_in_dim3A_1118 : i32 to vector<16xi32>
      %slice3A_1120 = vector.extract_strided_slice %get3A_759 {offsets = [9], sizes = [1], strides = [1]} : vector<16xi32> to vector<1xi32>
      %squeeze3A_1121 = vector.extract %slice3A_1120[0] : i32 from vector<1xi32>
      %and3A_1122 = arith.constant 127 : i32
      %and3A_1123 = arith.andi %squeeze3A_1121, %and3A_1122 : i32
      %broadcast_in_dim3A_1124 = vector.broadcast %and3A_1123 : i32 to vector<16xi32>
      %gather3A_1125 = tpu.vector_load_idx %arg9[%broadcast_in_dim3A_1119, %iota3A, %broadcast_in_dim3A_1124] : memref<16x16x128xf32, #tpu.memory_space<vmem>>[vector<16xi32>, vector<16xi32>, vector<16xi32>], vector<16xf32>,
      %broadcast_in_dim3A_1126 = vector.broadcast %add3A_1117 : i32 to vector<16xi32>
      tpu.vector_store_idx %arg11[%iota3A, %broadcast_in_dim3A_1126], %gather3A_1125 : memref<16x512xf32, #tpu.memory_space<vmem>>[vector<16xi32>, vector<16xi32>], vector<16xf32>,
      %mul3A_1127 = arith.constant 16 : i32
      %mul3A_1128 = arith.muli %scan3A_410, %mul3A_1127 : i32
      %add3A_1129 = arith.constant 10 : i32
      %add3A_1130 = arith.addi %mul3A_1128, %add3A_1129 : i32
      %broadcast_in_dim3A_1131 = arith.constant 10 : i32
      %broadcast_in_dim3A_1132 = vector.broadcast %broadcast_in_dim3A_1131 : i32 to vector<16xi32>
      %slice3A_1133 = vector.extract_strided_slice %get3A_759 {offsets = [10], sizes = [1], strides = [1]} : vector<16xi32> to vector<1xi32>
      %squeeze3A_1134 = vector.extract %slice3A_1133[0] : i32 from vector<1xi32>
      %and3A_1135 = arith.constant 127 : i32
      %and3A_1136 = arith.andi %squeeze3A_1134, %and3A_1135 : i32
      %broadcast_in_dim3A_1137 = vector.broadcast %and3A_1136 : i32 to vector<16xi32>
      %gather3A_1138 = tpu.vector_load_idx %arg9[%broadcast_in_dim3A_1132, %iota3A, %broadcast_in_dim3A_1137] : memref<16x16x128xf32, #tpu.memory_space<vmem>>[vector<16xi32>, vector<16xi32>, vector<16xi32>], vector<16xf32>,
      %broadcast_in_dim3A_1139 = vector.broadcast %add3A_1130 : i32 to vector<16xi32>
      tpu.vector_store_idx %arg11[%iota3A, %broadcast_in_dim3A_1139], %gather3A_1138 : memref<16x512xf32, #tpu.memory_space<vmem>>[vector<16xi32>, vector<16xi32>], vector<16xf32>,
      %mul3A_1140 = arith.constant 16 : i32
      %mul3A_1141 = arith.muli %scan3A_410, %mul3A_1140 : i32
      %add3A_1142 = arith.constant 11 : i32
      %add3A_1143 = arith.addi %mul3A_1141, %add3A_1142 : i32
      %broadcast_in_dim3A_1144 = arith.constant 11 : i32
      %broadcast_in_dim3A_1145 = vector.broadcast %broadcast_in_dim3A_1144 : i32 to vector<16xi32>
      %slice3A_1146 = vector.extract_strided_slice %get3A_759 {offsets = [11], sizes = [1], strides = [1]} : vector<16xi32> to vector<1xi32>
      %squeeze3A_1147 = vector.extract %slice3A_1146[0] : i32 from vector<1xi32>
      %and3A_1148 = arith.constant 127 : i32
      %and3A_1149 = arith.andi %squeeze3A_1147, %and3A_1148 : i32
      %broadcast_in_dim3A_1150 = vector.broadcast %and3A_1149 : i32 to vector<16xi32>
      %gather3A_1151 = tpu.vector_load_idx %arg9[%broadcast_in_dim3A_1145, %iota3A, %broadcast_in_dim3A_1150] : memref<16x16x128xf32, #tpu.memory_space<vmem>>[vector<16xi32>, vector<16xi32>, vector<16xi32>], vector<16xf32>,
      %broadcast_in_dim3A_1152 = vector.broadcast %add3A_1143 : i32 to vector<16xi32>
      tpu.vector_store_idx %arg11[%iota3A, %broadcast_in_dim3A_1152], %gather3A_1151 : memref<16x512xf32, #tpu.memory_space<vmem>>[vector<16xi32>, vector<16xi32>], vector<16xf32>,
      %mul3A_1153 = arith.constant 16 : i32
      %mul3A_1154 = arith.muli %scan3A_410, %mul3A_1153 : i32
      %add3A_1155 = arith.constant 12 : i32
      %add3A_1156 = arith.addi %mul3A_1154, %add3A_1155 : i32
      %broadcast_in_dim3A_1157 = arith.constant 12 : i32
      %broadcast_in_dim3A_1158 = vector.broadcast %broadcast_in_dim3A_1157 : i32 to vector<16xi32>
      %slice3A_1159 = vector.extract_strided_slice %get3A_759 {offsets = [12], sizes = [1], strides = [1]} : vector<16xi32> to vector<1xi32>
      %squeeze3A_1160 = vector.extract %slice3A_1159[0] : i32 from vector<1xi32>
      %and3A_1161 = arith.constant 127 : i32
      %and3A_1162 = arith.andi %squeeze3A_1160, %and3A_1161 : i32
      %broadcast_in_dim3A_1163 = vector.broadcast %and3A_1162 : i32 to vector<16xi32>
      %gather3A_1164 = tpu.vector_load_idx %arg9[%broadcast_in_dim3A_1158, %iota3A, %broadcast_in_dim3A_1163] : memref<16x16x128xf32, #tpu.memory_space<vmem>>[vector<16xi32>, vector<16xi32>, vector<16xi32>], vector<16xf32>,
      %broadcast_in_dim3A_1165 = vector.broadcast %add3A_1156 : i32 to vector<16xi32>
      tpu.vector_store_idx %arg11[%iota3A, %broadcast_in_dim3A_1165], %gather3A_1164 : memref<16x512xf32, #tpu.memory_space<vmem>>[vector<16xi32>, vector<16xi32>], vector<16xf32>,
      %mul3A_1166 = arith.constant 16 : i32
      %mul3A_1167 = arith.muli %scan3A_410, %mul3A_1166 : i32
      %add3A_1168 = arith.constant 13 : i32
      %add3A_1169 = arith.addi %mul3A_1167, %add3A_1168 : i32
      %broadcast_in_dim3A_1170 = arith.constant 13 : i32
      %broadcast_in_dim3A_1171 = vector.broadcast %broadcast_in_dim3A_1170 : i32 to vector<16xi32>
      %slice3A_1172 = vector.extract_strided_slice %get3A_759 {offsets = [13], sizes = [1], strides = [1]} : vector<16xi32> to vector<1xi32>
      %squeeze3A_1173 = vector.extract %slice3A_1172[0] : i32 from vector<1xi32>
      %and3A_1174 = arith.constant 127 : i32
      %and3A_1175 = arith.andi %squeeze3A_1173, %and3A_1174 : i32
      %broadcast_in_dim3A_1176 = vector.broadcast %and3A_1175 : i32 to vector<16xi32>
      %gather3A_1177 = tpu.vector_load_idx %arg9[%broadcast_in_dim3A_1171, %iota3A, %broadcast_in_dim3A_1176] : memref<16x16x128xf32, #tpu.memory_space<vmem>>[vector<16xi32>, vector<16xi32>, vector<16xi32>], vector<16xf32>,
      %broadcast_in_dim3A_1178 = vector.broadcast %add3A_1169 : i32 to vector<16xi32>
      tpu.vector_store_idx %arg11[%iota3A, %broadcast_in_dim3A_1178], %gather3A_1177 : memref<16x512xf32, #tpu.memory_space<vmem>>[vector<16xi32>, vector<16xi32>], vector<16xf32>,
      %mul3A_1179 = arith.constant 16 : i32
      %mul3A_1180 = arith.muli %scan3A_410, %mul3A_1179 : i32
      %add3A_1181 = arith.constant 14 : i32
      %add3A_1182 = arith.addi %mul3A_1180, %add3A_1181 : i32
      %broadcast_in_dim3A_1183 = arith.constant 14 : i32
      %broadcast_in_dim3A_1184 = vector.broadcast %broadcast_in_dim3A_1183 : i32 to vector<16xi32>
      %slice3A_1185 = vector.extract_strided_slice %get3A_759 {offsets = [14], sizes = [1], strides = [1]} : vector<16xi32> to vector<1xi32>
      %squeeze3A_1186 = vector.extract %slice3A_1185[0] : i32 from vector<1xi32>
      %and3A_1187 = arith.constant 127 : i32
      %and3A_1188 = arith.andi %squeeze3A_1186, %and3A_1187 : i32
      %broadcast_in_dim3A_1189 = vector.broadcast %and3A_1188 : i32 to vector<16xi32>
      %gather3A_1190 = tpu.vector_load_idx %arg9[%broadcast_in_dim3A_1184, %iota3A, %broadcast_in_dim3A_1189] : memref<16x16x128xf32, #tpu.memory_space<vmem>>[vector<16xi32>, vector<16xi32>, vector<16xi32>], vector<16xf32>,
      %broadcast_in_dim3A_1191 = vector.broadcast %add3A_1182 : i32 to vector<16xi32>
      tpu.vector_store_idx %arg11[%iota3A, %broadcast_in_dim3A_1191], %gather3A_1190 : memref<16x512xf32, #tpu.memory_space<vmem>>[vector<16xi32>, vector<16xi32>], vector<16xf32>,
      %mul3A_1192 = arith.constant 16 : i32
      %mul3A_1193 = arith.muli %scan3A_410, %mul3A_1192 : i32
      %add3A_1194 = arith.constant 15 : i32
      %add3A_1195 = arith.addi %mul3A_1193, %add3A_1194 : i32
      %broadcast_in_dim3A_1196 = arith.constant 15 : i32
      %broadcast_in_dim3A_1197 = vector.broadcast %broadcast_in_dim3A_1196 : i32 to vector<16xi32>
      %slice3A_1198 = vector.extract_strided_slice %get3A_759 {offsets = [15], sizes = [1], strides = [1]} : vector<16xi32> to vector<1xi32>
      %squeeze3A_1199 = vector.extract %slice3A_1198[0] : i32 from vector<1xi32>
      %and3A_1200 = arith.constant 127 : i32
      %and3A_1201 = arith.andi %squeeze3A_1199, %and3A_1200 : i32
      %broadcast_in_dim3A_1202 = vector.broadcast %and3A_1201 : i32 to vector<16xi32>
      %gather3A_1203 = tpu.vector_load_idx %arg9[%broadcast_in_dim3A_1197, %iota3A, %broadcast_in_dim3A_1202] : memref<16x16x128xf32, #tpu.memory_space<vmem>>[vector<16xi32>, vector<16xi32>, vector<16xi32>], vector<16xf32>,
      %broadcast_in_dim3A_1204 = vector.broadcast %add3A_1195 : i32 to vector<16xi32>
      tpu.vector_store_idx %arg11[%iota3A, %broadcast_in_dim3A_1204], %gather3A_1203 : memref<16x512xf32, #tpu.memory_space<vmem>>[vector<16xi32>, vector<16xi32>], vector<16xf32>,
      %lt3A = arith.constant 31 : i32
      %lt3A_1205 = arith.cmpi slt, %scan3A_410, %lt3A : i32
      %convert_element_type3A = arith.extui %lt3A_1205 : i1 to i32
      %cond3A = arith.constant 0 : i32
      %cond3A_1206 = arith.cmpi ne, %convert_element_type3A, %cond3A : i32
      scf.if %cond3A_1206 {
        %add3A_1662 = arith.constant 1 : i32
        %add3A_1663 = arith.addi %scan3A_410, %add3A_1662 : i32
        %mul3A_1664 = arith.constant 16 : i32
        %mul3A_1665 = arith.muli %mul3A_1664, %add3A_1663 : i32
        %get3A_1666 = arith.constant 0 : i32
        %get3A_1667 = arith.index_cast %get3A_1666 : i32 to index
        %get3A_1668 = arith.index_cast %mul3A_1665 : i32 to index
        %get3A_1669 = tpu.vector_load %arg8[%get3A_1667, %get3A_1668] {strides = array<i32>} : memref<2x512xi32, #tpu.memory_space<vmem>>, vector<16xi32>,
        %slice3A_1670 = vector.extract_strided_slice %get3A_1669 {offsets = [0], sizes = [1], strides = [1]} : vector<16xi32> to vector<1xi32>
        %squeeze3A_1671 = vector.extract %slice3A_1670[0] : i32 from vector<1xi32>
        %shift_right_arithmetic3A_1672 = arith.constant 7 : i32
        %shift_right_arithmetic3A_1673 = arith.shrsi %squeeze3A_1671, %shift_right_arithmetic3A_1672 : i32
        %min3A_1674 = arith.constant 7811 : i32
        %min3A_1675 = arith.minsi %shift_right_arithmetic3A_1673, %min3A_1674 : i32
        %mul3A_1676 = arith.constant 128 : i32
        %mul3A_1677 = arith.muli %min3A_1675, %mul3A_1676 : i32
        %dma_start3A_1678 = arith.constant 0 : i32
        %dma_start3A_1679 = arith.constant 0 : i32
        %dma_start3A_1680 = arith.constant 0 : i32
        %dma_start3A_1681 = tpu.memref_slice %arg9[%dma_start3A_1678, %dma_start3A_1679, %dma_start3A_1680] : memref<16x16x128xf32, #tpu.memory_space<vmem>> -> memref<1x16x128xf32, #tpu.memory_space<vmem>>
        %dma_start3A_1682 = tpu.memref_squeeze %dma_start3A_1681 : memref<1x16x128xf32, #tpu.memory_space<vmem>> -> memref<16x128xf32, #tpu.memory_space<vmem>>
        %dma_start3A_1683 = arith.constant 0 : i32
        %dma_start3A_1684 = tpu.memref_slice %arg4[%dma_start3A_1683, %mul3A_1677] : memref<16x1000000xf32, #tpu.memory_space<hbm>> -> memref<16x128xf32, #tpu.memory_space<hbm>>
        %dma_start3A_1685 = arith.constant 0 : i32
        %dma_start3A_1686 = arith.constant 0 : i32
        %dma_start3A_1687 = tpu.memref_slice %arg9[%dma_start3A_1678, %dma_start3A_1685, %dma_start3A_1686] : memref<16x16x128xf32, #tpu.memory_space<vmem>> -> memref<1x16x128xf32, #tpu.memory_space<vmem>>
        %dma_start3A_1688 = tpu.memref_squeeze %dma_start3A_1687 : memref<1x16x128xf32, #tpu.memory_space<vmem>> -> memref<16x128xf32, #tpu.memory_space<vmem>>
        %dma_start3A_1689 = arith.constant 0 : i32
        %dma_start3A_1690 = tpu.memref_slice %arg4[%dma_start3A_1689, %mul3A_1677] : memref<16x1000000xf32, #tpu.memory_space<hbm>> -> memref<16x128xf32, #tpu.memory_space<hbm>>
        tpu.enqueue_dma source(%dma_start3A_1690 : memref<16x128xf32, #tpu.memory_space<hbm>>) target(%dma_start3A_1688 : memref<16x128xf32, #tpu.memory_space<vmem>>) target_semaphore(%arg14 : memref<!tpu.dma_semaphore, #tpu.memory_space<semaphore_mem>>)
        %slice3A_1691 = vector.extract_strided_slice %get3A_1669 {offsets = [1], sizes = [1], strides = [1]} : vector<16xi32> to vector<1xi32>
        %squeeze3A_1692 = vector.extract %slice3A_1691[0] : i32 from vector<1xi32>
        %shift_right_arithmetic3A_1693 = arith.constant 7 : i32
        %shift_right_arithmetic3A_1694 = arith.shrsi %squeeze3A_1692, %shift_right_arithmetic3A_1693 : i32
        %min3A_1695 = arith.constant 7811 : i32
        %min3A_1696 = arith.minsi %shift_right_arithmetic3A_1694, %min3A_1695 : i32
        %mul3A_1697 = arith.constant 128 : i32
        %mul3A_1698 = arith.muli %min3A_1696, %mul3A_1697 : i32
        %dma_start3A_1699 = arith.constant 1 : i32
        %dma_start3A_1700 = arith.constant 0 : i32
        %dma_start3A_1701 = arith.constant 0 : i32
        %dma_start3A_1702 = tpu.memref_slice %arg9[%dma_start3A_1699, %dma_start3A_1700, %dma_start3A_1701] : memref<16x16x128xf32, #tpu.memory_space<vmem>> -> memref<1x16x128xf32, #tpu.memory_space<vmem>>
        %dma_start3A_1703 = tpu.memref_squeeze %dma_start3A_1702 : memref<1x16x128xf32, #tpu.memory_space<vmem>> -> memref<16x128xf32, #tpu.memory_space<vmem>>
        %dma_start3A_1704 = arith.constant 0 : i32
        %dma_start3A_1705 = tpu.memref_slice %arg4[%dma_start3A_1704, %mul3A_1698] : memref<16x1000000xf32, #tpu.memory_space<hbm>> -> memref<16x128xf32, #tpu.memory_space<hbm>>
        %dma_start3A_1706 = arith.constant 0 : i32
        %dma_start3A_1707 = arith.constant 0 : i32
        %dma_start3A_1708 = tpu.memref_slice %arg9[%dma_start3A_1699, %dma_start3A_1706, %dma_start3A_1707] : memref<16x16x128xf32, #tpu.memory_space<vmem>> -> memref<1x16x128xf32, #tpu.memory_space<vmem>>
        %dma_start3A_1709 = tpu.memref_squeeze %dma_start3A_1708 : memref<1x16x128xf32, #tpu.memory_space<vmem>> -> memref<16x128xf32, #tpu.memory_space<vmem>>
        %dma_start3A_1710 = arith.constant 0 : i32
        %dma_start3A_1711 = tpu.memref_slice %arg4[%dma_start3A_1710, %mul3A_1698] : memref<16x1000000xf32, #tpu.memory_space<hbm>> -> memref<16x128xf32, #tpu.memory_space<hbm>>
        tpu.enqueue_dma source(%dma_start3A_1711 : memref<16x128xf32, #tpu.memory_space<hbm>>) target(%dma_start3A_1709 : memref<16x128xf32, #tpu.memory_space<vmem>>) target_semaphore(%arg14 : memref<!tpu.dma_semaphore, #tpu.memory_space<semaphore_mem>>)
        %slice3A_1712 = vector.extract_strided_slice %get3A_1669 {offsets = [2], sizes = [1], strides = [1]} : vector<16xi32> to vector<1xi32>
        %squeeze3A_1713 = vector.extract %slice3A_1712[0] : i32 from vector<1xi32>
        %shift_right_arithmetic3A_1714 = arith.constant 7 : i32
        %shift_right_arithmetic3A_1715 = arith.shrsi %squeeze3A_1713, %shift_right_arithmetic3A_1714 : i32
        %min3A_1716 = arith.constant 7811 : i32
        %min3A_1717 = arith.minsi %shift_right_arithmetic3A_1715, %min3A_1716 : i32
        %mul3A_1718 = arith.constant 128 : i32
        %mul3A_1719 = arith.muli %min3A_1717, %mul3A_1718 : i32
        %dma_start3A_1720 = arith.constant 2 : i32
        %dma_start3A_1721 = arith.constant 0 : i32
        %dma_start3A_1722 = arith.constant 0 : i32
        %dma_start3A_1723 = tpu.memref_slice %arg9[%dma_start3A_1720, %dma_start3A_1721, %dma_start3A_1722] : memref<16x16x128xf32, #tpu.memory_space<vmem>> -> memref<1x16x128xf32, #tpu.memory_space<vmem>>
        %dma_start3A_1724 = tpu.memref_squeeze %dma_start3A_1723 : memref<1x16x128xf32, #tpu.memory_space<vmem>> -> memref<16x128xf32, #tpu.memory_space<vmem>>
        %dma_start3A_1725 = arith.constant 0 : i32
        %dma_start3A_1726 = tpu.memref_slice %arg4[%dma_start3A_1725, %mul3A_1719] : memref<16x1000000xf32, #tpu.memory_space<hbm>> -> memref<16x128xf32, #tpu.memory_space<hbm>>
        %dma_start3A_1727 = arith.constant 0 : i32
        %dma_start3A_1728 = arith.constant 0 : i32
        %dma_start3A_1729 = tpu.memref_slice %arg9[%dma_start3A_1720, %dma_start3A_1727, %dma_start3A_1728] : memref<16x16x128xf32, #tpu.memory_space<vmem>> -> memref<1x16x128xf32, #tpu.memory_space<vmem>>
        %dma_start3A_1730 = tpu.memref_squeeze %dma_start3A_1729 : memref<1x16x128xf32, #tpu.memory_space<vmem>> -> memref<16x128xf32, #tpu.memory_space<vmem>>
        %dma_start3A_1731 = arith.constant 0 : i32
        %dma_start3A_1732 = tpu.memref_slice %arg4[%dma_start3A_1731, %mul3A_1719] : memref<16x1000000xf32, #tpu.memory_space<hbm>> -> memref<16x128xf32, #tpu.memory_space<hbm>>
        tpu.enqueue_dma source(%dma_start3A_1732 : memref<16x128xf32, #tpu.memory_space<hbm>>) target(%dma_start3A_1730 : memref<16x128xf32, #tpu.memory_space<vmem>>) target_semaphore(%arg14 : memref<!tpu.dma_semaphore, #tpu.memory_space<semaphore_mem>>)
        %slice3A_1733 = vector.extract_strided_slice %get3A_1669 {offsets = [3], sizes = [1], strides = [1]} : vector<16xi32> to vector<1xi32>
        %squeeze3A_1734 = vector.extract %slice3A_1733[0] : i32 from vector<1xi32>
        %shift_right_arithmetic3A_1735 = arith.constant 7 : i32
        %shift_right_arithmetic3A_1736 = arith.shrsi %squeeze3A_1734, %shift_right_arithmetic3A_1735 : i32
        %min3A_1737 = arith.constant 7811 : i32
        %min3A_1738 = arith.minsi %shift_right_arithmetic3A_1736, %min3A_1737 : i32
        %mul3A_1739 = arith.constant 128 : i32
        %mul3A_1740 = arith.muli %min3A_1738, %mul3A_1739 : i32
        %dma_start3A_1741 = arith.constant 3 : i32
        %dma_start3A_1742 = arith.constant 0 : i32
        %dma_start3A_1743 = arith.constant 0 : i32
        %dma_start3A_1744 = tpu.memref_slice %arg9[%dma_start3A_1741, %dma_start3A_1742, %dma_start3A_1743] : memref<16x16x128xf32, #tpu.memory_space<vmem>> -> memref<1x16x128xf32, #tpu.memory_space<vmem>>
        %dma_start3A_1745 = tpu.memref_squeeze %dma_start3A_1744 : memref<1x16x128xf32, #tpu.memory_space<vmem>> -> memref<16x128xf32, #tpu.memory_space<vmem>>
        %dma_start3A_1746 = arith.constant 0 : i32
        %dma_start3A_1747 = tpu.memref_slice %arg4[%dma_start3A_1746, %mul3A_1740] : memref<16x1000000xf32, #tpu.memory_space<hbm>> -> memref<16x128xf32, #tpu.memory_space<hbm>>
        %dma_start3A_1748 = arith.constant 0 : i32
        %dma_start3A_1749 = arith.constant 0 : i32
        %dma_start3A_1750 = tpu.memref_slice %arg9[%dma_start3A_1741, %dma_start3A_1748, %dma_start3A_1749] : memref<16x16x128xf32, #tpu.memory_space<vmem>> -> memref<1x16x128xf32, #tpu.memory_space<vmem>>
        %dma_start3A_1751 = tpu.memref_squeeze %dma_start3A_1750 : memref<1x16x128xf32, #tpu.memory_space<vmem>> -> memref<16x128xf32, #tpu.memory_space<vmem>>
        %dma_start3A_1752 = arith.constant 0 : i32
        %dma_start3A_1753 = tpu.memref_slice %arg4[%dma_start3A_1752, %mul3A_1740] : memref<16x1000000xf32, #tpu.memory_space<hbm>> -> memref<16x128xf32, #tpu.memory_space<hbm>>
        tpu.enqueue_dma source(%dma_start3A_1753 : memref<16x128xf32, #tpu.memory_space<hbm>>) target(%dma_start3A_1751 : memref<16x128xf32, #tpu.memory_space<vmem>>) target_semaphore(%arg14 : memref<!tpu.dma_semaphore, #tpu.memory_space<semaphore_mem>>)
        %slice3A_1754 = vector.extract_strided_slice %get3A_1669 {offsets = [4], sizes = [1], strides = [1]} : vector<16xi32> to vector<1xi32>
        %squeeze3A_1755 = vector.extract %slice3A_1754[0] : i32 from vector<1xi32>
        %shift_right_arithmetic3A_1756 = arith.constant 7 : i32
        %shift_right_arithmetic3A_1757 = arith.shrsi %squeeze3A_1755, %shift_right_arithmetic3A_1756 : i32
        %min3A_1758 = arith.constant 7811 : i32
        %min3A_1759 = arith.minsi %shift_right_arithmetic3A_1757, %min3A_1758 : i32
        %mul3A_1760 = arith.constant 128 : i32
        %mul3A_1761 = arith.muli %min3A_1759, %mul3A_1760 : i32
        %dma_start3A_1762 = arith.constant 4 : i32
        %dma_start3A_1763 = arith.constant 0 : i32
        %dma_start3A_1764 = arith.constant 0 : i32
        %dma_start3A_1765 = tpu.memref_slice %arg9[%dma_start3A_1762, %dma_start3A_1763, %dma_start3A_1764] : memref<16x16x128xf32, #tpu.memory_space<vmem>> -> memref<1x16x128xf32, #tpu.memory_space<vmem>>
        %dma_start3A_1766 = tpu.memref_squeeze %dma_start3A_1765 : memref<1x16x128xf32, #tpu.memory_space<vmem>> -> memref<16x128xf32, #tpu.memory_space<vmem>>
        %dma_start3A_1767 = arith.constant 0 : i32
        %dma_start3A_1768 = tpu.memref_slice %arg4[%dma_start3A_1767, %mul3A_1761] : memref<16x1000000xf32, #tpu.memory_space<hbm>> -> memref<16x128xf32, #tpu.memory_space<hbm>>
        %dma_start3A_1769 = arith.constant 0 : i32
        %dma_start3A_1770 = arith.constant 0 : i32
        %dma_start3A_1771 = tpu.memref_slice %arg9[%dma_start3A_1762, %dma_start3A_1769, %dma_start3A_1770] : memref<16x16x128xf32, #tpu.memory_space<vmem>> -> memref<1x16x128xf32, #tpu.memory_space<vmem>>
        %dma_start3A_1772 = tpu.memref_squeeze %dma_start3A_1771 : memref<1x16x128xf32, #tpu.memory_space<vmem>> -> memref<16x128xf32, #tpu.memory_space<vmem>>
        %dma_start3A_1773 = arith.constant 0 : i32
        %dma_start3A_1774 = tpu.memref_slice %arg4[%dma_start3A_1773, %mul3A_1761] : memref<16x1000000xf32, #tpu.memory_space<hbm>> -> memref<16x128xf32, #tpu.memory_space<hbm>>
        tpu.enqueue_dma source(%dma_start3A_1774 : memref<16x128xf32, #tpu.memory_space<hbm>>) target(%dma_start3A_1772 : memref<16x128xf32, #tpu.memory_space<vmem>>) target_semaphore(%arg14 : memref<!tpu.dma_semaphore, #tpu.memory_space<semaphore_mem>>)
        %slice3A_1775 = vector.extract_strided_slice %get3A_1669 {offsets = [5], sizes = [1], strides = [1]} : vector<16xi32> to vector<1xi32>
        %squeeze3A_1776 = vector.extract %slice3A_1775[0] : i32 from vector<1xi32>
        %shift_right_arithmetic3A_1777 = arith.constant 7 : i32
        %shift_right_arithmetic3A_1778 = arith.shrsi %squeeze3A_1776, %shift_right_arithmetic3A_1777 : i32
        %min3A_1779 = arith.constant 7811 : i32
        %min3A_1780 = arith.minsi %shift_right_arithmetic3A_1778, %min3A_1779 : i32
        %mul3A_1781 = arith.constant 128 : i32
        %mul3A_1782 = arith.muli %min3A_1780, %mul3A_1781 : i32
        %dma_start3A_1783 = arith.constant 5 : i32
        %dma_start3A_1784 = arith.constant 0 : i32
        %dma_start3A_1785 = arith.constant 0 : i32
        %dma_start3A_1786 = tpu.memref_slice %arg9[%dma_start3A_1783, %dma_start3A_1784, %dma_start3A_1785] : memref<16x16x128xf32, #tpu.memory_space<vmem>> -> memref<1x16x128xf32, #tpu.memory_space<vmem>>
        %dma_start3A_1787 = tpu.memref_squeeze %dma_start3A_1786 : memref<1x16x128xf32, #tpu.memory_space<vmem>> -> memref<16x128xf32, #tpu.memory_space<vmem>>
        %dma_start3A_1788 = arith.constant 0 : i32
        %dma_start3A_1789 = tpu.memref_slice %arg4[%dma_start3A_1788, %mul3A_1782] : memref<16x1000000xf32, #tpu.memory_space<hbm>> -> memref<16x128xf32, #tpu.memory_space<hbm>>
        %dma_start3A_1790 = arith.constant 0 : i32
        %dma_start3A_1791 = arith.constant 0 : i32
        %dma_start3A_1792 = tpu.memref_slice %arg9[%dma_start3A_1783, %dma_start3A_1790, %dma_start3A_1791] : memref<16x16x128xf32, #tpu.memory_space<vmem>> -> memref<1x16x128xf32, #tpu.memory_space<vmem>>
        %dma_start3A_1793 = tpu.memref_squeeze %dma_start3A_1792 : memref<1x16x128xf32, #tpu.memory_space<vmem>> -> memref<16x128xf32, #tpu.memory_space<vmem>>
        %dma_start3A_1794 = arith.constant 0 : i32
        %dma_start3A_1795 = tpu.memref_slice %arg4[%dma_start3A_1794, %mul3A_1782] : memref<16x1000000xf32, #tpu.memory_space<hbm>> -> memref<16x128xf32, #tpu.memory_space<hbm>>
        tpu.enqueue_dma source(%dma_start3A_1795 : memref<16x128xf32, #tpu.memory_space<hbm>>) target(%dma_start3A_1793 : memref<16x128xf32, #tpu.memory_space<vmem>>) target_semaphore(%arg14 : memref<!tpu.dma_semaphore, #tpu.memory_space<semaphore_mem>>)
        %slice3A_1796 = vector.extract_strided_slice %get3A_1669 {offsets = [6], sizes = [1], strides = [1]} : vector<16xi32> to vector<1xi32>
        %squeeze3A_1797 = vector.extract %slice3A_1796[0] : i32 from vector<1xi32>
        %shift_right_arithmetic3A_1798 = arith.constant 7 : i32
        %shift_right_arithmetic3A_1799 = arith.shrsi %squeeze3A_1797, %shift_right_arithmetic3A_1798 : i32
        %min3A_1800 = arith.constant 7811 : i32
        %min3A_1801 = arith.minsi %shift_right_arithmetic3A_1799, %min3A_1800 : i32
        %mul3A_1802 = arith.constant 128 : i32
        %mul3A_1803 = arith.muli %min3A_1801, %mul3A_1802 : i32
        %dma_start3A_1804 = arith.constant 6 : i32
        %dma_start3A_1805 = arith.constant 0 : i32
        %dma_start3A_1806 = arith.constant 0 : i32
        %dma_start3A_1807 = tpu.memref_slice %arg9[%dma_start3A_1804, %dma_start3A_1805, %dma_start3A_1806] : memref<16x16x128xf32, #tpu.memory_space<vmem>> -> memref<1x16x128xf32, #tpu.memory_space<vmem>>
        %dma_start3A_1808 = tpu.memref_squeeze %dma_start3A_1807 : memref<1x16x128xf32, #tpu.memory_space<vmem>> -> memref<16x128xf32, #tpu.memory_space<vmem>>
        %dma_start3A_1809 = arith.constant 0 : i32
        %dma_start3A_1810 = tpu.memref_slice %arg4[%dma_start3A_1809, %mul3A_1803] : memref<16x1000000xf32, #tpu.memory_space<hbm>> -> memref<16x128xf32, #tpu.memory_space<hbm>>
        %dma_start3A_1811 = arith.constant 0 : i32
        %dma_start3A_1812 = arith.constant 0 : i32
        %dma_start3A_1813 = tpu.memref_slice %arg9[%dma_start3A_1804, %dma_start3A_1811, %dma_start3A_1812] : memref<16x16x128xf32, #tpu.memory_space<vmem>> -> memref<1x16x128xf32, #tpu.memory_space<vmem>>
        %dma_start3A_1814 = tpu.memref_squeeze %dma_start3A_1813 : memref<1x16x128xf32, #tpu.memory_space<vmem>> -> memref<16x128xf32, #tpu.memory_space<vmem>>
        %dma_start3A_1815 = arith.constant 0 : i32
        %dma_start3A_1816 = tpu.memref_slice %arg4[%dma_start3A_1815, %mul3A_1803] : memref<16x1000000xf32, #tpu.memory_space<hbm>> -> memref<16x128xf32, #tpu.memory_space<hbm>>
        tpu.enqueue_dma source(%dma_start3A_1816 : memref<16x128xf32, #tpu.memory_space<hbm>>) target(%dma_start3A_1814 : memref<16x128xf32, #tpu.memory_space<vmem>>) target_semaphore(%arg14 : memref<!tpu.dma_semaphore, #tpu.memory_space<semaphore_mem>>)
        %slice3A_1817 = vector.extract_strided_slice %get3A_1669 {offsets = [7], sizes = [1], strides = [1]} : vector<16xi32> to vector<1xi32>
        %squeeze3A_1818 = vector.extract %slice3A_1817[0] : i32 from vector<1xi32>
        %shift_right_arithmetic3A_1819 = arith.constant 7 : i32
        %shift_right_arithmetic3A_1820 = arith.shrsi %squeeze3A_1818, %shift_right_arithmetic3A_1819 : i32
        %min3A_1821 = arith.constant 7811 : i32
        %min3A_1822 = arith.minsi %shift_right_arithmetic3A_1820, %min3A_1821 : i32
        %mul3A_1823 = arith.constant 128 : i32
        %mul3A_1824 = arith.muli %min3A_1822, %mul3A_1823 : i32
        %dma_start3A_1825 = arith.constant 7 : i32
        %dma_start3A_1826 = arith.constant 0 : i32
        %dma_start3A_1827 = arith.constant 0 : i32
        %dma_start3A_1828 = tpu.memref_slice %arg9[%dma_start3A_1825, %dma_start3A_1826, %dma_start3A_1827] : memref<16x16x128xf32, #tpu.memory_space<vmem>> -> memref<1x16x128xf32, #tpu.memory_space<vmem>>
        %dma_start3A_1829 = tpu.memref_squeeze %dma_start3A_1828 : memref<1x16x128xf32, #tpu.memory_space<vmem>> -> memref<16x128xf32, #tpu.memory_space<vmem>>
        %dma_start3A_1830 = arith.constant 0 : i32
        %dma_start3A_1831 = tpu.memref_slice %arg4[%dma_start3A_1830, %mul3A_1824] : memref<16x1000000xf32, #tpu.memory_space<hbm>> -> memref<16x128xf32, #tpu.memory_space<hbm>>
        %dma_start3A_1832 = arith.constant 0 : i32
        %dma_start3A_1833 = arith.constant 0 : i32
        %dma_start3A_1834 = tpu.memref_slice %arg9[%dma_start3A_1825, %dma_start3A_1832, %dma_start3A_1833] : memref<16x16x128xf32, #tpu.memory_space<vmem>> -> memref<1x16x128xf32, #tpu.memory_space<vmem>>
        %dma_start3A_1835 = tpu.memref_squeeze %dma_start3A_1834 : memref<1x16x128xf32, #tpu.memory_space<vmem>> -> memref<16x128xf32, #tpu.memory_space<vmem>>
        %dma_start3A_1836 = arith.constant 0 : i32
        %dma_start3A_1837 = tpu.memref_slice %arg4[%dma_start3A_1836, %mul3A_1824] : memref<16x1000000xf32, #tpu.memory_space<hbm>> -> memref<16x128xf32, #tpu.memory_space<hbm>>
        tpu.enqueue_dma source(%dma_start3A_1837 : memref<16x128xf32, #tpu.memory_space<hbm>>) target(%dma_start3A_1835 : memref<16x128xf32, #tpu.memory_space<vmem>>) target_semaphore(%arg14 : memref<!tpu.dma_semaphore, #tpu.memory_space<semaphore_mem>>)
        %slice3A_1838 = vector.extract_strided_slice %get3A_1669 {offsets = [8], sizes = [1], strides = [1]} : vector<16xi32> to vector<1xi32>
        %squeeze3A_1839 = vector.extract %slice3A_1838[0] : i32 from vector<1xi32>
        %shift_right_arithmetic3A_1840 = arith.constant 7 : i32
        %shift_right_arithmetic3A_1841 = arith.shrsi %squeeze3A_1839, %shift_right_arithmetic3A_1840 : i32
        %min3A_1842 = arith.constant 7811 : i32
        %min3A_1843 = arith.minsi %shift_right_arithmetic3A_1841, %min3A_1842 : i32
        %mul3A_1844 = arith.constant 128 : i32
        %mul3A_1845 = arith.muli %min3A_1843, %mul3A_1844 : i32
        %dma_start3A_1846 = arith.constant 8 : i32
        %dma_start3A_1847 = arith.constant 0 : i32
        %dma_start3A_1848 = arith.constant 0 : i32
        %dma_start3A_1849 = tpu.memref_slice %arg9[%dma_start3A_1846, %dma_start3A_1847, %dma_start3A_1848] : memref<16x16x128xf32, #tpu.memory_space<vmem>> -> memref<1x16x128xf32, #tpu.memory_space<vmem>>
        %dma_start3A_1850 = tpu.memref_squeeze %dma_start3A_1849 : memref<1x16x128xf32, #tpu.memory_space<vmem>> -> memref<16x128xf32, #tpu.memory_space<vmem>>
        %dma_start3A_1851 = arith.constant 0 : i32
        %dma_start3A_1852 = tpu.memref_slice %arg4[%dma_start3A_1851, %mul3A_1845] : memref<16x1000000xf32, #tpu.memory_space<hbm>> -> memref<16x128xf32, #tpu.memory_space<hbm>>
        %dma_start3A_1853 = arith.constant 0 : i32
        %dma_start3A_1854 = arith.constant 0 : i32
        %dma_start3A_1855 = tpu.memref_slice %arg9[%dma_start3A_1846, %dma_start3A_1853, %dma_start3A_1854] : memref<16x16x128xf32, #tpu.memory_space<vmem>> -> memref<1x16x128xf32, #tpu.memory_space<vmem>>
        %dma_start3A_1856 = tpu.memref_squeeze %dma_start3A_1855 : memref<1x16x128xf32, #tpu.memory_space<vmem>> -> memref<16x128xf32, #tpu.memory_space<vmem>>
        %dma_start3A_1857 = arith.constant 0 : i32
        %dma_start3A_1858 = tpu.memref_slice %arg4[%dma_start3A_1857, %mul3A_1845] : memref<16x1000000xf32, #tpu.memory_space<hbm>> -> memref<16x128xf32, #tpu.memory_space<hbm>>
        tpu.enqueue_dma source(%dma_start3A_1858 : memref<16x128xf32, #tpu.memory_space<hbm>>) target(%dma_start3A_1856 : memref<16x128xf32, #tpu.memory_space<vmem>>) target_semaphore(%arg14 : memref<!tpu.dma_semaphore, #tpu.memory_space<semaphore_mem>>)
        %slice3A_1859 = vector.extract_strided_slice %get3A_1669 {offsets = [9], sizes = [1], strides = [1]} : vector<16xi32> to vector<1xi32>
        %squeeze3A_1860 = vector.extract %slice3A_1859[0] : i32 from vector<1xi32>
        %shift_right_arithmetic3A_1861 = arith.constant 7 : i32
        %shift_right_arithmetic3A_1862 = arith.shrsi %squeeze3A_1860, %shift_right_arithmetic3A_1861 : i32
        %min3A_1863 = arith.constant 7811 : i32
        %min3A_1864 = arith.minsi %shift_right_arithmetic3A_1862, %min3A_1863 : i32
        %mul3A_1865 = arith.constant 128 : i32
        %mul3A_1866 = arith.muli %min3A_1864, %mul3A_1865 : i32
        %dma_start3A_1867 = arith.constant 9 : i32
        %dma_start3A_1868 = arith.constant 0 : i32
        %dma_start3A_1869 = arith.constant 0 : i32
        %dma_start3A_1870 = tpu.memref_slice %arg9[%dma_start3A_1867, %dma_start3A_1868, %dma_start3A_1869] : memref<16x16x128xf32, #tpu.memory_space<vmem>> -> memref<1x16x128xf32, #tpu.memory_space<vmem>>
        %dma_start3A_1871 = tpu.memref_squeeze %dma_start3A_1870 : memref<1x16x128xf32, #tpu.memory_space<vmem>> -> memref<16x128xf32, #tpu.memory_space<vmem>>
        %dma_start3A_1872 = arith.constant 0 : i32
        %dma_start3A_1873 = tpu.memref_slice %arg4[%dma_start3A_1872, %mul3A_1866] : memref<16x1000000xf32, #tpu.memory_space<hbm>> -> memref<16x128xf32, #tpu.memory_space<hbm>>
        %dma_start3A_1874 = arith.constant 0 : i32
        %dma_start3A_1875 = arith.constant 0 : i32
        %dma_start3A_1876 = tpu.memref_slice %arg9[%dma_start3A_1867, %dma_start3A_1874, %dma_start3A_1875] : memref<16x16x128xf32, #tpu.memory_space<vmem>> -> memref<1x16x128xf32, #tpu.memory_space<vmem>>
        %dma_start3A_1877 = tpu.memref_squeeze %dma_start3A_1876 : memref<1x16x128xf32, #tpu.memory_space<vmem>> -> memref<16x128xf32, #tpu.memory_space<vmem>>
        %dma_start3A_1878 = arith.constant 0 : i32
        %dma_start3A_1879 = tpu.memref_slice %arg4[%dma_start3A_1878, %mul3A_1866] : memref<16x1000000xf32, #tpu.memory_space<hbm>> -> memref<16x128xf32, #tpu.memory_space<hbm>>
        tpu.enqueue_dma source(%dma_start3A_1879 : memref<16x128xf32, #tpu.memory_space<hbm>>) target(%dma_start3A_1877 : memref<16x128xf32, #tpu.memory_space<vmem>>) target_semaphore(%arg14 : memref<!tpu.dma_semaphore, #tpu.memory_space<semaphore_mem>>)
        %slice3A_1880 = vector.extract_strided_slice %get3A_1669 {offsets = [10], sizes = [1], strides = [1]} : vector<16xi32> to vector<1xi32>
        %squeeze3A_1881 = vector.extract %slice3A_1880[0] : i32 from vector<1xi32>
        %shift_right_arithmetic3A_1882 = arith.constant 7 : i32
        %shift_right_arithmetic3A_1883 = arith.shrsi %squeeze3A_1881, %shift_right_arithmetic3A_1882 : i32
        %min3A_1884 = arith.constant 7811 : i32
        %min3A_1885 = arith.minsi %shift_right_arithmetic3A_1883, %min3A_1884 : i32
        %mul3A_1886 = arith.constant 128 : i32
        %mul3A_1887 = arith.muli %min3A_1885, %mul3A_1886 : i32
        %dma_start3A_1888 = arith.constant 10 : i32
        %dma_start3A_1889 = arith.constant 0 : i32
        %dma_start3A_1890 = arith.constant 0 : i32
        %dma_start3A_1891 = tpu.memref_slice %arg9[%dma_start3A_1888, %dma_start3A_1889, %dma_start3A_1890] : memref<16x16x128xf32, #tpu.memory_space<vmem>> -> memref<1x16x128xf32, #tpu.memory_space<vmem>>
        %dma_start3A_1892 = tpu.memref_squeeze %dma_start3A_1891 : memref<1x16x128xf32, #tpu.memory_space<vmem>> -> memref<16x128xf32, #tpu.memory_space<vmem>>
        %dma_start3A_1893 = arith.constant 0 : i32
        %dma_start3A_1894 = tpu.memref_slice %arg4[%dma_start3A_1893, %mul3A_1887] : memref<16x1000000xf32, #tpu.memory_space<hbm>> -> memref<16x128xf32, #tpu.memory_space<hbm>>
        %dma_start3A_1895 = arith.constant 0 : i32
        %dma_start3A_1896 = arith.constant 0 : i32
        %dma_start3A_1897 = tpu.memref_slice %arg9[%dma_start3A_1888, %dma_start3A_1895, %dma_start3A_1896] : memref<16x16x128xf32, #tpu.memory_space<vmem>> -> memref<1x16x128xf32, #tpu.memory_space<vmem>>
        %dma_start3A_1898 = tpu.memref_squeeze %dma_start3A_1897 : memref<1x16x128xf32, #tpu.memory_space<vmem>> -> memref<16x128xf32, #tpu.memory_space<vmem>>
        %dma_start3A_1899 = arith.constant 0 : i32
        %dma_start3A_1900 = tpu.memref_slice %arg4[%dma_start3A_1899, %mul3A_1887] : memref<16x1000000xf32, #tpu.memory_space<hbm>> -> memref<16x128xf32, #tpu.memory_space<hbm>>
        tpu.enqueue_dma source(%dma_start3A_1900 : memref<16x128xf32, #tpu.memory_space<hbm>>) target(%dma_start3A_1898 : memref<16x128xf32, #tpu.memory_space<vmem>>) target_semaphore(%arg14 : memref<!tpu.dma_semaphore, #tpu.memory_space<semaphore_mem>>)
        %slice3A_1901 = vector.extract_strided_slice %get3A_1669 {offsets = [11], sizes = [1], strides = [1]} : vector<16xi32> to vector<1xi32>
        %squeeze3A_1902 = vector.extract %slice3A_1901[0] : i32 from vector<1xi32>
        %shift_right_arithmetic3A_1903 = arith.constant 7 : i32
        %shift_right_arithmetic3A_1904 = arith.shrsi %squeeze3A_1902, %shift_right_arithmetic3A_1903 : i32
        %min3A_1905 = arith.constant 7811 : i32
        %min3A_1906 = arith.minsi %shift_right_arithmetic3A_1904, %min3A_1905 : i32
        %mul3A_1907 = arith.constant 128 : i32
        %mul3A_1908 = arith.muli %min3A_1906, %mul3A_1907 : i32
        %dma_start3A_1909 = arith.constant 11 : i32
        %dma_start3A_1910 = arith.constant 0 : i32
        %dma_start3A_1911 = arith.constant 0 : i32
        %dma_start3A_1912 = tpu.memref_slice %arg9[%dma_start3A_1909, %dma_start3A_1910, %dma_start3A_1911] : memref<16x16x128xf32, #tpu.memory_space<vmem>> -> memref<1x16x128xf32, #tpu.memory_space<vmem>>
        %dma_start3A_1913 = tpu.memref_squeeze %dma_start3A_1912 : memref<1x16x128xf32, #tpu.memory_space<vmem>> -> memref<16x128xf32, #tpu.memory_space<vmem>>
        %dma_start3A_1914 = arith.constant 0 : i32
        %dma_start3A_1915 = tpu.memref_slice %arg4[%dma_start3A_1914, %mul3A_1908] : memref<16x1000000xf32, #tpu.memory_space<hbm>> -> memref<16x128xf32, #tpu.memory_space<hbm>>
        %dma_start3A_1916 = arith.constant 0 : i32
        %dma_start3A_1917 = arith.constant 0 : i32
        %dma_start3A_1918 = tpu.memref_slice %arg9[%dma_start3A_1909, %dma_start3A_1916, %dma_start3A_1917] : memref<16x16x128xf32, #tpu.memory_space<vmem>> -> memref<1x16x128xf32, #tpu.memory_space<vmem>>
        %dma_start3A_1919 = tpu.memref_squeeze %dma_start3A_1918 : memref<1x16x128xf32, #tpu.memory_space<vmem>> -> memref<16x128xf32, #tpu.memory_space<vmem>>
        %dma_start3A_1920 = arith.constant 0 : i32
        %dma_start3A_1921 = tpu.memref_slice %arg4[%dma_start3A_1920, %mul3A_1908] : memref<16x1000000xf32, #tpu.memory_space<hbm>> -> memref<16x128xf32, #tpu.memory_space<hbm>>
        tpu.enqueue_dma source(%dma_start3A_1921 : memref<16x128xf32, #tpu.memory_space<hbm>>) target(%dma_start3A_1919 : memref<16x128xf32, #tpu.memory_space<vmem>>) target_semaphore(%arg14 : memref<!tpu.dma_semaphore, #tpu.memory_space<semaphore_mem>>)
        %slice3A_1922 = vector.extract_strided_slice %get3A_1669 {offsets = [12], sizes = [1], strides = [1]} : vector<16xi32> to vector<1xi32>
        %squeeze3A_1923 = vector.extract %slice3A_1922[0] : i32 from vector<1xi32>
        %shift_right_arithmetic3A_1924 = arith.constant 7 : i32
        %shift_right_arithmetic3A_1925 = arith.shrsi %squeeze3A_1923, %shift_right_arithmetic3A_1924 : i32
        %min3A_1926 = arith.constant 7811 : i32
        %min3A_1927 = arith.minsi %shift_right_arithmetic3A_1925, %min3A_1926 : i32
        %mul3A_1928 = arith.constant 128 : i32
        %mul3A_1929 = arith.muli %min3A_1927, %mul3A_1928 : i32
        %dma_start3A_1930 = arith.constant 12 : i32
        %dma_start3A_1931 = arith.constant 0 : i32
        %dma_start3A_1932 = arith.constant 0 : i32
        %dma_start3A_1933 = tpu.memref_slice %arg9[%dma_start3A_1930, %dma_start3A_1931, %dma_start3A_1932] : memref<16x16x128xf32, #tpu.memory_space<vmem>> -> memref<1x16x128xf32, #tpu.memory_space<vmem>>
        %dma_start3A_1934 = tpu.memref_squeeze %dma_start3A_1933 : memref<1x16x128xf32, #tpu.memory_space<vmem>> -> memref<16x128xf32, #tpu.memory_space<vmem>>
        %dma_start3A_1935 = arith.constant 0 : i32
        %dma_start3A_1936 = tpu.memref_slice %arg4[%dma_start3A_1935, %mul3A_1929] : memref<16x1000000xf32, #tpu.memory_space<hbm>> -> memref<16x128xf32, #tpu.memory_space<hbm>>
        %dma_start3A_1937 = arith.constant 0 : i32
        %dma_start3A_1938 = arith.constant 0 : i32
        %dma_start3A_1939 = tpu.memref_slice %arg9[%dma_start3A_1930, %dma_start3A_1937, %dma_start3A_1938] : memref<16x16x128xf32, #tpu.memory_space<vmem>> -> memref<1x16x128xf32, #tpu.memory_space<vmem>>
        %dma_start3A_1940 = tpu.memref_squeeze %dma_start3A_1939 : memref<1x16x128xf32, #tpu.memory_space<vmem>> -> memref<16x128xf32, #tpu.memory_space<vmem>>
        %dma_start3A_1941 = arith.constant 0 : i32
        %dma_start3A_1942 = tpu.memref_slice %arg4[%dma_start3A_1941, %mul3A_1929] : memref<16x1000000xf32, #tpu.memory_space<hbm>> -> memref<16x128xf32, #tpu.memory_space<hbm>>
        tpu.enqueue_dma source(%dma_start3A_1942 : memref<16x128xf32, #tpu.memory_space<hbm>>) target(%dma_start3A_1940 : memref<16x128xf32, #tpu.memory_space<vmem>>) target_semaphore(%arg14 : memref<!tpu.dma_semaphore, #tpu.memory_space<semaphore_mem>>)
        %slice3A_1943 = vector.extract_strided_slice %get3A_1669 {offsets = [13], sizes = [1], strides = [1]} : vector<16xi32> to vector<1xi32>
        %squeeze3A_1944 = vector.extract %slice3A_1943[0] : i32 from vector<1xi32>
        %shift_right_arithmetic3A_1945 = arith.constant 7 : i32
        %shift_right_arithmetic3A_1946 = arith.shrsi %squeeze3A_1944, %shift_right_arithmetic3A_1945 : i32
        %min3A_1947 = arith.constant 7811 : i32
        %min3A_1948 = arith.minsi %shift_right_arithmetic3A_1946, %min3A_1947 : i32
        %mul3A_1949 = arith.constant 128 : i32
        %mul3A_1950 = arith.muli %min3A_1948, %mul3A_1949 : i32
        %dma_start3A_1951 = arith.constant 13 : i32
        %dma_start3A_1952 = arith.constant 0 : i32
        %dma_start3A_1953 = arith.constant 0 : i32
        %dma_start3A_1954 = tpu.memref_slice %arg9[%dma_start3A_1951, %dma_start3A_1952, %dma_start3A_1953] : memref<16x16x128xf32, #tpu.memory_space<vmem>> -> memref<1x16x128xf32, #tpu.memory_space<vmem>>
        %dma_start3A_1955 = tpu.memref_squeeze %dma_start3A_1954 : memref<1x16x128xf32, #tpu.memory_space<vmem>> -> memref<16x128xf32, #tpu.memory_space<vmem>>
        %dma_start3A_1956 = arith.constant 0 : i32
        %dma_start3A_1957 = tpu.memref_slice %arg4[%dma_start3A_1956, %mul3A_1950] : memref<16x1000000xf32, #tpu.memory_space<hbm>> -> memref<16x128xf32, #tpu.memory_space<hbm>>
        %dma_start3A_1958 = arith.constant 0 : i32
        %dma_start3A_1959 = arith.constant 0 : i32
        %dma_start3A_1960 = tpu.memref_slice %arg9[%dma_start3A_1951, %dma_start3A_1958, %dma_start3A_1959] : memref<16x16x128xf32, #tpu.memory_space<vmem>> -> memref<1x16x128xf32, #tpu.memory_space<vmem>>
        %dma_start3A_1961 = tpu.memref_squeeze %dma_start3A_1960 : memref<1x16x128xf32, #tpu.memory_space<vmem>> -> memref<16x128xf32, #tpu.memory_space<vmem>>
        %dma_start3A_1962 = arith.constant 0 : i32
        %dma_start3A_1963 = tpu.memref_slice %arg4[%dma_start3A_1962, %mul3A_1950] : memref<16x1000000xf32, #tpu.memory_space<hbm>> -> memref<16x128xf32, #tpu.memory_space<hbm>>
        tpu.enqueue_dma source(%dma_start3A_1963 : memref<16x128xf32, #tpu.memory_space<hbm>>) target(%dma_start3A_1961 : memref<16x128xf32, #tpu.memory_space<vmem>>) target_semaphore(%arg14 : memref<!tpu.dma_semaphore, #tpu.memory_space<semaphore_mem>>)
        %slice3A_1964 = vector.extract_strided_slice %get3A_1669 {offsets = [14], sizes = [1], strides = [1]} : vector<16xi32> to vector<1xi32>
        %squeeze3A_1965 = vector.extract %slice3A_1964[0] : i32 from vector<1xi32>
        %shift_right_arithmetic3A_1966 = arith.constant 7 : i32
        %shift_right_arithmetic3A_1967 = arith.shrsi %squeeze3A_1965, %shift_right_arithmetic3A_1966 : i32
        %min3A_1968 = arith.constant 7811 : i32
        %min3A_1969 = arith.minsi %shift_right_arithmetic3A_1967, %min3A_1968 : i32
        %mul3A_1970 = arith.constant 128 : i32
        %mul3A_1971 = arith.muli %min3A_1969, %mul3A_1970 : i32
        %dma_start3A_1972 = arith.constant 14 : i32
        %dma_start3A_1973 = arith.constant 0 : i32
        %dma_start3A_1974 = arith.constant 0 : i32
        %dma_start3A_1975 = tpu.memref_slice %arg9[%dma_start3A_1972, %dma_start3A_1973, %dma_start3A_1974] : memref<16x16x128xf32, #tpu.memory_space<vmem>> -> memref<1x16x128xf32, #tpu.memory_space<vmem>>
        %dma_start3A_1976 = tpu.memref_squeeze %dma_start3A_1975 : memref<1x16x128xf32, #tpu.memory_space<vmem>> -> memref<16x128xf32, #tpu.memory_space<vmem>>
        %dma_start3A_1977 = arith.constant 0 : i32
        %dma_start3A_1978 = tpu.memref_slice %arg4[%dma_start3A_1977, %mul3A_1971] : memref<16x1000000xf32, #tpu.memory_space<hbm>> -> memref<16x128xf32, #tpu.memory_space<hbm>>
        %dma_start3A_1979 = arith.constant 0 : i32
        %dma_start3A_1980 = arith.constant 0 : i32
        %dma_start3A_1981 = tpu.memref_slice %arg9[%dma_start3A_1972, %dma_start3A_1979, %dma_start3A_1980] : memref<16x16x128xf32, #tpu.memory_space<vmem>> -> memref<1x16x128xf32, #tpu.memory_space<vmem>>
        %dma_start3A_1982 = tpu.memref_squeeze %dma_start3A_1981 : memref<1x16x128xf32, #tpu.memory_space<vmem>> -> memref<16x128xf32, #tpu.memory_space<vmem>>
        %dma_start3A_1983 = arith.constant 0 : i32
        %dma_start3A_1984 = tpu.memref_slice %arg4[%dma_start3A_1983, %mul3A_1971] : memref<16x1000000xf32, #tpu.memory_space<hbm>> -> memref<16x128xf32, #tpu.memory_space<hbm>>
        tpu.enqueue_dma source(%dma_start3A_1984 : memref<16x128xf32, #tpu.memory_space<hbm>>) target(%dma_start3A_1982 : memref<16x128xf32, #tpu.memory_space<vmem>>) target_semaphore(%arg14 : memref<!tpu.dma_semaphore, #tpu.memory_space<semaphore_mem>>)
        %slice3A_1985 = vector.extract_strided_slice %get3A_1669 {offsets = [15], sizes = [1], strides = [1]} : vector<16xi32> to vector<1xi32>
        %squeeze3A_1986 = vector.extract %slice3A_1985[0] : i32 from vector<1xi32>
        %shift_right_arithmetic3A_1987 = arith.constant 7 : i32
        %shift_right_arithmetic3A_1988 = arith.shrsi %squeeze3A_1986, %shift_right_arithmetic3A_1987 : i32
        %min3A_1989 = arith.constant 7811 : i32
        %min3A_1990 = arith.minsi %shift_right_arithmetic3A_1988, %min3A_1989 : i32
        %mul3A_1991 = arith.constant 128 : i32
        %mul3A_1992 = arith.muli %min3A_1990, %mul3A_1991 : i32
        %dma_start3A_1993 = arith.constant 15 : i32
        %dma_start3A_1994 = arith.constant 0 : i32
        %dma_start3A_1995 = arith.constant 0 : i32
        %dma_start3A_1996 = tpu.memref_slice %arg9[%dma_start3A_1993, %dma_start3A_1994, %dma_start3A_1995] : memref<16x16x128xf32, #tpu.memory_space<vmem>> -> memref<1x16x128xf32, #tpu.memory_space<vmem>>
        %dma_start3A_1997 = tpu.memref_squeeze %dma_start3A_1996 : memref<1x16x128xf32, #tpu.memory_space<vmem>> -> memref<16x128xf32, #tpu.memory_space<vmem>>
        %dma_start3A_1998 = arith.constant 0 : i32
        %dma_start3A_1999 = tpu.memref_slice %arg4[%dma_start3A_1998, %mul3A_1992] : memref<16x1000000xf32, #tpu.memory_space<hbm>> -> memref<16x128xf32, #tpu.memory_space<hbm>>
        %dma_start3A_2000 = arith.constant 0 : i32
        %dma_start3A_2001 = arith.constant 0 : i32
        %dma_start3A_2002 = tpu.memref_slice %arg9[%dma_start3A_1993, %dma_start3A_2000, %dma_start3A_2001] : memref<16x16x128xf32, #tpu.memory_space<vmem>> -> memref<1x16x128xf32, #tpu.memory_space<vmem>>
        %dma_start3A_2003 = tpu.memref_squeeze %dma_start3A_2002 : memref<1x16x128xf32, #tpu.memory_space<vmem>> -> memref<16x128xf32, #tpu.memory_space<vmem>>
        %dma_start3A_2004 = arith.constant 0 : i32
        %dma_start3A_2005 = tpu.memref_slice %arg4[%dma_start3A_2004, %mul3A_1992] : memref<16x1000000xf32, #tpu.memory_space<hbm>> -> memref<16x128xf32, #tpu.memory_space<hbm>>
        tpu.enqueue_dma source(%dma_start3A_2005 : memref<16x128xf32, #tpu.memory_space<hbm>>) target(%dma_start3A_2003 : memref<16x128xf32, #tpu.memory_space<vmem>>) target_semaphore(%arg14 : memref<!tpu.dma_semaphore, #tpu.memory_space<semaphore_mem>>)
      } else {
      }
      %mul3A_1207 = arith.constant 16 : i32
      %mul3A_1208 = arith.muli %mul3A_1207, %scan3A_410 : i32
      %get3A_1209 = arith.constant 1 : i32
      %get3A_1210 = arith.index_cast %get3A_1209 : i32 to index
      %get3A_1211 = arith.index_cast %mul3A_1208 : i32 to index
      %get3A_1212 = tpu.vector_load %arg8[%get3A_1210, %get3A_1211] {strides = array<i32>} : memref<2x512xi32, #tpu.memory_space<vmem>>, vector<16xi32>,
      %dma_wait3A_1213 = arith.constant 0 : i32
      %dma_wait3A_1214 = arith.constant 0 : i32
      %dma_wait3A_1215 = arith.constant 0 : i32
      %dma_wait3A_1216 = tpu.memref_slice %arg10[%dma_wait3A_1213, %dma_wait3A_1214, %dma_wait3A_1215] : memref<16x16x128xf32, #tpu.memory_space<vmem>> -> memref<1x16x128xf32, #tpu.memory_space<vmem>>
      %dma_wait3A_1217 = tpu.memref_squeeze %dma_wait3A_1216 : memref<1x16x128xf32, #tpu.memory_space<vmem>> -> memref<16x128xf32, #tpu.memory_space<vmem>>
      %dma_wait3A_1218 = arith.constant 0 : i32
      %dma_wait3A_1219 = arith.constant 0 : i32
      %dma_wait3A_1220 = tpu.memref_slice %arg5[%dma_wait3A_1218, %dma_wait3A_1219] : memref<16x1000000xf32, #tpu.memory_space<hbm>> -> memref<16x128xf32, #tpu.memory_space<hbm>>
      %dma_wait3A_1221 = arith.constant 0 : i32
      %dma_wait3A_1222 = arith.constant 0 : i32
      %dma_wait3A_1223 = tpu.memref_slice %arg10[%dma_wait3A_1213, %dma_wait3A_1221, %dma_wait3A_1222] : memref<16x16x128xf32, #tpu.memory_space<vmem>> -> memref<1x16x128xf32, #tpu.memory_space<vmem>>
      %dma_wait3A_1224 = tpu.memref_squeeze %dma_wait3A_1223 : memref<1x16x128xf32, #tpu.memory_space<vmem>> -> memref<16x128xf32, #tpu.memory_space<vmem>>
      %dma_wait3A_1225 = arith.constant 0 : i32
      %dma_wait3A_1226 = arith.constant 0 : i32
      %dma_wait3A_1227 = tpu.memref_slice %arg5[%dma_wait3A_1225, %dma_wait3A_1226] : memref<16x1000000xf32, #tpu.memory_space<hbm>> -> memref<16x128xf32, #tpu.memory_space<hbm>>
      tpu.wait_dma2 semaphore(%arg15 : memref<!tpu.dma_semaphore, #tpu.memory_space<semaphore_mem>>) src(%dma_wait3A_1227 : memref<16x128xf32, #tpu.memory_space<hbm>>) dst(%dma_wait3A_1224 : memref<16x128xf32, #tpu.memory_space<vmem>>)
      %dma_wait3A_1228 = arith.constant 1 : i32
      %dma_wait3A_1229 = arith.constant 0 : i32
      %dma_wait3A_1230 = arith.constant 0 : i32
      %dma_wait3A_1231 = tpu.memref_slice %arg10[%dma_wait3A_1228, %dma_wait3A_1229, %dma_wait3A_1230] : memref<16x16x128xf32, #tpu.memory_space<vmem>> -> memref<1x16x128xf32, #tpu.memory_space<vmem>>
      %dma_wait3A_1232 = tpu.memref_squeeze %dma_wait3A_1231 : memref<1x16x128xf32, #tpu.memory_space<vmem>> -> memref<16x128xf32, #tpu.memory_space<vmem>>
      %dma_wait3A_1233 = arith.constant 0 : i32
      %dma_wait3A_1234 = arith.constant 0 : i32
      %dma_wait3A_1235 = tpu.memref_slice %arg5[%dma_wait3A_1233, %dma_wait3A_1234] : memref<16x1000000xf32, #tpu.memory_space<hbm>> -> memref<16x128xf32, #tpu.memory_space<hbm>>
      %dma_wait3A_1236 = arith.constant 0 : i32
      %dma_wait3A_1237 = arith.constant 0 : i32
      %dma_wait3A_1238 = tpu.memref_slice %arg10[%dma_wait3A_1228, %dma_wait3A_1236, %dma_wait3A_1237] : memref<16x16x128xf32, #tpu.memory_space<vmem>> -> memref<1x16x128xf32, #tpu.memory_space<vmem>>
      %dma_wait3A_1239 = tpu.memref_squeeze %dma_wait3A_1238 : memref<1x16x128xf32, #tpu.memory_space<vmem>> -> memref<16x128xf32, #tpu.memory_space<vmem>>
      %dma_wait3A_1240 = arith.constant 0 : i32
      %dma_wait3A_1241 = arith.constant 0 : i32
      %dma_wait3A_1242 = tpu.memref_slice %arg5[%dma_wait3A_1240, %dma_wait3A_1241] : memref<16x1000000xf32, #tpu.memory_space<hbm>> -> memref<16x128xf32, #tpu.memory_space<hbm>>
      tpu.wait_dma2 semaphore(%arg15 : memref<!tpu.dma_semaphore, #tpu.memory_space<semaphore_mem>>) src(%dma_wait3A_1242 : memref<16x128xf32, #tpu.memory_space<hbm>>) dst(%dma_wait3A_1239 : memref<16x128xf32, #tpu.memory_space<vmem>>)
      %dma_wait3A_1243 = arith.constant 2 : i32
      %dma_wait3A_1244 = arith.constant 0 : i32
      %dma_wait3A_1245 = arith.constant 0 : i32
      %dma_wait3A_1246 = tpu.memref_slice %arg10[%dma_wait3A_1243, %dma_wait3A_1244, %dma_wait3A_1245] : memref<16x16x128xf32, #tpu.memory_space<vmem>> -> memref<1x16x128xf32, #tpu.memory_space<vmem>>
      %dma_wait3A_1247 = tpu.memref_squeeze %dma_wait3A_1246 : memref<1x16x128xf32, #tpu.memory_space<vmem>> -> memref<16x128xf32, #tpu.memory_space<vmem>>
      %dma_wait3A_1248 = arith.constant 0 : i32
      %dma_wait3A_1249 = arith.constant 0 : i32
      %dma_wait3A_1250 = tpu.memref_slice %arg5[%dma_wait3A_1248, %dma_wait3A_1249] : memref<16x1000000xf32, #tpu.memory_space<hbm>> -> memref<16x128xf32, #tpu.memory_space<hbm>>
      %dma_wait3A_1251 = arith.constant 0 : i32
      %dma_wait3A_1252 = arith.constant 0 : i32
      %dma_wait3A_1253 = tpu.memref_slice %arg10[%dma_wait3A_1243, %dma_wait3A_1251, %dma_wait3A_1252] : memref<16x16x128xf32, #tpu.memory_space<vmem>> -> memref<1x16x128xf32, #tpu.memory_space<vmem>>
      %dma_wait3A_1254 = tpu.memref_squeeze %dma_wait3A_1253 : memref<1x16x128xf32, #tpu.memory_space<vmem>> -> memref<16x128xf32, #tpu.memory_space<vmem>>
      %dma_wait3A_1255 = arith.constant 0 : i32
      %dma_wait3A_1256 = arith.constant 0 : i32
      %dma_wait3A_1257 = tpu.memref_slice %arg5[%dma_wait3A_1255, %dma_wait3A_1256] : memref<16x1000000xf32, #tpu.memory_space<hbm>> -> memref<16x128xf32, #tpu.memory_space<hbm>>
      tpu.wait_dma2 semaphore(%arg15 : memref<!tpu.dma_semaphore, #tpu.memory_space<semaphore_mem>>) src(%dma_wait3A_1257 : memref<16x128xf32, #tpu.memory_space<hbm>>) dst(%dma_wait3A_1254 : memref<16x128xf32, #tpu.memory_space<vmem>>)
      %dma_wait3A_1258 = arith.constant 3 : i32
      %dma_wait3A_1259 = arith.constant 0 : i32
      %dma_wait3A_1260 = arith.constant 0 : i32
      %dma_wait3A_1261 = tpu.memref_slice %arg10[%dma_wait3A_1258, %dma_wait3A_1259, %dma_wait3A_1260] : memref<16x16x128xf32, #tpu.memory_space<vmem>> -> memref<1x16x128xf32, #tpu.memory_space<vmem>>
      %dma_wait3A_1262 = tpu.memref_squeeze %dma_wait3A_1261 : memref<1x16x128xf32, #tpu.memory_space<vmem>> -> memref<16x128xf32, #tpu.memory_space<vmem>>
      %dma_wait3A_1263 = arith.constant 0 : i32
      %dma_wait3A_1264 = arith.constant 0 : i32
      %dma_wait3A_1265 = tpu.memref_slice %arg5[%dma_wait3A_1263, %dma_wait3A_1264] : memref<16x1000000xf32, #tpu.memory_space<hbm>> -> memref<16x128xf32, #tpu.memory_space<hbm>>
      %dma_wait3A_1266 = arith.constant 0 : i32
      %dma_wait3A_1267 = arith.constant 0 : i32
      %dma_wait3A_1268 = tpu.memref_slice %arg10[%dma_wait3A_1258, %dma_wait3A_1266, %dma_wait3A_1267] : memref<16x16x128xf32, #tpu.memory_space<vmem>> -> memref<1x16x128xf32, #tpu.memory_space<vmem>>
      %dma_wait3A_1269 = tpu.memref_squeeze %dma_wait3A_1268 : memref<1x16x128xf32, #tpu.memory_space<vmem>> -> memref<16x128xf32, #tpu.memory_space<vmem>>
      %dma_wait3A_1270 = arith.constant 0 : i32
      %dma_wait3A_1271 = arith.constant 0 : i32
      %dma_wait3A_1272 = tpu.memref_slice %arg5[%dma_wait3A_1270, %dma_wait3A_1271] : memref<16x1000000xf32, #tpu.memory_space<hbm>> -> memref<16x128xf32, #tpu.memory_space<hbm>>
      tpu.wait_dma2 semaphore(%arg15 : memref<!tpu.dma_semaphore, #tpu.memory_space<semaphore_mem>>) src(%dma_wait3A_1272 : memref<16x128xf32, #tpu.memory_space<hbm>>) dst(%dma_wait3A_1269 : memref<16x128xf32, #tpu.memory_space<vmem>>)
      %dma_wait3A_1273 = arith.constant 4 : i32
      %dma_wait3A_1274 = arith.constant 0 : i32
      %dma_wait3A_1275 = arith.constant 0 : i32
      %dma_wait3A_1276 = tpu.memref_slice %arg10[%dma_wait3A_1273, %dma_wait3A_1274, %dma_wait3A_1275] : memref<16x16x128xf32, #tpu.memory_space<vmem>> -> memref<1x16x128xf32, #tpu.memory_space<vmem>>
      %dma_wait3A_1277 = tpu.memref_squeeze %dma_wait3A_1276 : memref<1x16x128xf32, #tpu.memory_space<vmem>> -> memref<16x128xf32, #tpu.memory_space<vmem>>
      %dma_wait3A_1278 = arith.constant 0 : i32
      %dma_wait3A_1279 = arith.constant 0 : i32
      %dma_wait3A_1280 = tpu.memref_slice %arg5[%dma_wait3A_1278, %dma_wait3A_1279] : memref<16x1000000xf32, #tpu.memory_space<hbm>> -> memref<16x128xf32, #tpu.memory_space<hbm>>
      %dma_wait3A_1281 = arith.constant 0 : i32
      %dma_wait3A_1282 = arith.constant 0 : i32
      %dma_wait3A_1283 = tpu.memref_slice %arg10[%dma_wait3A_1273, %dma_wait3A_1281, %dma_wait3A_1282] : memref<16x16x128xf32, #tpu.memory_space<vmem>> -> memref<1x16x128xf32, #tpu.memory_space<vmem>>
      %dma_wait3A_1284 = tpu.memref_squeeze %dma_wait3A_1283 : memref<1x16x128xf32, #tpu.memory_space<vmem>> -> memref<16x128xf32, #tpu.memory_space<vmem>>
      %dma_wait3A_1285 = arith.constant 0 : i32
      %dma_wait3A_1286 = arith.constant 0 : i32
      %dma_wait3A_1287 = tpu.memref_slice %arg5[%dma_wait3A_1285, %dma_wait3A_1286] : memref<16x1000000xf32, #tpu.memory_space<hbm>> -> memref<16x128xf32, #tpu.memory_space<hbm>>
      tpu.wait_dma2 semaphore(%arg15 : memref<!tpu.dma_semaphore, #tpu.memory_space<semaphore_mem>>) src(%dma_wait3A_1287 : memref<16x128xf32, #tpu.memory_space<hbm>>) dst(%dma_wait3A_1284 : memref<16x128xf32, #tpu.memory_space<vmem>>)
      %dma_wait3A_1288 = arith.constant 5 : i32
      %dma_wait3A_1289 = arith.constant 0 : i32
      %dma_wait3A_1290 = arith.constant 0 : i32
      %dma_wait3A_1291 = tpu.memref_slice %arg10[%dma_wait3A_1288, %dma_wait3A_1289, %dma_wait3A_1290] : memref<16x16x128xf32, #tpu.memory_space<vmem>> -> memref<1x16x128xf32, #tpu.memory_space<vmem>>
      %dma_wait3A_1292 = tpu.memref_squeeze %dma_wait3A_1291 : memref<1x16x128xf32, #tpu.memory_space<vmem>> -> memref<16x128xf32, #tpu.memory_space<vmem>>
      %dma_wait3A_1293 = arith.constant 0 : i32
      %dma_wait3A_1294 = arith.constant 0 : i32
      %dma_wait3A_1295 = tpu.memref_slice %arg5[%dma_wait3A_1293, %dma_wait3A_1294] : memref<16x1000000xf32, #tpu.memory_space<hbm>> -> memref<16x128xf32, #tpu.memory_space<hbm>>
      %dma_wait3A_1296 = arith.constant 0 : i32
      %dma_wait3A_1297 = arith.constant 0 : i32
      %dma_wait3A_1298 = tpu.memref_slice %arg10[%dma_wait3A_1288, %dma_wait3A_1296, %dma_wait3A_1297] : memref<16x16x128xf32, #tpu.memory_space<vmem>> -> memref<1x16x128xf32, #tpu.memory_space<vmem>>
      %dma_wait3A_1299 = tpu.memref_squeeze %dma_wait3A_1298 : memref<1x16x128xf32, #tpu.memory_space<vmem>> -> memref<16x128xf32, #tpu.memory_space<vmem>>
      %dma_wait3A_1300 = arith.constant 0 : i32
      %dma_wait3A_1301 = arith.constant 0 : i32
      %dma_wait3A_1302 = tpu.memref_slice %arg5[%dma_wait3A_1300, %dma_wait3A_1301] : memref<16x1000000xf32, #tpu.memory_space<hbm>> -> memref<16x128xf32, #tpu.memory_space<hbm>>
      tpu.wait_dma2 semaphore(%arg15 : memref<!tpu.dma_semaphore, #tpu.memory_space<semaphore_mem>>) src(%dma_wait3A_1302 : memref<16x128xf32, #tpu.memory_space<hbm>>) dst(%dma_wait3A_1299 : memref<16x128xf32, #tpu.memory_space<vmem>>)
      %dma_wait3A_1303 = arith.constant 6 : i32
      %dma_wait3A_1304 = arith.constant 0 : i32
      %dma_wait3A_1305 = arith.constant 0 : i32
      %dma_wait3A_1306 = tpu.memref_slice %arg10[%dma_wait3A_1303, %dma_wait3A_1304, %dma_wait3A_1305] : memref<16x16x128xf32, #tpu.memory_space<vmem>> -> memref<1x16x128xf32, #tpu.memory_space<vmem>>
      %dma_wait3A_1307 = tpu.memref_squeeze %dma_wait3A_1306 : memref<1x16x128xf32, #tpu.memory_space<vmem>> -> memref<16x128xf32, #tpu.memory_space<vmem>>
      %dma_wait3A_1308 = arith.constant 0 : i32
      %dma_wait3A_1309 = arith.constant 0 : i32
      %dma_wait3A_1310 = tpu.memref_slice %arg5[%dma_wait3A_1308, %dma_wait3A_1309] : memref<16x1000000xf32, #tpu.memory_space<hbm>> -> memref<16x128xf32, #tpu.memory_space<hbm>>
      %dma_wait3A_1311 = arith.constant 0 : i32
      %dma_wait3A_1312 = arith.constant 0 : i32
      %dma_wait3A_1313 = tpu.memref_slice %arg10[%dma_wait3A_1303, %dma_wait3A_1311, %dma_wait3A_1312] : memref<16x16x128xf32, #tpu.memory_space<vmem>> -> memref<1x16x128xf32, #tpu.memory_space<vmem>>
      %dma_wait3A_1314 = tpu.memref_squeeze %dma_wait3A_1313 : memref<1x16x128xf32, #tpu.memory_space<vmem>> -> memref<16x128xf32, #tpu.memory_space<vmem>>
      %dma_wait3A_1315 = arith.constant 0 : i32
      %dma_wait3A_1316 = arith.constant 0 : i32
      %dma_wait3A_1317 = tpu.memref_slice %arg5[%dma_wait3A_1315, %dma_wait3A_1316] : memref<16x1000000xf32, #tpu.memory_space<hbm>> -> memref<16x128xf32, #tpu.memory_space<hbm>>
      tpu.wait_dma2 semaphore(%arg15 : memref<!tpu.dma_semaphore, #tpu.memory_space<semaphore_mem>>) src(%dma_wait3A_1317 : memref<16x128xf32, #tpu.memory_space<hbm>>) dst(%dma_wait3A_1314 : memref<16x128xf32, #tpu.memory_space<vmem>>)
      %dma_wait3A_1318 = arith.constant 7 : i32
      %dma_wait3A_1319 = arith.constant 0 : i32
      %dma_wait3A_1320 = arith.constant 0 : i32
      %dma_wait3A_1321 = tpu.memref_slice %arg10[%dma_wait3A_1318, %dma_wait3A_1319, %dma_wait3A_1320] : memref<16x16x128xf32, #tpu.memory_space<vmem>> -> memref<1x16x128xf32, #tpu.memory_space<vmem>>
      %dma_wait3A_1322 = tpu.memref_squeeze %dma_wait3A_1321 : memref<1x16x128xf32, #tpu.memory_space<vmem>> -> memref<16x128xf32, #tpu.memory_space<vmem>>
      %dma_wait3A_1323 = arith.constant 0 : i32
      %dma_wait3A_1324 = arith.constant 0 : i32
      %dma_wait3A_1325 = tpu.memref_slice %arg5[%dma_wait3A_1323, %dma_wait3A_1324] : memref<16x1000000xf32, #tpu.memory_space<hbm>> -> memref<16x128xf32, #tpu.memory_space<hbm>>
      %dma_wait3A_1326 = arith.constant 0 : i32
      %dma_wait3A_1327 = arith.constant 0 : i32
      %dma_wait3A_1328 = tpu.memref_slice %arg10[%dma_wait3A_1318, %dma_wait3A_1326, %dma_wait3A_1327] : memref<16x16x128xf32, #tpu.memory_space<vmem>> -> memref<1x16x128xf32, #tpu.memory_space<vmem>>
      %dma_wait3A_1329 = tpu.memref_squeeze %dma_wait3A_1328 : memref<1x16x128xf32, #tpu.memory_space<vmem>> -> memref<16x128xf32, #tpu.memory_space<vmem>>
      %dma_wait3A_1330 = arith.constant 0 : i32
      %dma_wait3A_1331 = arith.constant 0 : i32
      %dma_wait3A_1332 = tpu.memref_slice %arg5[%dma_wait3A_1330, %dma_wait3A_1331] : memref<16x1000000xf32, #tpu.memory_space<hbm>> -> memref<16x128xf32, #tpu.memory_space<hbm>>
      tpu.wait_dma2 semaphore(%arg15 : memref<!tpu.dma_semaphore, #tpu.memory_space<semaphore_mem>>) src(%dma_wait3A_1332 : memref<16x128xf32, #tpu.memory_space<hbm>>) dst(%dma_wait3A_1329 : memref<16x128xf32, #tpu.memory_space<vmem>>)
      %dma_wait3A_1333 = arith.constant 8 : i32
      %dma_wait3A_1334 = arith.constant 0 : i32
      %dma_wait3A_1335 = arith.constant 0 : i32
      %dma_wait3A_1336 = tpu.memref_slice %arg10[%dma_wait3A_1333, %dma_wait3A_1334, %dma_wait3A_1335] : memref<16x16x128xf32, #tpu.memory_space<vmem>> -> memref<1x16x128xf32, #tpu.memory_space<vmem>>
      %dma_wait3A_1337 = tpu.memref_squeeze %dma_wait3A_1336 : memref<1x16x128xf32, #tpu.memory_space<vmem>> -> memref<16x128xf32, #tpu.memory_space<vmem>>
      %dma_wait3A_1338 = arith.constant 0 : i32
      %dma_wait3A_1339 = arith.constant 0 : i32
      %dma_wait3A_1340 = tpu.memref_slice %arg5[%dma_wait3A_1338, %dma_wait3A_1339] : memref<16x1000000xf32, #tpu.memory_space<hbm>> -> memref<16x128xf32, #tpu.memory_space<hbm>>
      %dma_wait3A_1341 = arith.constant 0 : i32
      %dma_wait3A_1342 = arith.constant 0 : i32
      %dma_wait3A_1343 = tpu.memref_slice %arg10[%dma_wait3A_1333, %dma_wait3A_1341, %dma_wait3A_1342] : memref<16x16x128xf32, #tpu.memory_space<vmem>> -> memref<1x16x128xf32, #tpu.memory_space<vmem>>
      %dma_wait3A_1344 = tpu.memref_squeeze %dma_wait3A_1343 : memref<1x16x128xf32, #tpu.memory_space<vmem>> -> memref<16x128xf32, #tpu.memory_space<vmem>>
      %dma_wait3A_1345 = arith.constant 0 : i32
      %dma_wait3A_1346 = arith.constant 0 : i32
      %dma_wait3A_1347 = tpu.memref_slice %arg5[%dma_wait3A_1345, %dma_wait3A_1346] : memref<16x1000000xf32, #tpu.memory_space<hbm>> -> memref<16x128xf32, #tpu.memory_space<hbm>>
      tpu.wait_dma2 semaphore(%arg15 : memref<!tpu.dma_semaphore, #tpu.memory_space<semaphore_mem>>) src(%dma_wait3A_1347 : memref<16x128xf32, #tpu.memory_space<hbm>>) dst(%dma_wait3A_1344 : memref<16x128xf32, #tpu.memory_space<vmem>>)
      %dma_wait3A_1348 = arith.constant 9 : i32
      %dma_wait3A_1349 = arith.constant 0 : i32
      %dma_wait3A_1350 = arith.constant 0 : i32
      %dma_wait3A_1351 = tpu.memref_slice %arg10[%dma_wait3A_1348, %dma_wait3A_1349, %dma_wait3A_1350] : memref<16x16x128xf32, #tpu.memory_space<vmem>> -> memref<1x16x128xf32, #tpu.memory_space<vmem>>
      %dma_wait3A_1352 = tpu.memref_squeeze %dma_wait3A_1351 : memref<1x16x128xf32, #tpu.memory_space<vmem>> -> memref<16x128xf32, #tpu.memory_space<vmem>>
      %dma_wait3A_1353 = arith.constant 0 : i32
      %dma_wait3A_1354 = arith.constant 0 : i32
      %dma_wait3A_1355 = tpu.memref_slice %arg5[%dma_wait3A_1353, %dma_wait3A_1354] : memref<16x1000000xf32, #tpu.memory_space<hbm>> -> memref<16x128xf32, #tpu.memory_space<hbm>>
      %dma_wait3A_1356 = arith.constant 0 : i32
      %dma_wait3A_1357 = arith.constant 0 : i32
      %dma_wait3A_1358 = tpu.memref_slice %arg10[%dma_wait3A_1348, %dma_wait3A_1356, %dma_wait3A_1357] : memref<16x16x128xf32, #tpu.memory_space<vmem>> -> memref<1x16x128xf32, #tpu.memory_space<vmem>>
      %dma_wait3A_1359 = tpu.memref_squeeze %dma_wait3A_1358 : memref<1x16x128xf32, #tpu.memory_space<vmem>> -> memref<16x128xf32, #tpu.memory_space<vmem>>
      %dma_wait3A_1360 = arith.constant 0 : i32
      %dma_wait3A_1361 = arith.constant 0 : i32
      %dma_wait3A_1362 = tpu.memref_slice %arg5[%dma_wait3A_1360, %dma_wait3A_1361] : memref<16x1000000xf32, #tpu.memory_space<hbm>> -> memref<16x128xf32, #tpu.memory_space<hbm>>
      tpu.wait_dma2 semaphore(%arg15 : memref<!tpu.dma_semaphore, #tpu.memory_space<semaphore_mem>>) src(%dma_wait3A_1362 : memref<16x128xf32, #tpu.memory_space<hbm>>) dst(%dma_wait3A_1359 : memref<16x128xf32, #tpu.memory_space<vmem>>)
      %dma_wait3A_1363 = arith.constant 10 : i32
      %dma_wait3A_1364 = arith.constant 0 : i32
      %dma_wait3A_1365 = arith.constant 0 : i32
      %dma_wait3A_1366 = tpu.memref_slice %arg10[%dma_wait3A_1363, %dma_wait3A_1364, %dma_wait3A_1365] : memref<16x16x128xf32, #tpu.memory_space<vmem>> -> memref<1x16x128xf32, #tpu.memory_space<vmem>>
      %dma_wait3A_1367 = tpu.memref_squeeze %dma_wait3A_1366 : memref<1x16x128xf32, #tpu.memory_space<vmem>> -> memref<16x128xf32, #tpu.memory_space<vmem>>
      %dma_wait3A_1368 = arith.constant 0 : i32
      %dma_wait3A_1369 = arith.constant 0 : i32
      %dma_wait3A_1370 = tpu.memref_slice %arg5[%dma_wait3A_1368, %dma_wait3A_1369] : memref<16x1000000xf32, #tpu.memory_space<hbm>> -> memref<16x128xf32, #tpu.memory_space<hbm>>
      %dma_wait3A_1371 = arith.constant 0 : i32
      %dma_wait3A_1372 = arith.constant 0 : i32
      %dma_wait3A_1373 = tpu.memref_slice %arg10[%dma_wait3A_1363, %dma_wait3A_1371, %dma_wait3A_1372] : memref<16x16x128xf32, #tpu.memory_space<vmem>> -> memref<1x16x128xf32, #tpu.memory_space<vmem>>
      %dma_wait3A_1374 = tpu.memref_squeeze %dma_wait3A_1373 : memref<1x16x128xf32, #tpu.memory_space<vmem>> -> memref<16x128xf32, #tpu.memory_space<vmem>>
      %dma_wait3A_1375 = arith.constant 0 : i32
      %dma_wait3A_1376 = arith.constant 0 : i32
      %dma_wait3A_1377 = tpu.memref_slice %arg5[%dma_wait3A_1375, %dma_wait3A_1376] : memref<16x1000000xf32, #tpu.memory_space<hbm>> -> memref<16x128xf32, #tpu.memory_space<hbm>>
      tpu.wait_dma2 semaphore(%arg15 : memref<!tpu.dma_semaphore, #tpu.memory_space<semaphore_mem>>) src(%dma_wait3A_1377 : memref<16x128xf32, #tpu.memory_space<hbm>>) dst(%dma_wait3A_1374 : memref<16x128xf32, #tpu.memory_space<vmem>>)
      %dma_wait3A_1378 = arith.constant 11 : i32
      %dma_wait3A_1379 = arith.constant 0 : i32
      %dma_wait3A_1380 = arith.constant 0 : i32
      %dma_wait3A_1381 = tpu.memref_slice %arg10[%dma_wait3A_1378, %dma_wait3A_1379, %dma_wait3A_1380] : memref<16x16x128xf32, #tpu.memory_space<vmem>> -> memref<1x16x128xf32, #tpu.memory_space<vmem>>
      %dma_wait3A_1382 = tpu.memref_squeeze %dma_wait3A_1381 : memref<1x16x128xf32, #tpu.memory_space<vmem>> -> memref<16x128xf32, #tpu.memory_space<vmem>>
      %dma_wait3A_1383 = arith.constant 0 : i32
      %dma_wait3A_1384 = arith.constant 0 : i32
      %dma_wait3A_1385 = tpu.memref_slice %arg5[%dma_wait3A_1383, %dma_wait3A_1384] : memref<16x1000000xf32, #tpu.memory_space<hbm>> -> memref<16x128xf32, #tpu.memory_space<hbm>>
      %dma_wait3A_1386 = arith.constant 0 : i32
      %dma_wait3A_1387 = arith.constant 0 : i32
      %dma_wait3A_1388 = tpu.memref_slice %arg10[%dma_wait3A_1378, %dma_wait3A_1386, %dma_wait3A_1387] : memref<16x16x128xf32, #tpu.memory_space<vmem>> -> memref<1x16x128xf32, #tpu.memory_space<vmem>>
      %dma_wait3A_1389 = tpu.memref_squeeze %dma_wait3A_1388 : memref<1x16x128xf32, #tpu.memory_space<vmem>> -> memref<16x128xf32, #tpu.memory_space<vmem>>
      %dma_wait3A_1390 = arith.constant 0 : i32
      %dma_wait3A_1391 = arith.constant 0 : i32
      %dma_wait3A_1392 = tpu.memref_slice %arg5[%dma_wait3A_1390, %dma_wait3A_1391] : memref<16x1000000xf32, #tpu.memory_space<hbm>> -> memref<16x128xf32, #tpu.memory_space<hbm>>
      tpu.wait_dma2 semaphore(%arg15 : memref<!tpu.dma_semaphore, #tpu.memory_space<semaphore_mem>>) src(%dma_wait3A_1392 : memref<16x128xf32, #tpu.memory_space<hbm>>) dst(%dma_wait3A_1389 : memref<16x128xf32, #tpu.memory_space<vmem>>)
      %dma_wait3A_1393 = arith.constant 12 : i32
      %dma_wait3A_1394 = arith.constant 0 : i32
      %dma_wait3A_1395 = arith.constant 0 : i32
      %dma_wait3A_1396 = tpu.memref_slice %arg10[%dma_wait3A_1393, %dma_wait3A_1394, %dma_wait3A_1395] : memref<16x16x128xf32, #tpu.memory_space<vmem>> -> memref<1x16x128xf32, #tpu.memory_space<vmem>>
      %dma_wait3A_1397 = tpu.memref_squeeze %dma_wait3A_1396 : memref<1x16x128xf32, #tpu.memory_space<vmem>> -> memref<16x128xf32, #tpu.memory_space<vmem>>
      %dma_wait3A_1398 = arith.constant 0 : i32
      %dma_wait3A_1399 = arith.constant 0 : i32
      %dma_wait3A_1400 = tpu.memref_slice %arg5[%dma_wait3A_1398, %dma_wait3A_1399] : memref<16x1000000xf32, #tpu.memory_space<hbm>> -> memref<16x128xf32, #tpu.memory_space<hbm>>
      %dma_wait3A_1401 = arith.constant 0 : i32
      %dma_wait3A_1402 = arith.constant 0 : i32
      %dma_wait3A_1403 = tpu.memref_slice %arg10[%dma_wait3A_1393, %dma_wait3A_1401, %dma_wait3A_1402] : memref<16x16x128xf32, #tpu.memory_space<vmem>> -> memref<1x16x128xf32, #tpu.memory_space<vmem>>
      %dma_wait3A_1404 = tpu.memref_squeeze %dma_wait3A_1403 : memref<1x16x128xf32, #tpu.memory_space<vmem>> -> memref<16x128xf32, #tpu.memory_space<vmem>>
      %dma_wait3A_1405 = arith.constant 0 : i32
      %dma_wait3A_1406 = arith.constant 0 : i32
      %dma_wait3A_1407 = tpu.memref_slice %arg5[%dma_wait3A_1405, %dma_wait3A_1406] : memref<16x1000000xf32, #tpu.memory_space<hbm>> -> memref<16x128xf32, #tpu.memory_space<hbm>>
      tpu.wait_dma2 semaphore(%arg15 : memref<!tpu.dma_semaphore, #tpu.memory_space<semaphore_mem>>) src(%dma_wait3A_1407 : memref<16x128xf32, #tpu.memory_space<hbm>>) dst(%dma_wait3A_1404 : memref<16x128xf32, #tpu.memory_space<vmem>>)
      %dma_wait3A_1408 = arith.constant 13 : i32
      %dma_wait3A_1409 = arith.constant 0 : i32
      %dma_wait3A_1410 = arith.constant 0 : i32
      %dma_wait3A_1411 = tpu.memref_slice %arg10[%dma_wait3A_1408, %dma_wait3A_1409, %dma_wait3A_1410] : memref<16x16x128xf32, #tpu.memory_space<vmem>> -> memref<1x16x128xf32, #tpu.memory_space<vmem>>
      %dma_wait3A_1412 = tpu.memref_squeeze %dma_wait3A_1411 : memref<1x16x128xf32, #tpu.memory_space<vmem>> -> memref<16x128xf32, #tpu.memory_space<vmem>>
      %dma_wait3A_1413 = arith.constant 0 : i32
      %dma_wait3A_1414 = arith.constant 0 : i32
      %dma_wait3A_1415 = tpu.memref_slice %arg5[%dma_wait3A_1413, %dma_wait3A_1414] : memref<16x1000000xf32, #tpu.memory_space<hbm>> -> memref<16x128xf32, #tpu.memory_space<hbm>>
      %dma_wait3A_1416 = arith.constant 0 : i32
      %dma_wait3A_1417 = arith.constant 0 : i32
      %dma_wait3A_1418 = tpu.memref_slice %arg10[%dma_wait3A_1408, %dma_wait3A_1416, %dma_wait3A_1417] : memref<16x16x128xf32, #tpu.memory_space<vmem>> -> memref<1x16x128xf32, #tpu.memory_space<vmem>>
      %dma_wait3A_1419 = tpu.memref_squeeze %dma_wait3A_1418 : memref<1x16x128xf32, #tpu.memory_space<vmem>> -> memref<16x128xf32, #tpu.memory_space<vmem>>
      %dma_wait3A_1420 = arith.constant 0 : i32
      %dma_wait3A_1421 = arith.constant 0 : i32
      %dma_wait3A_1422 = tpu.memref_slice %arg5[%dma_wait3A_1420, %dma_wait3A_1421] : memref<16x1000000xf32, #tpu.memory_space<hbm>> -> memref<16x128xf32, #tpu.memory_space<hbm>>
      tpu.wait_dma2 semaphore(%arg15 : memref<!tpu.dma_semaphore, #tpu.memory_space<semaphore_mem>>) src(%dma_wait3A_1422 : memref<16x128xf32, #tpu.memory_space<hbm>>) dst(%dma_wait3A_1419 : memref<16x128xf32, #tpu.memory_space<vmem>>)
      %dma_wait3A_1423 = arith.constant 14 : i32
      %dma_wait3A_1424 = arith.constant 0 : i32
      %dma_wait3A_1425 = arith.constant 0 : i32
      %dma_wait3A_1426 = tpu.memref_slice %arg10[%dma_wait3A_1423, %dma_wait3A_1424, %dma_wait3A_1425] : memref<16x16x128xf32, #tpu.memory_space<vmem>> -> memref<1x16x128xf32, #tpu.memory_space<vmem>>
      %dma_wait3A_1427 = tpu.memref_squeeze %dma_wait3A_1426 : memref<1x16x128xf32, #tpu.memory_space<vmem>> -> memref<16x128xf32, #tpu.memory_space<vmem>>
      %dma_wait3A_1428 = arith.constant 0 : i32
      %dma_wait3A_1429 = arith.constant 0 : i32
      %dma_wait3A_1430 = tpu.memref_slice %arg5[%dma_wait3A_1428, %dma_wait3A_1429] : memref<16x1000000xf32, #tpu.memory_space<hbm>> -> memref<16x128xf32, #tpu.memory_space<hbm>>
      %dma_wait3A_1431 = arith.constant 0 : i32
      %dma_wait3A_1432 = arith.constant 0 : i32
      %dma_wait3A_1433 = tpu.memref_slice %arg10[%dma_wait3A_1423, %dma_wait3A_1431, %dma_wait3A_1432] : memref<16x16x128xf32, #tpu.memory_space<vmem>> -> memref<1x16x128xf32, #tpu.memory_space<vmem>>
      %dma_wait3A_1434 = tpu.memref_squeeze %dma_wait3A_1433 : memref<1x16x128xf32, #tpu.memory_space<vmem>> -> memref<16x128xf32, #tpu.memory_space<vmem>>
      %dma_wait3A_1435 = arith.constant 0 : i32
      %dma_wait3A_1436 = arith.constant 0 : i32
      %dma_wait3A_1437 = tpu.memref_slice %arg5[%dma_wait3A_1435, %dma_wait3A_1436] : memref<16x1000000xf32, #tpu.memory_space<hbm>> -> memref<16x128xf32, #tpu.memory_space<hbm>>
      tpu.wait_dma2 semaphore(%arg15 : memref<!tpu.dma_semaphore, #tpu.memory_space<semaphore_mem>>) src(%dma_wait3A_1437 : memref<16x128xf32, #tpu.memory_space<hbm>>) dst(%dma_wait3A_1434 : memref<16x128xf32, #tpu.memory_space<vmem>>)
      %dma_wait3A_1438 = arith.constant 15 : i32
      %dma_wait3A_1439 = arith.constant 0 : i32
      %dma_wait3A_1440 = arith.constant 0 : i32
      %dma_wait3A_1441 = tpu.memref_slice %arg10[%dma_wait3A_1438, %dma_wait3A_1439, %dma_wait3A_1440] : memref<16x16x128xf32, #tpu.memory_space<vmem>> -> memref<1x16x128xf32, #tpu.memory_space<vmem>>
      %dma_wait3A_1442 = tpu.memref_squeeze %dma_wait3A_1441 : memref<1x16x128xf32, #tpu.memory_space<vmem>> -> memref<16x128xf32, #tpu.memory_space<vmem>>
      %dma_wait3A_1443 = arith.constant 0 : i32
      %dma_wait3A_1444 = arith.constant 0 : i32
      %dma_wait3A_1445 = tpu.memref_slice %arg5[%dma_wait3A_1443, %dma_wait3A_1444] : memref<16x1000000xf32, #tpu.memory_space<hbm>> -> memref<16x128xf32, #tpu.memory_space<hbm>>
      %dma_wait3A_1446 = arith.constant 0 : i32
      %dma_wait3A_1447 = arith.constant 0 : i32
      %dma_wait3A_1448 = tpu.memref_slice %arg10[%dma_wait3A_1438, %dma_wait3A_1446, %dma_wait3A_1447] : memref<16x16x128xf32, #tpu.memory_space<vmem>> -> memref<1x16x128xf32, #tpu.memory_space<vmem>>
      %dma_wait3A_1449 = tpu.memref_squeeze %dma_wait3A_1448 : memref<1x16x128xf32, #tpu.memory_space<vmem>> -> memref<16x128xf32, #tpu.memory_space<vmem>>
      %dma_wait3A_1450 = arith.constant 0 : i32
      %dma_wait3A_1451 = arith.constant 0 : i32
      %dma_wait3A_1452 = tpu.memref_slice %arg5[%dma_wait3A_1450, %dma_wait3A_1451] : memref<16x1000000xf32, #tpu.memory_space<hbm>> -> memref<16x128xf32, #tpu.memory_space<hbm>>
      tpu.wait_dma2 semaphore(%arg15 : memref<!tpu.dma_semaphore, #tpu.memory_space<semaphore_mem>>) src(%dma_wait3A_1452 : memref<16x128xf32, #tpu.memory_space<hbm>>) dst(%dma_wait3A_1449 : memref<16x128xf32, #tpu.memory_space<vmem>>)
      %mul3A_1453 = arith.constant 16 : i32
      %mul3A_1454 = arith.muli %scan3A_410, %mul3A_1453 : i32
      %add3A_1455 = arith.constant 0 : i32
      %add3A_1456 = arith.addi %mul3A_1454, %add3A_1455 : i32
      %broadcast_in_dim3A_1457 = arith.constant 0 : i32
      %broadcast_in_dim3A_1458 = vector.broadcast %broadcast_in_dim3A_1457 : i32 to vector<16xi32>
      %slice3A_1459 = vector.extract_strided_slice %get3A_1212 {offsets = [0], sizes = [1], strides = [1]} : vector<16xi32> to vector<1xi32>
      %squeeze3A_1460 = vector.extract %slice3A_1459[0] : i32 from vector<1xi32>
      %and3A_1461 = arith.constant 127 : i32
      %and3A_1462 = arith.andi %squeeze3A_1460, %and3A_1461 : i32
      %broadcast_in_dim3A_1463 = vector.broadcast %and3A_1462 : i32 to vector<16xi32>
      %gather3A_1464 = tpu.vector_load_idx %arg10[%broadcast_in_dim3A_1458, %iota3A, %broadcast_in_dim3A_1463] : memref<16x16x128xf32, #tpu.memory_space<vmem>>[vector<16xi32>, vector<16xi32>, vector<16xi32>], vector<16xf32>,
      %broadcast_in_dim3A_1465 = vector.broadcast %add3A_1456 : i32 to vector<16xi32>
      tpu.vector_store_idx %arg12[%iota3A, %broadcast_in_dim3A_1465], %gather3A_1464 : memref<16x512xf32, #tpu.memory_space<vmem>>[vector<16xi32>, vector<16xi32>], vector<16xf32>,
      %mul3A_1466 = arith.constant 16 : i32
      %mul3A_1467 = arith.muli %scan3A_410, %mul3A_1466 : i32
      %add3A_1468 = arith.constant 1 : i32
      %add3A_1469 = arith.addi %mul3A_1467, %add3A_1468 : i32
      %broadcast_in_dim3A_1470 = arith.constant 1 : i32
      %broadcast_in_dim3A_1471 = vector.broadcast %broadcast_in_dim3A_1470 : i32 to vector<16xi32>
      %slice3A_1472 = vector.extract_strided_slice %get3A_1212 {offsets = [1], sizes = [1], strides = [1]} : vector<16xi32> to vector<1xi32>
      %squeeze3A_1473 = vector.extract %slice3A_1472[0] : i32 from vector<1xi32>
      %and3A_1474 = arith.constant 127 : i32
      %and3A_1475 = arith.andi %squeeze3A_1473, %and3A_1474 : i32
      %broadcast_in_dim3A_1476 = vector.broadcast %and3A_1475 : i32 to vector<16xi32>
      %gather3A_1477 = tpu.vector_load_idx %arg10[%broadcast_in_dim3A_1471, %iota3A, %broadcast_in_dim3A_1476] : memref<16x16x128xf32, #tpu.memory_space<vmem>>[vector<16xi32>, vector<16xi32>, vector<16xi32>], vector<16xf32>,
      %broadcast_in_dim3A_1478 = vector.broadcast %add3A_1469 : i32 to vector<16xi32>
      tpu.vector_store_idx %arg12[%iota3A, %broadcast_in_dim3A_1478], %gather3A_1477 : memref<16x512xf32, #tpu.memory_space<vmem>>[vector<16xi32>, vector<16xi32>], vector<16xf32>,
      %mul3A_1479 = arith.constant 16 : i32
      %mul3A_1480 = arith.muli %scan3A_410, %mul3A_1479 : i32
      %add3A_1481 = arith.constant 2 : i32
      %add3A_1482 = arith.addi %mul3A_1480, %add3A_1481 : i32
      %broadcast_in_dim3A_1483 = arith.constant 2 : i32
      %broadcast_in_dim3A_1484 = vector.broadcast %broadcast_in_dim3A_1483 : i32 to vector<16xi32>
      %slice3A_1485 = vector.extract_strided_slice %get3A_1212 {offsets = [2], sizes = [1], strides = [1]} : vector<16xi32> to vector<1xi32>
      %squeeze3A_1486 = vector.extract %slice3A_1485[0] : i32 from vector<1xi32>
      %and3A_1487 = arith.constant 127 : i32
      %and3A_1488 = arith.andi %squeeze3A_1486, %and3A_1487 : i32
      %broadcast_in_dim3A_1489 = vector.broadcast %and3A_1488 : i32 to vector<16xi32>
      %gather3A_1490 = tpu.vector_load_idx %arg10[%broadcast_in_dim3A_1484, %iota3A, %broadcast_in_dim3A_1489] : memref<16x16x128xf32, #tpu.memory_space<vmem>>[vector<16xi32>, vector<16xi32>, vector<16xi32>], vector<16xf32>,
      %broadcast_in_dim3A_1491 = vector.broadcast %add3A_1482 : i32 to vector<16xi32>
      tpu.vector_store_idx %arg12[%iota3A, %broadcast_in_dim3A_1491], %gather3A_1490 : memref<16x512xf32, #tpu.memory_space<vmem>>[vector<16xi32>, vector<16xi32>], vector<16xf32>,
      %mul3A_1492 = arith.constant 16 : i32
      %mul3A_1493 = arith.muli %scan3A_410, %mul3A_1492 : i32
      %add3A_1494 = arith.constant 3 : i32
      %add3A_1495 = arith.addi %mul3A_1493, %add3A_1494 : i32
      %broadcast_in_dim3A_1496 = arith.constant 3 : i32
      %broadcast_in_dim3A_1497 = vector.broadcast %broadcast_in_dim3A_1496 : i32 to vector<16xi32>
      %slice3A_1498 = vector.extract_strided_slice %get3A_1212 {offsets = [3], sizes = [1], strides = [1]} : vector<16xi32> to vector<1xi32>
      %squeeze3A_1499 = vector.extract %slice3A_1498[0] : i32 from vector<1xi32>
      %and3A_1500 = arith.constant 127 : i32
      %and3A_1501 = arith.andi %squeeze3A_1499, %and3A_1500 : i32
      %broadcast_in_dim3A_1502 = vector.broadcast %and3A_1501 : i32 to vector<16xi32>
      %gather3A_1503 = tpu.vector_load_idx %arg10[%broadcast_in_dim3A_1497, %iota3A, %broadcast_in_dim3A_1502] : memref<16x16x128xf32, #tpu.memory_space<vmem>>[vector<16xi32>, vector<16xi32>, vector<16xi32>], vector<16xf32>,
      %broadcast_in_dim3A_1504 = vector.broadcast %add3A_1495 : i32 to vector<16xi32>
      tpu.vector_store_idx %arg12[%iota3A, %broadcast_in_dim3A_1504], %gather3A_1503 : memref<16x512xf32, #tpu.memory_space<vmem>>[vector<16xi32>, vector<16xi32>], vector<16xf32>,
      %mul3A_1505 = arith.constant 16 : i32
      %mul3A_1506 = arith.muli %scan3A_410, %mul3A_1505 : i32
      %add3A_1507 = arith.constant 4 : i32
      %add3A_1508 = arith.addi %mul3A_1506, %add3A_1507 : i32
      %broadcast_in_dim3A_1509 = arith.constant 4 : i32
      %broadcast_in_dim3A_1510 = vector.broadcast %broadcast_in_dim3A_1509 : i32 to vector<16xi32>
      %slice3A_1511 = vector.extract_strided_slice %get3A_1212 {offsets = [4], sizes = [1], strides = [1]} : vector<16xi32> to vector<1xi32>
      %squeeze3A_1512 = vector.extract %slice3A_1511[0] : i32 from vector<1xi32>
      %and3A_1513 = arith.constant 127 : i32
      %and3A_1514 = arith.andi %squeeze3A_1512, %and3A_1513 : i32
      %broadcast_in_dim3A_1515 = vector.broadcast %and3A_1514 : i32 to vector<16xi32>
      %gather3A_1516 = tpu.vector_load_idx %arg10[%broadcast_in_dim3A_1510, %iota3A, %broadcast_in_dim3A_1515] : memref<16x16x128xf32, #tpu.memory_space<vmem>>[vector<16xi32>, vector<16xi32>, vector<16xi32>], vector<16xf32>,
      %broadcast_in_dim3A_1517 = vector.broadcast %add3A_1508 : i32 to vector<16xi32>
      tpu.vector_store_idx %arg12[%iota3A, %broadcast_in_dim3A_1517], %gather3A_1516 : memref<16x512xf32, #tpu.memory_space<vmem>>[vector<16xi32>, vector<16xi32>], vector<16xf32>,
      %mul3A_1518 = arith.constant 16 : i32
      %mul3A_1519 = arith.muli %scan3A_410, %mul3A_1518 : i32
      %add3A_1520 = arith.constant 5 : i32
      %add3A_1521 = arith.addi %mul3A_1519, %add3A_1520 : i32
      %broadcast_in_dim3A_1522 = arith.constant 5 : i32
      %broadcast_in_dim3A_1523 = vector.broadcast %broadcast_in_dim3A_1522 : i32 to vector<16xi32>
      %slice3A_1524 = vector.extract_strided_slice %get3A_1212 {offsets = [5], sizes = [1], strides = [1]} : vector<16xi32> to vector<1xi32>
      %squeeze3A_1525 = vector.extract %slice3A_1524[0] : i32 from vector<1xi32>
      %and3A_1526 = arith.constant 127 : i32
      %and3A_1527 = arith.andi %squeeze3A_1525, %and3A_1526 : i32
      %broadcast_in_dim3A_1528 = vector.broadcast %and3A_1527 : i32 to vector<16xi32>
      %gather3A_1529 = tpu.vector_load_idx %arg10[%broadcast_in_dim3A_1523, %iota3A, %broadcast_in_dim3A_1528] : memref<16x16x128xf32, #tpu.memory_space<vmem>>[vector<16xi32>, vector<16xi32>, vector<16xi32>], vector<16xf32>,
      %broadcast_in_dim3A_1530 = vector.broadcast %add3A_1521 : i32 to vector<16xi32>
      tpu.vector_store_idx %arg12[%iota3A, %broadcast_in_dim3A_1530], %gather3A_1529 : memref<16x512xf32, #tpu.memory_space<vmem>>[vector<16xi32>, vector<16xi32>], vector<16xf32>,
      %mul3A_1531 = arith.constant 16 : i32
      %mul3A_1532 = arith.muli %scan3A_410, %mul3A_1531 : i32
      %add3A_1533 = arith.constant 6 : i32
      %add3A_1534 = arith.addi %mul3A_1532, %add3A_1533 : i32
      %broadcast_in_dim3A_1535 = arith.constant 6 : i32
      %broadcast_in_dim3A_1536 = vector.broadcast %broadcast_in_dim3A_1535 : i32 to vector<16xi32>
      %slice3A_1537 = vector.extract_strided_slice %get3A_1212 {offsets = [6], sizes = [1], strides = [1]} : vector<16xi32> to vector<1xi32>
      %squeeze3A_1538 = vector.extract %slice3A_1537[0] : i32 from vector<1xi32>
      %and3A_1539 = arith.constant 127 : i32
      %and3A_1540 = arith.andi %squeeze3A_1538, %and3A_1539 : i32
      %broadcast_in_dim3A_1541 = vector.broadcast %and3A_1540 : i32 to vector<16xi32>
      %gather3A_1542 = tpu.vector_load_idx %arg10[%broadcast_in_dim3A_1536, %iota3A, %broadcast_in_dim3A_1541] : memref<16x16x128xf32, #tpu.memory_space<vmem>>[vector<16xi32>, vector<16xi32>, vector<16xi32>], vector<16xf32>,
      %broadcast_in_dim3A_1543 = vector.broadcast %add3A_1534 : i32 to vector<16xi32>
      tpu.vector_store_idx %arg12[%iota3A, %broadcast_in_dim3A_1543], %gather3A_1542 : memref<16x512xf32, #tpu.memory_space<vmem>>[vector<16xi32>, vector<16xi32>], vector<16xf32>,
      %mul3A_1544 = arith.constant 16 : i32
      %mul3A_1545 = arith.muli %scan3A_410, %mul3A_1544 : i32
      %add3A_1546 = arith.constant 7 : i32
      %add3A_1547 = arith.addi %mul3A_1545, %add3A_1546 : i32
      %broadcast_in_dim3A_1548 = arith.constant 7 : i32
      %broadcast_in_dim3A_1549 = vector.broadcast %broadcast_in_dim3A_1548 : i32 to vector<16xi32>
      %slice3A_1550 = vector.extract_strided_slice %get3A_1212 {offsets = [7], sizes = [1], strides = [1]} : vector<16xi32> to vector<1xi32>
      %squeeze3A_1551 = vector.extract %slice3A_1550[0] : i32 from vector<1xi32>
      %and3A_1552 = arith.constant 127 : i32
      %and3A_1553 = arith.andi %squeeze3A_1551, %and3A_1552 : i32
      %broadcast_in_dim3A_1554 = vector.broadcast %and3A_1553 : i32 to vector<16xi32>
      %gather3A_1555 = tpu.vector_load_idx %arg10[%broadcast_in_dim3A_1549, %iota3A, %broadcast_in_dim3A_1554] : memref<16x16x128xf32, #tpu.memory_space<vmem>>[vector<16xi32>, vector<16xi32>, vector<16xi32>], vector<16xf32>,
      %broadcast_in_dim3A_1556 = vector.broadcast %add3A_1547 : i32 to vector<16xi32>
      tpu.vector_store_idx %arg12[%iota3A, %broadcast_in_dim3A_1556], %gather3A_1555 : memref<16x512xf32, #tpu.memory_space<vmem>>[vector<16xi32>, vector<16xi32>], vector<16xf32>,
      %mul3A_1557 = arith.constant 16 : i32
      %mul3A_1558 = arith.muli %scan3A_410, %mul3A_1557 : i32
      %add3A_1559 = arith.constant 8 : i32
      %add3A_1560 = arith.addi %mul3A_1558, %add3A_1559 : i32
      %broadcast_in_dim3A_1561 = arith.constant 8 : i32
      %broadcast_in_dim3A_1562 = vector.broadcast %broadcast_in_dim3A_1561 : i32 to vector<16xi32>
      %slice3A_1563 = vector.extract_strided_slice %get3A_1212 {offsets = [8], sizes = [1], strides = [1]} : vector<16xi32> to vector<1xi32>
      %squeeze3A_1564 = vector.extract %slice3A_1563[0] : i32 from vector<1xi32>
      %and3A_1565 = arith.constant 127 : i32
      %and3A_1566 = arith.andi %squeeze3A_1564, %and3A_1565 : i32
      %broadcast_in_dim3A_1567 = vector.broadcast %and3A_1566 : i32 to vector<16xi32>
      %gather3A_1568 = tpu.vector_load_idx %arg10[%broadcast_in_dim3A_1562, %iota3A, %broadcast_in_dim3A_1567] : memref<16x16x128xf32, #tpu.memory_space<vmem>>[vector<16xi32>, vector<16xi32>, vector<16xi32>], vector<16xf32>,
      %broadcast_in_dim3A_1569 = vector.broadcast %add3A_1560 : i32 to vector<16xi32>
      tpu.vector_store_idx %arg12[%iota3A, %broadcast_in_dim3A_1569], %gather3A_1568 : memref<16x512xf32, #tpu.memory_space<vmem>>[vector<16xi32>, vector<16xi32>], vector<16xf32>,
      %mul3A_1570 = arith.constant 16 : i32
      %mul3A_1571 = arith.muli %scan3A_410, %mul3A_1570 : i32
      %add3A_1572 = arith.constant 9 : i32
      %add3A_1573 = arith.addi %mul3A_1571, %add3A_1572 : i32
      %broadcast_in_dim3A_1574 = arith.constant 9 : i32
      %broadcast_in_dim3A_1575 = vector.broadcast %broadcast_in_dim3A_1574 : i32 to vector<16xi32>
      %slice3A_1576 = vector.extract_strided_slice %get3A_1212 {offsets = [9], sizes = [1], strides = [1]} : vector<16xi32> to vector<1xi32>
      %squeeze3A_1577 = vector.extract %slice3A_1576[0] : i32 from vector<1xi32>
      %and3A_1578 = arith.constant 127 : i32
      %and3A_1579 = arith.andi %squeeze3A_1577, %and3A_1578 : i32
      %broadcast_in_dim3A_1580 = vector.broadcast %and3A_1579 : i32 to vector<16xi32>
      %gather3A_1581 = tpu.vector_load_idx %arg10[%broadcast_in_dim3A_1575, %iota3A, %broadcast_in_dim3A_1580] : memref<16x16x128xf32, #tpu.memory_space<vmem>>[vector<16xi32>, vector<16xi32>, vector<16xi32>], vector<16xf32>,
      %broadcast_in_dim3A_1582 = vector.broadcast %add3A_1573 : i32 to vector<16xi32>
      tpu.vector_store_idx %arg12[%iota3A, %broadcast_in_dim3A_1582], %gather3A_1581 : memref<16x512xf32, #tpu.memory_space<vmem>>[vector<16xi32>, vector<16xi32>], vector<16xf32>,
      %mul3A_1583 = arith.constant 16 : i32
      %mul3A_1584 = arith.muli %scan3A_410, %mul3A_1583 : i32
      %add3A_1585 = arith.constant 10 : i32
      %add3A_1586 = arith.addi %mul3A_1584, %add3A_1585 : i32
      %broadcast_in_dim3A_1587 = arith.constant 10 : i32
      %broadcast_in_dim3A_1588 = vector.broadcast %broadcast_in_dim3A_1587 : i32 to vector<16xi32>
      %slice3A_1589 = vector.extract_strided_slice %get3A_1212 {offsets = [10], sizes = [1], strides = [1]} : vector<16xi32> to vector<1xi32>
      %squeeze3A_1590 = vector.extract %slice3A_1589[0] : i32 from vector<1xi32>
      %and3A_1591 = arith.constant 127 : i32
      %and3A_1592 = arith.andi %squeeze3A_1590, %and3A_1591 : i32
      %broadcast_in_dim3A_1593 = vector.broadcast %and3A_1592 : i32 to vector<16xi32>
      %gather3A_1594 = tpu.vector_load_idx %arg10[%broadcast_in_dim3A_1588, %iota3A, %broadcast_in_dim3A_1593] : memref<16x16x128xf32, #tpu.memory_space<vmem>>[vector<16xi32>, vector<16xi32>, vector<16xi32>], vector<16xf32>,
      %broadcast_in_dim3A_1595 = vector.broadcast %add3A_1586 : i32 to vector<16xi32>
      tpu.vector_store_idx %arg12[%iota3A, %broadcast_in_dim3A_1595], %gather3A_1594 : memref<16x512xf32, #tpu.memory_space<vmem>>[vector<16xi32>, vector<16xi32>], vector<16xf32>,
      %mul3A_1596 = arith.constant 16 : i32
      %mul3A_1597 = arith.muli %scan3A_410, %mul3A_1596 : i32
      %add3A_1598 = arith.constant 11 : i32
      %add3A_1599 = arith.addi %mul3A_1597, %add3A_1598 : i32
      %broadcast_in_dim3A_1600 = arith.constant 11 : i32
      %broadcast_in_dim3A_1601 = vector.broadcast %broadcast_in_dim3A_1600 : i32 to vector<16xi32>
      %slice3A_1602 = vector.extract_strided_slice %get3A_1212 {offsets = [11], sizes = [1], strides = [1]} : vector<16xi32> to vector<1xi32>
      %squeeze3A_1603 = vector.extract %slice3A_1602[0] : i32 from vector<1xi32>
      %and3A_1604 = arith.constant 127 : i32
      %and3A_1605 = arith.andi %squeeze3A_1603, %and3A_1604 : i32
      %broadcast_in_dim3A_1606 = vector.broadcast %and3A_1605 : i32 to vector<16xi32>
      %gather3A_1607 = tpu.vector_load_idx %arg10[%broadcast_in_dim3A_1601, %iota3A, %broadcast_in_dim3A_1606] : memref<16x16x128xf32, #tpu.memory_space<vmem>>[vector<16xi32>, vector<16xi32>, vector<16xi32>], vector<16xf32>,
      %broadcast_in_dim3A_1608 = vector.broadcast %add3A_1599 : i32 to vector<16xi32>
      tpu.vector_store_idx %arg12[%iota3A, %broadcast_in_dim3A_1608], %gather3A_1607 : memref<16x512xf32, #tpu.memory_space<vmem>>[vector<16xi32>, vector<16xi32>], vector<16xf32>,
      %mul3A_1609 = arith.constant 16 : i32
      %mul3A_1610 = arith.muli %scan3A_410, %mul3A_1609 : i32
      %add3A_1611 = arith.constant 12 : i32
      %add3A_1612 = arith.addi %mul3A_1610, %add3A_1611 : i32
      %broadcast_in_dim3A_1613 = arith.constant 12 : i32
      %broadcast_in_dim3A_1614 = vector.broadcast %broadcast_in_dim3A_1613 : i32 to vector<16xi32>
      %slice3A_1615 = vector.extract_strided_slice %get3A_1212 {offsets = [12], sizes = [1], strides = [1]} : vector<16xi32> to vector<1xi32>
      %squeeze3A_1616 = vector.extract %slice3A_1615[0] : i32 from vector<1xi32>
      %and3A_1617 = arith.constant 127 : i32
      %and3A_1618 = arith.andi %squeeze3A_1616, %and3A_1617 : i32
      %broadcast_in_dim3A_1619 = vector.broadcast %and3A_1618 : i32 to vector<16xi32>
      %gather3A_1620 = tpu.vector_load_idx %arg10[%broadcast_in_dim3A_1614, %iota3A, %broadcast_in_dim3A_1619] : memref<16x16x128xf32, #tpu.memory_space<vmem>>[vector<16xi32>, vector<16xi32>, vector<16xi32>], vector<16xf32>,
      %broadcast_in_dim3A_1621 = vector.broadcast %add3A_1612 : i32 to vector<16xi32>
      tpu.vector_store_idx %arg12[%iota3A, %broadcast_in_dim3A_1621], %gather3A_1620 : memref<16x512xf32, #tpu.memory_space<vmem>>[vector<16xi32>, vector<16xi32>], vector<16xf32>,
      %mul3A_1622 = arith.constant 16 : i32
      %mul3A_1623 = arith.muli %scan3A_410, %mul3A_1622 : i32
      %add3A_1624 = arith.constant 13 : i32
      %add3A_1625 = arith.addi %mul3A_1623, %add3A_1624 : i32
      %broadcast_in_dim3A_1626 = arith.constant 13 : i32
      %broadcast_in_dim3A_1627 = vector.broadcast %broadcast_in_dim3A_1626 : i32 to vector<16xi32>
      %slice3A_1628 = vector.extract_strided_slice %get3A_1212 {offsets = [13], sizes = [1], strides = [1]} : vector<16xi32> to vector<1xi32>
      %squeeze3A_1629 = vector.extract %slice3A_1628[0] : i32 from vector<1xi32>
      %and3A_1630 = arith.constant 127 : i32
      %and3A_1631 = arith.andi %squeeze3A_1629, %and3A_1630 : i32
      %broadcast_in_dim3A_1632 = vector.broadcast %and3A_1631 : i32 to vector<16xi32>
      %gather3A_1633 = tpu.vector_load_idx %arg10[%broadcast_in_dim3A_1627, %iota3A, %broadcast_in_dim3A_1632] : memref<16x16x128xf32, #tpu.memory_space<vmem>>[vector<16xi32>, vector<16xi32>, vector<16xi32>], vector<16xf32>,
      %broadcast_in_dim3A_1634 = vector.broadcast %add3A_1625 : i32 to vector<16xi32>
      tpu.vector_store_idx %arg12[%iota3A, %broadcast_in_dim3A_1634], %gather3A_1633 : memref<16x512xf32, #tpu.memory_space<vmem>>[vector<16xi32>, vector<16xi32>], vector<16xf32>,
      %mul3A_1635 = arith.constant 16 : i32
      %mul3A_1636 = arith.muli %scan3A_410, %mul3A_1635 : i32
      %add3A_1637 = arith.constant 14 : i32
      %add3A_1638 = arith.addi %mul3A_1636, %add3A_1637 : i32
      %broadcast_in_dim3A_1639 = arith.constant 14 : i32
      %broadcast_in_dim3A_1640 = vector.broadcast %broadcast_in_dim3A_1639 : i32 to vector<16xi32>
      %slice3A_1641 = vector.extract_strided_slice %get3A_1212 {offsets = [14], sizes = [1], strides = [1]} : vector<16xi32> to vector<1xi32>
      %squeeze3A_1642 = vector.extract %slice3A_1641[0] : i32 from vector<1xi32>
      %and3A_1643 = arith.constant 127 : i32
      %and3A_1644 = arith.andi %squeeze3A_1642, %and3A_1643 : i32
      %broadcast_in_dim3A_1645 = vector.broadcast %and3A_1644 : i32 to vector<16xi32>
      %gather3A_1646 = tpu.vector_load_idx %arg10[%broadcast_in_dim3A_1640, %iota3A, %broadcast_in_dim3A_1645] : memref<16x16x128xf32, #tpu.memory_space<vmem>>[vector<16xi32>, vector<16xi32>, vector<16xi32>], vector<16xf32>,
      %broadcast_in_dim3A_1647 = vector.broadcast %add3A_1638 : i32 to vector<16xi32>
      tpu.vector_store_idx %arg12[%iota3A, %broadcast_in_dim3A_1647], %gather3A_1646 : memref<16x512xf32, #tpu.memory_space<vmem>>[vector<16xi32>, vector<16xi32>], vector<16xf32>,
      %mul3A_1648 = arith.constant 16 : i32
      %mul3A_1649 = arith.muli %scan3A_410, %mul3A_1648 : i32
      %add3A_1650 = arith.constant 15 : i32
      %add3A_1651 = arith.addi %mul3A_1649, %add3A_1650 : i32
      %broadcast_in_dim3A_1652 = arith.constant 15 : i32
      %broadcast_in_dim3A_1653 = vector.broadcast %broadcast_in_dim3A_1652 : i32 to vector<16xi32>
      %slice3A_1654 = vector.extract_strided_slice %get3A_1212 {offsets = [15], sizes = [1], strides = [1]} : vector<16xi32> to vector<1xi32>
      %squeeze3A_1655 = vector.extract %slice3A_1654[0] : i32 from vector<1xi32>
      %and3A_1656 = arith.constant 127 : i32
      %and3A_1657 = arith.andi %squeeze3A_1655, %and3A_1656 : i32
      %broadcast_in_dim3A_1658 = vector.broadcast %and3A_1657 : i32 to vector<16xi32>
      %gather3A_1659 = tpu.vector_load_idx %arg10[%broadcast_in_dim3A_1653, %iota3A, %broadcast_in_dim3A_1658] : memref<16x16x128xf32, #tpu.memory_space<vmem>>[vector<16xi32>, vector<16xi32>, vector<16xi32>], vector<16xf32>,
      %broadcast_in_dim3A_1660 = vector.broadcast %add3A_1651 : i32 to vector<16xi32>
      tpu.vector_store_idx %arg12[%iota3A, %broadcast_in_dim3A_1660], %gather3A_1659 : memref<16x512xf32, #tpu.memory_space<vmem>>[vector<16xi32>, vector<16xi32>], vector<16xf32>,
      %scan3A_1661 = arith.constant 0 : i32
      scf.yield %scan3A_1661 : i32
    }
    %scan3A_402 = arith.constant 32 : i32
    %scan3A_403 = arith.constant 0 : i32
    %scan3A_404 = arith.constant 0 : i32
    %scan3A_405 = arith.constant 32 : i32
    %scan3A_406 = arith.addi %scan3A_404, %scan3A_405 : i32
    %scan3A_407 = arith.constant 1 : i32
    %scan3A_408 = scf.for %scan3A_410 = %scan3A_404 to %scan3A_406 step %scan3A_407 iter_args(%scan3A_411 = %scan3A_403) -> (i32)  : i32 {
      %mul3A_412 = arith.constant 16 : i32
      %mul3A_413 = arith.muli %mul3A_412, %scan3A_410 : i32
      %get3A_414 = arith.constant 0 : i32
      %get3A_415 = arith.index_cast %get3A_414 : i32 to index
      %get3A_416 = arith.index_cast %mul3A_413 : i32 to index
      %get3A_417 = tpu.vector_load %arg8[%get3A_415, %get3A_416] {strides = array<i32>} : memref<2x512xi32, #tpu.memory_space<vmem>>, vector<16xi32>,
      %mul3A_418 = arith.constant 16 : i32
      %mul3A_419 = arith.muli %mul3A_418, %scan3A_410 : i32
      %get3A_420 = arith.constant 1 : i32
      %get3A_421 = arith.index_cast %get3A_420 : i32 to index
      %get3A_422 = arith.index_cast %mul3A_419 : i32 to index
      %get3A_423 = tpu.vector_load %arg8[%get3A_421, %get3A_422] {strides = array<i32>} : memref<2x512xi32, #tpu.memory_space<vmem>>, vector<16xi32>,
      %ge3A = arith.constant 999936 : i32
      %ge3A_424 = vector.broadcast %ge3A : i32 to vector<16xi32>
      %ge3A_425 = arith.cmpi sge, %get3A_417, %ge3A_424 : vector<16xi32>
      %reduce_or3A = arith.constant 1.000000e+00 : f32
      %reduce_or3A_426 = arith.constant 0.000000e+00 : f32
      %reduce_or3A_427 = vector.broadcast %reduce_or3A : f32 to vector<16xf32>
      %reduce_or3A_428 = vector.broadcast %reduce_or3A_426 : f32 to vector<16xf32>
      %reduce_or3A_429 = arith.select %ge3A_425, %reduce_or3A_427, %reduce_or3A_428 : vector<16xi1>, vector<16xf32>
      %reduce_or3A_430 = arith.constant true
      %reduce_or3A_431 = vector.broadcast %reduce_or3A_430 : i1 to vector<16xi1>
      %reduce_or3A_432 = tpu.scan <max>, %reduce_or3A_429 masked %reduce_or3A_431 : vector<16xf32>, vector<16xi1> -> vector<16xf32>
      %reduce_or3A_433 = vector.extract %reduce_or3A_432[15] : f32 from vector<16xf32>
      %reduce_or3A_434 = arith.constant 0.000000e+00 : f32
      %reduce_or3A_435 = arith.cmpf ogt, %reduce_or3A_433, %reduce_or3A_434 : f32
      %convert_element_type3A = arith.extui %reduce_or3A_435 : i1 to i32
      %cond3A = arith.constant 0 : i32
      %cond3A_436 = arith.cmpi ne, %convert_element_type3A, %cond3A : i32
      scf.if %cond3A_436 {
        %mul3A_455 = arith.constant 16 : i32
        %mul3A_456 = arith.muli %scan3A_410, %mul3A_455 : i32
        %add3A_457 = arith.constant 0 : i32
        %add3A_458 = arith.addi %mul3A_456, %add3A_457 : i32
        %slice3A_459 = vector.extract_strided_slice %get3A_417 {offsets = [0], sizes = [1], strides = [1]} : vector<16xi32> to vector<1xi32>
        %squeeze3A_460 = vector.extract %slice3A_459[0] : i32 from vector<1xi32>
        %ge3A_461 = arith.constant 999936 : i32
        %ge3A_462 = arith.cmpi sge, %squeeze3A_460, %ge3A_461 : i32
        %convert_element_type3A_463 = arith.extui %ge3A_462 : i1 to i32
        %cond3A_464 = arith.constant 0 : i32
        %cond3A_465 = arith.cmpi ne, %convert_element_type3A_463, %cond3A_464 : i32
        scf.if %cond3A_465 {
          %broadcast_in_dim3A = arith.constant 0 : i32
          %broadcast_in_dim3A_631 = vector.broadcast %broadcast_in_dim3A : i32 to vector<16xi32>
          %sub3A = arith.constant 999936 : i32
          %sub3A_632 = arith.subi %squeeze3A_460, %sub3A : i32
          %broadcast_in_dim3A_633 = vector.broadcast %sub3A_632 : i32 to vector<16xi32>
          %gather3A = tpu.vector_load_idx %arg13[%broadcast_in_dim3A_631, %iota3A, %broadcast_in_dim3A_633] : memref<2x16x64xf32, #tpu.memory_space<vmem>>[vector<16xi32>, vector<16xi32>, vector<16xi32>], vector<16xf32>,
          %broadcast_in_dim3A_634 = vector.broadcast %add3A_458 : i32 to vector<16xi32>
          tpu.vector_store_idx %arg11[%iota3A, %broadcast_in_dim3A_634], %gather3A : memref<16x512xf32, #tpu.memory_space<vmem>>[vector<16xi32>, vector<16xi32>], vector<16xf32>,
        } else {
        }
        %mul3A_466 = arith.constant 16 : i32
        %mul3A_467 = arith.muli %scan3A_410, %mul3A_466 : i32
        %add3A_468 = arith.constant 1 : i32
        %add3A_469 = arith.addi %mul3A_467, %add3A_468 : i32
        %slice3A_470 = vector.extract_strided_slice %get3A_417 {offsets = [1], sizes = [1], strides = [1]} : vector<16xi32> to vector<1xi32>
        %squeeze3A_471 = vector.extract %slice3A_470[0] : i32 from vector<1xi32>
        %ge3A_472 = arith.constant 999936 : i32
        %ge3A_473 = arith.cmpi sge, %squeeze3A_471, %ge3A_472 : i32
        %convert_element_type3A_474 = arith.extui %ge3A_473 : i1 to i32
        %cond3A_475 = arith.constant 0 : i32
        %cond3A_476 = arith.cmpi ne, %convert_element_type3A_474, %cond3A_475 : i32
        scf.if %cond3A_476 {
          %broadcast_in_dim3A = arith.constant 0 : i32
          %broadcast_in_dim3A_631 = vector.broadcast %broadcast_in_dim3A : i32 to vector<16xi32>
          %sub3A = arith.constant 999936 : i32
          %sub3A_632 = arith.subi %squeeze3A_471, %sub3A : i32
          %broadcast_in_dim3A_633 = vector.broadcast %sub3A_632 : i32 to vector<16xi32>
          %gather3A = tpu.vector_load_idx %arg13[%broadcast_in_dim3A_631, %iota3A, %broadcast_in_dim3A_633] : memref<2x16x64xf32, #tpu.memory_space<vmem>>[vector<16xi32>, vector<16xi32>, vector<16xi32>], vector<16xf32>,
          %broadcast_in_dim3A_634 = vector.broadcast %add3A_469 : i32 to vector<16xi32>
          tpu.vector_store_idx %arg11[%iota3A, %broadcast_in_dim3A_634], %gather3A : memref<16x512xf32, #tpu.memory_space<vmem>>[vector<16xi32>, vector<16xi32>], vector<16xf32>,
        } else {
        }
        %mul3A_477 = arith.constant 16 : i32
        %mul3A_478 = arith.muli %scan3A_410, %mul3A_477 : i32
        %add3A_479 = arith.constant 2 : i32
        %add3A_480 = arith.addi %mul3A_478, %add3A_479 : i32
        %slice3A_481 = vector.extract_strided_slice %get3A_417 {offsets = [2], sizes = [1], strides = [1]} : vector<16xi32> to vector<1xi32>
        %squeeze3A_482 = vector.extract %slice3A_481[0] : i32 from vector<1xi32>
        %ge3A_483 = arith.constant 999936 : i32
        %ge3A_484 = arith.cmpi sge, %squeeze3A_482, %ge3A_483 : i32
        %convert_element_type3A_485 = arith.extui %ge3A_484 : i1 to i32
        %cond3A_486 = arith.constant 0 : i32
        %cond3A_487 = arith.cmpi ne, %convert_element_type3A_485, %cond3A_486 : i32
        scf.if %cond3A_487 {
          %broadcast_in_dim3A = arith.constant 0 : i32
          %broadcast_in_dim3A_631 = vector.broadcast %broadcast_in_dim3A : i32 to vector<16xi32>
          %sub3A = arith.constant 999936 : i32
          %sub3A_632 = arith.subi %squeeze3A_482, %sub3A : i32
          %broadcast_in_dim3A_633 = vector.broadcast %sub3A_632 : i32 to vector<16xi32>
          %gather3A = tpu.vector_load_idx %arg13[%broadcast_in_dim3A_631, %iota3A, %broadcast_in_dim3A_633] : memref<2x16x64xf32, #tpu.memory_space<vmem>>[vector<16xi32>, vector<16xi32>, vector<16xi32>], vector<16xf32>,
          %broadcast_in_dim3A_634 = vector.broadcast %add3A_480 : i32 to vector<16xi32>
          tpu.vector_store_idx %arg11[%iota3A, %broadcast_in_dim3A_634], %gather3A : memref<16x512xf32, #tpu.memory_space<vmem>>[vector<16xi32>, vector<16xi32>], vector<16xf32>,
        } else {
        }
        %mul3A_488 = arith.constant 16 : i32
        %mul3A_489 = arith.muli %scan3A_410, %mul3A_488 : i32
        %add3A_490 = arith.constant 3 : i32
        %add3A_491 = arith.addi %mul3A_489, %add3A_490 : i32
        %slice3A_492 = vector.extract_strided_slice %get3A_417 {offsets = [3], sizes = [1], strides = [1]} : vector<16xi32> to vector<1xi32>
        %squeeze3A_493 = vector.extract %slice3A_492[0] : i32 from vector<1xi32>
        %ge3A_494 = arith.constant 999936 : i32
        %ge3A_495 = arith.cmpi sge, %squeeze3A_493, %ge3A_494 : i32
        %convert_element_type3A_496 = arith.extui %ge3A_495 : i1 to i32
        %cond3A_497 = arith.constant 0 : i32
        %cond3A_498 = arith.cmpi ne, %convert_element_type3A_496, %cond3A_497 : i32
        scf.if %cond3A_498 {
          %broadcast_in_dim3A = arith.constant 0 : i32
          %broadcast_in_dim3A_631 = vector.broadcast %broadcast_in_dim3A : i32 to vector<16xi32>
          %sub3A = arith.constant 999936 : i32
          %sub3A_632 = arith.subi %squeeze3A_493, %sub3A : i32
          %broadcast_in_dim3A_633 = vector.broadcast %sub3A_632 : i32 to vector<16xi32>
          %gather3A = tpu.vector_load_idx %arg13[%broadcast_in_dim3A_631, %iota3A, %broadcast_in_dim3A_633] : memref<2x16x64xf32, #tpu.memory_space<vmem>>[vector<16xi32>, vector<16xi32>, vector<16xi32>], vector<16xf32>,
          %broadcast_in_dim3A_634 = vector.broadcast %add3A_491 : i32 to vector<16xi32>
          tpu.vector_store_idx %arg11[%iota3A, %broadcast_in_dim3A_634], %gather3A : memref<16x512xf32, #tpu.memory_space<vmem>>[vector<16xi32>, vector<16xi32>], vector<16xf32>,
        } else {
        }
        %mul3A_499 = arith.constant 16 : i32
        %mul3A_500 = arith.muli %scan3A_410, %mul3A_499 : i32
        %add3A_501 = arith.constant 4 : i32
        %add3A_502 = arith.addi %mul3A_500, %add3A_501 : i32
        %slice3A_503 = vector.extract_strided_slice %get3A_417 {offsets = [4], sizes = [1], strides = [1]} : vector<16xi32> to vector<1xi32>
        %squeeze3A_504 = vector.extract %slice3A_503[0] : i32 from vector<1xi32>
        %ge3A_505 = arith.constant 999936 : i32
        %ge3A_506 = arith.cmpi sge, %squeeze3A_504, %ge3A_505 : i32
        %convert_element_type3A_507 = arith.extui %ge3A_506 : i1 to i32
        %cond3A_508 = arith.constant 0 : i32
        %cond3A_509 = arith.cmpi ne, %convert_element_type3A_507, %cond3A_508 : i32
        scf.if %cond3A_509 {
          %broadcast_in_dim3A = arith.constant 0 : i32
          %broadcast_in_dim3A_631 = vector.broadcast %broadcast_in_dim3A : i32 to vector<16xi32>
          %sub3A = arith.constant 999936 : i32
          %sub3A_632 = arith.subi %squeeze3A_504, %sub3A : i32
          %broadcast_in_dim3A_633 = vector.broadcast %sub3A_632 : i32 to vector<16xi32>
          %gather3A = tpu.vector_load_idx %arg13[%broadcast_in_dim3A_631, %iota3A, %broadcast_in_dim3A_633] : memref<2x16x64xf32, #tpu.memory_space<vmem>>[vector<16xi32>, vector<16xi32>, vector<16xi32>], vector<16xf32>,
          %broadcast_in_dim3A_634 = vector.broadcast %add3A_502 : i32 to vector<16xi32>
          tpu.vector_store_idx %arg11[%iota3A, %broadcast_in_dim3A_634], %gather3A : memref<16x512xf32, #tpu.memory_space<vmem>>[vector<16xi32>, vector<16xi32>], vector<16xf32>,
        } else {
        }
        %mul3A_510 = arith.constant 16 : i32
        %mul3A_511 = arith.muli %scan3A_410, %mul3A_510 : i32
        %add3A_512 = arith.constant 5 : i32
        %add3A_513 = arith.addi %mul3A_511, %add3A_512 : i32
        %slice3A_514 = vector.extract_strided_slice %get3A_417 {offsets = [5], sizes = [1], strides = [1]} : vector<16xi32> to vector<1xi32>
        %squeeze3A_515 = vector.extract %slice3A_514[0] : i32 from vector<1xi32>
        %ge3A_516 = arith.constant 999936 : i32
        %ge3A_517 = arith.cmpi sge, %squeeze3A_515, %ge3A_516 : i32
        %convert_element_type3A_518 = arith.extui %ge3A_517 : i1 to i32
        %cond3A_519 = arith.constant 0 : i32
        %cond3A_520 = arith.cmpi ne, %convert_element_type3A_518, %cond3A_519 : i32
        scf.if %cond3A_520 {
          %broadcast_in_dim3A = arith.constant 0 : i32
          %broadcast_in_dim3A_631 = vector.broadcast %broadcast_in_dim3A : i32 to vector<16xi32>
          %sub3A = arith.constant 999936 : i32
          %sub3A_632 = arith.subi %squeeze3A_515, %sub3A : i32
          %broadcast_in_dim3A_633 = vector.broadcast %sub3A_632 : i32 to vector<16xi32>
          %gather3A = tpu.vector_load_idx %arg13[%broadcast_in_dim3A_631, %iota3A, %broadcast_in_dim3A_633] : memref<2x16x64xf32, #tpu.memory_space<vmem>>[vector<16xi32>, vector<16xi32>, vector<16xi32>], vector<16xf32>,
          %broadcast_in_dim3A_634 = vector.broadcast %add3A_513 : i32 to vector<16xi32>
          tpu.vector_store_idx %arg11[%iota3A, %broadcast_in_dim3A_634], %gather3A : memref<16x512xf32, #tpu.memory_space<vmem>>[vector<16xi32>, vector<16xi32>], vector<16xf32>,
        } else {
        }
        %mul3A_521 = arith.constant 16 : i32
        %mul3A_522 = arith.muli %scan3A_410, %mul3A_521 : i32
        %add3A_523 = arith.constant 6 : i32
        %add3A_524 = arith.addi %mul3A_522, %add3A_523 : i32
        %slice3A_525 = vector.extract_strided_slice %get3A_417 {offsets = [6], sizes = [1], strides = [1]} : vector<16xi32> to vector<1xi32>
        %squeeze3A_526 = vector.extract %slice3A_525[0] : i32 from vector<1xi32>
        %ge3A_527 = arith.constant 999936 : i32
        %ge3A_528 = arith.cmpi sge, %squeeze3A_526, %ge3A_527 : i32
        %convert_element_type3A_529 = arith.extui %ge3A_528 : i1 to i32
        %cond3A_530 = arith.constant 0 : i32
        %cond3A_531 = arith.cmpi ne, %convert_element_type3A_529, %cond3A_530 : i32
        scf.if %cond3A_531 {
          %broadcast_in_dim3A = arith.constant 0 : i32
          %broadcast_in_dim3A_631 = vector.broadcast %broadcast_in_dim3A : i32 to vector<16xi32>
          %sub3A = arith.constant 999936 : i32
          %sub3A_632 = arith.subi %squeeze3A_526, %sub3A : i32
          %broadcast_in_dim3A_633 = vector.broadcast %sub3A_632 : i32 to vector<16xi32>
          %gather3A = tpu.vector_load_idx %arg13[%broadcast_in_dim3A_631, %iota3A, %broadcast_in_dim3A_633] : memref<2x16x64xf32, #tpu.memory_space<vmem>>[vector<16xi32>, vector<16xi32>, vector<16xi32>], vector<16xf32>,
          %broadcast_in_dim3A_634 = vector.broadcast %add3A_524 : i32 to vector<16xi32>
          tpu.vector_store_idx %arg11[%iota3A, %broadcast_in_dim3A_634], %gather3A : memref<16x512xf32, #tpu.memory_space<vmem>>[vector<16xi32>, vector<16xi32>], vector<16xf32>,
        } else {
        }
        %mul3A_532 = arith.constant 16 : i32
        %mul3A_533 = arith.muli %scan3A_410, %mul3A_532 : i32
        %add3A_534 = arith.constant 7 : i32
        %add3A_535 = arith.addi %mul3A_533, %add3A_534 : i32
        %slice3A_536 = vector.extract_strided_slice %get3A_417 {offsets = [7], sizes = [1], strides = [1]} : vector<16xi32> to vector<1xi32>
        %squeeze3A_537 = vector.extract %slice3A_536[0] : i32 from vector<1xi32>
        %ge3A_538 = arith.constant 999936 : i32
        %ge3A_539 = arith.cmpi sge, %squeeze3A_537, %ge3A_538 : i32
        %convert_element_type3A_540 = arith.extui %ge3A_539 : i1 to i32
        %cond3A_541 = arith.constant 0 : i32
        %cond3A_542 = arith.cmpi ne, %convert_element_type3A_540, %cond3A_541 : i32
        scf.if %cond3A_542 {
          %broadcast_in_dim3A = arith.constant 0 : i32
          %broadcast_in_dim3A_631 = vector.broadcast %broadcast_in_dim3A : i32 to vector<16xi32>
          %sub3A = arith.constant 999936 : i32
          %sub3A_632 = arith.subi %squeeze3A_537, %sub3A : i32
          %broadcast_in_dim3A_633 = vector.broadcast %sub3A_632 : i32 to vector<16xi32>
          %gather3A = tpu.vector_load_idx %arg13[%broadcast_in_dim3A_631, %iota3A, %broadcast_in_dim3A_633] : memref<2x16x64xf32, #tpu.memory_space<vmem>>[vector<16xi32>, vector<16xi32>, vector<16xi32>], vector<16xf32>,
          %broadcast_in_dim3A_634 = vector.broadcast %add3A_535 : i32 to vector<16xi32>
          tpu.vector_store_idx %arg11[%iota3A, %broadcast_in_dim3A_634], %gather3A : memref<16x512xf32, #tpu.memory_space<vmem>>[vector<16xi32>, vector<16xi32>], vector<16xf32>,
        } else {
        }
        %mul3A_543 = arith.constant 16 : i32
        %mul3A_544 = arith.muli %scan3A_410, %mul3A_543 : i32
        %add3A_545 = arith.constant 8 : i32
        %add3A_546 = arith.addi %mul3A_544, %add3A_545 : i32
        %slice3A_547 = vector.extract_strided_slice %get3A_417 {offsets = [8], sizes = [1], strides = [1]} : vector<16xi32> to vector<1xi32>
        %squeeze3A_548 = vector.extract %slice3A_547[0] : i32 from vector<1xi32>
        %ge3A_549 = arith.constant 999936 : i32
        %ge3A_550 = arith.cmpi sge, %squeeze3A_548, %ge3A_549 : i32
        %convert_element_type3A_551 = arith.extui %ge3A_550 : i1 to i32
        %cond3A_552 = arith.constant 0 : i32
        %cond3A_553 = arith.cmpi ne, %convert_element_type3A_551, %cond3A_552 : i32
        scf.if %cond3A_553 {
          %broadcast_in_dim3A = arith.constant 0 : i32
          %broadcast_in_dim3A_631 = vector.broadcast %broadcast_in_dim3A : i32 to vector<16xi32>
          %sub3A = arith.constant 999936 : i32
          %sub3A_632 = arith.subi %squeeze3A_548, %sub3A : i32
          %broadcast_in_dim3A_633 = vector.broadcast %sub3A_632 : i32 to vector<16xi32>
          %gather3A = tpu.vector_load_idx %arg13[%broadcast_in_dim3A_631, %iota3A, %broadcast_in_dim3A_633] : memref<2x16x64xf32, #tpu.memory_space<vmem>>[vector<16xi32>, vector<16xi32>, vector<16xi32>], vector<16xf32>,
          %broadcast_in_dim3A_634 = vector.broadcast %add3A_546 : i32 to vector<16xi32>
          tpu.vector_store_idx %arg11[%iota3A, %broadcast_in_dim3A_634], %gather3A : memref<16x512xf32, #tpu.memory_space<vmem>>[vector<16xi32>, vector<16xi32>], vector<16xf32>,
        } else {
        }
        %mul3A_554 = arith.constant 16 : i32
        %mul3A_555 = arith.muli %scan3A_410, %mul3A_554 : i32
        %add3A_556 = arith.constant 9 : i32
        %add3A_557 = arith.addi %mul3A_555, %add3A_556 : i32
        %slice3A_558 = vector.extract_strided_slice %get3A_417 {offsets = [9], sizes = [1], strides = [1]} : vector<16xi32> to vector<1xi32>
        %squeeze3A_559 = vector.extract %slice3A_558[0] : i32 from vector<1xi32>
        %ge3A_560 = arith.constant 999936 : i32
        %ge3A_561 = arith.cmpi sge, %squeeze3A_559, %ge3A_560 : i32
        %convert_element_type3A_562 = arith.extui %ge3A_561 : i1 to i32
        %cond3A_563 = arith.constant 0 : i32
        %cond3A_564 = arith.cmpi ne, %convert_element_type3A_562, %cond3A_563 : i32
        scf.if %cond3A_564 {
          %broadcast_in_dim3A = arith.constant 0 : i32
          %broadcast_in_dim3A_631 = vector.broadcast %broadcast_in_dim3A : i32 to vector<16xi32>
          %sub3A = arith.constant 999936 : i32
          %sub3A_632 = arith.subi %squeeze3A_559, %sub3A : i32
          %broadcast_in_dim3A_633 = vector.broadcast %sub3A_632 : i32 to vector<16xi32>
          %gather3A = tpu.vector_load_idx %arg13[%broadcast_in_dim3A_631, %iota3A, %broadcast_in_dim3A_633] : memref<2x16x64xf32, #tpu.memory_space<vmem>>[vector<16xi32>, vector<16xi32>, vector<16xi32>], vector<16xf32>,
          %broadcast_in_dim3A_634 = vector.broadcast %add3A_557 : i32 to vector<16xi32>
          tpu.vector_store_idx %arg11[%iota3A, %broadcast_in_dim3A_634], %gather3A : memref<16x512xf32, #tpu.memory_space<vmem>>[vector<16xi32>, vector<16xi32>], vector<16xf32>,
        } else {
        }
        %mul3A_565 = arith.constant 16 : i32
        %mul3A_566 = arith.muli %scan3A_410, %mul3A_565 : i32
        %add3A_567 = arith.constant 10 : i32
        %add3A_568 = arith.addi %mul3A_566, %add3A_567 : i32
        %slice3A_569 = vector.extract_strided_slice %get3A_417 {offsets = [10], sizes = [1], strides = [1]} : vector<16xi32> to vector<1xi32>
        %squeeze3A_570 = vector.extract %slice3A_569[0] : i32 from vector<1xi32>
        %ge3A_571 = arith.constant 999936 : i32
        %ge3A_572 = arith.cmpi sge, %squeeze3A_570, %ge3A_571 : i32
        %convert_element_type3A_573 = arith.extui %ge3A_572 : i1 to i32
        %cond3A_574 = arith.constant 0 : i32
        %cond3A_575 = arith.cmpi ne, %convert_element_type3A_573, %cond3A_574 : i32
        scf.if %cond3A_575 {
          %broadcast_in_dim3A = arith.constant 0 : i32
          %broadcast_in_dim3A_631 = vector.broadcast %broadcast_in_dim3A : i32 to vector<16xi32>
          %sub3A = arith.constant 999936 : i32
          %sub3A_632 = arith.subi %squeeze3A_570, %sub3A : i32
          %broadcast_in_dim3A_633 = vector.broadcast %sub3A_632 : i32 to vector<16xi32>
          %gather3A = tpu.vector_load_idx %arg13[%broadcast_in_dim3A_631, %iota3A, %broadcast_in_dim3A_633] : memref<2x16x64xf32, #tpu.memory_space<vmem>>[vector<16xi32>, vector<16xi32>, vector<16xi32>], vector<16xf32>,
          %broadcast_in_dim3A_634 = vector.broadcast %add3A_568 : i32 to vector<16xi32>
          tpu.vector_store_idx %arg11[%iota3A, %broadcast_in_dim3A_634], %gather3A : memref<16x512xf32, #tpu.memory_space<vmem>>[vector<16xi32>, vector<16xi32>], vector<16xf32>,
        } else {
        }
        %mul3A_576 = arith.constant 16 : i32
        %mul3A_577 = arith.muli %scan3A_410, %mul3A_576 : i32
        %add3A_578 = arith.constant 11 : i32
        %add3A_579 = arith.addi %mul3A_577, %add3A_578 : i32
        %slice3A_580 = vector.extract_strided_slice %get3A_417 {offsets = [11], sizes = [1], strides = [1]} : vector<16xi32> to vector<1xi32>
        %squeeze3A_581 = vector.extract %slice3A_580[0] : i32 from vector<1xi32>
        %ge3A_582 = arith.constant 999936 : i32
        %ge3A_583 = arith.cmpi sge, %squeeze3A_581, %ge3A_582 : i32
        %convert_element_type3A_584 = arith.extui %ge3A_583 : i1 to i32
        %cond3A_585 = arith.constant 0 : i32
        %cond3A_586 = arith.cmpi ne, %convert_element_type3A_584, %cond3A_585 : i32
        scf.if %cond3A_586 {
          %broadcast_in_dim3A = arith.constant 0 : i32
          %broadcast_in_dim3A_631 = vector.broadcast %broadcast_in_dim3A : i32 to vector<16xi32>
          %sub3A = arith.constant 999936 : i32
          %sub3A_632 = arith.subi %squeeze3A_581, %sub3A : i32
          %broadcast_in_dim3A_633 = vector.broadcast %sub3A_632 : i32 to vector<16xi32>
          %gather3A = tpu.vector_load_idx %arg13[%broadcast_in_dim3A_631, %iota3A, %broadcast_in_dim3A_633] : memref<2x16x64xf32, #tpu.memory_space<vmem>>[vector<16xi32>, vector<16xi32>, vector<16xi32>], vector<16xf32>,
          %broadcast_in_dim3A_634 = vector.broadcast %add3A_579 : i32 to vector<16xi32>
          tpu.vector_store_idx %arg11[%iota3A, %broadcast_in_dim3A_634], %gather3A : memref<16x512xf32, #tpu.memory_space<vmem>>[vector<16xi32>, vector<16xi32>], vector<16xf32>,
        } else {
        }
        %mul3A_587 = arith.constant 16 : i32
        %mul3A_588 = arith.muli %scan3A_410, %mul3A_587 : i32
        %add3A_589 = arith.constant 12 : i32
        %add3A_590 = arith.addi %mul3A_588, %add3A_589 : i32
        %slice3A_591 = vector.extract_strided_slice %get3A_417 {offsets = [12], sizes = [1], strides = [1]} : vector<16xi32> to vector<1xi32>
        %squeeze3A_592 = vector.extract %slice3A_591[0] : i32 from vector<1xi32>
        %ge3A_593 = arith.constant 999936 : i32
        %ge3A_594 = arith.cmpi sge, %squeeze3A_592, %ge3A_593 : i32
        %convert_element_type3A_595 = arith.extui %ge3A_594 : i1 to i32
        %cond3A_596 = arith.constant 0 : i32
        %cond3A_597 = arith.cmpi ne, %convert_element_type3A_595, %cond3A_596 : i32
        scf.if %cond3A_597 {
          %broadcast_in_dim3A = arith.constant 0 : i32
          %broadcast_in_dim3A_631 = vector.broadcast %broadcast_in_dim3A : i32 to vector<16xi32>
          %sub3A = arith.constant 999936 : i32
          %sub3A_632 = arith.subi %squeeze3A_592, %sub3A : i32
          %broadcast_in_dim3A_633 = vector.broadcast %sub3A_632 : i32 to vector<16xi32>
          %gather3A = tpu.vector_load_idx %arg13[%broadcast_in_dim3A_631, %iota3A, %broadcast_in_dim3A_633] : memref<2x16x64xf32, #tpu.memory_space<vmem>>[vector<16xi32>, vector<16xi32>, vector<16xi32>], vector<16xf32>,
          %broadcast_in_dim3A_634 = vector.broadcast %add3A_590 : i32 to vector<16xi32>
          tpu.vector_store_idx %arg11[%iota3A, %broadcast_in_dim3A_634], %gather3A : memref<16x512xf32, #tpu.memory_space<vmem>>[vector<16xi32>, vector<16xi32>], vector<16xf32>,
        } else {
        }
        %mul3A_598 = arith.constant 16 : i32
        %mul3A_599 = arith.muli %scan3A_410, %mul3A_598 : i32
        %add3A_600 = arith.constant 13 : i32
        %add3A_601 = arith.addi %mul3A_599, %add3A_600 : i32
        %slice3A_602 = vector.extract_strided_slice %get3A_417 {offsets = [13], sizes = [1], strides = [1]} : vector<16xi32> to vector<1xi32>
        %squeeze3A_603 = vector.extract %slice3A_602[0] : i32 from vector<1xi32>
        %ge3A_604 = arith.constant 999936 : i32
        %ge3A_605 = arith.cmpi sge, %squeeze3A_603, %ge3A_604 : i32
        %convert_element_type3A_606 = arith.extui %ge3A_605 : i1 to i32
        %cond3A_607 = arith.constant 0 : i32
        %cond3A_608 = arith.cmpi ne, %convert_element_type3A_606, %cond3A_607 : i32
        scf.if %cond3A_608 {
          %broadcast_in_dim3A = arith.constant 0 : i32
          %broadcast_in_dim3A_631 = vector.broadcast %broadcast_in_dim3A : i32 to vector<16xi32>
          %sub3A = arith.constant 999936 : i32
          %sub3A_632 = arith.subi %squeeze3A_603, %sub3A : i32
          %broadcast_in_dim3A_633 = vector.broadcast %sub3A_632 : i32 to vector<16xi32>
          %gather3A = tpu.vector_load_idx %arg13[%broadcast_in_dim3A_631, %iota3A, %broadcast_in_dim3A_633] : memref<2x16x64xf32, #tpu.memory_space<vmem>>[vector<16xi32>, vector<16xi32>, vector<16xi32>], vector<16xf32>,
          %broadcast_in_dim3A_634 = vector.broadcast %add3A_601 : i32 to vector<16xi32>
          tpu.vector_store_idx %arg11[%iota3A, %broadcast_in_dim3A_634], %gather3A : memref<16x512xf32, #tpu.memory_space<vmem>>[vector<16xi32>, vector<16xi32>], vector<16xf32>,
        } else {
        }
        %mul3A_609 = arith.constant 16 : i32
        %mul3A_610 = arith.muli %scan3A_410, %mul3A_609 : i32
        %add3A_611 = arith.constant 14 : i32
        %add3A_612 = arith.addi %mul3A_610, %add3A_611 : i32
        %slice3A_613 = vector.extract_strided_slice %get3A_417 {offsets = [14], sizes = [1], strides = [1]} : vector<16xi32> to vector<1xi32>
        %squeeze3A_614 = vector.extract %slice3A_613[0] : i32 from vector<1xi32>
        %ge3A_615 = arith.constant 999936 : i32
        %ge3A_616 = arith.cmpi sge, %squeeze3A_614, %ge3A_615 : i32
        %convert_element_type3A_617 = arith.extui %ge3A_616 : i1 to i32
        %cond3A_618 = arith.constant 0 : i32
        %cond3A_619 = arith.cmpi ne, %convert_element_type3A_617, %cond3A_618 : i32
        scf.if %cond3A_619 {
          %broadcast_in_dim3A = arith.constant 0 : i32
          %broadcast_in_dim3A_631 = vector.broadcast %broadcast_in_dim3A : i32 to vector<16xi32>
          %sub3A = arith.constant 999936 : i32
          %sub3A_632 = arith.subi %squeeze3A_614, %sub3A : i32
          %broadcast_in_dim3A_633 = vector.broadcast %sub3A_632 : i32 to vector<16xi32>
          %gather3A = tpu.vector_load_idx %arg13[%broadcast_in_dim3A_631, %iota3A, %broadcast_in_dim3A_633] : memref<2x16x64xf32, #tpu.memory_space<vmem>>[vector<16xi32>, vector<16xi32>, vector<16xi32>], vector<16xf32>,
          %broadcast_in_dim3A_634 = vector.broadcast %add3A_612 : i32 to vector<16xi32>
          tpu.vector_store_idx %arg11[%iota3A, %broadcast_in_dim3A_634], %gather3A : memref<16x512xf32, #tpu.memory_space<vmem>>[vector<16xi32>, vector<16xi32>], vector<16xf32>,
        } else {
        }
        %mul3A_620 = arith.constant 16 : i32
        %mul3A_621 = arith.muli %scan3A_410, %mul3A_620 : i32
        %add3A_622 = arith.constant 15 : i32
        %add3A_623 = arith.addi %mul3A_621, %add3A_622 : i32
        %slice3A_624 = vector.extract_strided_slice %get3A_417 {offsets = [15], sizes = [1], strides = [1]} : vector<16xi32> to vector<1xi32>
        %squeeze3A_625 = vector.extract %slice3A_624[0] : i32 from vector<1xi32>
        %ge3A_626 = arith.constant 999936 : i32
        %ge3A_627 = arith.cmpi sge, %squeeze3A_625, %ge3A_626 : i32
        %convert_element_type3A_628 = arith.extui %ge3A_627 : i1 to i32
        %cond3A_629 = arith.constant 0 : i32
        %cond3A_630 = arith.cmpi ne, %convert_element_type3A_628, %cond3A_629 : i32
        scf.if %cond3A_630 {
          %broadcast_in_dim3A = arith.constant 0 : i32
          %broadcast_in_dim3A_631 = vector.broadcast %broadcast_in_dim3A : i32 to vector<16xi32>
          %sub3A = arith.constant 999936 : i32
          %sub3A_632 = arith.subi %squeeze3A_625, %sub3A : i32
          %broadcast_in_dim3A_633 = vector.broadcast %sub3A_632 : i32 to vector<16xi32>
          %gather3A = tpu.vector_load_idx %arg13[%broadcast_in_dim3A_631, %iota3A, %broadcast_in_dim3A_633] : memref<2x16x64xf32, #tpu.memory_space<vmem>>[vector<16xi32>, vector<16xi32>, vector<16xi32>], vector<16xf32>,
          %broadcast_in_dim3A_634 = vector.broadcast %add3A_623 : i32 to vector<16xi32>
          tpu.vector_store_idx %arg11[%iota3A, %broadcast_in_dim3A_634], %gather3A : memref<16x512xf32, #tpu.memory_space<vmem>>[vector<16xi32>, vector<16xi32>], vector<16xf32>,
        } else {
        }
      } else {
      }
      %ge3A_437 = arith.constant 999936 : i32
      %ge3A_438 = vector.broadcast %ge3A_437 : i32 to vector<16xi32>
      %ge3A_439 = arith.cmpi sge, %get3A_423, %ge3A_438 : vector<16xi32>
      %reduce_or3A_440 = arith.constant 1.000000e+00 : f32
      %reduce_or3A_441 = arith.constant 0.000000e+00 : f32
      %reduce_or3A_442 = vector.broadcast %reduce_or3A_440 : f32 to vector<16xf32>
      %reduce_or3A_443 = vector.broadcast %reduce_or3A_441 : f32 to vector<16xf32>
      %reduce_or3A_444 = arith.select %ge3A_439, %reduce_or3A_442, %reduce_or3A_443 : vector<16xi1>, vector<16xf32>
      %reduce_or3A_445 = arith.constant true
      %reduce_or3A_446 = vector.broadcast %reduce_or3A_445 : i1 to vector<16xi1>
      %reduce_or3A_447 = tpu.scan <max>, %reduce_or3A_444 masked %reduce_or3A_446 : vector<16xf32>, vector<16xi1> -> vector<16xf32>
      %reduce_or3A_448 = vector.extract %reduce_or3A_447[15] : f32 from vector<16xf32>
      %reduce_or3A_449 = arith.constant 0.000000e+00 : f32
      %reduce_or3A_450 = arith.cmpf ogt, %reduce_or3A_448, %reduce_or3A_449 : f32
      %convert_element_type3A_451 = arith.extui %reduce_or3A_450 : i1 to i32
      %cond3A_452 = arith.constant 0 : i32
      %cond3A_453 = arith.cmpi ne, %convert_element_type3A_451, %cond3A_452 : i32
      scf.if %cond3A_453 {
        %mul3A_455 = arith.constant 16 : i32
        %mul3A_456 = arith.muli %scan3A_410, %mul3A_455 : i32
        %add3A_457 = arith.constant 0 : i32
        %add3A_458 = arith.addi %mul3A_456, %add3A_457 : i32
        %slice3A_459 = vector.extract_strided_slice %get3A_423 {offsets = [0], sizes = [1], strides = [1]} : vector<16xi32> to vector<1xi32>
        %squeeze3A_460 = vector.extract %slice3A_459[0] : i32 from vector<1xi32>
        %ge3A_461 = arith.constant 999936 : i32
        %ge3A_462 = arith.cmpi sge, %squeeze3A_460, %ge3A_461 : i32
        %convert_element_type3A_463 = arith.extui %ge3A_462 : i1 to i32
        %cond3A_464 = arith.constant 0 : i32
        %cond3A_465 = arith.cmpi ne, %convert_element_type3A_463, %cond3A_464 : i32
        scf.if %cond3A_465 {
          %broadcast_in_dim3A = arith.constant 1 : i32
          %broadcast_in_dim3A_631 = vector.broadcast %broadcast_in_dim3A : i32 to vector<16xi32>
          %sub3A = arith.constant 999936 : i32
          %sub3A_632 = arith.subi %squeeze3A_460, %sub3A : i32
          %broadcast_in_dim3A_633 = vector.broadcast %sub3A_632 : i32 to vector<16xi32>
          %gather3A = tpu.vector_load_idx %arg13[%broadcast_in_dim3A_631, %iota3A, %broadcast_in_dim3A_633] : memref<2x16x64xf32, #tpu.memory_space<vmem>>[vector<16xi32>, vector<16xi32>, vector<16xi32>], vector<16xf32>,
          %broadcast_in_dim3A_634 = vector.broadcast %add3A_458 : i32 to vector<16xi32>
          tpu.vector_store_idx %arg12[%iota3A, %broadcast_in_dim3A_634], %gather3A : memref<16x512xf32, #tpu.memory_space<vmem>>[vector<16xi32>, vector<16xi32>], vector<16xf32>,
        } else {
        }
        %mul3A_466 = arith.constant 16 : i32
        %mul3A_467 = arith.muli %scan3A_410, %mul3A_466 : i32
        %add3A_468 = arith.constant 1 : i32
        %add3A_469 = arith.addi %mul3A_467, %add3A_468 : i32
        %slice3A_470 = vector.extract_strided_slice %get3A_423 {offsets = [1], sizes = [1], strides = [1]} : vector<16xi32> to vector<1xi32>
        %squeeze3A_471 = vector.extract %slice3A_470[0] : i32 from vector<1xi32>
        %ge3A_472 = arith.constant 999936 : i32
        %ge3A_473 = arith.cmpi sge, %squeeze3A_471, %ge3A_472 : i32
        %convert_element_type3A_474 = arith.extui %ge3A_473 : i1 to i32
        %cond3A_475 = arith.constant 0 : i32
        %cond3A_476 = arith.cmpi ne, %convert_element_type3A_474, %cond3A_475 : i32
        scf.if %cond3A_476 {
          %broadcast_in_dim3A = arith.constant 1 : i32
          %broadcast_in_dim3A_631 = vector.broadcast %broadcast_in_dim3A : i32 to vector<16xi32>
          %sub3A = arith.constant 999936 : i32
          %sub3A_632 = arith.subi %squeeze3A_471, %sub3A : i32
          %broadcast_in_dim3A_633 = vector.broadcast %sub3A_632 : i32 to vector<16xi32>
          %gather3A = tpu.vector_load_idx %arg13[%broadcast_in_dim3A_631, %iota3A, %broadcast_in_dim3A_633] : memref<2x16x64xf32, #tpu.memory_space<vmem>>[vector<16xi32>, vector<16xi32>, vector<16xi32>], vector<16xf32>,
          %broadcast_in_dim3A_634 = vector.broadcast %add3A_469 : i32 to vector<16xi32>
          tpu.vector_store_idx %arg12[%iota3A, %broadcast_in_dim3A_634], %gather3A : memref<16x512xf32, #tpu.memory_space<vmem>>[vector<16xi32>, vector<16xi32>], vector<16xf32>,
        } else {
        }
        %mul3A_477 = arith.constant 16 : i32
        %mul3A_478 = arith.muli %scan3A_410, %mul3A_477 : i32
        %add3A_479 = arith.constant 2 : i32
        %add3A_480 = arith.addi %mul3A_478, %add3A_479 : i32
        %slice3A_481 = vector.extract_strided_slice %get3A_423 {offsets = [2], sizes = [1], strides = [1]} : vector<16xi32> to vector<1xi32>
        %squeeze3A_482 = vector.extract %slice3A_481[0] : i32 from vector<1xi32>
        %ge3A_483 = arith.constant 999936 : i32
        %ge3A_484 = arith.cmpi sge, %squeeze3A_482, %ge3A_483 : i32
        %convert_element_type3A_485 = arith.extui %ge3A_484 : i1 to i32
        %cond3A_486 = arith.constant 0 : i32
        %cond3A_487 = arith.cmpi ne, %convert_element_type3A_485, %cond3A_486 : i32
        scf.if %cond3A_487 {
          %broadcast_in_dim3A = arith.constant 1 : i32
          %broadcast_in_dim3A_631 = vector.broadcast %broadcast_in_dim3A : i32 to vector<16xi32>
          %sub3A = arith.constant 999936 : i32
          %sub3A_632 = arith.subi %squeeze3A_482, %sub3A : i32
          %broadcast_in_dim3A_633 = vector.broadcast %sub3A_632 : i32 to vector<16xi32>
          %gather3A = tpu.vector_load_idx %arg13[%broadcast_in_dim3A_631, %iota3A, %broadcast_in_dim3A_633] : memref<2x16x64xf32, #tpu.memory_space<vmem>>[vector<16xi32>, vector<16xi32>, vector<16xi32>], vector<16xf32>,
          %broadcast_in_dim3A_634 = vector.broadcast %add3A_480 : i32 to vector<16xi32>
          tpu.vector_store_idx %arg12[%iota3A, %broadcast_in_dim3A_634], %gather3A : memref<16x512xf32, #tpu.memory_space<vmem>>[vector<16xi32>, vector<16xi32>], vector<16xf32>,
        } else {
        }
        %mul3A_488 = arith.constant 16 : i32
        %mul3A_489 = arith.muli %scan3A_410, %mul3A_488 : i32
        %add3A_490 = arith.constant 3 : i32
        %add3A_491 = arith.addi %mul3A_489, %add3A_490 : i32
        %slice3A_492 = vector.extract_strided_slice %get3A_423 {offsets = [3], sizes = [1], strides = [1]} : vector<16xi32> to vector<1xi32>
        %squeeze3A_493 = vector.extract %slice3A_492[0] : i32 from vector<1xi32>
        %ge3A_494 = arith.constant 999936 : i32
        %ge3A_495 = arith.cmpi sge, %squeeze3A_493, %ge3A_494 : i32
        %convert_element_type3A_496 = arith.extui %ge3A_495 : i1 to i32
        %cond3A_497 = arith.constant 0 : i32
        %cond3A_498 = arith.cmpi ne, %convert_element_type3A_496, %cond3A_497 : i32
        scf.if %cond3A_498 {
          %broadcast_in_dim3A = arith.constant 1 : i32
          %broadcast_in_dim3A_631 = vector.broadcast %broadcast_in_dim3A : i32 to vector<16xi32>
          %sub3A = arith.constant 999936 : i32
          %sub3A_632 = arith.subi %squeeze3A_493, %sub3A : i32
          %broadcast_in_dim3A_633 = vector.broadcast %sub3A_632 : i32 to vector<16xi32>
          %gather3A = tpu.vector_load_idx %arg13[%broadcast_in_dim3A_631, %iota3A, %broadcast_in_dim3A_633] : memref<2x16x64xf32, #tpu.memory_space<vmem>>[vector<16xi32>, vector<16xi32>, vector<16xi32>], vector<16xf32>,
          %broadcast_in_dim3A_634 = vector.broadcast %add3A_491 : i32 to vector<16xi32>
          tpu.vector_store_idx %arg12[%iota3A, %broadcast_in_dim3A_634], %gather3A : memref<16x512xf32, #tpu.memory_space<vmem>>[vector<16xi32>, vector<16xi32>], vector<16xf32>,
        } else {
        }
        %mul3A_499 = arith.constant 16 : i32
        %mul3A_500 = arith.muli %scan3A_410, %mul3A_499 : i32
        %add3A_501 = arith.constant 4 : i32
        %add3A_502 = arith.addi %mul3A_500, %add3A_501 : i32
        %slice3A_503 = vector.extract_strided_slice %get3A_423 {offsets = [4], sizes = [1], strides = [1]} : vector<16xi32> to vector<1xi32>
        %squeeze3A_504 = vector.extract %slice3A_503[0] : i32 from vector<1xi32>
        %ge3A_505 = arith.constant 999936 : i32
        %ge3A_506 = arith.cmpi sge, %squeeze3A_504, %ge3A_505 : i32
        %convert_element_type3A_507 = arith.extui %ge3A_506 : i1 to i32
        %cond3A_508 = arith.constant 0 : i32
        %cond3A_509 = arith.cmpi ne, %convert_element_type3A_507, %cond3A_508 : i32
        scf.if %cond3A_509 {
          %broadcast_in_dim3A = arith.constant 1 : i32
          %broadcast_in_dim3A_631 = vector.broadcast %broadcast_in_dim3A : i32 to vector<16xi32>
          %sub3A = arith.constant 999936 : i32
          %sub3A_632 = arith.subi %squeeze3A_504, %sub3A : i32
          %broadcast_in_dim3A_633 = vector.broadcast %sub3A_632 : i32 to vector<16xi32>
          %gather3A = tpu.vector_load_idx %arg13[%broadcast_in_dim3A_631, %iota3A, %broadcast_in_dim3A_633] : memref<2x16x64xf32, #tpu.memory_space<vmem>>[vector<16xi32>, vector<16xi32>, vector<16xi32>], vector<16xf32>,
          %broadcast_in_dim3A_634 = vector.broadcast %add3A_502 : i32 to vector<16xi32>
          tpu.vector_store_idx %arg12[%iota3A, %broadcast_in_dim3A_634], %gather3A : memref<16x512xf32, #tpu.memory_space<vmem>>[vector<16xi32>, vector<16xi32>], vector<16xf32>,
        } else {
        }
        %mul3A_510 = arith.constant 16 : i32
        %mul3A_511 = arith.muli %scan3A_410, %mul3A_510 : i32
        %add3A_512 = arith.constant 5 : i32
        %add3A_513 = arith.addi %mul3A_511, %add3A_512 : i32
        %slice3A_514 = vector.extract_strided_slice %get3A_423 {offsets = [5], sizes = [1], strides = [1]} : vector<16xi32> to vector<1xi32>
        %squeeze3A_515 = vector.extract %slice3A_514[0] : i32 from vector<1xi32>
        %ge3A_516 = arith.constant 999936 : i32
        %ge3A_517 = arith.cmpi sge, %squeeze3A_515, %ge3A_516 : i32
        %convert_element_type3A_518 = arith.extui %ge3A_517 : i1 to i32
        %cond3A_519 = arith.constant 0 : i32
        %cond3A_520 = arith.cmpi ne, %convert_element_type3A_518, %cond3A_519 : i32
        scf.if %cond3A_520 {
          %broadcast_in_dim3A = arith.constant 1 : i32
          %broadcast_in_dim3A_631 = vector.broadcast %broadcast_in_dim3A : i32 to vector<16xi32>
          %sub3A = arith.constant 999936 : i32
          %sub3A_632 = arith.subi %squeeze3A_515, %sub3A : i32
          %broadcast_in_dim3A_633 = vector.broadcast %sub3A_632 : i32 to vector<16xi32>
          %gather3A = tpu.vector_load_idx %arg13[%broadcast_in_dim3A_631, %iota3A, %broadcast_in_dim3A_633] : memref<2x16x64xf32, #tpu.memory_space<vmem>>[vector<16xi32>, vector<16xi32>, vector<16xi32>], vector<16xf32>,
          %broadcast_in_dim3A_634 = vector.broadcast %add3A_513 : i32 to vector<16xi32>
          tpu.vector_store_idx %arg12[%iota3A, %broadcast_in_dim3A_634], %gather3A : memref<16x512xf32, #tpu.memory_space<vmem>>[vector<16xi32>, vector<16xi32>], vector<16xf32>,
        } else {
        }
        %mul3A_521 = arith.constant 16 : i32
        %mul3A_522 = arith.muli %scan3A_410, %mul3A_521 : i32
        %add3A_523 = arith.constant 6 : i32
        %add3A_524 = arith.addi %mul3A_522, %add3A_523 : i32
        %slice3A_525 = vector.extract_strided_slice %get3A_423 {offsets = [6], sizes = [1], strides = [1]} : vector<16xi32> to vector<1xi32>
        %squeeze3A_526 = vector.extract %slice3A_525[0] : i32 from vector<1xi32>
        %ge3A_527 = arith.constant 999936 : i32
        %ge3A_528 = arith.cmpi sge, %squeeze3A_526, %ge3A_527 : i32
        %convert_element_type3A_529 = arith.extui %ge3A_528 : i1 to i32
        %cond3A_530 = arith.constant 0 : i32
        %cond3A_531 = arith.cmpi ne, %convert_element_type3A_529, %cond3A_530 : i32
        scf.if %cond3A_531 {
          %broadcast_in_dim3A = arith.constant 1 : i32
          %broadcast_in_dim3A_631 = vector.broadcast %broadcast_in_dim3A : i32 to vector<16xi32>
          %sub3A = arith.constant 999936 : i32
          %sub3A_632 = arith.subi %squeeze3A_526, %sub3A : i32
          %broadcast_in_dim3A_633 = vector.broadcast %sub3A_632 : i32 to vector<16xi32>
          %gather3A = tpu.vector_load_idx %arg13[%broadcast_in_dim3A_631, %iota3A, %broadcast_in_dim3A_633] : memref<2x16x64xf32, #tpu.memory_space<vmem>>[vector<16xi32>, vector<16xi32>, vector<16xi32>], vector<16xf32>,
          %broadcast_in_dim3A_634 = vector.broadcast %add3A_524 : i32 to vector<16xi32>
          tpu.vector_store_idx %arg12[%iota3A, %broadcast_in_dim3A_634], %gather3A : memref<16x512xf32, #tpu.memory_space<vmem>>[vector<16xi32>, vector<16xi32>], vector<16xf32>,
        } else {
        }
        %mul3A_532 = arith.constant 16 : i32
        %mul3A_533 = arith.muli %scan3A_410, %mul3A_532 : i32
        %add3A_534 = arith.constant 7 : i32
        %add3A_535 = arith.addi %mul3A_533, %add3A_534 : i32
        %slice3A_536 = vector.extract_strided_slice %get3A_423 {offsets = [7], sizes = [1], strides = [1]} : vector<16xi32> to vector<1xi32>
        %squeeze3A_537 = vector.extract %slice3A_536[0] : i32 from vector<1xi32>
        %ge3A_538 = arith.constant 999936 : i32
        %ge3A_539 = arith.cmpi sge, %squeeze3A_537, %ge3A_538 : i32
        %convert_element_type3A_540 = arith.extui %ge3A_539 : i1 to i32
        %cond3A_541 = arith.constant 0 : i32
        %cond3A_542 = arith.cmpi ne, %convert_element_type3A_540, %cond3A_541 : i32
        scf.if %cond3A_542 {
          %broadcast_in_dim3A = arith.constant 1 : i32
          %broadcast_in_dim3A_631 = vector.broadcast %broadcast_in_dim3A : i32 to vector<16xi32>
          %sub3A = arith.constant 999936 : i32
          %sub3A_632 = arith.subi %squeeze3A_537, %sub3A : i32
          %broadcast_in_dim3A_633 = vector.broadcast %sub3A_632 : i32 to vector<16xi32>
          %gather3A = tpu.vector_load_idx %arg13[%broadcast_in_dim3A_631, %iota3A, %broadcast_in_dim3A_633] : memref<2x16x64xf32, #tpu.memory_space<vmem>>[vector<16xi32>, vector<16xi32>, vector<16xi32>], vector<16xf32>,
          %broadcast_in_dim3A_634 = vector.broadcast %add3A_535 : i32 to vector<16xi32>
          tpu.vector_store_idx %arg12[%iota3A, %broadcast_in_dim3A_634], %gather3A : memref<16x512xf32, #tpu.memory_space<vmem>>[vector<16xi32>, vector<16xi32>], vector<16xf32>,
        } else {
        }
        %mul3A_543 = arith.constant 16 : i32
        %mul3A_544 = arith.muli %scan3A_410, %mul3A_543 : i32
        %add3A_545 = arith.constant 8 : i32
        %add3A_546 = arith.addi %mul3A_544, %add3A_545 : i32
        %slice3A_547 = vector.extract_strided_slice %get3A_423 {offsets = [8], sizes = [1], strides = [1]} : vector<16xi32> to vector<1xi32>
        %squeeze3A_548 = vector.extract %slice3A_547[0] : i32 from vector<1xi32>
        %ge3A_549 = arith.constant 999936 : i32
        %ge3A_550 = arith.cmpi sge, %squeeze3A_548, %ge3A_549 : i32
        %convert_element_type3A_551 = arith.extui %ge3A_550 : i1 to i32
        %cond3A_552 = arith.constant 0 : i32
        %cond3A_553 = arith.cmpi ne, %convert_element_type3A_551, %cond3A_552 : i32
        scf.if %cond3A_553 {
          %broadcast_in_dim3A = arith.constant 1 : i32
          %broadcast_in_dim3A_631 = vector.broadcast %broadcast_in_dim3A : i32 to vector<16xi32>
          %sub3A = arith.constant 999936 : i32
          %sub3A_632 = arith.subi %squeeze3A_548, %sub3A : i32
          %broadcast_in_dim3A_633 = vector.broadcast %sub3A_632 : i32 to vector<16xi32>
          %gather3A = tpu.vector_load_idx %arg13[%broadcast_in_dim3A_631, %iota3A, %broadcast_in_dim3A_633] : memref<2x16x64xf32, #tpu.memory_space<vmem>>[vector<16xi32>, vector<16xi32>, vector<16xi32>], vector<16xf32>,
          %broadcast_in_dim3A_634 = vector.broadcast %add3A_546 : i32 to vector<16xi32>
          tpu.vector_store_idx %arg12[%iota3A, %broadcast_in_dim3A_634], %gather3A : memref<16x512xf32, #tpu.memory_space<vmem>>[vector<16xi32>, vector<16xi32>], vector<16xf32>,
        } else {
        }
        %mul3A_554 = arith.constant 16 : i32
        %mul3A_555 = arith.muli %scan3A_410, %mul3A_554 : i32
        %add3A_556 = arith.constant 9 : i32
        %add3A_557 = arith.addi %mul3A_555, %add3A_556 : i32
        %slice3A_558 = vector.extract_strided_slice %get3A_423 {offsets = [9], sizes = [1], strides = [1]} : vector<16xi32> to vector<1xi32>
        %squeeze3A_559 = vector.extract %slice3A_558[0] : i32 from vector<1xi32>
        %ge3A_560 = arith.constant 999936 : i32
        %ge3A_561 = arith.cmpi sge, %squeeze3A_559, %ge3A_560 : i32
        %convert_element_type3A_562 = arith.extui %ge3A_561 : i1 to i32
        %cond3A_563 = arith.constant 0 : i32
        %cond3A_564 = arith.cmpi ne, %convert_element_type3A_562, %cond3A_563 : i32
        scf.if %cond3A_564 {
          %broadcast_in_dim3A = arith.constant 1 : i32
          %broadcast_in_dim3A_631 = vector.broadcast %broadcast_in_dim3A : i32 to vector<16xi32>
          %sub3A = arith.constant 999936 : i32
          %sub3A_632 = arith.subi %squeeze3A_559, %sub3A : i32
          %broadcast_in_dim3A_633 = vector.broadcast %sub3A_632 : i32 to vector<16xi32>
          %gather3A = tpu.vector_load_idx %arg13[%broadcast_in_dim3A_631, %iota3A, %broadcast_in_dim3A_633] : memref<2x16x64xf32, #tpu.memory_space<vmem>>[vector<16xi32>, vector<16xi32>, vector<16xi32>], vector<16xf32>,
          %broadcast_in_dim3A_634 = vector.broadcast %add3A_557 : i32 to vector<16xi32>
          tpu.vector_store_idx %arg12[%iota3A, %broadcast_in_dim3A_634], %gather3A : memref<16x512xf32, #tpu.memory_space<vmem>>[vector<16xi32>, vector<16xi32>], vector<16xf32>,
        } else {
        }
        %mul3A_565 = arith.constant 16 : i32
        %mul3A_566 = arith.muli %scan3A_410, %mul3A_565 : i32
        %add3A_567 = arith.constant 10 : i32
        %add3A_568 = arith.addi %mul3A_566, %add3A_567 : i32
        %slice3A_569 = vector.extract_strided_slice %get3A_423 {offsets = [10], sizes = [1], strides = [1]} : vector<16xi32> to vector<1xi32>
        %squeeze3A_570 = vector.extract %slice3A_569[0] : i32 from vector<1xi32>
        %ge3A_571 = arith.constant 999936 : i32
        %ge3A_572 = arith.cmpi sge, %squeeze3A_570, %ge3A_571 : i32
        %convert_element_type3A_573 = arith.extui %ge3A_572 : i1 to i32
        %cond3A_574 = arith.constant 0 : i32
        %cond3A_575 = arith.cmpi ne, %convert_element_type3A_573, %cond3A_574 : i32
        scf.if %cond3A_575 {
          %broadcast_in_dim3A = arith.constant 1 : i32
          %broadcast_in_dim3A_631 = vector.broadcast %broadcast_in_dim3A : i32 to vector<16xi32>
          %sub3A = arith.constant 999936 : i32
          %sub3A_632 = arith.subi %squeeze3A_570, %sub3A : i32
          %broadcast_in_dim3A_633 = vector.broadcast %sub3A_632 : i32 to vector<16xi32>
          %gather3A = tpu.vector_load_idx %arg13[%broadcast_in_dim3A_631, %iota3A, %broadcast_in_dim3A_633] : memref<2x16x64xf32, #tpu.memory_space<vmem>>[vector<16xi32>, vector<16xi32>, vector<16xi32>], vector<16xf32>,
          %broadcast_in_dim3A_634 = vector.broadcast %add3A_568 : i32 to vector<16xi32>
          tpu.vector_store_idx %arg12[%iota3A, %broadcast_in_dim3A_634], %gather3A : memref<16x512xf32, #tpu.memory_space<vmem>>[vector<16xi32>, vector<16xi32>], vector<16xf32>,
        } else {
        }
        %mul3A_576 = arith.constant 16 : i32
        %mul3A_577 = arith.muli %scan3A_410, %mul3A_576 : i32
        %add3A_578 = arith.constant 11 : i32
        %add3A_579 = arith.addi %mul3A_577, %add3A_578 : i32
        %slice3A_580 = vector.extract_strided_slice %get3A_423 {offsets = [11], sizes = [1], strides = [1]} : vector<16xi32> to vector<1xi32>
        %squeeze3A_581 = vector.extract %slice3A_580[0] : i32 from vector<1xi32>
        %ge3A_582 = arith.constant 999936 : i32
        %ge3A_583 = arith.cmpi sge, %squeeze3A_581, %ge3A_582 : i32
        %convert_element_type3A_584 = arith.extui %ge3A_583 : i1 to i32
        %cond3A_585 = arith.constant 0 : i32
        %cond3A_586 = arith.cmpi ne, %convert_element_type3A_584, %cond3A_585 : i32
        scf.if %cond3A_586 {
          %broadcast_in_dim3A = arith.constant 1 : i32
          %broadcast_in_dim3A_631 = vector.broadcast %broadcast_in_dim3A : i32 to vector<16xi32>
          %sub3A = arith.constant 999936 : i32
          %sub3A_632 = arith.subi %squeeze3A_581, %sub3A : i32
          %broadcast_in_dim3A_633 = vector.broadcast %sub3A_632 : i32 to vector<16xi32>
          %gather3A = tpu.vector_load_idx %arg13[%broadcast_in_dim3A_631, %iota3A, %broadcast_in_dim3A_633] : memref<2x16x64xf32, #tpu.memory_space<vmem>>[vector<16xi32>, vector<16xi32>, vector<16xi32>], vector<16xf32>,
          %broadcast_in_dim3A_634 = vector.broadcast %add3A_579 : i32 to vector<16xi32>
          tpu.vector_store_idx %arg12[%iota3A, %broadcast_in_dim3A_634], %gather3A : memref<16x512xf32, #tpu.memory_space<vmem>>[vector<16xi32>, vector<16xi32>], vector<16xf32>,
        } else {
        }
        %mul3A_587 = arith.constant 16 : i32
        %mul3A_588 = arith.muli %scan3A_410, %mul3A_587 : i32
        %add3A_589 = arith.constant 12 : i32
        %add3A_590 = arith.addi %mul3A_588, %add3A_589 : i32
        %slice3A_591 = vector.extract_strided_slice %get3A_423 {offsets = [12], sizes = [1], strides = [1]} : vector<16xi32> to vector<1xi32>
        %squeeze3A_592 = vector.extract %slice3A_591[0] : i32 from vector<1xi32>
        %ge3A_593 = arith.constant 999936 : i32
        %ge3A_594 = arith.cmpi sge, %squeeze3A_592, %ge3A_593 : i32
        %convert_element_type3A_595 = arith.extui %ge3A_594 : i1 to i32
        %cond3A_596 = arith.constant 0 : i32
        %cond3A_597 = arith.cmpi ne, %convert_element_type3A_595, %cond3A_596 : i32
        scf.if %cond3A_597 {
          %broadcast_in_dim3A = arith.constant 1 : i32
          %broadcast_in_dim3A_631 = vector.broadcast %broadcast_in_dim3A : i32 to vector<16xi32>
          %sub3A = arith.constant 999936 : i32
          %sub3A_632 = arith.subi %squeeze3A_592, %sub3A : i32
          %broadcast_in_dim3A_633 = vector.broadcast %sub3A_632 : i32 to vector<16xi32>
          %gather3A = tpu.vector_load_idx %arg13[%broadcast_in_dim3A_631, %iota3A, %broadcast_in_dim3A_633] : memref<2x16x64xf32, #tpu.memory_space<vmem>>[vector<16xi32>, vector<16xi32>, vector<16xi32>], vector<16xf32>,
          %broadcast_in_dim3A_634 = vector.broadcast %add3A_590 : i32 to vector<16xi32>
          tpu.vector_store_idx %arg12[%iota3A, %broadcast_in_dim3A_634], %gather3A : memref<16x512xf32, #tpu.memory_space<vmem>>[vector<16xi32>, vector<16xi32>], vector<16xf32>,
        } else {
        }
        %mul3A_598 = arith.constant 16 : i32
        %mul3A_599 = arith.muli %scan3A_410, %mul3A_598 : i32
        %add3A_600 = arith.constant 13 : i32
        %add3A_601 = arith.addi %mul3A_599, %add3A_600 : i32
        %slice3A_602 = vector.extract_strided_slice %get3A_423 {offsets = [13], sizes = [1], strides = [1]} : vector<16xi32> to vector<1xi32>
        %squeeze3A_603 = vector.extract %slice3A_602[0] : i32 from vector<1xi32>
        %ge3A_604 = arith.constant 999936 : i32
        %ge3A_605 = arith.cmpi sge, %squeeze3A_603, %ge3A_604 : i32
        %convert_element_type3A_606 = arith.extui %ge3A_605 : i1 to i32
        %cond3A_607 = arith.constant 0 : i32
        %cond3A_608 = arith.cmpi ne, %convert_element_type3A_606, %cond3A_607 : i32
        scf.if %cond3A_608 {
          %broadcast_in_dim3A = arith.constant 1 : i32
          %broadcast_in_dim3A_631 = vector.broadcast %broadcast_in_dim3A : i32 to vector<16xi32>
          %sub3A = arith.constant 999936 : i32
          %sub3A_632 = arith.subi %squeeze3A_603, %sub3A : i32
          %broadcast_in_dim3A_633 = vector.broadcast %sub3A_632 : i32 to vector<16xi32>
          %gather3A = tpu.vector_load_idx %arg13[%broadcast_in_dim3A_631, %iota3A, %broadcast_in_dim3A_633] : memref<2x16x64xf32, #tpu.memory_space<vmem>>[vector<16xi32>, vector<16xi32>, vector<16xi32>], vector<16xf32>,
          %broadcast_in_dim3A_634 = vector.broadcast %add3A_601 : i32 to vector<16xi32>
          tpu.vector_store_idx %arg12[%iota3A, %broadcast_in_dim3A_634], %gather3A : memref<16x512xf32, #tpu.memory_space<vmem>>[vector<16xi32>, vector<16xi32>], vector<16xf32>,
        } else {
        }
        %mul3A_609 = arith.constant 16 : i32
        %mul3A_610 = arith.muli %scan3A_410, %mul3A_609 : i32
        %add3A_611 = arith.constant 14 : i32
        %add3A_612 = arith.addi %mul3A_610, %add3A_611 : i32
        %slice3A_613 = vector.extract_strided_slice %get3A_423 {offsets = [14], sizes = [1], strides = [1]} : vector<16xi32> to vector<1xi32>
        %squeeze3A_614 = vector.extract %slice3A_613[0] : i32 from vector<1xi32>
        %ge3A_615 = arith.constant 999936 : i32
        %ge3A_616 = arith.cmpi sge, %squeeze3A_614, %ge3A_615 : i32
        %convert_element_type3A_617 = arith.extui %ge3A_616 : i1 to i32
        %cond3A_618 = arith.constant 0 : i32
        %cond3A_619 = arith.cmpi ne, %convert_element_type3A_617, %cond3A_618 : i32
        scf.if %cond3A_619 {
          %broadcast_in_dim3A = arith.constant 1 : i32
          %broadcast_in_dim3A_631 = vector.broadcast %broadcast_in_dim3A : i32 to vector<16xi32>
          %sub3A = arith.constant 999936 : i32
          %sub3A_632 = arith.subi %squeeze3A_614, %sub3A : i32
          %broadcast_in_dim3A_633 = vector.broadcast %sub3A_632 : i32 to vector<16xi32>
          %gather3A = tpu.vector_load_idx %arg13[%broadcast_in_dim3A_631, %iota3A, %broadcast_in_dim3A_633] : memref<2x16x64xf32, #tpu.memory_space<vmem>>[vector<16xi32>, vector<16xi32>, vector<16xi32>], vector<16xf32>,
          %broadcast_in_dim3A_634 = vector.broadcast %add3A_612 : i32 to vector<16xi32>
          tpu.vector_store_idx %arg12[%iota3A, %broadcast_in_dim3A_634], %gather3A : memref<16x512xf32, #tpu.memory_space<vmem>>[vector<16xi32>, vector<16xi32>], vector<16xf32>,
        } else {
        }
        %mul3A_620 = arith.constant 16 : i32
        %mul3A_621 = arith.muli %scan3A_410, %mul3A_620 : i32
        %add3A_622 = arith.constant 15 : i32
        %add3A_623 = arith.addi %mul3A_621, %add3A_622 : i32
        %slice3A_624 = vector.extract_strided_slice %get3A_423 {offsets = [15], sizes = [1], strides = [1]} : vector<16xi32> to vector<1xi32>
        %squeeze3A_625 = vector.extract %slice3A_624[0] : i32 from vector<1xi32>
        %ge3A_626 = arith.constant 999936 : i32
        %ge3A_627 = arith.cmpi sge, %squeeze3A_625, %ge3A_626 : i32
        %convert_element_type3A_628 = arith.extui %ge3A_627 : i1 to i32
        %cond3A_629 = arith.constant 0 : i32
        %cond3A_630 = arith.cmpi ne, %convert_element_type3A_628, %cond3A_629 : i32
        scf.if %cond3A_630 {
          %broadcast_in_dim3A = arith.constant 1 : i32
          %broadcast_in_dim3A_631 = vector.broadcast %broadcast_in_dim3A : i32 to vector<16xi32>
          %sub3A = arith.constant 999936 : i32
          %sub3A_632 = arith.subi %squeeze3A_625, %sub3A : i32
          %broadcast_in_dim3A_633 = vector.broadcast %sub3A_632 : i32 to vector<16xi32>
          %gather3A = tpu.vector_load_idx %arg13[%broadcast_in_dim3A_631, %iota3A, %broadcast_in_dim3A_633] : memref<2x16x64xf32, #tpu.memory_space<vmem>>[vector<16xi32>, vector<16xi32>, vector<16xi32>], vector<16xf32>,
          %broadcast_in_dim3A_634 = vector.broadcast %add3A_623 : i32 to vector<16xi32>
          tpu.vector_store_idx %arg12[%iota3A, %broadcast_in_dim3A_634], %gather3A : memref<16x512xf32, #tpu.memory_space<vmem>>[vector<16xi32>, vector<16xi32>], vector<16xf32>,
        } else {
        }
      } else {
      }
      %scan3A_454 = arith.constant 0 : i32
      scf.yield %scan3A_454 : i32
    }
    %scan3A_409 = arith.constant 32 : i32
    "tpu.region"() ({
      %run_scoped3A_410 = tpu.sem_alloc : memref<!tpu.dma_semaphore, #tpu.memory_space<semaphore_mem>>
      %dma_start3A_411 = arith.constant 0 : i32
      %dma_start3A_412 = tpu.memref_slice %arg6[%dma_start3A_411, %mul3A_2] : memref<16x16384xf32, #tpu.memory_space<hbm>> -> memref<16x512xf32, #tpu.memory_space<hbm>>
      %dma_start3A_413 = arith.constant 0 : i32
      %dma_start3A_414 = tpu.memref_slice %arg6[%dma_start3A_413, %mul3A_2] : memref<16x16384xf32, #tpu.memory_space<hbm>> -> memref<16x512xf32, #tpu.memory_space<hbm>>
      tpu.enqueue_dma source(%arg11 : memref<16x512xf32, #tpu.memory_space<vmem>>) target(%dma_start3A_414 : memref<16x512xf32, #tpu.memory_space<hbm>>) target_semaphore(%run_scoped3A_410 : memref<!tpu.dma_semaphore, #tpu.memory_space<semaphore_mem>>)
      %dma_wait3A_415 = arith.constant 0 : i32
      %dma_wait3A_416 = tpu.memref_slice %arg6[%dma_wait3A_415, %mul3A_2] : memref<16x16384xf32, #tpu.memory_space<hbm>> -> memref<16x512xf32, #tpu.memory_space<hbm>>
      %dma_wait3A_417 = arith.constant 0 : i32
      %dma_wait3A_418 = tpu.memref_slice %arg6[%dma_wait3A_417, %mul3A_2] : memref<16x16384xf32, #tpu.memory_space<hbm>> -> memref<16x512xf32, #tpu.memory_space<hbm>>
      tpu.wait_dma2 semaphore(%run_scoped3A_410 : memref<!tpu.dma_semaphore, #tpu.memory_space<semaphore_mem>>) src(%arg11 : memref<16x512xf32, #tpu.memory_space<vmem>>) dst(%dma_wait3A_418 : memref<16x512xf32, #tpu.memory_space<hbm>>)
      tpu.yield
    }) : () -> ()
    "tpu.region"() ({
      %run_scoped3A_410 = tpu.sem_alloc : memref<!tpu.dma_semaphore, #tpu.memory_space<semaphore_mem>>
      %dma_start3A_411 = arith.constant 0 : i32
      %dma_start3A_412 = tpu.memref_slice %arg7[%dma_start3A_411, %mul3A_2] : memref<16x16384xf32, #tpu.memory_space<hbm>> -> memref<16x512xf32, #tpu.memory_space<hbm>>
      %dma_start3A_413 = arith.constant 0 : i32
      %dma_start3A_414 = tpu.memref_slice %arg7[%dma_start3A_413, %mul3A_2] : memref<16x16384xf32, #tpu.memory_space<hbm>> -> memref<16x512xf32, #tpu.memory_space<hbm>>
      tpu.enqueue_dma source(%arg12 : memref<16x512xf32, #tpu.memory_space<vmem>>) target(%dma_start3A_414 : memref<16x512xf32, #tpu.memory_space<hbm>>) target_semaphore(%run_scoped3A_410 : memref<!tpu.dma_semaphore, #tpu.memory_space<semaphore_mem>>)
      %dma_wait3A_415 = arith.constant 0 : i32
      %dma_wait3A_416 = tpu.memref_slice %arg7[%dma_wait3A_415, %mul3A_2] : memref<16x16384xf32, #tpu.memory_space<hbm>> -> memref<16x512xf32, #tpu.memory_space<hbm>>
      %dma_wait3A_417 = arith.constant 0 : i32
      %dma_wait3A_418 = tpu.memref_slice %arg7[%dma_wait3A_417, %mul3A_2] : memref<16x16384xf32, #tpu.memory_space<hbm>> -> memref<16x512xf32, #tpu.memory_space<hbm>>
      tpu.wait_dma2 semaphore(%run_scoped3A_410 : memref<!tpu.dma_semaphore, #tpu.memory_space<semaphore_mem>>) src(%arg12 : memref<16x512xf32, #tpu.memory_space<vmem>>) dst(%dma_wait3A_418 : memref<16x512xf32, #tpu.memory_space<hbm>>)
      tpu.yield
    }) : () -> ()
    return
  }
}

</mosaic_0001>

<sc_bundles>
// kernel: _sc_gather.3.cloned.1.call-start
scs
__scs_entry_jumppad:
0x0: {  	(pc) =	sbr.rel $0x88, $3  }
0x1: {  	(tag) =	ssettag $0x0;
	lr =	simm.s32 $0x1  }
0x2: {  	[smem:$0x3F9D] =	sst lr;
	_ =	strace $0xD0000000  }
0x3: {  	_ = 	snop  }
0x4: {  	_ = 	snop  }
0x5: {  	_ = 	snop  }
0x6: {  	_ = 	snop  }
0x7: {  	_ = 	snop  }
__scs_overlays_trampoline_lowered:
0x8: {  	[smem:$0x3FAC] =	sst s0  }
0x9: {  	[smem:$0x3FAD] =	sst s1  }
0xa: {  	[smem:$0x3FAE] =	sst s2  }
0xb: {  	[smem:$0x3FAF] =	sst s3  }
0xc: {  	[smem:$0x3FB0] =	sst s4  }
0xd: {  	[smem:$0x3FB1] =	sst s5  }
0xe: {  	[smem:$0x3FB2] =	sst s6  }
0xf: {  	[smem:$0x3FB3] =	sst s7  }
0x10: {  	[smem:$0x3FB4] =	sst s8  }
0x11: {  	[smem:$0x3FB5] =	sst s9;
	s0 =	simm.s32 @!p0 $0x0  }
0x12: {  	s1 =	sld [smem:$0x3F9B];
	s0 =	simm.s32 @p0 $0x1  }
0x13: {  	[smem:$0x3FB6] =	sst s0;
	s0 =	simm.s32 @!p1 $0x0  }
0x14: {  	s2 =	sld [smem:$0x3F9A];
	s0 =	simm.s32 @p1 $0x1  }
0x15: {  	[smem:$0x3FB7] =	sst s0;
	s0 =	simm.s32 @!p2 $0x0  }
0x16: {  	s3 =	sld [smem:$0x3FDB];
	s0 =	simm.s32 @p2 $0x1  }
0x17: {  	s4 =	simm.s32 $0x1BF5;
	[smem:$0x3FB9] =	sst s0  }
0x18: {  	s0 =	sld [smem:$0x3F9C];
	_ =	swait.ge [sflag:s4], $0x0  }
0x19: {  	s7 =	sld [smem:$0x3F9D]  }
0x1a: {  	s8 =	sadd.s32 $0xFFFFE003, lr  }
0x1b: {  	s9 =	sadd.s32 $0xFFFFFEF7, lr;
	s5 =	simm.s32 $0xFFFFFFFF;
	p2 =	slt.u32 s8, $0xFFFFF086  }
0x1c: {  	p1 =	slt.u32 s9, $0xF7A;
	s5 =	simm.s32 @!p2 $0x0  }
0x1d: {  	s5 =	simm.s32 @p1 $0x1;
	p0 =	seq.s32 s7, s2  }
0x1e: {  	s7 =	smul.u32 @!p0 $0xF7A, s2;
	p2 =	seq.s32 @!p0 s5, $0x0  }
0x1f: {  	s9 =	smul.u32 $0xF7A, s1;
	s8 =	simm.s32 @!p0 $0x1BF5;
	p2 =	por !p2, p0  }
0x20: {  	[sflag:s8] =	ssyncset.s32 @!p0 $0xFFFFF086;
	s6 =	sadd.s32 @!p0 s3, s7;
	s7 =	simm.s32 @!p0 $0x108  }
0x21: {  	s3 =	sadd.s32 s3, s9;
	s6 =	sadd.s32 @!p0 $0x88, s6;
	s7 =	simm.s32 @p2 $0x1082  }
0x22: {  	[simem:s7], [sflag:s8] =	dma.local @!p0 [hbm:s6], $0xF7A  }
0x23: {  	s9 =	sor.u32 $0xD0000000, s2;
	s6 =	simm.s32 $0x108;
	_ =	swait.ge @!p0 [sflag:s8], $0x0  }
0x24: {  	s3 =	sadd.s32 $0x88, s3;
	s6 =	simm.s32 @!p1 $0x1082;
	[sflag:s4] =	ssyncset.s32 $0xFFFFF086  }
0x25: {  	[simem:s6], [sflag:s4] =	dma.local [hbm:s3], $0xF7A  }
0x26: {  	[smem:$0x3F9D] =	sst s1;
	(tag) =	ssettag s2;
	_ =	strace s9  }
0x27: {  	s1 =	sld [smem:$0x3FAD]  }
0x28: {  	s2 =	sld [smem:$0x3FAE]  }
0x29: {  	s4 =	sld [smem:$0x3FB0]  }
0x2a: {  	p0 =	seq.s32 s5, $0x0;
	s5 =	sld [smem:$0x3FB1]  }
0x2b: {  	s6 =	sld [smem:$0x3FB2]  }
0x2c: {  	s7 =	sld [smem:$0x3FB3]  }
0x2d: {  	s3 =	simm.s32 $0x108;
	s8 =	sld [smem:$0x3FB4]  }
0x2e: {  	s3 =	simm.s32 @!p0 $0x1082;
	s9 =	sld [smem:$0x3FB5]  }
0x2f: {  	lr =	sadd.s32 s0, s3;
	s0 =	sld [smem:$0x3FAC]  }
0x30: {  	s3 =	sld [smem:$0x3FAF]  }
0x31: {  	[smem:$0x3FB8] =	sst s10  }
0x32: {  	s10 =	sld [smem:$0x3FB6];
	_ =	sdelay $0x3  }
0x33: {  	p0 =	seq.s32 s10, $0x1;
	s10 =	sld [smem:$0x3FB8];
	_ =	sdelay $0x3  }
0x34: {  	[smem:$0x3FB8] =	sst s10  }
0x35: {  	s10 =	sld [smem:$0x3FB7];
	_ =	sdelay $0x3  }
0x36: {  	p1 =	seq.s32 s10, $0x1;
	s10 =	sld [smem:$0x3FB8];
	_ =	sdelay $0x3  }
0x37: {  	[smem:$0x3FB8] =	sst s10  }
0x38: {  	s10 =	sld [smem:$0x3FB9]  }
0x39: {  	_ = 	snop;
	(pc) =	sbr.ind lr, $3  }
0x3a: {  	_ = 	snop  }
0x3b: {  	_ = 	snop  }
0x3c: {  	p2 =	seq.s32 s10, $0x1;
	s10 =	sld [smem:$0x3FB8]  }
0x3d: {  	_ =	shalt  }
0x3e: {  	_ =	shalt  }
0x3f: {  	_ =	shalt  }
0x40: {  	_ =	shalt  }
0x41: {  	_ =	shalt  }
0x42: {  	_ =	shalt  }
0x43: {  	_ =	shalt  }
0x44: {  	_ =	shalt  }
0x45: {  	_ =	shalt  }
0x46: {  	_ =	shalt  }
0x47: {  	_ =	shalt  }
0x48: {  	_ =	shalt  }
0x49: {  	_ =	shalt  }
0x4a: {  	_ =	shalt  }
0x4b: {  	_ =	shalt  }
0x4c: {  	_ =	shalt  }
0x4d: {  	_ =	shalt  }
0x4e: {  	_ =	shalt  }
0x4f: {  	_ =	shalt  }
0x50: {  	_ =	shalt  }
0x51: {  	_ =	shalt  }
0x52: {  	_ =	shalt  }
0x53: {  	_ =	shalt  }
0x54: {  	_ =	shalt  }
0x55: {  	_ =	shalt  }
0x56: {  	_ =	shalt  }
0x57: {  	_ =	shalt  }
0x58: {  	_ =	shalt  }
0x59: {  	_ =	shalt  }
0x5a: {  	_ =	shalt  }
0x5b: {  	_ =	shalt  }
0x5c: {  	_ =	shalt  }
0x5d: {  	_ =	shalt  }
0x5e: {  	_ =	shalt  }
0x5f: {  	_ =	shalt  }
0x60: {  	_ =	shalt  }
0x61: {  	_ =	shalt  }
0x62: {  	_ =	shalt  }
0x63: {  	_ =	shalt  }
0x64: {  	_ =	shalt  }
0x65: {  	_ =	shalt  }
0x66: {  	_ =	shalt  }
0x67: {  	_ =	shalt  }
0x68: {  	_ =	shalt  }
0x69: {  	_ =	shalt  }
0x6a: {  	_ =	shalt  }
0x6b: {  	_ =	shalt  }
0x6c: {  	_ =	shalt  }
0x6d: {  	_ =	shalt  }
0x6e: {  	_ =	shalt  }
0x6f: {  	_ =	shalt  }
0x70: {  	_ =	shalt  }
0x71: {  	_ =	shalt  }
0x72: {  	_ =	shalt  }
0x73: {  	_ =	shalt  }
0x74: {  	_ =	shalt  }
0x75: {  	_ =	shalt  }
0x76: {  	_ =	shalt  }
0x77: {  	_ =	shalt  }
0x78: {  	_ =	shalt  }
0x79: {  	_ =	shalt  }
0x7a: {  	_ =	shalt  }
0x7b: {  	_ =	shalt  }
0x7c: {  	_ =	shalt  }
0x7d: {  	_ =	shalt  }
0x7e: {  	_ =	shalt  }
0x7f: {  	_ =	shalt  }
0x80: {  	_ =	shalt  }
0x81: {  	_ =	shalt  }
0x82: {  	_ =	shalt  }
0x83: {  	_ =	shalt  }
0x84: {  	_ =	shalt  }
0x85: {  	_ =	shalt  }
0x86: {  	_ =	shalt  }
0x87: {  	_ =	shalt  }
.Lfunc_end0:
.L_simem_size_0:
called_computation_lowered:
.L_overlay_start_0:
0x88: {  	s2 =	sld [smem:$0x3FD9]  }
0x89: {  	s3 =	sld [smem:$0x3FFE];
	_ =	sdelay $0x1  }
0x8a: {  	s1 =	srdreg.scid  }
0x8b: {  	s0 =	sand.u32 $0x1, s1  }
0x8c: {  	s15 =	sshll.u32 s0, $0xA;
	s2 =	sadd.s32 s3, s2  }
0x8d: {  	s2 =	sadd.s32 s2, s15  }
0x8e: {  	[smem:$0x3FC4] =	sst s2  }
0x8f: {  	_ = 	snop  }
0x90: {  	s2 =	sld [smem:$0x3FC9]  }
0x91: {  	s16 =	sld [smem:$0x3FD0]  }
0x92: {  	s4 =	sld [smem:$0x3FC8]  }
0x93: {  	s5 =	sld [smem:$0x3FC7]  }
0x94: {  	s7 =	simm.s32 $0xA;
	s8 =	simm.s32 $0x10;
	s6 =	sld [smem:$0x3FC6]  }
0x95: {  	[smem:s8], [sflag:s7] =	dma.local [hbm:s16], $0x1  }
0x96: {  	_ =	swait.eq [sflag:s7], $0x1  }
0x97: {  	[sflag:s7] =	ssyncset.done $0x0  }
0x98: {  	s17 =	sld [smem:$0x10];
	[sflag:s7] =	ssyncadd.s32 $0xFFFFFFFF  }
0x99: {  	s18 =	sld [smem:$0x11];
	(tm) =	ssettm $0x1  }
0x9a: {  	s19 =	sld [smem:$0x3FFB];
	_ =	sdelay $0x3  }
0x9b: {  	_ =	strace s19  }
0x9c: {  	s8 =	sld [smem:$0x3FFC];
	_ =	sdelay $0x3  }
0x9d: {  	_ =	strace s8  }
0x9e: {  	s8 =	sld [smem:$0x3FFD];
	_ =	sdelay $0x3  }
0x9f: {  	_ =	strace s8  }
0xa0: {  	_ =	strace $0x8FFFFFFF  }
0xa1: {  	s20 =	sld [smem:$0x3FDB];
	_ =	sdelay $0x1  }
0xa2: {  	s9 =	simm.s32 $_scs_section_size  }
0xa3: {  	s10 =	simm.s32 $_size__tile_overlayer_lowered;
	s11 =	simm.s32 $_tile_overlayer_lowered  }
0xa4: {  	s23 =	simm.s32 $0x1BFF;
	s22 =	sshll.u32 s11, $0x1;
	s8 =	sadd.s32 s9, s20  }
0xa5: {  	s12 =	simm.s32 $0x0;
	s21 =	sshll.u32 s10, $0x1;
	s10 =	sadd.s32 s22, s8  }
0xa6: {  	[timem:s12], [sflag:s23] =	dma.local [hbm:s10], s21  }
0xa7: {  	_ =	swait.ge [sflag:s23], s21  }
0xa8: {  	s9 =	ssub.s32 $0x0, s21;
	[sflag:s23] =	ssyncset.done $0x0  }
0xa9: {  	[sflag:s23] =	ssyncadd.s32 s9;
	_ =	sdelay $0x1  }
0xaa: {  	s24 =	simm.s32 $0x1B8B  }
0xab: {  	_ =	swait.ge [sflag:s24], $0x1  }
0xac: {  	[sflag:s24] =	ssyncset.done $0x0  }
0xad: {  	s25 =	simm.s32 $0x1B8E;
	[sflag:s24] =	ssyncadd.s32 $0xFFFFFFFF  }
0xae: {  	s26 =	simm.s32 $execute0_lowered;
	[smem:$0x3FD2] =	sst s25  }
0xaf: {  	s9 =	sshll.u32 s26, $0x1;
	_ =	strace $0x80000046;
	[dreg:$0x1] =	wrdreg $0xFFFFFFFF  }
0xb0: {  	s28 =	simm.s32 $_size_execute0_lowered;
	s8 =	sadd.s32 s8, s9;
	[dreg:$0x0] =	wrdreg $0x0  }
0xb1: {  	s9 =	sshll.u32 s28, $0x1;
	[dreg:$0x2] =	wrdreg s8  }
0xb2: {  	[dreg:$0x3] =	wrdreg s9  }
0xb3: {  	[dreg:$0x4] =	wrdreg $0xC0  }
0xb4: {  	_ =	task [dreg:s12], $0x5FFFF  }
0xb5: {  	[dreg:$0x1] =	wrdreg $0xFFFFFFFF  }
0xb6: {  	[dreg:$0x0] =	wrdreg $0x60  }
0xb7: {  	[dreg:$0x2] =	wrdreg s2  }
0xb8: {  	[dreg:$0x3] =	wrdreg s4  }
0xb9: {  	[dreg:$0x4] =	wrdreg s5  }
0xba: {  	[dreg:$0x5] =	wrdreg s6  }
0xbb: {  	[dreg:$0x6] =	wrdreg s17  }
0xbc: {  	[dreg:$0x7] =	wrdreg s18  }
0xbd: {  	[dreg:$0x8] =	wrdreg $0x9  }
0xbe: {  	_ =	task.clear_ibuf [dreg:s12], $0x9FFFF;
	_ =	strace $0x90000046  }
0xbf: {  	s29 =	simm.s32 $0x9;
	_ =	strace $0x80000048  }
0xc0: {  	_ =	swait.ge [sflag:s29], $0x1  }
0xc1: {  	[sflag:s29] =	ssyncadd.s32 $0xFFFFFFFF  }
0xc2: {  	_ =	strace $0x90000048  }
0xc3: {  	_ =	sfence  }
0xc4: {  	s30 =	sld [smem:$0x0];
	_ =	sdelay $0x2  }
0xc5: {  	s31 =	sshll.u32 s1, $0xD;
	s1 =	sshrl.u32 s1, $0x2  }
0xc6: {  	s3 =	sand.u32 $0x4000, s31;
	s1 =	sadd.s32 s1, s30  }
0xc7: {  	s0 =	sor.u32 s3, s0;
	s1 =	sshll.u32 s1, $0x11  }
0xc8: {  	s0 =	sor.u32 s1, s0  }
0xc9: {  	s0 =	sadd.s32 $0x8F2B, s0  }
0xca: {  	[sflag:s0] =	ssyncadd.remote.s32 $0x1  }
0xcb: {  	_ =	sfence.sel $0xFFFF  }
0xcc: {  	[dreg:$0x0] =	wrdreg $0xFFFFFFFF;
	(pc) =	sbr.abs _section_cstart, $3  }
0xcd: {  	[dreg:$0x1] =	wrdreg $0xFFFFFFFF  }
0xce: {  	_ =	task.clear_ibuf [dreg:s12], $0x2FFFF;
	_ =	strace $0x9FFFFFFF  }
0xcf: {  	(tm) =	ssettm $0x7FFFFFFF  }
tec
execute0_lowered:
.L_overlay_start_1:
0x0: {  	(tag) =	ssettag $0x1  }
0x1: {  	s1 =	rddreg [dreg:$0x0]  }
0x2: {  	s2 =	rddreg [dreg:$0x1]  }
0x3: {  	s0 =	rddreg [dreg:$0x2]  }
0x4: {  	s3 =	rddreg [dreg:$0x3]  }
0x5: {  	s4 =	rddreg [dreg:$0x4];
	s5 =	srdreg.scid  }
0x6: {  	s6 =	rddreg [dreg:$0x5];
	s7 =	stileid.u32;
	s9 =	simm.s32 $0x0  }
0x7: {  	v0 =	vimm.s32 $0x1380;
	vm0 =	vcmask $0x300;
	s10 =	simm.s32 $0x4;
	s28 =	simm.s32 $0x7A1400;
	s11 =	simm.s32 $0x8400  }
0x8: {  	vm14 =	vcmask $0x704;
	s13 =	simm.s32 $0x9400;
	s14 =	simm.s32 $0x9C00;
	s30 =	simm.s32 $0xCC00;
	v0 =	vsel vm0, $0x0, v0  }
0x9: {  	vm15 =	vcmask $0xB08;
	s15 =	simm.s32 $0xF400;
	s16 =	simm.s32 $0xFC00;
	s17 =	simm.s32 $0x1;
	v0 =	vsel vm14, $0x80, v0  }
0xa: {  	vm4 =	vcmask $0xF0C;
	s5 =	sand.u32 $0x1, s5;
	s7 =	sshll.u32 s7, $0xA;
	[smem:$0x7FF] =	sst s9;
	v0 =	vsel vm15, $0x100, v0  }
0xb: {  	vm5 =	vcmask $0x1310;
	s20 =	sadd.s32 $0xF4200, s0;
	s21 =	sadd.s32 $0xF4200, s3;
	s8 =	sshll.u32 s5, $0x9;
	v0 =	vsel vm4, $0x180, v0  }
0xc: {  	vm6 =	vcmask $0x1714;
	s5 =	ssub.s32 $0x2, s5;
	_ =	strace $0x80000047;
	[dreg:$0x9] =	wrdreg s20;
	v0 =	vsel vm5, $0x200, v0  }
0xd: {  	vm7 =	vcmask $0x1B18;
	[dreg:$0xa] =	wrdreg s21;
	s20 =	simm.s32 $0xA400;
	s7 =	sor.u32 s8, s7;
	v0 =	vsel vm6, $0x280, v0  }
0xe: {  	vm8 =	vcmask $0x1F1C;
	s21 =	simm.s32 $0x2;
	s18 =	sshrl.u32 s5, $0x1;
	s4 =	sadd.s32 s4, s7;
	v0 =	vsel vm7, $0x300, v0  }
0xf: {  	vm9 =	vcmask $0x2320;
	s5 =	ssub.s32 s5, s18;
	s22 =	sadd.s32 s6, s7;
	[dreg:$0xb] =	wrdreg s4;
	v0 =	vsel vm8, $0x380, v0  }
0x10: {  	vm10 =	vcmask $0x2724;
	s19 =	sshrl.u32 s7, $0x3;
	[dreg:$0xc] =	wrdreg s22;
	s23 =	smax.u32 s5, $0x1;
	v0 =	vsel vm9, $0x1000, v0  }
0x11: {  	vm11 =	vcmask $0x2B28;
	s8 =	simm.s32 $0x0;
	s1 =	sadd.s32 s1, s19;
	[dreg:$0xd] =	wrdreg s23;
	v0 =	vsel vm10, $0x1080, v0  }
0x12: {  	vm12 =	vcmask $0x2F2C;
	v1 =	vlaneseq.u32;
	s6 =	simm.s32 $0xC400;
	s2 =	sadd.s32 s2, s19;
	[dreg:$0x7] =	wrdreg s1;
	v0 =	vsel vm11, $0x1100, v0  }
0x13: {  	vm13 =	vcmask $0x3330;
	s18 =	simm.s32 $0xDC00;
	s24 =	sadd.s32 $0x10, s1;
	[dreg:$0x8] =	wrdreg s2;
	v2 =	vsel vm12, $0x1180, v0;
	v0 =	vmul.u32 $0x80, v1  }
0x14: {  	v17 =	vimm.f32 $0.0e+00;
	vm14 =	vcmask $0x3734;
	s22 =	simm.s32 $0xAC00;
	s25 =	sadd.s32 $0x20, s1;
	[dreg:$0xe] =	wrdreg s24;
	v1 =	vsel vm13, $0x1200, v2  }
0x15: {  	vm15 =	vcmask $0x3B38;
	s5 =	simm.s32 $0xBC00;
	s1 =	sadd.s32 $0x30, s1;
	[dreg:$0xf] =	wrdreg s25;
	v1 =	vsel vm14, $0x1280, v1;
	v2 =	vor.u32 $0x800, v0  }
.Ltmp0:
0x16: {  	s26 =	sadd.s32 $0x10, s2;
	[dreg:$0x10] =	wrdreg s1;
	v3 =	vor.u32 $0x1000, v0;
	v4 =	vor.u32 $0x1800, v0;
	v5 =	vor.u32 $0x2000, v0;
	(pc) =	sbr.rel .LBB2_1-.Ltmp0, $4  }
0x17: {  	s4 =	simm.s32 $0xD400;
	s29 =	sadd.s32 $0x20, s2;
	[dreg:$0x11] =	wrdreg s26;
	v6 =	vor.u32 $0x2800, v0;
	v7 =	vor.u32 $0x3000, v0;
	v8 =	vor.u32 $0x3800, v0  }
0x18: {  	s19 =	simm.s32 $0x10400;
	s31 =	sadd.s32 $0x30, s2;
	[dreg:$0x12] =	wrdreg s29;
	v9 =	vor.u32 $0x4000, v0;
	v10 =	vor.u32 $0x4800, v0;
	v11 =	vor.u32 $0x5000, v0  }
0x19: {  	s2 =	simm.s32 $0xEC00;
	s23 =	simm.s32 $0x12400;
	[dreg:$0x13] =	wrdreg s31;
	v12 =	vor.u32 $0x5800, v0;
	v13 =	vor.u32 $0x6000, v0;
	v14 =	vor.u32 $0x6800, v0  }
0x1a: {  	s26 =	simm.s32 $0x400;
	s24 =	simm.s32 $0xB400;
	s1 =	simm.s32 $0xE400;
	v15 =	vor.u32 $0x7000, v0;
	v16 =	vor.u32 $0x7800, v0;
	v1 =	vsel vm15, $0x1300, v1  }
.LBB2_11:
0x1b: {  	s7 =	rddreg [dreg:$0xb]  }
0x1c: {  	s8 =	simm.s32 $0x1000;
	s9 =	simm.s32 $0x20000;
	s10 =	simm.s32 $0x4  }
0x1d: {  	[hbm4b:s7+s8] =	stream.strided.scatter [tilespmem:s19], [sflag:$0x4], $0x2000, s9, s8, $0x38;
	[tilespmem:$0x15400] =	vst v63  }
0x1e: {  	_ =	swait.ge [sflag:s10], $0x2000  }
0x1f: {  	[sflag:s10] =	ssyncset.done $0x0  }
0x20: {  	s25 =	rddreg [dreg:$0xc];
	[sflag:s10] =	ssyncadd.s32 $0xFFFFE000  }
0x21: {  	[hbm4b:s25+s8] =	stream.strided.scatter [tilespmem:s23], [sflag:$0x4], $0x2000, s9, s8, $0x38;
	[tilespmem:$0x15400] =	vst v63  }
0x22: {  	_ =	swait.ge [sflag:s10], $0x2000  }
0x23: {  	s29 =	rddreg [dreg:$0x14]  }
0x24: {  	s31 =	rddreg [dreg:$0xd];
	s8 =	sadd.s32 $0x1, s29  }
0x25: {  	p0 =	sne.s32 s8, s31  }
.Ltmp1:
0x26: {  	_ = 	snop;
	(pc) =	sbr.rel @!p0 .LBB2_12-.Ltmp1, $3  }
0x27: {  	_ =	sdelay $0x1  }
0x28: {  	[sflag:s10] =	ssyncset.done $0x0  }
0x29: {  	[sflag:s10] =	ssyncadd.s32 $0xFFFFE000  }
.LBB2_1:
0x2a: {  	[dreg:$0x14] =	wrdreg s8  }
0x2b: {  	s7 =	simm.s32 $0x0;
	s25 =	rddreg [dreg:$0x7]  }
0x2c: {  	[tilespmem:s7], [sflag:$0x4] =	stream.linear.gather [hbm4b:s25+s7], $0x80, $0x38;
	[tilespmem:$0x15400] =	vst v63  }
0x2d: {  	s31 =	rddreg [dreg:$0xe];
	s9 =	simm.s32 $0x100  }
0x2e: {  	[tilespmem:s9], [sflag:$0x4] =	stream.linear.gather [hbm4b:s31+s7], $0x80, $0x38;
	[tilespmem:$0x15400] =	vst v63  }
0x2f: {  	s12 =	simm.s32 $0x200;
	s9 =	rddreg [dreg:$0xf]  }
0x30: {  	[tilespmem:s12], [sflag:$0x4] =	stream.linear.gather [hbm4b:s9+s7], $0x80, $0x38;
	[tilespmem:$0x15400] =	vst v63  }
0x31: {  	s25 =	rddreg [dreg:$0x10];
	s31 =	simm.s32 $0x300  }
0x32: {  	[tilespmem:s31], [sflag:$0x4] =	stream.linear.gather [hbm4b:s25+s7], $0x80, $0x38;
	[tilespmem:$0x15400] =	vst v63  }
0x33: {  	_ =	swait.ge [sflag:s10], $0x200  }
0x34: {  	[sflag:s10] =	ssyncset.done $0x0  }
0x35: {  	s12 =	simm.s32 $0x80;
	s9 =	rddreg [dreg:$0x8];
	[sflag:s10] =	ssyncadd.s32 $0xFFFFFE00  }
0x36: {  	[tilespmem:s12], [sflag:$0x4] =	stream.linear.gather [hbm4b:s9+s7], $0x80, $0x38;
	[tilespmem:$0x15400] =	vst v63  }
0x37: {  	s31 =	simm.s32 $0x180;
	s25 =	rddreg [dreg:$0x11]  }
0x38: {  	[tilespmem:s31], [sflag:$0x4] =	stream.linear.gather [hbm4b:s25+s7], $0x80, $0x38;
	[tilespmem:$0x15400] =	vst v63  }
0x39: {  	s9 =	rddreg [dreg:$0x12];
	s12 =	simm.s32 $0x280  }
0x3a: {  	[tilespmem:s12], [sflag:$0x4] =	stream.linear.gather [hbm4b:s9+s7], $0x80, $0x38;
	[tilespmem:$0x15400] =	vst v63  }
0x3b: {  	s25 =	rddreg [dreg:$0x13];
	s31 =	simm.s32 $0x380  }
0x3c: {  	[tilespmem:s31], [sflag:$0x4] =	stream.linear.gather [hbm4b:s25+s7], $0x80, $0x38;
	[tilespmem:$0x15400] =	vst v63  }
0x3d: {  	_ =	swait.ge [sflag:s10], $0x200  }
0x3e: {  	s25 =	simm.s32 $0x14400;
	[sflag:s10] =	ssyncset.done $0x0  }
0x3f: {  	s31 =	simm.s32 $0x3;
	s12 =	rddreg [dreg:$0x9];
	[sflag:s10] =	ssyncadd.s32 $0xFFFFFE00  }
0x40: {  	[tilespmem:s25], [sflag:$0x3] =	stream.strided.gather [hbm4b:s12+s26], $0x800, s28, s26, $0x38;
	[tilespmem:$0x15400] =	vst v63  }
0x41: {  	_ =	swait.ge [sflag:s31], $0x800  }
0x42: {  	[sflag:s31] =	ssyncset.done $0x0  }
0x43: {  	s12 =	simm.s32 $0x14C00;
	s10 =	rddreg [dreg:$0xa];
	[sflag:s31] =	ssyncadd.s32 $0xFFFFF800  }
0x44: {  	[tilespmem:s12], [sflag:$0x3] =	stream.strided.gather [hbm4b:s10+s26], $0x800, s28, s26, $0x38;
	[tilespmem:$0x15400] =	vst v63  }
0x45: {  	_ =	swait.ge [sflag:s31], $0x800  }
0x46: {  	[sflag:s31] =	ssyncset.done $0x0  }
0x47: {  	[sflag:s31] =	ssyncadd.s32 $0xFFFFF800  }
0x48: {  	v18 =	vld [tilespmem:$0x0];
	_ =	sdelay $0x4  }
0x49: {  	v18 =	vshra.s32 v18, $0x7  }
0x4a: {  	(v2sf) =	vpush v18, $0x0;
	_ =	sdelay $0x6  }
0x4b: {  	(v2sf) =	vpush v18, $0x1;
	_ =	sdelay $0x6  }
0x4c: {  	(v2sf) =	vpush v18, $0x2  }
0x4d: {  	s7 =	spop (v2sf)  }
0x4e: {  	p0 =	slt.s32 s7, $0x1E83  }
0x4f: {  	s7 =	simm.s32 @!p0 $0x1E83  }
0x50: {  	s7 =	sshll.u32 s7, $0x7  }
0x51: {  	s7 =	sand.u32 $0x1FFFFF80, s7  }
0x52: {  	s7 =	sadd.s32 s0, s7  }
0x53: {  	(v2sf) =	vpush v18, $0x3;
	[tilespmem:s26], [sflag:$0x1] =	stream.strided.gather [hbm4b:s7+s26], $0x800, s28, s26, $0x38;
	[tilespmem:$0x15400] =	vst v63  }
0x54: {  	s7 =	spop (v2sf)  }
0x55: {  	p0 =	slt.s32 s7, $0x1E83  }
0x56: {  	s7 =	simm.s32 @!p0 $0x1E83  }
0x57: {  	s7 =	sshll.u32 s7, $0x7  }
0x58: {  	s7 =	sand.u32 $0x1FFFFF80, s7  }
0x59: {  	s25 =	simm.s32 $0xC00;
	s7 =	sadd.s32 s0, s7  }
0x5a: {  	(v2sf) =	vpush v18, $0x4;
	[tilespmem:s25], [sflag:$0x1] =	stream.strided.gather [hbm4b:s7+s26], $0x800, s28, s26, $0x38;
	[tilespmem:$0x15400] =	vst v63  }
0x5b: {  	s7 =	spop (v2sf)  }
0x5c: {  	p0 =	slt.s32 s7, $0x1E83  }
0x5d: {  	s7 =	simm.s32 @!p0 $0x1E83  }
0x5e: {  	s7 =	sshll.u32 s7, $0x7  }
0x5f: {  	s7 =	sand.u32 $0x1FFFFF80, s7  }
0x60: {  	s31 =	simm.s32 $0x1400;
	s7 =	sadd.s32 s0, s7  }
0x61: {  	(v2sf) =	vpush v18, $0x5;
	[tilespmem:s31], [sflag:$0x1] =	stream.strided.gather [hbm4b:s7+s26], $0x800, s28, s26, $0x38;
	[tilespmem:$0x15400] =	vst v63  }
0x62: {  	s7 =	spop (v2sf)  }
0x63: {  	p0 =	slt.s32 s7, $0x1E83  }
0x64: {  	s7 =	simm.s32 @!p0 $0x1E83  }
0x65: {  	s7 =	sshll.u32 s7, $0x7  }
0x66: {  	s7 =	sand.u32 $0x1FFFFF80, s7  }
0x67: {  	s9 =	simm.s32 $0x1C00;
	s7 =	sadd.s32 s0, s7  }
0x68: {  	(v2sf) =	vpush v18, $0x6;
	[tilespmem:s9], [sflag:$0x1] =	stream.strided.gather [hbm4b:s7+s26], $0x800, s28, s26, $0x38;
	[tilespmem:$0x15400] =	vst v63  }
0x69: {  	s7 =	spop (v2sf)  }
0x6a: {  	p0 =	slt.s32 s7, $0x1E83  }
0x6b: {  	s7 =	simm.s32 @!p0 $0x1E83  }
0x6c: {  	s7 =	sshll.u32 s7, $0x7  }
0x6d: {  	s7 =	sand.u32 $0x1FFFFF80, s7  }
0x6e: {  	s10 =	simm.s32 $0x2400;
	s7 =	sadd.s32 s0, s7  }
0x6f: {  	(v2sf) =	vpush v18, $0x7;
	[tilespmem:s10], [sflag:$0x1] =	stream.strided.gather [hbm4b:s7+s26], $0x800, s28, s26, $0x38;
	[tilespmem:$0x15400] =	vst v63  }
0x70: {  	s7 =	spop (v2sf)  }
0x71: {  	p0 =	slt.s32 s7, $0x1E83  }
0x72: {  	s7 =	simm.s32 @!p0 $0x1E83  }
0x73: {  	s7 =	sshll.u32 s7, $0x7  }
0x74: {  	s7 =	sand.u32 $0x1FFFFF80, s7  }
0x75: {  	s12 =	simm.s32 $0x2C00;
	s7 =	sadd.s32 s0, s7  }
0x76: {  	(v2sf) =	vpush v18, $0x8;
	[tilespmem:s12], [sflag:$0x1] =	stream.strided.gather [hbm4b:s7+s26], $0x800, s28, s26, $0x38;
	[tilespmem:$0x15400] =	vst v63  }
0x77: {  	s7 =	spop (v2sf)  }
0x78: {  	p0 =	slt.s32 s7, $0x1E83  }
0x79: {  	s7 =	simm.s32 @!p0 $0x1E83  }
0x7a: {  	s7 =	sshll.u32 s7, $0x7  }
0x7b: {  	s7 =	sand.u32 $0x1FFFFF80, s7  }
0x7c: {  	s25 =	simm.s32 $0x3400;
	s7 =	sadd.s32 s0, s7  }
0x7d: {  	(v2sf) =	vpush v18, $0x9;
	[tilespmem:s25], [sflag:$0x1] =	stream.strided.gather [hbm4b:s7+s26], $0x800, s28, s26, $0x38;
	[tilespmem:$0x15400] =	vst v63  }
0x7e: {  	s7 =	spop (v2sf)  }
0x7f: {  	p0 =	slt.s32 s7, $0x1E83  }
0x80: {  	s7 =	simm.s32 @!p0 $0x1E83  }
0x81: {  	s7 =	sshll.u32 s7, $0x7  }
0x82: {  	s7 =	sand.u32 $0x1FFFFF80, s7  }
0x83: {  	s31 =	simm.s32 $0x3C00;
	s7 =	sadd.s32 s0, s7  }
0x84: {  	(v2sf) =	vpush v18, $0xA;
	[tilespmem:s31], [sflag:$0x1] =	stream.strided.gather [hbm4b:s7+s26], $0x800, s28, s26, $0x38;
	[tilespmem:$0x15400] =	vst v63  }
0x85: {  	s7 =	spop (v2sf)  }
0x86: {  	p0 =	slt.s32 s7, $0x1E83  }
0x87: {  	s7 =	simm.s32 @!p0 $0x1E83  }
0x88: {  	s7 =	sshll.u32 s7, $0x7  }
0x89: {  	s7 =	sand.u32 $0x1FFFFF80, s7  }
0x8a: {  	s9 =	simm.s32 $0x4400;
	s7 =	sadd.s32 s0, s7  }
0x8b: {  	(v2sf) =	vpush v18, $0xB;
	[tilespmem:s9], [sflag:$0x1] =	stream.strided.gather [hbm4b:s7+s26], $0x800, s28, s26, $0x38;
	[tilespmem:$0x15400] =	vst v63  }
0x8c: {  	s7 =	spop (v2sf)  }
0x8d: {  	p0 =	slt.s32 s7, $0x1E83  }
0x8e: {  	s7 =	simm.s32 @!p0 $0x1E83  }
0x8f: {  	s7 =	sshll.u32 s7, $0x7  }
0x90: {  	s7 =	sand.u32 $0x1FFFFF80, s7  }
0x91: {  	s10 =	simm.s32 $0x4C00;
	s7 =	sadd.s32 s0, s7  }
0x92: {  	(v2sf) =	vpush v18, $0xC;
	[tilespmem:s10], [sflag:$0x1] =	stream.strided.gather [hbm4b:s7+s26], $0x800, s28, s26, $0x38;
	[tilespmem:$0x15400] =	vst v63  }
0x93: {  	s7 =	spop (v2sf)  }
0x94: {  	p0 =	slt.s32 s7, $0x1E83  }
0x95: {  	(v2sf) =	vpush v18, $0xD;
	s7 =	simm.s32 @!p0 $0x1E83  }
0x96: {  	s7 =	sshll.u32 s7, $0x7  }
0x97: {  	s7 =	sand.u32 $0x1FFFFF80, s7  }
0x98: {  	s12 =	simm.s32 $0x5400;
	s7 =	sadd.s32 s0, s7  }
0x99: {  	[tilespmem:s12], [sflag:$0x1] =	stream.strided.gather [hbm4b:s7+s26], $0x800, s28, s26, $0x38;
	[tilespmem:$0x15400] =	vst v63  }
0x9a: {  	s7 =	spop (v2sf)  }
0x9b: {  	(v2sf) =	vpush v18, $0xE;
	p0 =	slt.s32 s7, $0x1E83  }
0x9c: {  	s7 =	simm.s32 @!p0 $0x1E83  }
0x9d: {  	s7 =	sshll.u32 s7, $0x7  }
0x9e: {  	s7 =	sand.u32 $0x1FFFFF80, s7  }
0x9f: {  	s25 =	simm.s32 $0x5C00;
	s7 =	sadd.s32 s0, s7  }
0xa0: {  	[tilespmem:s25], [sflag:$0x1] =	stream.strided.gather [hbm4b:s7+s26], $0x800, s28, s26, $0x38;
	[tilespmem:$0x15400] =	vst v63  }
0xa1: {  	s7 =	spop (v2sf)  }
0xa2: {  	p0 =	slt.s32 s7, $0x1E83  }
0xa3: {  	(v2sf) =	vpush v18, $0xF;
	s7 =	simm.s32 @!p0 $0x1E83  }
0xa4: {  	s7 =	sshll.u32 s7, $0x7;
	s8 =	spop (v2sf)  }
0xa5: {  	s7 =	sand.u32 $0x1FFFFF80, s7;
	p0 =	slt.s32 s8, $0x1E83  }
0xa6: {  	s31 =	simm.s32 $0x6400;
	s7 =	sadd.s32 s0, s7;
	s8 =	simm.s32 @!p0 $0x1E83  }
0xa7: {  	[tilespmem:s31], [sflag:$0x1] =	stream.strided.gather [hbm4b:s7+s26], $0x800, s28, s26, $0x38;
	[tilespmem:$0x15400] =	vst v63  }
0xa8: {  	s9 =	sshll.u32 s8, $0x7  }
0xa9: {  	s7 =	sand.u32 $0x1FFFFF80, s9  }
0xaa: {  	s10 =	simm.s32 $0x6C00;
	s7 =	sadd.s32 s0, s7;
	s8 =	spop (v2sf)  }
0xab: {  	[tilespmem:s10], [sflag:$0x1] =	stream.strided.gather [hbm4b:s7+s26], $0x800, s28, s26, $0x38;
	[tilespmem:$0x15400] =	vst v63  }
0xac: {  	p0 =	slt.s32 s8, $0x1E83  }
0xad: {  	s8 =	simm.s32 @!p0 $0x1E83  }
0xae: {  	s12 =	sshll.u32 s8, $0x7  }
0xaf: {  	s7 =	sand.u32 $0x1FFFFF80, s12  }
0xb0: {  	s25 =	simm.s32 $0x7400;
	s7 =	sadd.s32 s0, s7  }
0xb1: {  	[tilespmem:s25], [sflag:$0x1] =	stream.strided.gather [hbm4b:s7+s26], $0x800, s28, s26, $0x38;
	[tilespmem:$0x15400] =	vst v63  }
0xb2: {  	s7 =	spop (v2sf)  }
0xb3: {  	p0 =	slt.s32 s7, $0x1E83  }
.Ltmp2:
0xb4: {  	s7 =	simm.s32 @!p0 $0x1E83;
	(pc) =	sbr.rel .LBB2_2-.Ltmp2, $4  }
0xb5: {  	s7 =	sshll.u32 s7, $0x7  }
0xb6: {  	s29 =	simm.s32 $0x0;
	s7 =	sand.u32 $0x1FFFFF80, s7  }
0xb7: {  	s31 =	simm.s32 $0x7C00;
	s25 =	simm.s32 $0x10;
	s7 =	sadd.s32 s0, s7  }
0xb8: {  	[tilespmem:s31], [sflag:$0x1] =	stream.strided.gather [hbm4b:s7+s26], $0x800, s28, s26, $0x38;
	[tilespmem:$0x15400] =	vst v63  }
.LBB2_4:
0xb9: {  	v34 =	vld [tilespmem:s31+$0x80];
	_ =	swait.ge [sflag:s21], $0x800  }
0xba: {  	[sflag:s21] =	ssyncset.done $0x0  }
0xbb: {  	[sflag:s21] =	ssyncadd.s32 $0xFFFFF800  }
0xbc: {  	_ =	swait.ge [sflag:s21], $0x800  }
0xbd: {  	[sflag:s21] =	ssyncset.done $0x0  }
0xbe: {  	[sflag:s21] =	ssyncadd.s32 $0xFFFFF800  }
0xbf: {  	_ =	swait.ge [sflag:s21], $0x800  }
0xc0: {  	[sflag:s21] =	ssyncset.done $0x0  }
0xc1: {  	[sflag:s21] =	ssyncadd.s32 $0xFFFFF800  }
0xc2: {  	_ =	swait.ge [sflag:s21], $0x800  }
0xc3: {  	[sflag:s21] =	ssyncset.done $0x0  }
0xc4: {  	[sflag:s21] =	ssyncadd.s32 $0xFFFFF800  }
0xc5: {  	_ =	swait.ge [sflag:s21], $0x800  }
0xc6: {  	[sflag:s21] =	ssyncset.done $0x0  }
0xc7: {  	[sflag:s21] =	ssyncadd.s32 $0xFFFFF800  }
0xc8: {  	_ =	swait.ge [sflag:s21], $0x800  }
0xc9: {  	[sflag:s21] =	ssyncset.done $0x0  }
0xca: {  	[sflag:s21] =	ssyncadd.s32 $0xFFFFF800  }
0xcb: {  	_ =	swait.ge [sflag:s21], $0x800  }
0xcc: {  	[sflag:s21] =	ssyncset.done $0x0  }
0xcd: {  	[sflag:s21] =	ssyncadd.s32 $0xFFFFF800  }
0xce: {  	_ =	swait.ge [sflag:s21], $0x800  }
0xcf: {  	[sflag:s21] =	ssyncset.done $0x0  }
0xd0: {  	[sflag:s21] =	ssyncadd.s32 $0xFFFFF800  }
0xd1: {  	_ =	swait.ge [sflag:s21], $0x800  }
0xd2: {  	[sflag:s21] =	ssyncset.done $0x0  }
0xd3: {  	[sflag:s21] =	ssyncadd.s32 $0xFFFFF800  }
0xd4: {  	_ =	swait.ge [sflag:s21], $0x800  }
0xd5: {  	[sflag:s21] =	ssyncset.done $0x0  }
0xd6: {  	[sflag:s21] =	ssyncadd.s32 $0xFFFFF800  }
0xd7: {  	_ =	swait.ge [sflag:s21], $0x800  }
0xd8: {  	[sflag:s21] =	ssyncset.done $0x0  }
0xd9: {  	[sflag:s21] =	ssyncadd.s32 $0xFFFFF800  }
0xda: {  	_ =	swait.ge [sflag:s21], $0x800  }
0xdb: {  	[sflag:s21] =	ssyncset.done $0x0  }
0xdc: {  	[sflag:s21] =	ssyncadd.s32 $0xFFFFF800  }
0xdd: {  	_ =	swait.ge [sflag:s21], $0x800  }
0xde: {  	[sflag:s21] =	ssyncset.done $0x0  }
0xdf: {  	[sflag:s21] =	ssyncadd.s32 $0xFFFFF800  }
0xe0: {  	_ =	swait.ge [sflag:s21], $0x800  }
0xe1: {  	[sflag:s21] =	ssyncset.done $0x0  }
0xe2: {  	[sflag:s21] =	ssyncadd.s32 $0xFFFFF800  }
0xe3: {  	_ =	swait.ge [sflag:s21], $0x800  }
0xe4: {  	[sflag:s21] =	ssyncset.done $0x0  }
0xe5: {  	[sflag:s21] =	ssyncadd.s32 $0xFFFFF800  }
0xe6: {  	_ =	swait.ge [sflag:s21], $0x800  }
0xe7: {  	(v2sf) =	vpush v34, $0x0;
	_ =	sdelay $0x5  }
0xe8: {  	(v2sf) =	vpush v34, $0x1;
	_ =	sdelay $0x5  }
0xe9: {  	(v2sf) =	vpush v34, $0x2;
	_ =	sdelay $0x2  }
0xea: {  	s7 =	spop (v2sf)  }
0xeb: {  	s7 =	sand.u32 $0x7F, s7  }
0xec: {  	v35 =	vor.u32 s7, v0  }
0xed: {  	(v2sf) =	vpush v34, $0x3;
	_ =	sdelay $0x1  }
0xee: {  	[sflag:s21] =	ssyncset.done $0x0  }
0xef: {  	[sflag:s21] =	ssyncadd.s32 $0xFFFFF800;
	s8 =	spop (v2sf)  }
0xf0: {  	s7 =	sand.u32 $0x7F, s8;
	v35 =	vld.idx.msk [tilespmem:v35+s11+$0x0], $0xffff  }
0xf1: {  	v36 =	vor.u32 s7, v2  }
0xf2: {  	(v2sf) =	vpush v34, $0x4;
	_ =	sdelay $0x2  }
0xf3: {  	s9 =	spop (v2sf);
	[tilespmem:v18+s23+$0x0] =	vst.idx.msk $0xffff, v35  }
0xf4: {  	s7 =	sand.u32 $0x7F, s9;
	v18 =	vld.idx.msk [tilespmem:v36+s11+$0x0], $0xffff  }
0xf5: {  	v63 =	vor.u32 s7, v3  }
0xf6: {  	(v2sf) =	vpush v34, $0x5;
	_ =	sdelay $0x2  }
0xf7: {  	s10 =	spop (v2sf);
	[tilespmem:v19+s23+$0x0] =	vst.idx.msk $0xffff, v18  }
0xf8: {  	s7 =	sand.u32 $0x7F, s10;
	v18 =	vld.idx.msk [tilespmem:v63+s11+$0x0], $0xffff  }
0xf9: {  	v19 =	vor.u32 s7, v4  }
0xfa: {  	(v2sf) =	vpush v34, $0x6;
	_ =	sdelay $0x2  }
0xfb: {  	s12 =	spop (v2sf);
	[tilespmem:v20+s23+$0x0] =	vst.idx.msk $0xffff, v18  }
0xfc: {  	s7 =	sand.u32 $0x7F, s12;
	v18 =	vld.idx.msk [tilespmem:v19+s11+$0x0], $0xffff  }
0xfd: {  	v19 =	vor.u32 s7, v5  }
0xfe: {  	(v2sf) =	vpush v34, $0x7;
	_ =	sdelay $0x2  }
0xff: {  	s31 =	spop (v2sf);
	[tilespmem:v21+s23+$0x0] =	vst.idx.msk $0xffff, v18  }
0x100: {  	s7 =	sand.u32 $0x7F, s31;
	v18 =	vld.idx.msk [tilespmem:v19+s11+$0x0], $0xffff  }
0x101: {  	v19 =	vor.u32 s7, v6  }
0x102: {  	(v2sf) =	vpush v34, $0x8;
	_ =	sdelay $0x2  }
0x103: {  	s8 =	spop (v2sf);
	[tilespmem:v22+s23+$0x0] =	vst.idx.msk $0xffff, v18  }
0x104: {  	s7 =	sand.u32 $0x7F, s8;
	v18 =	vld.idx.msk [tilespmem:v19+s11+$0x0], $0xffff  }
0x105: {  	v19 =	vor.u32 s7, v7  }
0x106: {  	(v2sf) =	vpush v34, $0x9;
	_ =	sdelay $0x2  }
0x107: {  	s9 =	spop (v2sf);
	[tilespmem:v23+s23+$0x0] =	vst.idx.msk $0xffff, v18  }
0x108: {  	s7 =	sand.u32 $0x7F, s9;
	v18 =	vld.idx.msk [tilespmem:v19+s11+$0x0], $0xffff  }
0x109: {  	v19 =	vor.u32 s7, v8  }
0x10a: {  	(v2sf) =	vpush v34, $0xA;
	_ =	sdelay $0x2  }
0x10b: {  	s10 =	spop (v2sf);
	[tilespmem:v24+s23+$0x0] =	vst.idx.msk $0xffff, v18  }
0x10c: {  	s7 =	sand.u32 $0x7F, s10;
	v18 =	vld.idx.msk [tilespmem:v19+s11+$0x0], $0xffff  }
0x10d: {  	v19 =	vor.u32 s7, v9  }
0x10e: {  	(v2sf) =	vpush v34, $0xB;
	_ =	sdelay $0x2  }
0x10f: {  	s12 =	spop (v2sf);
	[tilespmem:v25+s23+$0x0] =	vst.idx.msk $0xffff, v18  }
0x110: {  	s7 =	sand.u32 $0x7F, s12;
	v18 =	vld.idx.msk [tilespmem:v19+s11+$0x0], $0xffff  }
0x111: {  	v19 =	vor.u32 s7, v10  }
0x112: {  	(v2sf) =	vpush v34, $0xC;
	_ =	sdelay $0x2  }
0x113: {  	s31 =	spop (v2sf);
	[tilespmem:v26+s23+$0x0] =	vst.idx.msk $0xffff, v18  }
0x114: {  	s7 =	sand.u32 $0x7F, s31;
	v18 =	vld.idx.msk [tilespmem:v19+s11+$0x0], $0xffff  }
0x115: {  	v19 =	vor.u32 s7, v11  }
0x116: {  	(v2sf) =	vpush v34, $0xD;
	_ =	sdelay $0x2  }
0x117: {  	s8 =	spop (v2sf);
	[tilespmem:v27+s23+$0x0] =	vst.idx.msk $0xffff, v18  }
0x118: {  	s7 =	sand.u32 $0x7F, s8;
	v18 =	vld.idx.msk [tilespmem:v19+s11+$0x0], $0xffff  }
0x119: {  	v19 =	vor.u32 s7, v12  }
0x11a: {  	(v2sf) =	vpush v34, $0xE;
	_ =	sdelay $0x2  }
0x11b: {  	s9 =	spop (v2sf);
	[tilespmem:v28+s23+$0x0] =	vst.idx.msk $0xffff, v18  }
0x11c: {  	s7 =	sand.u32 $0x7F, s9;
	v18 =	vld.idx.msk [tilespmem:v19+s11+$0x0], $0xffff  }
0x11d: {  	v19 =	vor.u32 s7, v13  }
0x11e: {  	(v2sf) =	vpush v34, $0xF;
	_ =	sdelay $0x2  }
0x11f: {  	s10 =	spop (v2sf);
	[tilespmem:v29+s23+$0x0] =	vst.idx.msk $0xffff, v18  }
0x120: {  	s7 =	sand.u32 $0x7F, s10;
	v18 =	vld.idx.msk [tilespmem:v19+s11+$0x0], $0xffff  }
0x121: {  	v19 =	vor.u32 s7, v14;
	_ =	sdelay $0x3  }
0x122: {  	s12 =	spop (v2sf);
	[tilespmem:v30+s23+$0x0] =	vst.idx.msk $0xffff, v18  }
0x123: {  	s7 =	sand.u32 $0x7F, s12;
	v18 =	vld.idx.msk [tilespmem:v19+s11+$0x0], $0xffff  }
0x124: {  	v19 =	vor.u32 s7, v15;
	_ =	sdelay $0x3  }
0x125: {  	s31 =	spop (v2sf);
	[tilespmem:v31+s23+$0x0] =	vst.idx.msk $0xffff, v18  }
0x126: {  	s7 =	sand.u32 $0x7F, s31;
	v18 =	vld.idx.msk [tilespmem:v19+s11+$0x0], $0xffff  }
0x127: {  	v19 =	vor.u32 s7, v16;
	_ =	sdelay $0x3  }
0x128: {  	s25 =	sadd.s32 $0x10, s25;
	[tilespmem:v32+s23+$0x0] =	vst.idx.msk $0xffff, v18  }
0x129: {  	p0 =	sne.s32 s25, $0x210;
	v18 =	vld.idx.msk [tilespmem:v19+s11+$0x0], $0xffff  }
.Ltmp3:
0x12a: {  	_ = 	snop;
	(pc) =	sbr.rel @!p0 .LBB2_5-.Ltmp3, $2  }
0x12b: {  	_ =	sdelay $0x2  }
0x12c: {  	s29 =	sadd.s32 $0x20, s29;
	[tilespmem:v33+s23+$0x0] =	vst.idx.msk $0xffff, v18  }
.LBB2_2:
0x12d: {  	s7 =	sadd.s32 $0xFFFFFFF0, s25  }
0x12e: {  	s9 =	sand.u32 $0x300, s29;
	s8 =	sand.u32 $0x70, s7  }
0x12f: {  	s31 =	sor.u32 s8, s9  }
0x130: {  	v18 =	vld [tilespmem:s31+$0x80];
	_ =	sdelay $0x4  }
0x131: {  	v18 =	vshra.s32 v18, $0x7  }
0x132: {  	(v2sf) =	vpush v18, $0x0;
	_ =	sdelay $0x6  }
0x133: {  	(v2sf) =	vpush v18, $0x1;
	_ =	sdelay $0x6  }
0x134: {  	(v2sf) =	vpush v18, $0x2  }
0x135: {  	s8 =	spop (v2sf)  }
0x136: {  	p0 =	slt.s32 s8, $0x1E83  }
0x137: {  	s8 =	simm.s32 @!p0 $0x1E83  }
0x138: {  	s8 =	sshll.u32 s8, $0x7  }
0x139: {  	s8 =	sand.u32 $0x1FFFFF80, s8  }
0x13a: {  	s8 =	sadd.s32 s3, s8  }
0x13b: {  	(v2sf) =	vpush v18, $0x3;
	[tilespmem:s11], [sflag:$0x2] =	stream.strided.gather [hbm4b:s8+s26], $0x800, s28, s26, $0x38;
	[tilespmem:$0x15400] =	vst v63  }
0x13c: {  	s8 =	spop (v2sf)  }
0x13d: {  	p0 =	slt.s32 s8, $0x1E83  }
0x13e: {  	s8 =	simm.s32 @!p0 $0x1E83  }
0x13f: {  	s8 =	sshll.u32 s8, $0x7  }
0x140: {  	s8 =	sand.u32 $0x1FFFFF80, s8  }
0x141: {  	s12 =	simm.s32 $0x8C00;
	s8 =	sadd.s32 s3, s8  }
0x142: {  	(v2sf) =	vpush v18, $0x4;
	[tilespmem:s12], [sflag:$0x2] =	stream.strided.gather [hbm4b:s8+s26], $0x800, s28, s26, $0x38;
	[tilespmem:$0x15400] =	vst v63  }
0x143: {  	s8 =	spop (v2sf)  }
0x144: {  	p0 =	slt.s32 s8, $0x1E83  }
0x145: {  	s8 =	simm.s32 @!p0 $0x1E83  }
0x146: {  	s8 =	sshll.u32 s8, $0x7  }
0x147: {  	s8 =	sand.u32 $0x1FFFFF80, s8  }
0x148: {  	s8 =	sadd.s32 s3, s8  }
0x149: {  	(v2sf) =	vpush v18, $0x5;
	[tilespmem:s13], [sflag:$0x2] =	stream.strided.gather [hbm4b:s8+s26], $0x800, s28, s26, $0x38;
	[tilespmem:$0x15400] =	vst v63  }
0x14a: {  	s8 =	spop (v2sf)  }
0x14b: {  	p0 =	slt.s32 s8, $0x1E83  }
0x14c: {  	s8 =	simm.s32 @!p0 $0x1E83  }
0x14d: {  	s8 =	sshll.u32 s8, $0x7  }
0x14e: {  	s8 =	sand.u32 $0x1FFFFF80, s8  }
0x14f: {  	s8 =	sadd.s32 s3, s8  }
0x150: {  	(v2sf) =	vpush v18, $0x6;
	[tilespmem:s14], [sflag:$0x2] =	stream.strided.gather [hbm4b:s8+s26], $0x800, s28, s26, $0x38;
	[tilespmem:$0x15400] =	vst v63  }
0x151: {  	s8 =	spop (v2sf)  }
0x152: {  	p0 =	slt.s32 s8, $0x1E83  }
0x153: {  	s8 =	simm.s32 @!p0 $0x1E83  }
0x154: {  	s8 =	sshll.u32 s8, $0x7  }
0x155: {  	s8 =	sand.u32 $0x1FFFFF80, s8  }
0x156: {  	s8 =	sadd.s32 s3, s8  }
0x157: {  	(v2sf) =	vpush v18, $0x7;
	[tilespmem:s20], [sflag:$0x2] =	stream.strided.gather [hbm4b:s8+s26], $0x800, s28, s26, $0x38;
	[tilespmem:$0x15400] =	vst v63  }
0x158: {  	s8 =	spop (v2sf)  }
0x159: {  	p0 =	slt.s32 s8, $0x1E83  }
0x15a: {  	s8 =	simm.s32 @!p0 $0x1E83  }
0x15b: {  	s8 =	sshll.u32 s8, $0x7  }
0x15c: {  	s8 =	sand.u32 $0x1FFFFF80, s8  }
0x15d: {  	s8 =	sadd.s32 s3, s8  }
0x15e: {  	(v2sf) =	vpush v18, $0x8;
	[tilespmem:s22], [sflag:$0x2] =	stream.strided.gather [hbm4b:s8+s26], $0x800, s28, s26, $0x38;
	[tilespmem:$0x15400] =	vst v63  }
0x15f: {  	s8 =	spop (v2sf)  }
0x160: {  	p0 =	slt.s32 s8, $0x1E83  }
0x161: {  	s8 =	simm.s32 @!p0 $0x1E83  }
0x162: {  	s8 =	sshll.u32 s8, $0x7  }
0x163: {  	s8 =	sand.u32 $0x1FFFFF80, s8  }
0x164: {  	s8 =	sadd.s32 s3, s8  }
0x165: {  	(v2sf) =	vpush v18, $0x9;
	[tilespmem:s24], [sflag:$0x2] =	stream.strided.gather [hbm4b:s8+s26], $0x800, s28, s26, $0x38;
	[tilespmem:$0x15400] =	vst v63  }
0x166: {  	s8 =	spop (v2sf)  }
0x167: {  	p0 =	slt.s32 s8, $0x1E83  }
0x168: {  	s8 =	simm.s32 @!p0 $0x1E83  }
0x169: {  	s8 =	sshll.u32 s8, $0x7  }
0x16a: {  	s8 =	sand.u32 $0x1FFFFF80, s8  }
0x16b: {  	s8 =	sadd.s32 s3, s8  }
0x16c: {  	(v2sf) =	vpush v18, $0xA;
	[tilespmem:s5], [sflag:$0x2] =	stream.strided.gather [hbm4b:s8+s26], $0x800, s28, s26, $0x38;
	[tilespmem:$0x15400] =	vst v63  }
0x16d: {  	s8 =	spop (v2sf)  }
0x16e: {  	p0 =	slt.s32 s8, $0x1E83  }
0x16f: {  	s8 =	simm.s32 @!p0 $0x1E83  }
0x170: {  	s8 =	sshll.u32 s8, $0x7  }
0x171: {  	s8 =	sand.u32 $0x1FFFFF80, s8  }
0x172: {  	s8 =	sadd.s32 s3, s8  }
0x173: {  	(v2sf) =	vpush v18, $0xB;
	[tilespmem:s6], [sflag:$0x2] =	stream.strided.gather [hbm4b:s8+s26], $0x800, s28, s26, $0x38;
	[tilespmem:$0x15400] =	vst v63  }
0x174: {  	s8 =	spop (v2sf)  }
0x175: {  	p0 =	slt.s32 s8, $0x1E83  }
0x176: {  	s8 =	simm.s32 @!p0 $0x1E83  }
0x177: {  	s8 =	sshll.u32 s8, $0x7  }
0x178: {  	s8 =	sand.u32 $0x1FFFFF80, s8  }
0x179: {  	s8 =	sadd.s32 s3, s8  }
0x17a: {  	(v2sf) =	vpush v18, $0xC;
	[tilespmem:s30], [sflag:$0x2] =	stream.strided.gather [hbm4b:s8+s26], $0x800, s28, s26, $0x38;
	[tilespmem:$0x15400] =	vst v63  }
0x17b: {  	s8 =	spop (v2sf)  }
0x17c: {  	p0 =	slt.s32 s8, $0x1E83  }
0x17d: {  	s8 =	simm.s32 @!p0 $0x1E83  }
0x17e: {  	s8 =	sshll.u32 s8, $0x7  }
0x17f: {  	s8 =	sand.u32 $0x1FFFFF80, s8  }
0x180: {  	s8 =	sadd.s32 s3, s8  }
0x181: {  	(v2sf) =	vpush v18, $0xD;
	[tilespmem:s4], [sflag:$0x2] =	stream.strided.gather [hbm4b:s8+s26], $0x800, s28, s26, $0x38;
	[tilespmem:$0x15400] =	vst v63  }
0x182: {  	s8 =	spop (v2sf)  }
0x183: {  	p0 =	slt.s32 s8, $0x1E83  }
0x184: {  	s8 =	simm.s32 @!p0 $0x1E83  }
0x185: {  	s8 =	sshll.u32 s8, $0x7  }
0x186: {  	s8 =	sand.u32 $0x1FFFFF80, s8  }
0x187: {  	s8 =	sadd.s32 s3, s8  }
0x188: {  	(v2sf) =	vpush v18, $0xE;
	[tilespmem:s18], [sflag:$0x2] =	stream.strided.gather [hbm4b:s8+s26], $0x800, s28, s26, $0x38;
	[tilespmem:$0x15400] =	vst v63  }
0x189: {  	s8 =	spop (v2sf)  }
0x18a: {  	p0 =	slt.s32 s8, $0x1E83  }
0x18b: {  	s8 =	simm.s32 @!p0 $0x1E83  }
0x18c: {  	s8 =	sshll.u32 s8, $0x7  }
0x18d: {  	s8 =	sand.u32 $0x1FFFFF80, s8  }
0x18e: {  	s8 =	sadd.s32 s3, s8  }
0x18f: {  	(v2sf) =	vpush v18, $0xF;
	[tilespmem:s1], [sflag:$0x2] =	stream.strided.gather [hbm4b:s8+s26], $0x800, s28, s26, $0x38;
	[tilespmem:$0x15400] =	vst v63  }
0x190: {  	s8 =	spop (v2sf)  }
0x191: {  	p0 =	slt.s32 s8, $0x1E83  }
0x192: {  	s8 =	simm.s32 @!p0 $0x1E83  }
0x193: {  	s8 =	sshll.u32 s8, $0x7  }
0x194: {  	s8 =	sand.u32 $0x1FFFFF80, s8  }
0x195: {  	s8 =	sadd.s32 s3, s8  }
0x196: {  	[tilespmem:s2], [sflag:$0x2] =	stream.strided.gather [hbm4b:s8+s26], $0x800, s28, s26, $0x38;
	[tilespmem:$0x15400] =	vst v63  }
0x197: {  	s8 =	spop (v2sf)  }
0x198: {  	p0 =	slt.s32 s8, $0x1E83  }
0x199: {  	s8 =	simm.s32 @!p0 $0x1E83  }
0x19a: {  	s8 =	sshll.u32 s8, $0x7  }
0x19b: {  	s8 =	sand.u32 $0x1FFFFF80, s8  }
0x19c: {  	s8 =	sadd.s32 s3, s8  }
0x19d: {  	[tilespmem:s15], [sflag:$0x2] =	stream.strided.gather [hbm4b:s8+s26], $0x800, s28, s26, $0x38;
	[tilespmem:$0x15400] =	vst v63  }
0x19e: {  	s8 =	spop (v2sf)  }
0x19f: {  	p0 =	slt.s32 s8, $0x1E83  }
0x1a0: {  	s8 =	simm.s32 @!p0 $0x1E83  }
0x1a1: {  	s8 =	sshll.u32 s8, $0x7  }
0x1a2: {  	s8 =	sand.u32 $0x1FFFFF80, s8  }
0x1a3: {  	s8 =	sadd.s32 s3, s8  }
0x1a4: {  	[tilespmem:s16], [sflag:$0x2] =	stream.strided.gather [hbm4b:s8+s26], $0x800, s28, s26, $0x38;
	[tilespmem:$0x15400] =	vst v63  }
0x1a5: {  	v30 =	vld [tilespmem:s31+$0x0];
	_ =	swait.ge [sflag:s17], $0x800  }
0x1a6: {  	[sflag:s17] =	ssyncset.done $0x0  }
0x1a7: {  	[sflag:s17] =	ssyncadd.s32 $0xFFFFF800  }
0x1a8: {  	_ =	swait.ge [sflag:s17], $0x800  }
0x1a9: {  	[sflag:s17] =	ssyncset.done $0x0  }
0x1aa: {  	[sflag:s17] =	ssyncadd.s32 $0xFFFFF800  }
0x1ab: {  	_ =	swait.ge [sflag:s17], $0x800  }
0x1ac: {  	[sflag:s17] =	ssyncset.done $0x0  }
0x1ad: {  	[sflag:s17] =	ssyncadd.s32 $0xFFFFF800  }
0x1ae: {  	_ =	swait.ge [sflag:s17], $0x800  }
0x1af: {  	[sflag:s17] =	ssyncset.done $0x0  }
0x1b0: {  	[sflag:s17] =	ssyncadd.s32 $0xFFFFF800  }
0x1b1: {  	_ =	swait.ge [sflag:s17], $0x800  }
0x1b2: {  	[sflag:s17] =	ssyncset.done $0x0  }
0x1b3: {  	[sflag:s17] =	ssyncadd.s32 $0xFFFFF800  }
0x1b4: {  	_ =	swait.ge [sflag:s17], $0x800  }
0x1b5: {  	[sflag:s17] =	ssyncset.done $0x0  }
0x1b6: {  	[sflag:s17] =	ssyncadd.s32 $0xFFFFF800  }
0x1b7: {  	_ =	swait.ge [sflag:s17], $0x800  }
0x1b8: {  	[sflag:s17] =	ssyncset.done $0x0  }
0x1b9: {  	[sflag:s17] =	ssyncadd.s32 $0xFFFFF800  }
0x1ba: {  	_ =	swait.ge [sflag:s17], $0x800  }
0x1bb: {  	[sflag:s17] =	ssyncset.done $0x0  }
0x1bc: {  	[sflag:s17] =	ssyncadd.s32 $0xFFFFF800  }
0x1bd: {  	_ =	swait.ge [sflag:s17], $0x800  }
0x1be: {  	[sflag:s17] =	ssyncset.done $0x0  }
0x1bf: {  	[sflag:s17] =	ssyncadd.s32 $0xFFFFF800  }
0x1c0: {  	_ =	swait.ge [sflag:s17], $0x800  }
0x1c1: {  	[sflag:s17] =	ssyncset.done $0x0  }
0x1c2: {  	[sflag:s17] =	ssyncadd.s32 $0xFFFFF800  }
0x1c3: {  	_ =	swait.ge [sflag:s17], $0x800  }
0x1c4: {  	[sflag:s17] =	ssyncset.done $0x0  }
0x1c5: {  	[sflag:s17] =	ssyncadd.s32 $0xFFFFF800  }
0x1c6: {  	_ =	swait.ge [sflag:s17], $0x800  }
0x1c7: {  	[sflag:s17] =	ssyncset.done $0x0  }
0x1c8: {  	[sflag:s17] =	ssyncadd.s32 $0xFFFFF800  }
0x1c9: {  	_ =	swait.ge [sflag:s17], $0x800  }
0x1ca: {  	[sflag:s17] =	ssyncset.done $0x0  }
0x1cb: {  	[sflag:s17] =	ssyncadd.s32 $0xFFFFF800  }
0x1cc: {  	_ =	swait.ge [sflag:s17], $0x800  }
0x1cd: {  	[sflag:s17] =	ssyncset.done $0x0  }
0x1ce: {  	[sflag:s17] =	ssyncadd.s32 $0xFFFFF800  }
0x1cf: {  	_ =	swait.ge [sflag:s17], $0x800  }
0x1d0: {  	[sflag:s17] =	ssyncset.done $0x0  }
0x1d1: {  	[sflag:s17] =	ssyncadd.s32 $0xFFFFF800  }
0x1d2: {  	_ =	swait.ge [sflag:s17], $0x800  }
0x1d3: {  	(v2sf) =	vpush v30, $0x0;
	_ =	sdelay $0x5  }
0x1d4: {  	(v2sf) =	vpush v30, $0x1;
	_ =	sdelay $0x5  }
0x1d5: {  	(v2sf) =	vpush v30, $0x2;
	_ =	sdelay $0x2  }
0x1d6: {  	s9 =	spop (v2sf)  }
0x1d7: {  	s8 =	sand.u32 $0x7F, s9  }
0x1d8: {  	v18 =	vor.u32 s8, v0  }
0x1d9: {  	v19 =	vmov s7;
	(v2sf) =	vpush v30, $0x3  }
0x1da: {  	v20 =	vshll.u32 v19, $0x3  }
0x1db: {  	v19 =	vand.u32 $0x70, v19;
	v20 =	vand.u32 $0xC00, v20;
	[sflag:s17] =	ssyncset.done $0x0  }
0x1dc: {  	v19 =	vor.u32 v20, v19;
	[sflag:s17] =	ssyncadd.s32 $0xFFFFF800;
	s10 =	spop (v2sf)  }
0x1dd: {  	s7 =	sand.u32 $0x7F, s10;
	v20 =	vld.idx.msk [tilespmem:v18+s26+$0x0], $0xffff;
	v18 =	vor.u32 v1, v19  }
0x1de: {  	s12 =	sadd.s32 $0xFFFFFFF1, s25;
	v19 =	vor.u32 s7, v2  }
0x1df: {  	v21 =	vmov s12;
	(v2sf) =	vpush v30, $0x4  }
0x1e0: {  	v22 =	vshll.u32 v21, $0x3  }
0x1e1: {  	v21 =	vand.u32 $0x71, v21;
	v22 =	vand.u32 $0xC00, v22  }
0x1e2: {  	s8 =	spop (v2sf);
	[tilespmem:v18+s19+$0x0] =	vst.idx.msk $0xffff, v20;
	v20 =	vor.u32 v22, v21  }
0x1e3: {  	s7 =	sand.u32 $0x7F, s8;
	v21 =	vld.idx.msk [tilespmem:v19+s26+$0x0], $0xffff;
	v19 =	vor.u32 v1, v20  }
0x1e4: {  	s9 =	sadd.s32 $0xFFFFFFF2, s25;
	v20 =	vor.u32 s7, v3  }
0x1e5: {  	(v2sf) =	vpush v30, $0x5;
	v22 =	vmov s9  }
0x1e6: {  	v23 =	vshll.u32 v22, $0x3  }
0x1e7: {  	v22 =	vand.u32 $0x72, v22;
	v23 =	vand.u32 $0xC00, v23  }
0x1e8: {  	s10 =	spop (v2sf);
	[tilespmem:v19+s19+$0x0] =	vst.idx.msk $0xffff, v21;
	v21 =	vor.u32 v23, v22  }
0x1e9: {  	s7 =	sand.u32 $0x7F, s10;
	v22 =	vld.idx.msk [tilespmem:v20+s26+$0x0], $0xffff;
	v20 =	vor.u32 v1, v21  }
0x1ea: {  	s12 =	sadd.s32 $0xFFFFFFF3, s25;
	v21 =	vor.u32 s7, v4  }
0x1eb: {  	(v2sf) =	vpush v30, $0x6;
	v23 =	vmov s12  }
0x1ec: {  	v24 =	vshll.u32 v23, $0x3  }
0x1ed: {  	v23 =	vand.u32 $0x73, v23;
	v24 =	vand.u32 $0xC00, v24  }
0x1ee: {  	s8 =	spop (v2sf);
	[tilespmem:v20+s19+$0x0] =	vst.idx.msk $0xffff, v22;
	v22 =	vor.u32 v24, v23  }
0x1ef: {  	s7 =	sand.u32 $0x7F, s8;
	v23 =	vld.idx.msk [tilespmem:v21+s26+$0x0], $0xffff;
	v21 =	vor.u32 v1, v22  }
0x1f0: {  	s9 =	sadd.s32 $0xFFFFFFF4, s25;
	v22 =	vor.u32 s7, v5  }
0x1f1: {  	(v2sf) =	vpush v30, $0x7;
	v24 =	vmov s9  }
0x1f2: {  	v25 =	vshll.u32 v24, $0x3  }
0x1f3: {  	v24 =	vand.u32 $0x74, v24;
	v25 =	vand.u32 $0xC00, v25  }
0x1f4: {  	s10 =	spop (v2sf);
	[tilespmem:v21+s19+$0x0] =	vst.idx.msk $0xffff, v23;
	v23 =	vor.u32 v25, v24  }
0x1f5: {  	s7 =	sand.u32 $0x7F, s10;
	v24 =	vld.idx.msk [tilespmem:v22+s26+$0x0], $0xffff;
	v22 =	vor.u32 v1, v23  }
0x1f6: {  	s12 =	sadd.s32 $0xFFFFFFF5, s25;
	v23 =	vor.u32 s7, v6  }
0x1f7: {  	(v2sf) =	vpush v30, $0x8;
	v25 =	vmov s12  }
0x1f8: {  	v26 =	vshll.u32 v25, $0x3  }
0x1f9: {  	v25 =	vand.u32 $0x75, v25;
	v26 =	vand.u32 $0xC00, v26  }
0x1fa: {  	s8 =	spop (v2sf);
	[tilespmem:v22+s19+$0x0] =	vst.idx.msk $0xffff, v24;
	v24 =	vor.u32 v26, v25  }
0x1fb: {  	s7 =	sand.u32 $0x7F, s8;
	v25 =	vld.idx.msk [tilespmem:v23+s26+$0x0], $0xffff;
	v23 =	vor.u32 v1, v24  }
0x1fc: {  	s9 =	sadd.s32 $0xFFFFFFF6, s25;
	v24 =	vor.u32 s7, v7  }
0x1fd: {  	(v2sf) =	vpush v30, $0x9;
	v26 =	vmov s9  }
0x1fe: {  	v27 =	vshll.u32 v26, $0x3  }
0x1ff: {  	v26 =	vand.u32 $0x76, v26;
	v27 =	vand.u32 $0xC00, v27  }
0x200: {  	s10 =	spop (v2sf);
	[tilespmem:v23+s19+$0x0] =	vst.idx.msk $0xffff, v25;
	v25 =	vor.u32 v27, v26  }
0x201: {  	s7 =	sand.u32 $0x7F, s10;
	v26 =	vld.idx.msk [tilespmem:v24+s26+$0x0], $0xffff;
	v24 =	vor.u32 v1, v25  }
0x202: {  	s12 =	sadd.s32 $0xFFFFFFF7, s25;
	v25 =	vor.u32 s7, v8  }
0x203: {  	(v2sf) =	vpush v30, $0xA;
	v27 =	vmov s12  }
0x204: {  	v28 =	vshll.u32 v27, $0x3  }
0x205: {  	v27 =	vand.u32 $0x77, v27;
	v28 =	vand.u32 $0xC00, v28  }
0x206: {  	s8 =	spop (v2sf);
	[tilespmem:v24+s19+$0x0] =	vst.idx.msk $0xffff, v26;
	v26 =	vor.u32 v28, v27  }
0x207: {  	s7 =	sand.u32 $0x7F, s8;
	v27 =	vld.idx.msk [tilespmem:v25+s26+$0x0], $0xffff;
	v25 =	vor.u32 v1, v26  }
0x208: {  	s9 =	sadd.s32 $0xFFFFFFF8, s25;
	v26 =	vor.u32 s7, v9  }
0x209: {  	(v2sf) =	vpush v30, $0xB;
	v28 =	vmov s9  }
0x20a: {  	v29 =	vshll.u32 v28, $0x3  }
0x20b: {  	v28 =	vand.u32 $0x78, v28;
	v29 =	vand.u32 $0xC00, v29  }
0x20c: {  	s10 =	spop (v2sf);
	[tilespmem:v25+s19+$0x0] =	vst.idx.msk $0xffff, v27;
	v27 =	vor.u32 v29, v28  }
0x20d: {  	s7 =	sand.u32 $0x7F, s10;
	v28 =	vld.idx.msk [tilespmem:v26+s26+$0x0], $0xffff;
	v26 =	vor.u32 v1, v27  }
0x20e: {  	s12 =	sadd.s32 $0xFFFFFFF9, s25;
	v27 =	vor.u32 s7, v10  }
0x20f: {  	(v2sf) =	vpush v30, $0xC;
	v29 =	vmov s12  }
0x210: {  	v31 =	vshll.u32 v29, $0x3  }
0x211: {  	v29 =	vand.u32 $0x79, v29;
	v31 =	vand.u32 $0xC00, v31  }
0x212: {  	s8 =	spop (v2sf);
	[tilespmem:v26+s19+$0x0] =	vst.idx.msk $0xffff, v28;
	v28 =	vor.u32 v31, v29  }
0x213: {  	s7 =	sand.u32 $0x7F, s8;
	v29 =	vld.idx.msk [tilespmem:v27+s26+$0x0], $0xffff;
	v27 =	vor.u32 v1, v28  }
0x214: {  	s9 =	sadd.s32 $0xFFFFFFFA, s25;
	v28 =	vor.u32 s7, v11  }
0x215: {  	(v2sf) =	vpush v30, $0xD;
	v31 =	vmov s9  }
0x216: {  	v32 =	vshll.u32 v31, $0x3  }
0x217: {  	v31 =	vand.u32 $0x7A, v31;
	v32 =	vand.u32 $0xC00, v32  }
0x218: {  	s10 =	spop (v2sf);
	[tilespmem:v27+s19+$0x0] =	vst.idx.msk $0xffff, v29;
	v29 =	vor.u32 v32, v31  }
0x219: {  	s7 =	sand.u32 $0x7F, s10;
	v31 =	vld.idx.msk [tilespmem:v28+s26+$0x0], $0xffff;
	v28 =	vor.u32 v1, v29  }
0x21a: {  	s12 =	sadd.s32 $0xFFFFFFFB, s25;
	v29 =	vor.u32 s7, v12  }
0x21b: {  	(v2sf) =	vpush v30, $0xE;
	v53 =	vmov s12  }
0x21c: {  	v33 =	vshll.u32 v53, $0x3  }
0x21d: {  	v33 =	vand.u32 $0xC00, v33;
	v32 =	vand.u32 $0x7B, v53  }
0x21e: {  	s8 =	spop (v2sf);
	[tilespmem:v28+s19+$0x0] =	vst.idx.msk $0xffff, v31;
	v31 =	vor.u32 v33, v32  }
0x21f: {  	s7 =	sand.u32 $0x7F, s8;
	v54 =	vld.idx.msk [tilespmem:v29+s26+$0x0], $0xffff;
	v29 =	vor.u32 v1, v31  }
0x220: {  	s9 =	sadd.s32 $0xFFFFFFFC, s25;
	v31 =	vor.u32 s7, v13  }
0x221: {  	(v2sf) =	vpush v30, $0xF;
	v55 =	vmov s9  }
0x222: {  	v30 =	vshll.u32 v55, $0x3  }
0x223: {  	v30 =	vand.u32 $0xC00, v30;
	v33 =	vand.u32 $0x7C, v55  }
0x224: {  	s10 =	spop (v2sf);
	v30 =	vor.u32 v30, v33;
	[tilespmem:v29+s19+$0x0] =	vst.idx.msk $0xffff, v54  }
0x225: {  	s7 =	sand.u32 $0x7F, s10;
	v30 =	vor.u32 v1, v30;
	v31 =	vld.idx.msk [tilespmem:v31+s26+$0x0], $0xffff  }
0x226: {  	s12 =	sadd.s32 $0xFFFFFFFD, s25;
	v56 =	vor.u32 s7, v14  }
0x227: {  	v57 =	vmov s12  }
0x228: {  	v34 =	vshll.u32 v57, $0x3  }
0x229: {  	v34 =	vand.u32 $0xC00, v34;
	v33 =	vand.u32 $0x7D, v57  }
0x22a: {  	s8 =	spop (v2sf);
	[tilespmem:v30+s19+$0x0] =	vst.idx.msk $0xffff, v31;
	v31 =	vor.u32 v34, v33  }
0x22b: {  	s7 =	sand.u32 $0x7F, s8;
	v32 =	vld.idx.msk [tilespmem:v56+s26+$0x0], $0xffff;
	v31 =	vor.u32 v1, v31  }
0x22c: {  	s9 =	sadd.s32 $0xFFFFFFFE, s25;
	v58 =	vor.u32 s7, v15  }
0x22d: {  	v59 =	vmov s9  }
0x22e: {  	v35 =	vshll.u32 v59, $0x3  }
0x22f: {  	v35 =	vand.u32 $0xC00, v35;
	v34 =	vand.u32 $0x7E, v59  }
0x230: {  	s10 =	spop (v2sf);
	v60 =	vor.u32 v35, v34;
	[tilespmem:v31+s19+$0x0] =	vst.idx.msk $0xffff, v32  }
0x231: {  	s7 =	sand.u32 $0x7F, s10;
	v32 =	vor.u32 v1, v60;
	v33 =	vld.idx.msk [tilespmem:v58+s26+$0x0], $0xffff  }
0x232: {  	s12 =	sadd.s32 $0xFFFFFFFF, s25;
	v61 =	vor.u32 s7, v16  }
0x233: {  	v62 =	vmov s12  }
0x234: {  	v36 =	vshll.u32 v62, $0x3  }
0x235: {  	v36 =	vand.u32 $0xC00, v36;
	v35 =	vand.u32 $0x7F, v62  }
0x236: {  	v63 =	vor.u32 v36, v35;
	[tilespmem:v32+s19+$0x0] =	vst.idx.msk $0xffff, v33  }
0x237: {  	p0 =	seq.s32 s25, $0x200;
	v33 =	vor.u32 v1, v63;
	v34 =	vld.idx.msk [tilespmem:v61+s26+$0x0], $0xffff  }
.Ltmp4:
0x238: {  	_ = 	snop;
	(pc) =	sbr.rel @p0 .LBB2_4-.Ltmp4, $2  }
0x239: {  	_ =	sdelay $0x2  }
0x23a: {  	[tilespmem:v33+s19+$0x0] =	vst.idx.msk $0xffff, v34  }
0x23b: {  	s7 =	sadd.s32 $0x20, s29  }
0x23c: {  	s8 =	sand.u32 $0x70, s25;
	s7 =	sand.u32 $0x700, s7  }
0x23d: {  	s7 =	sor.u32 s8, s7  }
0x23e: {  	v34 =	vld [tilespmem:s7+$0x0];
	_ =	sdelay $0x4  }
0x23f: {  	v34 =	vshra.s32 v34, $0x7  }
0x240: {  	(v2sf) =	vpush v34, $0x0;
	_ =	sdelay $0x6  }
0x241: {  	(v2sf) =	vpush v34, $0x1;
	_ =	sdelay $0x6  }
0x242: {  	(v2sf) =	vpush v34, $0x2  }
0x243: {  	s7 =	spop (v2sf)  }
0x244: {  	p0 =	slt.s32 s7, $0x1E83  }
0x245: {  	s7 =	simm.s32 @!p0 $0x1E83  }
0x246: {  	s7 =	sshll.u32 s7, $0x7  }
0x247: {  	s7 =	sand.u32 $0x1FFFFF80, s7  }
0x248: {  	s7 =	sadd.s32 s0, s7  }
0x249: {  	(v2sf) =	vpush v34, $0x3;
	[tilespmem:s26], [sflag:$0x1] =	stream.strided.gather [hbm4b:s7+s26], $0x800, s28, s26, $0x38;
	[tilespmem:$0x15400] =	vst v63  }
0x24a: {  	s7 =	spop (v2sf)  }
0x24b: {  	p0 =	slt.s32 s7, $0x1E83  }
0x24c: {  	s7 =	simm.s32 @!p0 $0x1E83  }
0x24d: {  	s7 =	sshll.u32 s7, $0x7  }
0x24e: {  	s7 =	sand.u32 $0x1FFFFF80, s7  }
0x24f: {  	s12 =	simm.s32 $0xC00;
	s7 =	sadd.s32 s0, s7  }
0x250: {  	(v2sf) =	vpush v34, $0x4;
	[tilespmem:s12], [sflag:$0x1] =	stream.strided.gather [hbm4b:s7+s26], $0x800, s28, s26, $0x38;
	[tilespmem:$0x15400] =	vst v63  }
0x251: {  	s7 =	spop (v2sf)  }
0x252: {  	p0 =	slt.s32 s7, $0x1E83  }
0x253: {  	s7 =	simm.s32 @!p0 $0x1E83  }
0x254: {  	s7 =	sshll.u32 s7, $0x7  }
0x255: {  	s7 =	sand.u32 $0x1FFFFF80, s7  }
0x256: {  	s9 =	simm.s32 $0x1400;
	s7 =	sadd.s32 s0, s7  }
0x257: {  	(v2sf) =	vpush v34, $0x5;
	[tilespmem:s9], [sflag:$0x1] =	stream.strided.gather [hbm4b:s7+s26], $0x800, s28, s26, $0x38;
	[tilespmem:$0x15400] =	vst v63  }
0x258: {  	s7 =	spop (v2sf)  }
0x259: {  	p0 =	slt.s32 s7, $0x1E83  }
0x25a: {  	s7 =	simm.s32 @!p0 $0x1E83  }
0x25b: {  	s7 =	sshll.u32 s7, $0x7  }
0x25c: {  	s7 =	sand.u32 $0x1FFFFF80, s7  }
0x25d: {  	s10 =	simm.s32 $0x1C00;
	s7 =	sadd.s32 s0, s7  }
0x25e: {  	(v2sf) =	vpush v34, $0x6;
	[tilespmem:s10], [sflag:$0x1] =	stream.strided.gather [hbm4b:s7+s26], $0x800, s28, s26, $0x38;
	[tilespmem:$0x15400] =	vst v63  }
0x25f: {  	s7 =	spop (v2sf)  }
0x260: {  	p0 =	slt.s32 s7, $0x1E83  }
0x261: {  	s7 =	simm.s32 @!p0 $0x1E83  }
0x262: {  	s7 =	sshll.u32 s7, $0x7  }
0x263: {  	s7 =	sand.u32 $0x1FFFFF80, s7  }
0x264: {  	s12 =	simm.s32 $0x2400;
	s7 =	sadd.s32 s0, s7  }
0x265: {  	(v2sf) =	vpush v34, $0x7;
	[tilespmem:s12], [sflag:$0x1] =	stream.strided.gather [hbm4b:s7+s26], $0x800, s28, s26, $0x38;
	[tilespmem:$0x15400] =	vst v63  }
0x266: {  	s7 =	spop (v2sf)  }
0x267: {  	p0 =	slt.s32 s7, $0x1E83  }
0x268: {  	s7 =	simm.s32 @!p0 $0x1E83  }
0x269: {  	s7 =	sshll.u32 s7, $0x7  }
0x26a: {  	s7 =	sand.u32 $0x1FFFFF80, s7  }
0x26b: {  	s9 =	simm.s32 $0x2C00;
	s7 =	sadd.s32 s0, s7  }
0x26c: {  	(v2sf) =	vpush v34, $0x8;
	[tilespmem:s9], [sflag:$0x1] =	stream.strided.gather [hbm4b:s7+s26], $0x800, s28, s26, $0x38;
	[tilespmem:$0x15400] =	vst v63  }
0x26d: {  	s7 =	spop (v2sf)  }
0x26e: {  	p0 =	slt.s32 s7, $0x1E83  }
0x26f: {  	s7 =	simm.s32 @!p0 $0x1E83  }
0x270: {  	s7 =	sshll.u32 s7, $0x7  }
0x271: {  	s7 =	sand.u32 $0x1FFFFF80, s7  }
0x272: {  	s10 =	simm.s32 $0x3400;
	s7 =	sadd.s32 s0, s7  }
0x273: {  	(v2sf) =	vpush v34, $0x9;
	[tilespmem:s10], [sflag:$0x1] =	stream.strided.gather [hbm4b:s7+s26], $0x800, s28, s26, $0x38;
	[tilespmem:$0x15400] =	vst v63  }
0x274: {  	s7 =	spop (v2sf)  }
0x275: {  	p0 =	slt.s32 s7, $0x1E83  }
0x276: {  	s7 =	simm.s32 @!p0 $0x1E83  }
0x277: {  	s7 =	sshll.u32 s7, $0x7  }
0x278: {  	s7 =	sand.u32 $0x1FFFFF80, s7  }
0x279: {  	s12 =	simm.s32 $0x3C00;
	s7 =	sadd.s32 s0, s7  }
0x27a: {  	(v2sf) =	vpush v34, $0xA;
	[tilespmem:s12], [sflag:$0x1] =	stream.strided.gather [hbm4b:s7+s26], $0x800, s28, s26, $0x38;
	[tilespmem:$0x15400] =	vst v63  }
0x27b: {  	s7 =	spop (v2sf)  }
0x27c: {  	p0 =	slt.s32 s7, $0x1E83  }
0x27d: {  	s7 =	simm.s32 @!p0 $0x1E83  }
0x27e: {  	s7 =	sshll.u32 s7, $0x7  }
0x27f: {  	s7 =	sand.u32 $0x1FFFFF80, s7  }
0x280: {  	s9 =	simm.s32 $0x4400;
	s7 =	sadd.s32 s0, s7  }
0x281: {  	(v2sf) =	vpush v34, $0xB;
	[tilespmem:s9], [sflag:$0x1] =	stream.strided.gather [hbm4b:s7+s26], $0x800, s28, s26, $0x38;
	[tilespmem:$0x15400] =	vst v63  }
0x282: {  	s7 =	spop (v2sf)  }
0x283: {  	p0 =	slt.s32 s7, $0x1E83  }
0x284: {  	s7 =	simm.s32 @!p0 $0x1E83  }
0x285: {  	s7 =	sshll.u32 s7, $0x7  }
0x286: {  	s7 =	sand.u32 $0x1FFFFF80, s7  }
0x287: {  	s10 =	simm.s32 $0x4C00;
	s7 =	sadd.s32 s0, s7  }
0x288: {  	(v2sf) =	vpush v34, $0xC;
	[tilespmem:s10], [sflag:$0x1] =	stream.strided.gather [hbm4b:s7+s26], $0x800, s28, s26, $0x38;
	[tilespmem:$0x15400] =	vst v63  }
0x289: {  	s7 =	spop (v2sf)  }
0x28a: {  	p0 =	slt.s32 s7, $0x1E83  }
0x28b: {  	(v2sf) =	vpush v34, $0xD;
	s7 =	simm.s32 @!p0 $0x1E83  }
0x28c: {  	s7 =	sshll.u32 s7, $0x7  }
0x28d: {  	s7 =	sand.u32 $0x1FFFFF80, s7  }
0x28e: {  	s12 =	simm.s32 $0x5400;
	s7 =	sadd.s32 s0, s7  }
0x28f: {  	[tilespmem:s12], [sflag:$0x1] =	stream.strided.gather [hbm4b:s7+s26], $0x800, s28, s26, $0x38;
	[tilespmem:$0x15400] =	vst v63  }
0x290: {  	s7 =	spop (v2sf)  }
0x291: {  	(v2sf) =	vpush v34, $0xE;
	p0 =	slt.s32 s7, $0x1E83  }
0x292: {  	s7 =	simm.s32 @!p0 $0x1E83  }
0x293: {  	s7 =	sshll.u32 s7, $0x7  }
0x294: {  	s7 =	sand.u32 $0x1FFFFF80, s7  }
0x295: {  	s9 =	simm.s32 $0x5C00;
	s7 =	sadd.s32 s0, s7  }
0x296: {  	[tilespmem:s9], [sflag:$0x1] =	stream.strided.gather [hbm4b:s7+s26], $0x800, s28, s26, $0x38;
	[tilespmem:$0x15400] =	vst v63  }
0x297: {  	s7 =	spop (v2sf)  }
0x298: {  	p0 =	slt.s32 s7, $0x1E83  }
0x299: {  	(v2sf) =	vpush v34, $0xF;
	s7 =	simm.s32 @!p0 $0x1E83  }
0x29a: {  	s7 =	sshll.u32 s7, $0x7;
	s8 =	spop (v2sf)  }
0x29b: {  	s7 =	sand.u32 $0x1FFFFF80, s7;
	p0 =	slt.s32 s8, $0x1E83  }
0x29c: {  	s9 =	simm.s32 $0x6400;
	s7 =	sadd.s32 s0, s7;
	s8 =	simm.s32 @!p0 $0x1E83  }
0x29d: {  	[tilespmem:s9], [sflag:$0x1] =	stream.strided.gather [hbm4b:s7+s26], $0x800, s28, s26, $0x38;
	[tilespmem:$0x15400] =	vst v63  }
0x29e: {  	s10 =	sshll.u32 s8, $0x7  }
0x29f: {  	s7 =	sand.u32 $0x1FFFFF80, s10  }
0x2a0: {  	s12 =	simm.s32 $0x6C00;
	s7 =	sadd.s32 s0, s7;
	s8 =	spop (v2sf)  }
0x2a1: {  	[tilespmem:s12], [sflag:$0x1] =	stream.strided.gather [hbm4b:s7+s26], $0x800, s28, s26, $0x38;
	[tilespmem:$0x15400] =	vst v63  }
0x2a2: {  	p0 =	slt.s32 s8, $0x1E83  }
0x2a3: {  	s8 =	simm.s32 @!p0 $0x1E83  }
0x2a4: {  	s9 =	sshll.u32 s8, $0x7  }
0x2a5: {  	s7 =	sand.u32 $0x1FFFFF80, s9  }
0x2a6: {  	s10 =	simm.s32 $0x7400;
	s7 =	sadd.s32 s0, s7  }
0x2a7: {  	[tilespmem:s10], [sflag:$0x1] =	stream.strided.gather [hbm4b:s7+s26], $0x800, s28, s26, $0x38;
	[tilespmem:$0x15400] =	vst v63  }
0x2a8: {  	s7 =	spop (v2sf)  }
0x2a9: {  	p0 =	slt.s32 s7, $0x1E83  }
.Ltmp5:
0x2aa: {  	s7 =	simm.s32 @!p0 $0x1E83;
	(pc) =	sbr.rel .LBB2_4-.Ltmp5, $4  }
0x2ab: {  	s7 =	sshll.u32 s7, $0x7  }
0x2ac: {  	s7 =	sand.u32 $0x1FFFFF80, s7  }
0x2ad: {  	s12 =	simm.s32 $0x7C00;
	s7 =	sadd.s32 s0, s7  }
0x2ae: {  	[tilespmem:s12], [sflag:$0x1] =	stream.strided.gather [hbm4b:s7+s26], $0x800, s28, s26, $0x38;
	[tilespmem:$0x15400] =	vst v63  }
.LBB2_5:
.Ltmp6:
0x2af: {  	(pc) =	sbr.rel .LBB2_6-.Ltmp6, $2  }
0x2b0: {  	_ =	sdelay $0x2  }
0x2b1: {  	s25 =	simm.s32 $0xF;
	s29 =	simm.s32 $0x0  }
.LBB2_10:
0x2b2: {  	s25 =	sadd.s32 $0x10, s25  }
0x2b3: {  	p0 =	sne.s32 s25, $0x20F  }
.Ltmp7:
0x2b4: {  	_ = 	snop;
	(pc) =	sbr.rel @!p0 .LBB2_11-.Ltmp7, $2  }
0x2b5: {  	_ =	sdelay $0x2  }
0x2b6: {  	s29 =	sadd.s32 $0x20, s29  }
.LBB2_6:
0x2b7: {  	s31 =	sadd.s32 $0xFFFFFFF1, s25  }
0x2b8: {  	s8 =	sand.u32 $0x300, s29;
	s7 =	sand.u32 $0x70, s31  }
0x2b9: {  	s7 =	sor.u32 s7, s8  }
0x2ba: {  	v19 =	vld [tilespmem:s7+$0x0];
	_ =	sdelay $0x4  }
0x2bb: {  	vm0 =	vgt.s32 v19, $0xF41FF  }
0x2bc: {  	v18 =	vsel vm0, $0x3F800000, v17  }
0x2bd: {  	(xrf0) =	vmax.scan.msk.f32 $0xffff, v18;
	_ =	sdelay $0x5  }
0x2be: {  	v18, _, _ =	vpop (xrf0)  }
0x2bf: {  	(v2sf) =	vpush v18, $0xF;
	_ =	sdelay $0xe  }
0x2c0: {  	s12 =	spop (v2sf)  }
0x2c1: {  	p0 =	sgt.f32 s12, $0.0e+00  }
.Ltmp8:
0x2c2: {  	_ = 	snop;
	(pc) =	sbr.rel @!p0 .LBB2_8-.Ltmp8, $2  }
0x2c3: {  	_ =	sdelay $0x2  }
0x2c4: {  	v18 =	vld [tilespmem:s7+$0x80]  }
0x2c5: {  	(v2sf) =	vpush v19, $0x0;
	_ =	sdelay $0x7  }
0x2c6: {  	(v2sf) =	vpush v19, $0x1;
	_ =	sdelay $0x6  }
0x2c7: {  	s7 =	spop (v2sf)  }
0x2c8: {  	p0 =	slt.s32 s7, $0xF4200  }
0x2c9: {  	v20 =	vimm.s32 @!p0 $0x1380;
	vm0 =	vcmask @!p0 $0x300  }
0x2ca: {  	v20 =	vsel @!p0 vm0, $0x0, v20;
	vm0 =	vcmask @!p0 $0x704  }
0x2cb: {  	(v2sf) =	vpush v19, $0x2;
	v20 =	vsel @!p0 vm0, $0x80, v20;
	vm0 =	vcmask @!p0 $0xB08  }
0x2cc: {  	v20 =	vsel @!p0 vm0, $0x100, v20;
	vm0 =	vcmask @!p0 $0xF0C  }
0x2cd: {  	v20 =	vsel @!p0 vm0, $0x180, v20;
	vm0 =	vcmask @!p0 $0x1310  }
0x2ce: {  	v20 =	vsel @!p0 vm0, $0x200, v20;
	vm0 =	vcmask @!p0 $0x1714  }
0x2cf: {  	s12 =	spop (v2sf);
	(v2sf) =	vpush v19, $0x3;
	v20 =	vsel @!p0 vm0, $0x280, v20;
	vm0 =	vcmask @!p0 $0x1B18  }
0x2d0: {  	v21 =	vlaneseq.u32 @!p0;
	v20 =	vsel @!p0 vm0, $0x300, v20;
	vm0 =	vcmask @!p0 $0x1F1C  }
0x2d1: {  	p1 =	slt.s32 s12, $0xF4200;
	v21 =	vmul.u32 @!p0 $0x80, v21;
	v20 =	vsel @!p0 vm0, $0x380, v20;
	vm0 =	vcmask @!p0 $0x2320  }
0x2d2: {  	v22 =	vimm.s32 @!p1 $0x1380;
	v20 =	vsel @!p0 vm0, $0x1000, v20;
	vm0 =	vcmask @!p0 $0x2724  }
0x2d3: {  	vm1 =	vcmask @!p1 $0x300;
	v20 =	vsel @!p0 vm0, $0x1080, v20;
	vm0 =	vcmask @!p0 $0x2B28  }
0x2d4: {  	v22 =	vsel @!p1 vm1, $0x0, v22;
	v20 =	vsel @!p0 vm0, $0x1100, v20;
	vm0 =	vcmask @!p1 $0x704  }
0x2d5: {  	vm1 =	vcmask @!p0 $0x2F2C;
	v22 =	vsel @!p1 vm0, $0x80, v22;
	vm0 =	vcmask @!p1 $0xB08  }
0x2d6: {  	v20 =	vsel @!p0 vm1, $0x1180, v20;
	v22 =	vsel @!p1 vm0, $0x100, v22;
	vm0 =	vcmask @!p1 $0xF0C  }
0x2d7: {  	vm1 =	vcmask @!p0 $0x3330;
	v22 =	vsel @!p1 vm0, $0x180, v22;
	vm0 =	vcmask @!p1 $0x1310  }
0x2d8: {  	v20 =	vsel @!p0 vm1, $0x1200, v20;
	v22 =	vsel @!p1 vm0, $0x200, v22;
	vm0 =	vcmask @!p1 $0x1714  }
0x2d9: {  	vm1 =	vcmask @!p0 $0x3734;
	v22 =	vsel @!p1 vm0, $0x280, v22;
	vm0 =	vcmask @!p1 $0x1B18  }
0x2da: {  	s8 =	sadd.s32 @!p0 $0xFFF0BE00, s7;
	s7 =	spop (v2sf);
	(v2sf) =	vpush v19, $0x4;
	v22 =	vsel @!p1 vm0, $0x300, v22;
	vm0 =	vcmask @!p1 $0x1F1C  }
0x2db: {  	v23 =	vsel @!p0 vm1, $0x1280, v20;
	vm1 =	vcmask @!p0 $0x3B38;
	p4 =	slt.s32 s7, $0xF4200;
	v20 =	vsel @!p1 vm0, $0x380, v22  }
0x2dc: {  	vm0 =	vcmask @!p1 $0x2320;
	v22 =	vsel @!p0 vm1, $0x1300, v23;
	v23 =	vimm.s32 @!p4 $0x1380  }
0x2dd: {  	vm1 =	vcmask @!p4 $0x300;
	v24 =	vsel @!p1 vm0, $0x1000, v20;
	vm0 =	vcmask @!p1 $0x2724  }
0x2de: {  	v20 =	vadd.s32 @!p0 s8, v21;
	v21 =	vsel @!p1 vm0, $0x1080, v24;
	vm0 =	vcmask @!p1 $0x2B28  }
0x2df: {  	v23 =	vsel @!p4 vm1, $0x0, v23;
	v21 =	vsel @!p1 vm0, $0x1100, v21;
	vm0 =	vcmask @!p4 $0x704  }
0x2e0: {  	s9 =	spop (v2sf);
	(v2sf) =	vpush v19, $0x5;
	v23 =	vsel @!p4 vm0, $0x80, v23;
	vm0 =	vcmask @!p4 $0xB08  }
0x2e1: {  	vm1 =	vcmask @!p1 $0x2F2C;
	v23 =	vsel @!p4 vm0, $0x100, v23;
	vm0 =	vcmask @!p4 $0xF0C  }
0x2e2: {  	v21 =	vsel @!p1 vm1, $0x1180, v21;
	v23 =	vsel @!p4 vm0, $0x180, v23;
	vm0 =	vcmask @!p4 $0x1310  }
0x2e3: {  	vm1 =	vcmask @!p1 $0x3330;
	v23 =	vsel @!p4 vm0, $0x200, v23;
	vm0 =	vcmask @!p4 $0x1714  }
0x2e4: {  	v21 =	vsel @!p1 vm1, $0x1200, v21;
	v23 =	vsel @!p4 vm0, $0x280, v23;
	vm0 =	vcmask @!p4 $0x1B18  }
0x2e5: {  	vm1 =	vcmask @!p1 $0x3734;
	v23 =	vsel @!p4 vm0, $0x300, v23;
	vm0 =	vcmask @!p4 $0x1F1C  }
0x2e6: {  	v21 =	vsel @!p1 vm1, $0x1280, v21;
	v23 =	vsel @!p4 vm0, $0x380, v23;
	vm0 =	vcmask @!p4 $0x2320  }
0x2e7: {  	vm1 =	vcmask @!p1 $0x3B38;
	v24 =	vsel @!p4 vm0, $0x1000, v23;
	vm0 =	vcmask @!p4 $0x2724  }
0x2e8: {  	p3 =	slt.s32 s9, $0xF4200;
	v23 =	vsel @!p1 vm1, $0x1300, v21;
	v21 =	vsel @!p4 vm0, $0x1080, v24;
	vm0 =	vcmask @!p4 $0x2B28  }
0x2e9: {  	v24 =	vimm.s32 @!p3 $0x1380;
	v21 =	vsel @!p4 vm0, $0x1100, v21;
	vm0 =	vcmask @!p3 $0x300  }
0x2ea: {  	v24 =	vsel @!p3 vm0, $0x0, v24;
	vm0 =	vcmask @!p3 $0x704  }
0x2eb: {  	vm1 =	vcmask @!p4 $0x2F2C;
	v24 =	vsel @!p3 vm0, $0x80, v24;
	vm0 =	vcmask @!p3 $0xB08  }
0x2ec: {  	v21 =	vsel @!p4 vm1, $0x1180, v21;
	v24 =	vsel @!p3 vm0, $0x100, v24;
	vm0 =	vcmask @!p3 $0xF0C  }
0x2ed: {  	vm1 =	vcmask @!p4 $0x3330;
	v24 =	vsel @!p3 vm0, $0x180, v24;
	vm0 =	vcmask @!p3 $0x1310  }
0x2ee: {  	s8 =	spop (v2sf);
	v21 =	vsel @!p4 vm1, $0x1200, v21;
	v24 =	vsel @!p3 vm0, $0x200, v24;
	vm0 =	vcmask @!p3 $0x1714  }
0x2ef: {  	p2 =	slt.s32 s8, $0xF4200;
	vm1 =	vcmask @!p4 $0x3734;
	v24 =	vsel @!p3 vm0, $0x280, v24;
	vm0 =	vcmask @!p3 $0x1B18  }
0x2f0: {  	s10 =	simm.s32 @!p2 $0x0;
	v21 =	vsel @!p4 vm1, $0x1280, v21;
	v24 =	vsel @!p3 vm0, $0x300, v24;
	vm0 =	vcmask @!p3 $0x1F1C  }
0x2f1: {  	s10 =	simm.s32 @p2 $0x1;
	vm1 =	vcmask @!p4 $0x3B38;
	v24 =	vsel @!p3 vm0, $0x380, v24;
	vm0 =	vcmask @!p3 $0x2320  }
0x2f2: {  	[smem:$0x7FB] =	sst s10;
	s10 =	simm.s32 @!p3 $0x0;
	v25 =	vsel @!p4 vm1, $0x1300, v21;
	v21 =	vsel @!p3 vm0, $0x1000, v24;
	vm0 =	vcmask @!p3 $0x2724  }
0x2f3: {  	s10 =	simm.s32 @p3 $0x1;
	v24 =	vimm.s32 @!p2 $0x1380;
	v21 =	vsel @!p3 vm0, $0x1080, v21;
	vm0 =	vcmask @!p2 $0x300  }
0x2f4: {  	[smem:$0x7FA] =	sst s10;
	s10 =	spop (v2sf);
	(v2sf) =	vpush v19, $0x6;
	v24 =	vsel @!p2 vm0, $0x0, v24;
	vm0 =	vcmask @!p2 $0x704  }
0x2f5: {  	vm1 =	vcmask @!p3 $0x2B28;
	v24 =	vsel @!p2 vm0, $0x80, v24;
	vm0 =	vcmask @!p2 $0xB08  }
0x2f6: {  	v21 =	vsel @!p3 vm1, $0x1100, v21;
	v24 =	vsel @!p2 vm0, $0x100, v24;
	vm0 =	vcmask @!p2 $0xF0C  }
0x2f7: {  	vm1 =	vcmask @!p3 $0x2F2C;
	v24 =	vsel @!p2 vm0, $0x180, v24;
	vm0 =	vcmask @!p2 $0x1310  }
0x2f8: {  	v21 =	vsel @!p3 vm1, $0x1180, v21;
	v24 =	vsel @!p2 vm0, $0x200, v24;
	vm0 =	vcmask @!p2 $0x1714  }
0x2f9: {  	vm1 =	vcmask @!p3 $0x3330;
	v24 =	vsel @!p2 vm0, $0x280, v24;
	vm0 =	vcmask @!p2 $0x1B18  }
0x2fa: {  	v21 =	vsel @!p3 vm1, $0x1200, v21;
	v24 =	vsel @!p2 vm0, $0x300, v24;
	vm0 =	vcmask @!p2 $0x1F1C  }
0x2fb: {  	vm1 =	vcmask @!p3 $0x3734;
	v24 =	vsel @!p2 vm0, $0x380, v24;
	vm0 =	vcmask @!p2 $0x2320  }
0x2fc: {  	v21 =	vsel @!p3 vm1, $0x1280, v21;
	v24 =	vsel @!p2 vm0, $0x1000, v24;
	vm0 =	vcmask @!p2 $0x2724  }
0x2fd: {  	vm1 =	vcmask @!p3 $0x3B38;
	v24 =	vsel @!p2 vm0, $0x1080, v24;
	vm0 =	vcmask @!p2 $0x2B28  }
0x2fe: {  	v27 =	vsel @!p3 vm1, $0x1300, v21;
	p3 =	slt.s32 s10, $0xF4200;
	v21 =	vsel @!p2 vm0, $0x1100, v24;
	vm0 =	vcmask @!p2 $0x2F2C  }
0x2ff: {  	v24 =	vimm.s32 @!p3 $0x1380;
	v21 =	vsel @!p2 vm0, $0x1180, v21;
	vm0 =	vcmask @!p3 $0x300  }
0x300: {  	vm1 =	vcmask @!p2 $0x3330;
	v24 =	vsel @!p3 vm0, $0x0, v24;
	vm0 =	vcmask @!p3 $0x704  }
0x301: {  	v21 =	vsel @!p2 vm1, $0x1200, v21;
	v24 =	vsel @!p3 vm0, $0x80, v24;
	vm0 =	vcmask @!p3 $0xB08  }
0x302: {  	vm1 =	vcmask @!p2 $0x3734;
	v24 =	vsel @!p3 vm0, $0x100, v24;
	vm0 =	vcmask @!p3 $0xF0C  }
0x303: {  	v21 =	vsel @!p2 vm1, $0x1280, v21;
	v24 =	vsel @!p3 vm0, $0x180, v24;
	vm0 =	vcmask @!p3 $0x1310  }
0x304: {  	vm1 =	vcmask @!p2 $0x3B38;
	v24 =	vsel @!p3 vm0, $0x200, v24;
	vm0 =	vcmask @!p3 $0x1714  }
0x305: {  	v29 =	vsel @!p2 vm1, $0x1300, v21;
	v21 =	vsel @!p3 vm0, $0x280, v24;
	vm0 =	vcmask @!p3 $0x1B18  }
0x306: {  	v21 =	vsel @!p3 vm0, $0x300, v21;
	vm0 =	vcmask @!p3 $0x1F1C  }
0x307: {  	v26 =	vlaneseq.u32 @!p1;
	v21 =	vsel @!p3 vm0, $0x380, v21;
	vm0 =	vcmask @!p3 $0x2320  }
0x308: {  	v26 =	vmul.u32 @!p1 $0x80, v26;
	v21 =	vsel @!p3 vm0, $0x1000, v21;
	vm0 =	vcmask @!p3 $0x2724  }
0x309: {  	s12 =	sadd.s32 @!p1 $0xFFF0BE00, s12;
	v30 =	vsel @!p3 vm0, $0x1080, v21;
	vm0 =	vcmask @!p3 $0x2B28  }
0x30a: {  	v24 =	vmov @!p0 s31;
	v21 =	vadd.s32 @!p1 s12, v26;
	s12 =	sadd.s32 @!p1 $0xFFFFFFF2, s25;
	v26 =	vsel @!p3 vm0, $0x1100, v30  }
0x30b: {  	vm0 =	vcmask @!p3 $0x2F2C;
	v30 =	vmov @!p1 s12;
	s12 =	spop (v2sf);
	(v2sf) =	vpush v19, $0x7  }
0x30c: {  	v28 =	vand.u32 @!p0 $0x70, v24;
	v26 =	vsel @!p3 vm0, $0x1180, v26;
	vm0 =	vcmask @!p3 $0x3330  }
0x30d: {  	v24 =	vshll.u32 @!p0 v24, $0x3;
	v26 =	vsel @!p3 vm0, $0x1200, v26;
	vm0 =	vcmask @!p3 $0x3734  }
0x30e: {  	v24 =	vand.u32 @!p0 $0xC00, v24;
	p6 =	slt.s32 s12, $0xF4200;
	v26 =	vsel @!p3 vm0, $0x1280, v26;
	vm0 =	vcmask @!p3 $0x3B38  }
0x30f: {  	v31 =	vsel @!p3 vm0, $0x1300, v26;
	v26 =	vimm.s32 @!p6 $0x1380;
	vm0 =	vcmask @!p6 $0x300  }
0x310: {  	v24 =	vor.u32 @!p0 v24, v28;
	v26 =	vsel @!p6 vm0, $0x0, v26;
	vm0 =	vcmask @!p6 $0x704  }
0x311: {  	v24 =	vor.u32 @!p0 v22, v24;
	v26 =	vsel @!p6 vm0, $0x80, v26;
	vm0 =	vcmask @!p6 $0xB08  }
0x312: {  	v28 =	vshll.u32 @!p1 v30, $0x3;
	v22 =	vsel @!p6 vm0, $0x100, v26;
	vm0 =	vcmask @!p6 $0xF0C  }
0x313: {  	v28 =	vand.u32 @!p1 $0xC00, v28;
	v22 =	vsel @!p6 vm0, $0x180, v22;
	vm0 =	vcmask @!p6 $0x1310  }
0x314: {  	[smem:$0x7F8] =	sst s0;
	s0 =	simm.s32 @!p3 $0x0;
	v26 =	vand.u32 @!p1 $0x71, v30;
	v22 =	vsel @!p6 vm0, $0x200, v22;
	vm0 =	vcmask @!p6 $0x1714  }
0x315: {  	s0 =	simm.s32 @p3 $0x1;
	v26 =	vor.u32 @!p1 v28, v26;
	v22 =	vsel @!p6 vm0, $0x280, v22;
	vm0 =	vcmask @!p6 $0x1B18  }
0x316: {  	[smem:$0x7FC] =	sst s0;
	v28 =	vlaneseq.u32 @!p4;
	v22 =	vsel @!p6 vm0, $0x300, v22;
	vm0 =	vcmask @!p6 $0x1F1C  }
0x317: {  	s0 =	sld [smem:$0x7F8];
	v28 =	vmul.u32 @!p4 $0x80, v28;
	v22 =	vsel @!p6 vm0, $0x380, v22;
	vm0 =	vcmask @!p6 $0x2320  }
0x318: {  	s7 =	sadd.s32 @!p4 $0xFFF0BE00, s7;
	v22 =	vsel @!p6 vm0, $0x1000, v22;
	vm0 =	vcmask @!p6 $0x2724  }
0x319: {  	v23 =	vor.u32 @!p1 v23, v26;
	v26 =	vsel @!p6 vm0, $0x1080, v22;
	v22 =	vadd.s32 @!p4 s7, v28;
	s7 =	sadd.s32 @!p4 $0xFFFFFFF3, s25  }
0x31a: {  	vm0 =	vcmask @!p6 $0x2B28;
	v28 =	vmov @!p4 s7;
	s7 =	spop (v2sf);
	(v2sf) =	vpush v19, $0x8;
	[smem:$0x7F8] =	sst s0;
	s0 =	simm.s32 @!p4 $0x0  }
0x31b: {  	v26 =	vsel @!p6 vm0, $0x1100, v26;
	vm0 =	vcmask @!p6 $0x2F2C;
	s0 =	simm.s32 @p4 $0x1  }
0x31c: {  	v26 =	vsel @!p6 vm0, $0x1180, v26;
	vm0 =	vcmask @!p6 $0x3330;
	[smem:$0x7F9] =	sst s0  }
0x31d: {  	v26 =	vsel @!p6 vm0, $0x1200, v26;
	vm0 =	vcmask @!p6 $0x3734;
	s0 =	sld [smem:$0x7F8]  }
0x31e: {  	p5 =	slt.s32 s7, $0xF4200;
	v26 =	vsel @!p6 vm0, $0x1280, v26;
	vm0 =	vcmask @!p6 $0x3B38  }
0x31f: {  	v33 =	vsel @!p6 vm0, $0x1300, v26;
	v26 =	vimm.s32 @!p5 $0x1380;
	vm0 =	vcmask @!p5 $0x300  }
0x320: {  	v30 =	vand.u32 @!p4 $0x72, v28;
	v26 =	vsel @!p5 vm0, $0x0, v26;
	vm0 =	vcmask @!p5 $0x704;
	[smem:$0x7F8] =	sst s0  }
0x321: {  	v28 =	vshll.u32 @!p4 v28, $0x3;
	v26 =	vsel @!p5 vm0, $0x80, v26;
	vm0 =	vcmask @!p5 $0xB08;
	s0 =	sld [smem:$0x7FA]  }
0x322: {  	v28 =	vand.u32 @!p4 $0xC00, v28;
	v26 =	vsel @!p5 vm0, $0x100, v26;
	vm0 =	vcmask @!p5 $0xF0C  }
0x323: {  	v28 =	vor.u32 @!p4 v28, v30;
	v26 =	vsel @!p5 vm0, $0x180, v26;
	vm0 =	vcmask @!p5 $0x1310  }
0x324: {  	v32 =	vsel @!p5 vm0, $0x200, v26;
	vm0 =	vcmask @!p5 $0x1714;
	v26 =	vor.u32 @!p4 v25, v28;
	p3 =	seq.s32 s0, $0x1  }
0x325: {  	v28 =	vsel @!p5 vm0, $0x280, v32;
	vm0 =	vcmask @!p5 $0x1B18;
	v30 =	vlaneseq.u32 @!p3  }
0x326: {  	v28 =	vsel @!p5 vm0, $0x300, v28;
	vm0 =	vcmask @!p5 $0x1F1C;
	v30 =	vmul.u32 @!p3 $0x80, v30  }
0x327: {  	s0 =	sld [smem:$0x7F8];
	s9 =	sadd.s32 @!p3 $0xFFF0BE00, s9;
	v28 =	vsel @!p5 vm0, $0x380, v28;
	vm0 =	vcmask @!p5 $0x2320  }
0x328: {  	v28 =	vsel @!p5 vm0, $0x1000, v28;
	vm0 =	vcmask @!p5 $0x2724;
	v25 =	vadd.s32 @!p3 s9, v30;
	s9 =	sadd.s32 @!p3 $0xFFFFFFF4, s25  }
0x329: {  	v28 =	vsel @!p5 vm0, $0x1080, v28;
	vm0 =	vcmask @!p5 $0x2B28;
	v30 =	vmov @!p3 s9  }
0x32a: {  	v28 =	vsel @!p5 vm0, $0x1100, v28;
	vm0 =	vcmask @!p5 $0x2F2C;
	s9 =	spop (v2sf);
	(v2sf) =	vpush v19, $0x9;
	[smem:$0x7F8] =	sst s0  }
0x32b: {  	v32 =	vand.u32 @!p3 $0x73, v30;
	v28 =	vsel @!p5 vm0, $0x1180, v28;
	vm0 =	vcmask @!p5 $0x3330;
	s0 =	sld [smem:$0x7FB]  }
0x32c: {  	v30 =	vshll.u32 @!p3 v30, $0x3;
	v28 =	vsel @!p5 vm0, $0x1200, v28;
	vm0 =	vcmask @!p5 $0x3734  }
0x32d: {  	v30 =	vand.u32 @!p3 $0xC00, v30;
	v28 =	vsel @!p5 vm0, $0x1280, v28;
	vm0 =	vcmask @!p5 $0x3B38  }
0x32e: {  	p4 =	slt.s32 s9, $0xF4200;
	v30 =	vor.u32 @!p3 v30, v32;
	p2 =	seq.s32 s0, $0x1;
	v34 =	vsel @!p5 vm0, $0x1300, v28  }
0x32f: {  	v28 =	vimm.s32 @!p4 $0x1380;
	vm0 =	vcmask @!p4 $0x300;
	v32 =	vlaneseq.u32 @!p2  }
0x330: {  	v35 =	vsel @!p4 vm0, $0x0, v28;
	vm0 =	vcmask @!p4 $0x704;
	v28 =	vor.u32 @!p3 v27, v30  }
0x331: {  	v32 =	vmul.u32 @!p2 $0x80, v32;
	v30 =	vsel @!p4 vm0, $0x80, v35;
	vm0 =	vcmask @!p4 $0xB08  }
0x332: {  	s8 =	sadd.s32 @!p2 $0xFFF0BE00, s8;
	v30 =	vsel @!p4 vm0, $0x100, v30;
	vm0 =	vcmask @!p4 $0xF0C  }
0x333: {  	s0 =	sld [smem:$0x7F8];
	v27 =	vadd.s32 @!p2 s8, v32;
	s8 =	sadd.s32 @!p2 $0xFFFFFFF5, s25;
	v30 =	vsel @!p4 vm0, $0x180, v30;
	vm0 =	vcmask @!p4 $0x1310  }
0x334: {  	v32 =	vmov @!p2 s8;
	v30 =	vsel @!p4 vm0, $0x200, v30;
	s8 =	sld [smem:$0x7FC]  }
0x335: {  	vm0 =	vcmask @!p4 $0x1714;
	v35 =	vand.u32 @!p2 $0x74, v32;
	v32 =	vshll.u32 @!p2 v32, $0x3  }
0x336: {  	v30 =	vsel @!p4 vm0, $0x280, v30;
	vm0 =	vcmask @!p4 $0x1B18;
	v32 =	vand.u32 @!p2 $0xC00, v32  }
0x337: {  	p3 =	por p2, p2;
	v30 =	vsel @!p4 vm0, $0x300, v30;
	vm0 =	vcmask @!p4 $0x1F1C;
	v32 =	vor.u32 @!p2 v32, v35;
	p2 =	seq.s32 s8, $0x1  }
0x338: {  	v30 =	vsel @!p4 vm0, $0x380, v30;
	vm0 =	vcmask @!p4 $0x2320;
	v35 =	vlaneseq.u32 @!p2  }
0x339: {  	v30 =	vsel @!p4 vm0, $0x1000, v30;
	vm0 =	vcmask @!p4 $0x2724;
	v35 =	vmul.u32 @!p2 $0x80, v35  }
0x33a: {  	v36 =	vsel @!p4 vm0, $0x1080, v30;
	vm0 =	vcmask @!p4 $0x2B28;
	v30 =	vor.u32 @!p3 v29, v32  }
0x33b: {  	s8 =	sadd.s32 @!p2 $0xFFF0BE00, s10;
	v32 =	vsel @!p4 vm0, $0x1100, v36;
	vm0 =	vcmask @!p4 $0x2F2C;
	s10 =	spop (v2sf);
	(v2sf) =	vpush v19, $0xA  }
0x33c: {  	v29 =	vadd.s32 @!p2 s8, v35;
	v32 =	vsel @!p4 vm0, $0x1180, v32;
	vm0 =	vcmask @!p4 $0x3330;
	s8 =	sadd.s32 @!p2 $0xFFFFFFF6, s25  }
0x33d: {  	v32 =	vsel @!p4 vm0, $0x1200, v32;
	vm0 =	vcmask @!p4 $0x3734;
	v35 =	vmov @!p2 s8  }
0x33e: {  	p3 =	slt.s32 s10, $0xF4200;
	v32 =	vsel @!p4 vm0, $0x1280, v32;
	vm0 =	vcmask @!p4 $0x3B38;
	v37 =	vand.u32 @!p2 $0x75, v35  }
0x33f: {  	v36 =	vsel @!p4 vm0, $0x1300, v32;
	v32 =	vimm.s32 @!p3 $0x1380;
	vm0 =	vcmask @!p3 $0x300  }
0x340: {  	v35 =	vshll.u32 @!p2 v35, $0x3;
	v32 =	vsel @!p3 vm0, $0x0, v32;
	vm0 =	vcmask @!p3 $0x704  }
0x341: {  	v35 =	vand.u32 @!p2 $0xC00, v35;
	v32 =	vsel @!p3 vm0, $0x80, v32;
	vm0 =	vcmask @!p3 $0xB08  }
0x342: {  	v35 =	vor.u32 @!p2 v35, v37;
	v32 =	vsel @!p3 vm0, $0x100, v32;
	vm0 =	vcmask @!p3 $0xF0C  }
0x343: {  	v37 =	vlaneseq.u32 @!p6;
	v32 =	vsel @!p3 vm0, $0x180, v32;
	vm0 =	vcmask @!p3 $0x1310  }
0x344: {  	v37 =	vmul.u32 @!p6 $0x80, v37;
	v32 =	vsel @!p3 vm0, $0x200, v32;
	vm0 =	vcmask @!p3 $0x1714  }
0x345: {  	s8 =	sadd.s32 @!p6 $0xFFF0BE00, s12;
	v31 =	vor.u32 @!p2 v31, v35;
	v32 =	vsel @!p3 vm0, $0x280, v32;
	vm0 =	vcmask @!p3 $0x1B18  }
0x346: {  	s12 =	sadd.s32 @!p6 $0xFFFFFFF7, s25;
	v35 =	vsel @!p3 vm0, $0x300, v32;
	vm0 =	vcmask @!p3 $0x1F1C;
	v32 =	vadd.s32 @!p6 s8, v37  }
0x347: {  	v37 =	vmov @!p6 s12;
	v35 =	vsel @!p3 vm0, $0x380, v35;
	vm0 =	vcmask @!p3 $0x2320  }
0x348: {  	v38 =	vand.u32 @!p6 $0x76, v37;
	v35 =	vsel @!p3 vm0, $0x1000, v35;
	vm0 =	vcmask @!p3 $0x2724  }
0x349: {  	v37 =	vshll.u32 @!p6 v37, $0x3;
	v35 =	vsel @!p3 vm0, $0x1080, v35;
	vm0 =	vcmask @!p3 $0x2B28  }
0x34a: {  	s12 =	simm.s32 @!p0 $0x14400;
	v37 =	vand.u32 @!p6 $0xC00, v37;
	v35 =	vsel @!p3 vm0, $0x1100, v35;
	vm0 =	vcmask @!p3 $0x2F2C  }
0x34b: {  	v39 =	vld.idx.msk @!p0 [tilespmem:v20+s12+$0x0], $0xffff;
	v37 =	vor.u32 @!p6 v37, v38;
	v35 =	vsel @!p3 vm0, $0x1180, v35;
	vm0 =	vcmask @!p3 $0x3330  }
0x34c: {  	s8 =	spop (v2sf);
	(v2sf) =	vpush v19, $0xB;
	v35 =	vsel @!p3 vm0, $0x1200, v35;
	vm0 =	vcmask @!p3 $0x3734  }
0x34d: {  	v20 =	vor.u32 @!p6 v33, v37;
	p2 =	slt.s32 s8, $0xF4200;
	v35 =	vsel @!p3 vm0, $0x1280, v35;
	vm0 =	vcmask @!p3 $0x3B38  }
0x34e: {  	s12 =	sadd.s32 @!p5 $0xFFFFFFF8, s25;
	v38 =	vimm.s32 @!p2 $0x1380;
	v35 =	vsel @!p3 vm0, $0x1300, v35;
	vm0 =	vcmask @!p2 $0x300  }
0x34f: {  	v33 =	vsel @!p2 vm0, $0x0, v38;
	vm0 =	vcmask @!p2 $0x704;
	v38 =	vmov @!p5 s12;
	s12 =	simm.s32 @!p0 $0x10400  }
0x350: {  	v33 =	vsel @!p2 vm0, $0x80, v33;
	vm0 =	vcmask @!p2 $0xB08;
	v40 =	vand.u32 @!p5 $0x77, v38;
	[tilespmem:v24+s12+$0x0] =	vst.idx.msk @!p0 $0xffff, v39;
	s12 =	simm.s32 @!p1 $0x14400  }
0x351: {  	v24 =	vshll.u32 @!p5 v38, $0x3;
	v33 =	vsel @!p2 vm0, $0x100, v33;
	vm0 =	vcmask @!p2 $0xF0C;
	v38 =	vld.idx.msk @!p1 [tilespmem:v21+s12+$0x0], $0xffff  }
0x352: {  	s12 =	simm.s32 @!p5 $0x0;
	v33 =	vsel @!p2 vm0, $0x180, v33;
	vm0 =	vcmask @!p2 $0x1310  }
0x353: {  	s12 =	simm.s32 @p5 $0x1;
	v33 =	vsel @!p2 vm0, $0x200, v33;
	vm0 =	vcmask @!p2 $0x1714  }
0x354: {  	[smem:$0x7FD] =	sst s12;
	s12 =	sadd.s32 @!p4 $0xFFFFFFF9, s25;
	v33 =	vsel @!p2 vm0, $0x280, v33;
	vm0 =	vcmask @!p2 $0x1B18  }
0x355: {  	v21 =	vand.u32 @!p5 $0xC00, v24;
	v24 =	vsel @!p2 vm0, $0x300, v33;
	v33 =	vmov @!p4 s12;
	s12 =	simm.s32 @!p1 $0x10400  }
0x356: {  	[tilespmem:v23+s12+$0x0] =	vst.idx.msk @!p1 $0xffff, v38;
	s12 =	sld [smem:$0x7F9];
	_ =	sdelay $0x1  }
0x357: {  	v37 =	vlaneseq.u32 @!p5  }
0x358: {  	v37 =	vmul.u32 @!p5 $0x80, v37;
	v21 =	vor.u32 @!p5 v21, v40;
	vm0 =	vcmask @!p2 $0x1F1C;
	p0 =	seq.s32 s12, $0x1  }
0x359: {  	v21 =	vor.u32 @!p5 v34, v21;
	v24 =	vsel @!p2 vm0, $0x380, v24;
	vm0 =	vcmask @!p2 $0x2320;
	s12 =	simm.s32 @!p0 $0x14400  }
0x35a: {  	v34 =	vand.u32 @!p4 $0x78, v33;
	v24 =	vsel @!p2 vm0, $0x1000, v24;
	vm0 =	vcmask @!p2 $0x2724;
	v22 =	vld.idx.msk @!p0 [tilespmem:v22+s12+$0x0], $0xffff  }
0x35b: {  	v23 =	vshll.u32 @!p4 v33, $0x3;
	v24 =	vsel @!p2 vm0, $0x1080, v24;
	vm0 =	vcmask @!p2 $0x2B28  }
0x35c: {  	v23 =	vand.u32 @!p4 $0xC00, v23;
	v24 =	vsel @!p2 vm0, $0x1100, v24;
	vm0 =	vcmask @!p2 $0x2F2C  }
0x35d: {  	s7 =	sadd.s32 @!p5 $0xFFF0BE00, s7;
	v23 =	vor.u32 @!p4 v23, v34;
	v24 =	vsel @!p2 vm0, $0x1180, v24;
	vm0 =	vcmask @!p2 $0x3330  }
0x35e: {  	v34 =	vadd.s32 @!p5 s7, v37;
	s7 =	simm.s32 @!p0 $0x10400;
	v24 =	vsel @!p2 vm0, $0x1200, v24;
	vm0 =	vcmask @!p2 $0x3734;
	s12 =	spop (v2sf)  }
0x35f: {  	(v2sf) =	vpush v19, $0xC;
	v24 =	vsel @!p2 vm0, $0x1280, v24;
	vm0 =	vcmask @!p2 $0x3B38;
	p1 =	slt.s32 s12, $0xF4200;
	[tilespmem:v26+s7+$0x0] =	vst.idx.msk @!p0 $0xffff, v22;
	s7 =	sld [smem:$0x7FA]  }
0x360: {  	v24 =	vsel @!p2 vm0, $0x1300, v24;
	v33 =	vimm.s32 @!p1 $0x1380;
	vm0 =	vcmask @!p1 $0x300  }
0x361: {  	v33 =	vsel @!p1 vm0, $0x0, v33;
	vm0 =	vcmask @!p1 $0x704  }
0x362: {  	v33 =	vsel @!p1 vm0, $0x80, v33;
	vm0 =	vcmask @!p1 $0xB08;
	p0 =	seq.s32 s7, $0x1  }
0x363: {  	v22 =	vlaneseq.u32 @!p4;
	v26 =	vsel @!p1 vm0, $0x100, v33;
	vm0 =	vcmask @!p1 $0xF0C;
	s7 =	simm.s32 @!p0 $0x14400  }
0x364: {  	v33 =	vmul.u32 @!p4 $0x80, v22;
	v26 =	vsel @!p1 vm0, $0x180, v26;
	vm0 =	vcmask @!p1 $0x1310;
	v25 =	vld.idx.msk @!p0 [tilespmem:v25+s7+$0x0], $0xffff  }
0x365: {  	v22 =	vor.u32 @!p4 v36, v23;
	v23 =	vsel @!p1 vm0, $0x200, v26;
	vm0 =	vcmask @!p1 $0x1714;
	s7 =	sadd.s32 @!p4 $0xFFF0BE00, s9;
	s9 =	sadd.s32 @!p3 $0xFFF0BE00, s10;
	s10 =	sld [smem:$0x7FB]  }
0x366: {  	v26 =	vlaneseq.u32 @!p3;
	v23 =	vsel @!p1 vm0, $0x280, v23;
	vm0 =	vcmask @!p1 $0x1B18  }
0x367: {  	v26 =	vmul.u32 @!p3 $0x80, v26;
	v23 =	vsel @!p1 vm0, $0x300, v23;
	vm0 =	vcmask @!p1 $0x1F1C  }
0x368: {  	v23 =	vsel @!p1 vm0, $0x380, v23;
	vm0 =	vcmask @!p1 $0x2320;
	v33 =	vadd.s32 @!p4 s7, v33;
	s7 =	simm.s32 @!p0 $0x10400;
	p5 =	seq.s32 s10, $0x1  }
0x369: {  	v23 =	vsel @!p1 vm0, $0x1000, v23;
	vm0 =	vcmask @!p1 $0x2724;
	[tilespmem:v28+s7+$0x0] =	vst.idx.msk @!p0 $0xffff, v25;
	s7 =	simm.s32 @!p5 $0x14400  }
0x36a: {  	v23 =	vsel @!p1 vm0, $0x1080, v23;
	vm0 =	vcmask @!p1 $0x2B28;
	v25 =	vadd.s32 @!p3 s9, v26;
	v26 =	vld.idx.msk @!p5 [tilespmem:v27+s7+$0x0], $0xffff  }
0x36b: {  	v23 =	vsel @!p1 vm0, $0x1100, v23;
	vm0 =	vcmask @!p1 $0x2F2C  }
0x36c: {  	s10 =	sld [smem:$0x7FC];
	v23 =	vsel @!p1 vm0, $0x1180, v23;
	vm0 =	vcmask @!p1 $0x3330;
	s9 =	sadd.s32 @!p3 $0xFFFFFFFA, s25  }
0x36d: {  	v23 =	vsel @!p1 vm0, $0x1200, v23;
	vm0 =	vcmask @!p1 $0x3734;
	v27 =	vmov @!p3 s9  }
0x36e: {  	s9 =	spop (v2sf);
	(v2sf) =	vpush v19, $0xD;
	s7 =	simm.s32 @!p5 $0x10400;
	v23 =	vsel @!p1 vm0, $0x1280, v23;
	vm0 =	vcmask @!p1 $0x3B38  }
0x36f: {  	v28 =	vand.u32 @!p3 $0x79, v27;
	v27 =	vshll.u32 @!p3 v27, $0x3;
	p0 =	slt.s32 s9, $0xF4200;
	v23 =	vsel @!p1 vm0, $0x1300, v23;
	[tilespmem:v30+s7+$0x0] =	vst.idx.msk @!p5 $0xffff, v26;
	p5 =	seq.s32 s10, $0x1  }
0x370: {  	(v2sf) =	vpush v19, $0xE;
	vm0 =	vcmask @!p0 $0x300;
	v26 =	vimm.s32 @!p0 $0x1380;
	s7 =	simm.s32 @!p5 $0x14400  }
0x371: {  	v27 =	vand.u32 @!p3 $0xC00, v27;
	v26 =	vsel @!p0 vm0, $0x0, v26;
	vm0 =	vcmask @!p0 $0x704;
	v29 =	vld.idx.msk @!p5 [tilespmem:v29+s7+$0x0], $0xffff  }
0x372: {  	v27 =	vor.u32 @!p3 v27, v28;
	v26 =	vsel @!p0 vm0, $0x80, v26;
	vm0 =	vcmask @!p0 $0xB08  }
0x373: {  	v28 =	vlaneseq.u32 @!p2;
	v26 =	vsel @!p0 vm0, $0x100, v26;
	vm0 =	vcmask @!p0 $0xF0C  }
0x374: {  	v27 =	vor.u32 @!p3 v35, v27;
	s7 =	sadd.s32 @!p2 $0xFFFFFFFB, s25;
	v26 =	vsel @!p0 vm0, $0x180, v26;
	vm0 =	vcmask @!p0 $0x1310  }
0x375: {  	v30 =	vmov @!p2 s7;
	s7 =	simm.s32 @!p5 $0x10400;
	v26 =	vsel @!p0 vm0, $0x200, v26;
	vm0 =	vcmask @!p0 $0x1714  }
0x376: {  	v28 =	vmul.u32 @!p2 $0x80, v28;
	v26 =	vsel @!p0 vm0, $0x280, v26;
	vm0 =	vcmask @!p0 $0x1B18;
	[tilespmem:v31+s7+$0x0] =	vst.idx.msk @!p5 $0xffff, v29;
	s7 =	simm.s32 @!p6 $0x14400  }
0x377: {  	v29 =	vand.u32 @!p2 $0x7A, v30;
	v26 =	vsel @!p0 vm0, $0x300, v26;
	vm0 =	vcmask @!p0 $0x1F1C;
	v31 =	vld.idx.msk @!p6 [tilespmem:v32+s7+$0x0], $0xffff  }
0x378: {  	s10 =	sld [smem:$0x7FD];
	v30 =	vshll.u32 @!p2 v30, $0x3;
	v26 =	vsel @!p0 vm0, $0x380, v26;
	vm0 =	vcmask @!p0 $0x2320  }
0x379: {  	v30 =	vand.u32 @!p2 $0xC00, v30;
	v26 =	vsel @!p0 vm0, $0x1000, v26;
	vm0 =	vcmask @!p0 $0x2724  }
0x37a: {  	s7 =	sadd.s32 @!p2 $0xFFF0BE00, s8;
	v29 =	vor.u32 @!p2 v30, v29;
	v26 =	vsel @!p0 vm0, $0x1080, v26;
	vm0 =	vcmask @!p0 $0x2B28  }
0x37b: {  	p5 =	seq.s32 s10, $0x1;
	v28 =	vadd.s32 @!p2 s7, v28;
	s7 =	simm.s32 @!p6 $0x10400;
	v26 =	vsel @!p0 vm0, $0x1100, v26;
	vm0 =	vcmask @!p0 $0x2F2C  }
0x37c: {  	v24 =	vor.u32 @!p2 v24, v29;
	v26 =	vsel @!p0 vm0, $0x1180, v26;
	vm0 =	vcmask @!p0 $0x3330;
	[tilespmem:v20+s7+$0x0] =	vst.idx.msk @!p6 $0xffff, v31;
	s7 =	simm.s32 @!p5 $0x14400  }
0x37d: {  	v20 =	vlaneseq.u32 @!p1;
	v26 =	vsel @!p0 vm0, $0x1200, v26;
	vm0 =	vcmask @!p0 $0x3734;
	v29 =	vld.idx.msk @!p5 [tilespmem:v34+s7+$0x0], $0xffff;
	s7 =	spop (v2sf)  }
0x37e: {  	v20 =	vmul.u32 @!p1 $0x80, v20;
	v26 =	vsel @!p0 vm0, $0x1280, v26;
	vm0 =	vcmask @!p0 $0x3B38;
	p6 =	slt.s32 s7, $0xF4200  }
0x37f: {  	s8 =	sadd.s32 @!p1 $0xFFF0BE00, s12;
	v26 =	vsel @!p0 vm0, $0x1300, v26;
	v30 =	vimm.s32 @!p6 $0x1380;
	vm0 =	vcmask @!p6 $0x300  }
0x380: {  	v20 =	vadd.s32 @!p1 s8, v20;
	s8 =	sadd.s32 @!p1 $0xFFFFFFFC, s25;
	v30 =	vsel @!p6 vm0, $0x0, v30;
	vm0 =	vcmask @!p6 $0x704  }
0x381: {  	v31 =	vmov @!p1 s8;
	s8 =	simm.s32 @!p5 $0x10400;
	v30 =	vsel @!p6 vm0, $0x80, v30;
	vm0 =	vcmask @!p6 $0xB08  }
0x382: {  	(v2sf) =	vpush v19, $0xF;
	[tilespmem:v21+s8+$0x0] =	vst.idx.msk @!p5 $0xffff, v29;
	s8 =	simm.s32 @!p4 $0x14400;
	v29 =	vsel @!p6 vm0, $0x100, v30;
	vm0 =	vcmask @!p6 $0xF0C  }
0x383: {  	v21 =	vand.u32 @!p1 $0x7B, v31;
	v30 =	vld.idx.msk @!p4 [tilespmem:v33+s8+$0x0], $0xffff;
	v29 =	vsel @!p6 vm0, $0x180, v29;
	vm0 =	vcmask @!p6 $0x1310  }
0x384: {  	v31 =	vshll.u32 @!p1 v31, $0x3;
	v29 =	vsel @!p6 vm0, $0x200, v29;
	vm0 =	vcmask @!p6 $0x1714  }
0x385: {  	v31 =	vand.u32 @!p1 $0xC00, v31;
	v29 =	vsel @!p6 vm0, $0x280, v29;
	vm0 =	vcmask @!p6 $0x1B18  }
0x386: {  	v21 =	vor.u32 @!p1 v31, v21;
	v29 =	vsel @!p6 vm0, $0x300, v29;
	vm0 =	vcmask @!p6 $0x1F1C  }
0x387: {  	s8 =	simm.s32 @!p4 $0x10400;
	v31 =	vlaneseq.u32 @!p0;
	v29 =	vsel @!p6 vm0, $0x380, v29;
	vm0 =	vcmask @!p6 $0x2320  }
0x388: {  	v31 =	vmul.u32 @!p0 $0x80, v31;
	[tilespmem:v22+s8+$0x0] =	vst.idx.msk @!p4 $0xffff, v30;
	s8 =	simm.s32 @!p3 $0x14400;
	v22 =	vsel @!p6 vm0, $0x1000, v29;
	vm0 =	vcmask @!p6 $0x2724  }
0x389: {  	s9 =	sadd.s32 @!p0 $0xFFF0BE00, s9;
	v21 =	vor.u32 @!p1 v23, v21;
	v23 =	vld.idx.msk @!p3 [tilespmem:v25+s8+$0x0], $0xffff;
	v22 =	vsel @!p6 vm0, $0x1080, v22;
	vm0 =	vcmask @!p6 $0x2B28  }
0x38a: {  	s8 =	sadd.s32 @!p0 $0xFFFFFFFD, s25;
	v25 =	vadd.s32 @!p0 s9, v31;
	v22 =	vsel @!p6 vm0, $0x1100, v22;
	vm0 =	vcmask @!p6 $0x2F2C  }
0x38b: {  	v29 =	vmov @!p0 s8;
	v22 =	vsel @!p6 vm0, $0x1180, v22;
	vm0 =	vcmask @!p6 $0x3330  }
0x38c: {  	s8 =	spop (v2sf);
	v19 =	vand.u32 @!p0 $0x7C, v29;
	v22 =	vsel @!p6 vm0, $0x1200, v22;
	vm0 =	vcmask @!p6 $0x3734  }
0x38d: {  	s9 =	simm.s32 @!p3 $0x10400;
	v29 =	vshll.u32 @!p0 v29, $0x3;
	p4 =	slt.s32 s8, $0xF4200;
	v22 =	vsel @!p6 vm0, $0x1280, v22;
	vm0 =	vcmask @!p6 $0x3B38  }
0x38e: {  	[tilespmem:v27+s9+$0x0] =	vst.idx.msk @!p3 $0xffff, v23;
	s9 =	simm.s32 @!p2 $0x14400;
	v22 =	vsel @!p6 vm0, $0x1300, v22;
	v23 =	vimm.s32 @!p4 $0x1380;
	vm0 =	vcmask @!p4 $0x300  }
0x38f: {  	v27 =	vld.idx.msk @!p2 [tilespmem:v28+s9+$0x0], $0xffff;
	v28 =	vand.u32 @!p0 $0xC00, v29;
	v23 =	vsel @!p4 vm0, $0x0, v23;
	vm0 =	vcmask @!p4 $0x704  }
0x390: {  	v19 =	vor.u32 @!p0 v28, v19;
	v23 =	vsel @!p4 vm0, $0x80, v23;
	vm0 =	vcmask @!p4 $0xB08  }
0x391: {  	v28 =	vlaneseq.u32 @!p6;
	v23 =	vsel @!p4 vm0, $0x100, v23;
	vm0 =	vcmask @!p4 $0xF0C  }
0x392: {  	s9 =	sadd.s32 @!p6 $0xFFFFFFFE, s25;
	v19 =	vor.u32 @!p0 v26, v19;
	v23 =	vsel @!p4 vm0, $0x180, v23;
	vm0 =	vcmask @!p4 $0x1310  }
0x393: {  	v26 =	vmov @!p6 s9;
	s9 =	simm.s32 @!p2 $0x10400;
	v23 =	vsel @!p4 vm0, $0x200, v23;
	vm0 =	vcmask @!p4 $0x1714  }
0x394: {  	[tilespmem:v24+s9+$0x0] =	vst.idx.msk @!p2 $0xffff, v27;
	s9 =	simm.s32 @!p1 $0x14400;
	v24 =	vmul.u32 @!p6 $0x80, v28;
	v23 =	vsel @!p4 vm0, $0x280, v23;
	vm0 =	vcmask @!p4 $0x1B18  }
0x395: {  	v27 =	vand.u32 @!p6 $0x7D, v26;
	v20 =	vld.idx.msk @!p1 [tilespmem:v20+s9+$0x0], $0xffff;
	v23 =	vsel @!p4 vm0, $0x300, v23;
	vm0 =	vcmask @!p4 $0x1F1C  }
0x396: {  	v26 =	vshll.u32 @!p6 v26, $0x3;
	v23 =	vsel @!p4 vm0, $0x380, v23;
	vm0 =	vcmask @!p4 $0x2320  }
0x397: {  	v26 =	vand.u32 @!p6 $0xC00, v26;
	v23 =	vsel @!p4 vm0, $0x1000, v23;
	vm0 =	vcmask @!p4 $0x2724  }
0x398: {  	s7 =	sadd.s32 @!p6 $0xFFF0BE00, s7;
	v26 =	vor.u32 @!p6 v26, v27;
	v23 =	vsel @!p4 vm0, $0x1080, v23;
	vm0 =	vcmask @!p4 $0x2B28  }
0x399: {  	v24 =	vadd.s32 @!p6 s7, v24;
	s7 =	simm.s32 @!p1 $0x10400;
	v23 =	vsel @!p4 vm0, $0x1100, v23;
	vm0 =	vcmask @!p4 $0x2F2C  }
0x39a: {  	[tilespmem:v21+s7+$0x0] =	vst.idx.msk @!p1 $0xffff, v20;
	s7 =	simm.s32 @!p0 $0x14400;
	v20 =	vor.u32 @!p6 v22, v26;
	v21 =	vsel @!p4 vm0, $0x1180, v23;
	vm0 =	vcmask @!p4 $0x3330  }
0x39b: {  	v23 =	vlaneseq.u32 @!p4;
	v22 =	vld.idx.msk @!p0 [tilespmem:v25+s7+$0x0], $0xffff;
	v21 =	vsel @!p4 vm0, $0x1200, v21;
	vm0 =	vcmask @!p4 $0x3734;
	s7 =	spop (v2sf)  }
0x39c: {  	v23 =	vmul.u32 @!p4 $0x80, v23;
	v21 =	vsel @!p4 vm0, $0x1280, v21;
	vm0 =	vcmask @!p4 $0x3B38;
	p1 =	slt.s32 s7, $0xF4200  }
0x39d: {  	s8 =	sadd.s32 @!p4 $0xFFF0BE00, s8;
	v21 =	vsel @!p4 vm0, $0x1300, v21;
	v25 =	vimm.s32 @!p1 $0x1380;
	vm0 =	vcmask @!p1 $0x300  }
0x39e: {  	v23 =	vadd.s32 @!p4 s8, v23;
	s8 =	sadd.s32 @!p4 $0xFFFFFFFF, s25;
	v25 =	vsel @!p1 vm0, $0x0, v25;
	vm0 =	vcmask @!p1 $0x704  }
0x39f: {  	v26 =	vmov @!p4 s8;
	s8 =	simm.s32 @!p0 $0x10400;
	v25 =	vsel @!p1 vm0, $0x80, v25;
	vm0 =	vcmask @!p1 $0xB08  }
0x3a0: {  	[tilespmem:v19+s8+$0x0] =	vst.idx.msk @!p0 $0xffff, v22;
	s8 =	simm.s32 @!p6 $0x14400;
	v19 =	vand.u32 @!p4 $0x7E, v26;
	v22 =	vsel @!p1 vm0, $0x100, v25;
	vm0 =	vcmask @!p1 $0xF0C  }
0x3a1: {  	v25 =	vshll.u32 @!p4 v26, $0x3;
	v24 =	vld.idx.msk @!p6 [tilespmem:v24+s8+$0x0], $0xffff;
	v22 =	vsel @!p1 vm0, $0x180, v22;
	vm0 =	vcmask @!p1 $0x1310  }
0x3a2: {  	v25 =	vand.u32 @!p4 $0xC00, v25;
	v22 =	vsel @!p1 vm0, $0x200, v22;
	vm0 =	vcmask @!p1 $0x1714  }
0x3a3: {  	v19 =	vor.u32 @!p4 v25, v19;
	v22 =	vsel @!p1 vm0, $0x280, v22;
	vm0 =	vcmask @!p1 $0x1B18  }
0x3a4: {  	v25 =	vlaneseq.u32 @!p1;
	v22 =	vsel @!p1 vm0, $0x300, v22;
	vm0 =	vcmask @!p1 $0x1F1C  }
0x3a5: {  	s8 =	simm.s32 @!p6 $0x10400;
	v25 =	vmul.u32 @!p1 $0x80, v25;
	v22 =	vsel @!p1 vm0, $0x380, v22;
	vm0 =	vcmask @!p1 $0x2320  }
0x3a6: {  	s7 =	sadd.s32 @!p1 $0xFFF0BE00, s7;
	v19 =	vor.u32 @!p4 v21, v19;
	[tilespmem:v20+s8+$0x0] =	vst.idx.msk @!p6 $0xffff, v24;
	s8 =	simm.s32 @!p4 $0x14400;
	v20 =	vsel @!p1 vm0, $0x1000, v22;
	vm0 =	vcmask @!p1 $0x2724  }
0x3a7: {  	v22 =	vadd.s32 @!p1 s7, v25;
	v21 =	vld.idx.msk @!p4 [tilespmem:v23+s8+$0x0], $0xffff;
	v20 =	vsel @!p1 vm0, $0x1080, v20;
	vm0 =	vcmask @!p1 $0x2B28  }
0x3a8: {  	v23 =	vmov @!p1 s25;
	v20 =	vsel @!p1 vm0, $0x1100, v20;
	vm0 =	vcmask @!p1 $0x2F2C  }
0x3a9: {  	v24 =	vand.u32 @!p1 $0x7F, v23;
	v20 =	vsel @!p1 vm0, $0x1180, v20;
	vm0 =	vcmask @!p1 $0x3330  }
0x3aa: {  	v23 =	vshll.u32 @!p1 v23, $0x3;
	v20 =	vsel @!p1 vm0, $0x1200, v20;
	vm0 =	vcmask @!p1 $0x3734  }
0x3ab: {  	s7 =	simm.s32 @!p4 $0x10400;
	v23 =	vand.u32 @!p1 $0xC00, v23;
	v20 =	vsel @!p1 vm0, $0x1280, v20;
	vm0 =	vcmask @!p1 $0x3B38  }
0x3ac: {  	[tilespmem:v19+s7+$0x0] =	vst.idx.msk @!p4 $0xffff, v21;
	s7 =	simm.s32 @!p1 $0x14400;
	v19 =	vor.u32 @!p1 v23, v24;
	v20 =	vsel @!p1 vm0, $0x1300, v20  }
0x3ad: {  	v21 =	vld.idx.msk @!p1 [tilespmem:v22+s7+$0x0], $0xffff;
	v19 =	vor.u32 @!p1 v20, v19;
	_ =	sdelay $0x3  }
0x3ae: {  	s7 =	simm.s32 @!p1 $0x10400  }
0x3af: {  	[tilespmem:v19+s7+$0x0] =	vst.idx.msk @!p1 $0xffff, v21  }
.LBB2_8:
0x3b0: {  	_ =	sdelay $0x3  }
0x3b1: {  	vm0 =	vgt.s32 v18, $0xF41FF  }
0x3b2: {  	v19 =	vsel vm0, $0x3F800000, v17  }
0x3b3: {  	(xrf0) =	vmax.scan.msk.f32 $0xffff, v19;
	_ =	sdelay $0x5  }
0x3b4: {  	v19, _, _ =	vpop (xrf0)  }
0x3b5: {  	(v2sf) =	vpush v19, $0xF;
	_ =	sdelay $0xe  }
0x3b6: {  	s7 =	spop (v2sf)  }
0x3b7: {  	p0 =	sgt.f32 s7, $0.0e+00  }
.Ltmp9:
0x3b8: {  	_ = 	snop;
	(pc) =	sbr.rel @!p0 .LBB2_10-.Ltmp9, $1  }
0x3b9: {  	_ =	sdelay $0x3  }
0x3ba: {  	(v2sf) =	vpush v18, $0x0;
	_ =	sdelay $0x7  }
0x3bb: {  	(v2sf) =	vpush v18, $0x1;
	_ =	sdelay $0x6  }
0x3bc: {  	s8 =	spop (v2sf)  }
0x3bd: {  	p0 =	slt.s32 s8, $0xF4200  }
0x3be: {  	v19 =	vimm.s32 @!p0 $0x1380;
	vm0 =	vcmask @!p0 $0x300  }
0x3bf: {  	v19 =	vsel @!p0 vm0, $0x0, v19;
	vm0 =	vcmask @!p0 $0x704  }
0x3c0: {  	(v2sf) =	vpush v18, $0x2;
	v19 =	vsel @!p0 vm0, $0x80, v19;
	vm0 =	vcmask @!p0 $0xB08  }
0x3c1: {  	v19 =	vsel @!p0 vm0, $0x100, v19;
	vm0 =	vcmask @!p0 $0xF0C  }
0x3c2: {  	v19 =	vsel @!p0 vm0, $0x180, v19;
	vm0 =	vcmask @!p0 $0x1310  }
0x3c3: {  	v19 =	vsel @!p0 vm0, $0x200, v19;
	vm0 =	vcmask @!p0 $0x1714  }
0x3c4: {  	s9 =	spop (v2sf);
	(v2sf) =	vpush v18, $0x3;
	v19 =	vsel @!p0 vm0, $0x280, v19;
	vm0 =	vcmask @!p0 $0x1B18  }
0x3c5: {  	v20 =	vlaneseq.u32 @!p0;
	v19 =	vsel @!p0 vm0, $0x300, v19;
	vm0 =	vcmask @!p0 $0x1F1C  }
0x3c6: {  	p1 =	slt.s32 s9, $0xF4200;
	v20 =	vmul.u32 @!p0 $0x80, v20;
	v19 =	vsel @!p0 vm0, $0x380, v19;
	vm0 =	vcmask @!p0 $0x2320  }
0x3c7: {  	v21 =	vimm.s32 @!p1 $0x1380;
	v19 =	vsel @!p0 vm0, $0x1000, v19;
	vm0 =	vcmask @!p0 $0x2724  }
0x3c8: {  	vm1 =	vcmask @!p1 $0x300;
	v19 =	vsel @!p0 vm0, $0x1080, v19;
	vm0 =	vcmask @!p0 $0x2B28  }
0x3c9: {  	v21 =	vsel @!p1 vm1, $0x0, v21;
	v19 =	vsel @!p0 vm0, $0x1100, v19;
	vm0 =	vcmask @!p1 $0x704  }
0x3ca: {  	vm1 =	vcmask @!p0 $0x2F2C;
	v21 =	vsel @!p1 vm0, $0x80, v21;
	vm0 =	vcmask @!p1 $0xB08  }
0x3cb: {  	v19 =	vsel @!p0 vm1, $0x1180, v19;
	v21 =	vsel @!p1 vm0, $0x100, v21;
	vm0 =	vcmask @!p1 $0xF0C  }
0x3cc: {  	vm1 =	vcmask @!p0 $0x3330;
	v21 =	vsel @!p1 vm0, $0x180, v21;
	vm0 =	vcmask @!p1 $0x1310  }
0x3cd: {  	v19 =	vsel @!p0 vm1, $0x1200, v19;
	v21 =	vsel @!p1 vm0, $0x200, v21;
	vm0 =	vcmask @!p1 $0x1714  }
0x3ce: {  	vm1 =	vcmask @!p0 $0x3734;
	v21 =	vsel @!p1 vm0, $0x280, v21;
	vm0 =	vcmask @!p1 $0x1B18  }
0x3cf: {  	s10 =	spop (v2sf);
	(v2sf) =	vpush v18, $0x4;
	v21 =	vsel @!p1 vm0, $0x300, v21;
	vm0 =	vcmask @!p1 $0x1F1C  }
0x3d0: {  	v19 =	vsel @!p0 vm1, $0x1280, v19;
	v21 =	vsel @!p1 vm0, $0x380, v21;
	vm0 =	vcmask @!p1 $0x2320  }
0x3d1: {  	vm1 =	vcmask @!p0 $0x3B38;
	v21 =	vsel @!p1 vm0, $0x1000, v21;
	vm0 =	vcmask @!p1 $0x2724  }
0x3d2: {  	p4 =	slt.s32 s10, $0xF4200;
	v22 =	vsel @!p0 vm1, $0x1300, v19;
	v19 =	vsel @!p1 vm0, $0x1080, v21;
	vm0 =	vcmask @!p1 $0x2B28  }
0x3d3: {  	v21 =	vimm.s32 @!p4 $0x1380;
	v19 =	vsel @!p1 vm0, $0x1100, v19;
	vm0 =	vcmask @!p4 $0x300  }
0x3d4: {  	v20 =	vor.u32 @!p0 $0x800, v20;
	vm1 =	vcmask @!p1 $0x2F2C;
	v21 =	vsel @!p4 vm0, $0x0, v21  }
0x3d5: {  	vm0 =	vcmask @!p4 $0x704;
	v19 =	vsel @!p1 vm1, $0x1180, v19;
	vm1 =	vcmask @!p1 $0x3330  }
0x3d6: {  	v21 =	vsel @!p4 vm0, $0x80, v21;
	vm0 =	vcmask @!p4 $0xB08;
	v19 =	vsel @!p1 vm1, $0x1200, v19  }
0x3d7: {  	vm1 =	vcmask @!p1 $0x3734;
	v21 =	vsel @!p4 vm0, $0x100, v21;
	vm0 =	vcmask @!p4 $0xF0C  }
0x3d8: {  	v23 =	vsel @!p1 vm1, $0x1280, v19;
	v21 =	vsel @!p4 vm0, $0x180, v21;
	vm0 =	vcmask @!p4 $0x1310  }
0x3d9: {  	s7 =	spop (v2sf);
	vm1 =	vcmask @!p1 $0x3B38;
	v21 =	vsel @!p4 vm0, $0x200, v21;
	vm0 =	vcmask @!p4 $0x1714  }
0x3da: {  	p5 =	slt.s32 s7, $0xF4200;
	v23 =	vsel @!p1 vm1, $0x1300, v23;
	v21 =	vsel @!p4 vm0, $0x280, v21;
	vm0 =	vcmask @!p4 $0x1B18  }
0x3db: {  	s8 =	sadd.s32 @!p0 $0xFFF0BE00, s8;
	vm1 =	vcmask @!p5 $0x300;
	v19 =	vsel @!p4 vm0, $0x300, v21;
	vm0 =	vcmask @!p4 $0x1F1C  }
0x3dc: {  	v21 =	vsel @!p4 vm0, $0x380, v19;
	vm0 =	vcmask @!p4 $0x2320;
	v19 =	vadd.s32 @!p0 s8, v20  }
0x3dd: {  	v20 =	vsel @!p4 vm0, $0x1000, v21;
	vm0 =	vcmask @!p4 $0x2724;
	v21 =	vimm.s32 @!p5 $0x1380  }
0x3de: {  	v20 =	vsel @!p4 vm0, $0x1080, v20;
	v21 =	vsel @!p5 vm1, $0x0, v21;
	vm0 =	vcmask @!p5 $0x704  }
0x3df: {  	s8 =	spop (v2sf);
	(v2sf) =	vpush v18, $0x5;
	v21 =	vsel @!p5 vm0, $0x80, v21;
	vm0 =	vcmask @!p5 $0xB08  }
0x3e0: {  	vm1 =	vcmask @!p4 $0x2B28;
	v21 =	vsel @!p5 vm0, $0x100, v21;
	vm0 =	vcmask @!p5 $0xF0C  }
0x3e1: {  	v20 =	vsel @!p4 vm1, $0x1100, v20;
	v21 =	vsel @!p5 vm0, $0x180, v21;
	vm0 =	vcmask @!p5 $0x1310  }
0x3e2: {  	vm1 =	vcmask @!p4 $0x2F2C;
	v21 =	vsel @!p5 vm0, $0x200, v21;
	vm0 =	vcmask @!p5 $0x1714  }
0x3e3: {  	v20 =	vsel @!p4 vm1, $0x1180, v20;
	v21 =	vsel @!p5 vm0, $0x280, v21;
	vm0 =	vcmask @!p5 $0x1B18  }
0x3e4: {  	vm1 =	vcmask @!p4 $0x3330;
	v21 =	vsel @!p5 vm0, $0x300, v21;
	vm0 =	vcmask @!p5 $0x1F1C  }
0x3e5: {  	v20 =	vsel @!p4 vm1, $0x1200, v20;
	v21 =	vsel @!p5 vm0, $0x380, v21;
	vm0 =	vcmask @!p5 $0x2320  }
0x3e6: {  	vm1 =	vcmask @!p4 $0x3734;
	v21 =	vsel @!p5 vm0, $0x1000, v21;
	vm0 =	vcmask @!p5 $0x2724  }
0x3e7: {  	v20 =	vsel @!p4 vm1, $0x1280, v20;
	v21 =	vsel @!p5 vm0, $0x1080, v21;
	vm0 =	vcmask @!p5 $0x2B28  }
0x3e8: {  	vm1 =	vcmask @!p4 $0x3B38;
	v21 =	vsel @!p5 vm0, $0x1100, v21;
	vm0 =	vcmask @!p5 $0x2F2C  }
0x3e9: {  	p2 =	slt.s32 s8, $0xF4200;
	v24 =	vsel @!p4 vm1, $0x1300, v20;
	v20 =	vsel @!p5 vm0, $0x1180, v21;
	vm0 =	vcmask @!p5 $0x3330  }
0x3ea: {  	v21 =	vimm.s32 @!p2 $0x1380;
	v20 =	vsel @!p5 vm0, $0x1200, v20;
	vm0 =	vcmask @!p2 $0x300  }
0x3eb: {  	vm1 =	vcmask @!p5 $0x3734;
	v21 =	vsel @!p2 vm0, $0x0, v21;
	vm0 =	vcmask @!p2 $0x704  }
0x3ec: {  	v20 =	vsel @!p5 vm1, $0x1280, v20;
	v21 =	vsel @!p2 vm0, $0x80, v21;
	vm0 =	vcmask @!p2 $0xB08  }
0x3ed: {  	vm1 =	vcmask @!p5 $0x3B38;
	v21 =	vsel @!p2 vm0, $0x100, v21;
	vm0 =	vcmask @!p2 $0xF0C  }
0x3ee: {  	v26 =	vsel @!p5 vm1, $0x1300, v20;
	v20 =	vsel @!p2 vm0, $0x180, v21;
	vm0 =	vcmask @!p2 $0x1310  }
0x3ef: {  	v21 =	vmov @!p0 s31;
	v20 =	vsel @!p2 vm0, $0x200, v20;
	vm0 =	vcmask @!p2 $0x1714  }
0x3f0: {  	v25 =	vand.u32 @!p0 $0x70, v21;
	v20 =	vsel @!p2 vm0, $0x280, v20;
	vm0 =	vcmask @!p2 $0x1B18  }
0x3f1: {  	v21 =	vshll.u32 @!p0 v21, $0x3;
	v20 =	vsel @!p2 vm0, $0x300, v20;
	vm0 =	vcmask @!p2 $0x1F1C  }
0x3f2: {  	v21 =	vand.u32 @!p0 $0xC00, v21;
	v20 =	vsel @!p2 vm0, $0x380, v20;
	vm0 =	vcmask @!p2 $0x2320  }
0x3f3: {  	s12 =	simm.s32 @!p2 $0x0;
	v21 =	vor.u32 @!p0 v21, v25;
	v25 =	vsel @!p2 vm0, $0x1000, v20;
	vm0 =	vcmask @!p2 $0x2724  }
0x3f4: {  	s12 =	simm.s32 @p2 $0x1;
	v20 =	vor.u32 @!p0 v22, v21;
	v21 =	vsel @!p2 vm0, $0x1080, v25;
	vm0 =	vcmask @!p2 $0x2B28  }
0x3f5: {  	[smem:$0x7F5] =	sst s12;
	s12 =	spop (v2sf);
	(v2sf) =	vpush v18, $0x6;
	v21 =	vsel @!p2 vm0, $0x1100, v21;
	vm0 =	vcmask @!p2 $0x2F2C  }
0x3f6: {  	v22 =	vlaneseq.u32 @!p1;
	v21 =	vsel @!p2 vm0, $0x1180, v21;
	vm0 =	vcmask @!p2 $0x3330  }
0x3f7: {  	p3 =	slt.s32 s12, $0xF4200;
	v22 =	vmul.u32 @!p1 $0x80, v22;
	v21 =	vsel @!p2 vm0, $0x1200, v21;
	vm0 =	vcmask @!p2 $0x3734  }
0x3f8: {  	v25 =	vimm.s32 @!p3 $0x1380;
	v21 =	vsel @!p2 vm0, $0x1280, v21;
	vm0 =	vcmask @!p2 $0x3B38  }
0x3f9: {  	s9 =	sadd.s32 @!p1 $0xFFF0BE00, s9;
	v22 =	vor.u32 @!p1 $0x800, v22;
	v27 =	vsel @!p2 vm0, $0x1300, v21;
	vm0 =	vcmask @!p3 $0x300  }
0x3fa: {  	v21 =	vadd.s32 @!p1 s9, v22;
	s9 =	sadd.s32 @!p1 $0xFFFFFFF2, s25;
	v22 =	vsel @!p3 vm0, $0x0, v25;
	vm0 =	vcmask @!p3 $0x704  }
0x3fb: {  	v25 =	vmov @!p1 s9;
	v22 =	vsel @!p3 vm0, $0x80, v22;
	vm0 =	vcmask @!p3 $0xB08  }
0x3fc: {  	v28 =	vand.u32 @!p1 $0x71, v25;
	v22 =	vsel @!p3 vm0, $0x100, v22;
	vm0 =	vcmask @!p3 $0xF0C  }
0x3fd: {  	v25 =	vshll.u32 @!p1 v25, $0x3;
	v22 =	vsel @!p3 vm0, $0x180, v22;
	vm0 =	vcmask @!p3 $0x1310  }
0x3fe: {  	v25 =	vand.u32 @!p1 $0xC00, v25;
	v22 =	vsel @!p3 vm0, $0x200, v22;
	vm0 =	vcmask @!p3 $0x1714  }
0x3ff: {  	v25 =	vor.u32 @!p1 v25, v28;
	v22 =	vsel @!p3 vm0, $0x280, v22;
	vm0 =	vcmask @!p3 $0x1B18  }
0x400: {  	v28 =	vlaneseq.u32 @!p4;
	v22 =	vsel @!p3 vm0, $0x300, v22;
	vm0 =	vcmask @!p3 $0x1F1C  }
0x401: {  	v28 =	vmul.u32 @!p4 $0x80, v28;
	v29 =	vsel @!p3 vm0, $0x380, v22;
	vm0 =	vcmask @!p3 $0x2320  }
0x402: {  	v22 =	vor.u32 @!p1 v23, v25;
	v23 =	vsel @!p3 vm0, $0x1000, v29;
	vm0 =	vcmask @!p3 $0x2724  }
0x403: {  	s9 =	sadd.s32 @!p4 $0xFFF0BE00, s10;
	v25 =	vor.u32 @!p4 $0x800, v28;
	v28 =	vsel @!p3 vm0, $0x1080, v23;
	vm0 =	vcmask @!p3 $0x2B28  }
0x404: {  	s10 =	sadd.s32 @!p4 $0xFFFFFFF3, s25;
	v23 =	vadd.s32 @!p4 s9, v25;
	v25 =	vsel @!p3 vm0, $0x1100, v28;
	vm0 =	vcmask @!p3 $0x2F2C  }
0x405: {  	v28 =	vmov @!p4 s10;
	v25 =	vsel @!p3 vm0, $0x1180, v25;
	vm0 =	vcmask @!p3 $0x3330  }
0x406: {  	s10 =	spop (v2sf);
	(v2sf) =	vpush v18, $0x7;
	v25 =	vsel @!p3 vm0, $0x1200, v25;
	vm0 =	vcmask @!p3 $0x3734  }
0x407: {  	v29 =	vand.u32 @!p4 $0x72, v28;
	p6 =	slt.s32 s10, $0xF4200;
	v25 =	vsel @!p3 vm0, $0x1280, v25;
	vm0 =	vcmask @!p3 $0x3B38  }
0x408: {  	v30 =	vsel @!p3 vm0, $0x1300, v25;
	v25 =	vimm.s32 @!p6 $0x1380;
	vm0 =	vcmask @!p6 $0x300  }
0x409: {  	v28 =	vshll.u32 @!p4 v28, $0x3;
	v25 =	vsel @!p6 vm0, $0x0, v25;
	vm0 =	vcmask @!p6 $0x704  }
0x40a: {  	v28 =	vand.u32 @!p4 $0xC00, v28;
	v25 =	vsel @!p6 vm0, $0x80, v25;
	vm0 =	vcmask @!p6 $0xB08  }
0x40b: {  	v28 =	vor.u32 @!p4 v28, v29;
	v25 =	vsel @!p6 vm0, $0x100, v25;
	vm0 =	vcmask @!p6 $0xF0C  }
0x40c: {  	v29 =	vlaneseq.u32 @!p5;
	v25 =	vsel @!p6 vm0, $0x180, v25;
	vm0 =	vcmask @!p6 $0x1310  }
0x40d: {  	v29 =	vmul.u32 @!p5 $0x80, v29;
	v25 =	vsel @!p6 vm0, $0x200, v25;
	vm0 =	vcmask @!p6 $0x1714  }
0x40e: {  	s9 =	simm.s32 @!p4 $0x0;
	v24 =	vor.u32 @!p4 v24, v28;
	v25 =	vsel @!p6 vm0, $0x280, v25;
	vm0 =	vcmask @!p6 $0x1B18  }
0x40f: {  	s7 =	sadd.s32 @!p5 $0xFFF0BE00, s7;
	s9 =	simm.s32 @p4 $0x1;
	v28 =	vor.u32 @!p5 $0x800, v29;
	v29 =	vsel @!p6 vm0, $0x300, v25;
	vm0 =	vcmask @!p6 $0x1F1C  }
0x410: {  	[smem:$0x7F3] =	sst s9;
	s9 =	sadd.s32 @!p5 $0xFFFFFFF4, s25;
	v25 =	vadd.s32 @!p5 s7, v28;
	v28 =	vsel @!p6 vm0, $0x380, v29;
	vm0 =	vcmask @!p6 $0x2320  }
0x411: {  	v29 =	vmov @!p5 s9;
	v28 =	vsel @!p6 vm0, $0x1000, v28;
	vm0 =	vcmask @!p6 $0x2724  }
0x412: {  	v31 =	vand.u32 @!p5 $0x73, v29;
	v28 =	vsel @!p6 vm0, $0x1080, v28;
	vm0 =	vcmask @!p6 $0x2B28  }
0x413: {  	v29 =	vshll.u32 @!p5 v29, $0x3;
	v28 =	vsel @!p6 vm0, $0x1100, v28;
	vm0 =	vcmask @!p6 $0x2F2C  }
0x414: {  	s31 =	sld [smem:$0x7F5];
	v29 =	vand.u32 @!p5 $0xC00, v29;
	v28 =	vsel @!p6 vm0, $0x1180, v28;
	vm0 =	vcmask @!p6 $0x3330  }
0x415: {  	s9 =	simm.s32 @!p5 $0x0;
	s7 =	spop (v2sf);
	(v2sf) =	vpush v18, $0x8;
	v28 =	vsel @!p6 vm0, $0x1200, v28;
	vm0 =	vcmask @!p6 $0x3734  }
0x416: {  	p4 =	por p5, p5;
	s9 =	simm.s32 @p5 $0x1;
	v29 =	vor.u32 @!p5 v29, v31;
	p5 =	slt.s32 s7, $0xF4200;
	v28 =	vsel @!p6 vm0, $0x1280, v28;
	vm0 =	vcmask @!p6 $0x3B38  }
0x417: {  	p2 =	seq.s32 s31, $0x1;
	v32 =	vsel @!p6 vm0, $0x1300, v28;
	v28 =	vimm.s32 @!p5 $0x1380;
	vm0 =	vcmask @!p5 $0x300  }
0x418: {  	v31 =	vlaneseq.u32 @!p2;
	v28 =	vsel @!p5 vm0, $0x0, v28;
	vm0 =	vcmask @!p5 $0x704  }
0x419: {  	v31 =	vmul.u32 @!p2 $0x80, v31;
	v28 =	vsel @!p5 vm0, $0x80, v28;
	vm0 =	vcmask @!p5 $0xB08  }
0x41a: {  	v26 =	vor.u32 @!p4 v26, v29;
	v28 =	vsel @!p5 vm0, $0x100, v28;
	vm0 =	vcmask @!p5 $0xF0C  }
0x41b: {  	s8 =	sadd.s32 @!p2 $0xFFF0BE00, s8;
	v29 =	vor.u32 @!p2 $0x800, v31;
	v31 =	vsel @!p5 vm0, $0x180, v28;
	vm0 =	vcmask @!p5 $0x1310  }
0x41c: {  	[smem:$0x7F4] =	sst s9;
	s9 =	sadd.s32 @!p2 $0xFFFFFFF5, s25;
	v28 =	vadd.s32 @!p2 s8, v29;
	v29 =	vsel @!p5 vm0, $0x200, v31;
	vm0 =	vcmask @!p5 $0x1714  }
0x41d: {  	v31 =	vmov @!p2 s9;
	v29 =	vsel @!p5 vm0, $0x280, v29  }
0x41e: {  	vm0 =	vcmask @!p5 $0x1B18;
	v33 =	vand.u32 @!p2 $0x74, v31;
	v31 =	vshll.u32 @!p2 v31, $0x3  }
0x41f: {  	v29 =	vsel @!p5 vm0, $0x300, v29;
	vm0 =	vcmask @!p5 $0x1F1C;
	v31 =	vand.u32 @!p2 $0xC00, v31  }
0x420: {  	v29 =	vsel @!p5 vm0, $0x380, v29;
	vm0 =	vcmask @!p5 $0x2320;
	v31 =	vor.u32 @!p2 v31, v33  }
0x421: {  	v29 =	vsel @!p5 vm0, $0x1000, v29;
	vm0 =	vcmask @!p5 $0x2724;
	v27 =	vor.u32 @!p2 v27, v31  }
0x422: {  	v31 =	vlaneseq.u32 @!p3;
	v29 =	vsel @!p5 vm0, $0x1080, v29;
	vm0 =	vcmask @!p5 $0x2B28  }
0x423: {  	v31 =	vmul.u32 @!p3 $0x80, v31;
	v29 =	vsel @!p5 vm0, $0x1100, v29;
	vm0 =	vcmask @!p5 $0x2F2C  }
0x424: {  	s9 =	spop (v2sf);
	(v2sf) =	vpush v18, $0x9;
	v29 =	vsel @!p5 vm0, $0x1180, v29;
	vm0 =	vcmask @!p5 $0x3330  }
0x425: {  	v29 =	vsel @!p5 vm0, $0x1200, v29;
	vm0 =	vcmask @!p5 $0x3734  }
0x426: {  	p4 =	slt.s32 s9, $0xF4200;
	v31 =	vor.u32 @!p3 $0x800, v31;
	v29 =	vsel @!p5 vm0, $0x1280, v29;
	vm0 =	vcmask @!p5 $0x3B38  }
0x427: {  	s8 =	sadd.s32 @!p3 $0xFFF0BE00, s12;
	v33 =	vsel @!p5 vm0, $0x1300, v29;
	v29 =	vimm.s32 @!p4 $0x1380;
	vm0 =	vcmask @!p4 $0x300  }
0x428: {  	s12 =	sadd.s32 @!p3 $0xFFFFFFF6, s25;
	v34 =	vsel @!p4 vm0, $0x0, v29;
	vm0 =	vcmask @!p4 $0x704;
	v29 =	vadd.s32 @!p3 s8, v31  }
0x429: {  	v31 =	vsel @!p4 vm0, $0x80, v34;
	vm0 =	vcmask @!p4 $0xB08;
	v34 =	vmov @!p3 s12  }
0x42a: {  	v31 =	vsel @!p4 vm0, $0x100, v31;
	vm0 =	vcmask @!p4 $0xF0C;
	v35 =	vand.u32 @!p3 $0x75, v34  }
0x42b: {  	v34 =	vshll.u32 @!p3 v34, $0x3;
	v31 =	vsel @!p4 vm0, $0x180, v31;
	vm0 =	vcmask @!p4 $0x1310  }
0x42c: {  	v34 =	vand.u32 @!p3 $0xC00, v34;
	v31 =	vsel @!p4 vm0, $0x200, v31;
	vm0 =	vcmask @!p4 $0x1714  }
0x42d: {  	v34 =	vor.u32 @!p3 v34, v35;
	v31 =	vsel @!p4 vm0, $0x280, v31;
	vm0 =	vcmask @!p4 $0x1B18  }
0x42e: {  	v35 =	vlaneseq.u32 @!p6;
	v31 =	vsel @!p4 vm0, $0x300, v31;
	vm0 =	vcmask @!p4 $0x1F1C  }
0x42f: {  	s8 =	simm.s32 @!p3 $0x0;
	v35 =	vmul.u32 @!p6 $0x80, v35;
	v31 =	vsel @!p4 vm0, $0x380, v31;
	vm0 =	vcmask @!p4 $0x2320  }
0x430: {  	s8 =	simm.s32 @p3 $0x1;
	v30 =	vor.u32 @!p3 v30, v34;
	v31 =	vsel @!p4 vm0, $0x1000, v31;
	vm0 =	vcmask @!p4 $0x2724  }
0x431: {  	[smem:$0x7F6] =	sst s8;
	s8 =	sadd.s32 @!p6 $0xFFF0BE00, s10;
	v34 =	vor.u32 @!p6 $0x800, v35;
	v31 =	vsel @!p4 vm0, $0x1080, v31;
	vm0 =	vcmask @!p4 $0x2B28  }
0x432: {  	v35 =	vsel @!p4 vm0, $0x1100, v31;
	vm0 =	vcmask @!p4 $0x2F2C;
	v31 =	vadd.s32 @!p6 s8, v34  }
0x433: {  	s10 =	sadd.s32 @!p6 $0xFFFFFFF7, s25;
	s8 =	spop (v2sf);
	(v2sf) =	vpush v18, $0xA;
	v34 =	vsel @!p4 vm0, $0x1180, v35;
	vm0 =	vcmask @!p4 $0x3330  }
0x434: {  	v35 =	vmov @!p6 s10;
	v34 =	vsel @!p4 vm0, $0x1200, v34;
	vm0 =	vcmask @!p4 $0x3734  }
0x435: {  	p3 =	slt.s32 s8, $0xF4200;
	v37 =	vand.u32 @!p6 $0x76, v35;
	v34 =	vsel @!p4 vm0, $0x1280, v34;
	vm0 =	vcmask @!p4 $0x3B38  }
0x436: {  	v36 =	vsel @!p4 vm0, $0x1300, v34;
	v34 =	vimm.s32 @!p3 $0x1380;
	vm0 =	vcmask @!p3 $0x300  }
0x437: {  	v35 =	vshll.u32 @!p6 v35, $0x3;
	v34 =	vsel @!p3 vm0, $0x0, v34;
	vm0 =	vcmask @!p3 $0x704  }
0x438: {  	v35 =	vand.u32 @!p6 $0xC00, v35;
	v34 =	vsel @!p3 vm0, $0x80, v34;
	vm0 =	vcmask @!p3 $0xB08  }
0x439: {  	v35 =	vor.u32 @!p6 v35, v37;
	v34 =	vsel @!p3 vm0, $0x100, v34;
	vm0 =	vcmask @!p3 $0xF0C  }
0x43a: {  	v37 =	vlaneseq.u32 @!p5;
	v34 =	vsel @!p3 vm0, $0x180, v34;
	vm0 =	vcmask @!p3 $0x1310  }
0x43b: {  	v37 =	vmul.u32 @!p5 $0x80, v37;
	v34 =	vsel @!p3 vm0, $0x200, v34;
	vm0 =	vcmask @!p3 $0x1714  }
0x43c: {  	v32 =	vor.u32 @!p6 v32, v35;
	v34 =	vsel @!p3 vm0, $0x280, v34;
	vm0 =	vcmask @!p3 $0x1B18  }
0x43d: {  	s10 =	sadd.s32 @!p5 $0xFFFFFFF8, s25;
	v35 =	vor.u32 @!p5 $0x800, v37;
	v34 =	vsel @!p3 vm0, $0x300, v34;
	vm0 =	vcmask @!p3 $0x1F1C  }
0x43e: {  	v37 =	vmov @!p5 s10;
	v34 =	vsel @!p3 vm0, $0x380, v34;
	vm0 =	vcmask @!p3 $0x2320  }
0x43f: {  	v38 =	vand.u32 @!p5 $0x77, v37;
	v34 =	vsel @!p3 vm0, $0x1000, v34;
	vm0 =	vcmask @!p3 $0x2724  }
0x440: {  	v37 =	vshll.u32 @!p5 v37, $0x3;
	v34 =	vsel @!p3 vm0, $0x1080, v34;
	vm0 =	vcmask @!p3 $0x2B28  }
0x441: {  	s12 =	simm.s32 @!p0 $0x14400;
	v37 =	vand.u32 @!p5 $0xC00, v37;
	v34 =	vsel @!p3 vm0, $0x1100, v34;
	vm0 =	vcmask @!p3 $0x2F2C  }
0x442: {  	v39 =	vld.idx.msk @!p0 [tilespmem:v19+s12+$0x0], $0xffff;
	v37 =	vor.u32 @!p5 v37, v38;
	v34 =	vsel @!p3 vm0, $0x1180, v34;
	vm0 =	vcmask @!p3 $0x3330  }
0x443: {  	s10 =	spop (v2sf);
	(v2sf) =	vpush v18, $0xB;
	v34 =	vsel @!p3 vm0, $0x1200, v34;
	vm0 =	vcmask @!p3 $0x3734  }
0x444: {  	v19 =	vor.u32 @!p5 v33, v37;
	p2 =	slt.s32 s10, $0xF4200;
	v34 =	vsel @!p3 vm0, $0x1280, v34;
	vm0 =	vcmask @!p3 $0x3B38  }
0x445: {  	s12 =	sadd.s32 @!p4 $0xFFFFFFF9, s25;
	v38 =	vsel @!p3 vm0, $0x1300, v34;
	v34 =	vimm.s32 @!p2 $0x1380;
	vm0 =	vcmask @!p2 $0x300  }
0x446: {  	v33 =	vsel @!p2 vm0, $0x0, v34;
	vm0 =	vcmask @!p2 $0x704;
	v34 =	vmov @!p4 s12;
	s12 =	simm.s32 @!p0 $0x12400  }
0x447: {  	v33 =	vsel @!p2 vm0, $0x80, v33;
	vm0 =	vcmask @!p2 $0xB08;
	v37 =	vand.u32 @!p4 $0x78, v34;
	[tilespmem:v20+s12+$0x0] =	vst.idx.msk @!p0 $0xffff, v39;
	s12 =	simm.s32 @!p1 $0x14400  }
0x448: {  	v34 =	vshll.u32 @!p4 v34, $0x3;
	v33 =	vsel @!p2 vm0, $0x100, v33;
	vm0 =	vcmask @!p2 $0xF0C;
	v21 =	vld.idx.msk @!p1 [tilespmem:v21+s12+$0x0], $0xffff;
	s12 =	simm.s32 @!p5 $0x0  }
0x449: {  	v34 =	vand.u32 @!p4 $0xC00, v34;
	v33 =	vsel @!p2 vm0, $0x180, v33;
	vm0 =	vcmask @!p2 $0x1310;
	s12 =	simm.s32 @p5 $0x1  }
0x44a: {  	v20 =	vor.u32 @!p4 v34, v37;
	v33 =	vsel @!p2 vm0, $0x200, v33;
	vm0 =	vcmask @!p2 $0x1714;
	[smem:$0x7F7] =	sst s12  }
0x44b: {  	v34 =	vlaneseq.u32 @!p4;
	s12 =	sld [smem:$0x7F3];
	v33 =	vsel @!p2 vm0, $0x280, v33;
	vm0 =	vcmask @!p2 $0x1B18  }
0x44c: {  	s7 =	sadd.s32 @!p5 $0xFFF0BE00, s7;
	v37 =	vmul.u32 @!p4 $0x80, v34;
	v33 =	vsel @!p2 vm0, $0x300, v33;
	vm0 =	vcmask @!p2 $0x1F1C  }
0x44d: {  	v34 =	vadd.s32 @!p5 s7, v35;
	v33 =	vsel @!p2 vm0, $0x380, v33;
	vm0 =	vcmask @!p2 $0x2320  }
0x44e: {  	s7 =	sadd.s32 @!p4 $0xFFF0BE00, s9;
	s9 =	simm.s32 @!p1 $0x12400;
	v35 =	vor.u32 @!p4 $0x800, v37;
	p0 =	seq.s32 s12, $0x1;
	v33 =	vsel @!p2 vm0, $0x1000, v33;
	vm0 =	vcmask @!p2 $0x2724  }
0x44f: {  	[tilespmem:v22+s9+$0x0] =	vst.idx.msk @!p1 $0xffff, v21;
	v37 =	vsel @!p2 vm0, $0x1080, v33;
	vm0 =	vcmask @!p2 $0x2B28;
	v33 =	vadd.s32 @!p4 s7, v35;
	s7 =	simm.s32 @!p0 $0x14400  }
0x450: {  	v35 =	vsel @!p2 vm0, $0x1100, v37;
	vm0 =	vcmask @!p2 $0x2F2C;
	v22 =	vld.idx.msk @!p0 [tilespmem:v23+s7+$0x0], $0xffff  }
0x451: {  	v20 =	vor.u32 @!p4 v36, v20;
	v21 =	vsel @!p2 vm0, $0x1180, v35;
	vm0 =	vcmask @!p2 $0x3330  }
0x452: {  	s31 =	sld [smem:$0x7F4];
	s9 =	sadd.s32 @!p3 $0xFFFFFFFA, s25;
	s7 =	spop (v2sf);
	(v2sf) =	vpush v18, $0xC;
	v21 =	vsel @!p2 vm0, $0x1200, v21;
	vm0 =	vcmask @!p2 $0x3734  }
0x453: {  	v23 =	vmov @!p3 s9;
	p1 =	slt.s32 s7, $0xF4200;
	v21 =	vsel @!p2 vm0, $0x1280, v21;
	vm0 =	vcmask @!p2 $0x3B38  }
0x454: {  	s9 =	simm.s32 @!p0 $0x12400;
	v35 =	vsel @!p2 vm0, $0x1300, v21;
	v21 =	vimm.s32 @!p1 $0x1380;
	vm0 =	vcmask @!p1 $0x300  }
0x455: {  	v36 =	vand.u32 @!p3 $0x79, v23;
	v21 =	vsel @!p1 vm0, $0x0, v21;
	vm0 =	vcmask @!p1 $0x704;
	[tilespmem:v24+s9+$0x0] =	vst.idx.msk @!p0 $0xffff, v22;
	p0 =	seq.s32 s31, $0x1  }
0x456: {  	v23 =	vshll.u32 @!p3 v23, $0x3;
	v21 =	vsel @!p1 vm0, $0x80, v21;
	vm0 =	vcmask @!p1 $0xB08;
	s9 =	simm.s32 @!p0 $0x14400  }
0x457: {  	v22 =	vand.u32 @!p3 $0xC00, v23;
	v21 =	vsel @!p1 vm0, $0x100, v21;
	vm0 =	vcmask @!p1 $0xF0C;
	v23 =	vld.idx.msk @!p0 [tilespmem:v25+s9+$0x0], $0xffff  }
0x458: {  	s12 =	sld [smem:$0x7F5];
	v22 =	vor.u32 @!p3 v22, v36;
	v24 =	vsel @!p1 vm0, $0x180, v21;
	vm0 =	vcmask @!p1 $0x1310  }
0x459: {  	s9 =	sadd.s32 @!p2 $0xFFFFFFFB, s25;
	v21 =	vor.u32 @!p3 v38, v22;
	v22 =	vsel @!p1 vm0, $0x200, v24;
	vm0 =	vcmask @!p1 $0x1714  }
0x45a: {  	v24 =	vmov @!p2 s9;
	v22 =	vsel @!p1 vm0, $0x280, v22;
	vm0 =	vcmask @!p1 $0x1B18  }
0x45b: {  	p5 =	seq.s32 s12, $0x1;
	s9 =	simm.s32 @!p0 $0x12400;
	v25 =	vand.u32 @!p2 $0x7A, v24;
	v22 =	vsel @!p1 vm0, $0x300, v22;
	vm0 =	vcmask @!p1 $0x1F1C  }
0x45c: {  	v24 =	vshll.u32 @!p2 v24, $0x3;
	v22 =	vsel @!p1 vm0, $0x380, v22;
	vm0 =	vcmask @!p1 $0x2320;
	[tilespmem:v26+s9+$0x0] =	vst.idx.msk @!p0 $0xffff, v23;
	s9 =	simm.s32 @!p5 $0x14400  }
0x45d: {  	v23 =	vand.u32 @!p2 $0xC00, v24;
	v22 =	vsel @!p1 vm0, $0x1000, v22;
	vm0 =	vcmask @!p1 $0x2724;
	v24 =	vld.idx.msk @!p5 [tilespmem:v28+s9+$0x0], $0xffff  }
0x45e: {  	v23 =	vor.u32 @!p2 v23, v25;
	v22 =	vsel @!p1 vm0, $0x1080, v22;
	vm0 =	vcmask @!p1 $0x2B28  }
0x45f: {  	s31 =	sld [smem:$0x7F6];
	v25 =	vlaneseq.u32 @!p3;
	v22 =	vsel @!p1 vm0, $0x1100, v22;
	vm0 =	vcmask @!p1 $0x2F2C  }
0x460: {  	v28 =	vlaneseq.u32 @!p1;
	v22 =	vsel @!p1 vm0, $0x1180, v22;
	vm0 =	vcmask @!p1 $0x3330  }
0x461: {  	s12 =	simm.s32 @!p5 $0x12400;
	s9 =	spop (v2sf);
	(v2sf) =	vpush v18, $0xD;
	v22 =	vsel @!p1 vm0, $0x1200, v22;
	vm0 =	vcmask @!p1 $0x3734  }
0x462: {  	v25 =	vmul.u32 @!p3 $0x80, v25;
	p0 =	slt.s32 s9, $0xF4200;
	v22 =	vsel @!p1 vm0, $0x1280, v22;
	vm0 =	vcmask @!p1 $0x3B38;
	[tilespmem:v27+s12+$0x0] =	vst.idx.msk @!p5 $0xffff, v24;
	p5 =	seq.s32 s31, $0x1  }
0x463: {  	v24 =	vimm.s32 @!p0 $0x1380;
	s12 =	simm.s32 @!p5 $0x14400;
	v22 =	vsel @!p1 vm0, $0x1300, v22;
	vm0 =	vcmask @!p0 $0x300  }
0x464: {  	v25 =	vor.u32 @!p3 $0x800, v25;
	v26 =	vld.idx.msk @!p5 [tilespmem:v29+s12+$0x0], $0xffff;
	v24 =	vsel @!p0 vm0, $0x0, v24;
	vm0 =	vcmask @!p0 $0x704  }
0x465: {  	v27 =	vlaneseq.u32 @!p2;
	v24 =	vsel @!p0 vm0, $0x80, v24;
	vm0 =	vcmask @!p0 $0xB08  }
0x466: {  	s8 =	sadd.s32 @!p3 $0xFFF0BE00, s8;
	v27 =	vmul.u32 @!p2 $0x80, v27;
	v24 =	vsel @!p0 vm0, $0x100, v24;
	vm0 =	vcmask @!p0 $0xF0C  }
0x467: {  	v25 =	vadd.s32 @!p3 s8, v25;
	v24 =	vsel @!p0 vm0, $0x180, v24;
	vm0 =	vcmask @!p0 $0x1310  }
0x468: {  	s8 =	sadd.s32 @!p2 $0xFFF0BE00, s10;
	s10 =	simm.s32 @!p5 $0x12400;
	v27 =	vor.u32 @!p2 $0x800, v27;
	v24 =	vsel @!p0 vm0, $0x200, v24;
	vm0 =	vcmask @!p0 $0x1714  }
0x469: {  	v27 =	vadd.s32 @!p2 s8, v27;
	s8 =	simm.s32 @!p6 $0x14400;
	[tilespmem:v30+s10+$0x0] =	vst.idx.msk @!p5 $0xffff, v26;
	v24 =	vsel @!p0 vm0, $0x280, v24;
	vm0 =	vcmask @!p0 $0x1B18  }
0x46a: {  	v23 =	vor.u32 @!p2 v35, v23;
	v26 =	vld.idx.msk @!p6 [tilespmem:v31+s8+$0x0], $0xffff;
	v24 =	vsel @!p0 vm0, $0x300, v24;
	vm0 =	vcmask @!p0 $0x1F1C  }
0x46b: {  	v28 =	vmul.u32 @!p1 $0x80, v28;
	s31 =	sld [smem:$0x7F7];
	s8 =	sadd.s32 @!p1 $0xFFFFFFFC, s25;
	v24 =	vsel @!p0 vm0, $0x380, v24;
	vm0 =	vcmask @!p0 $0x2320  }
0x46c: {  	v29 =	vmov @!p1 s8;
	v24 =	vsel @!p0 vm0, $0x1000, v24;
	vm0 =	vcmask @!p0 $0x2724  }
0x46d: {  	v30 =	vand.u32 @!p1 $0x7B, v29;
	v24 =	vsel @!p0 vm0, $0x1080, v24;
	vm0 =	vcmask @!p0 $0x2B28  }
0x46e: {  	p5 =	seq.s32 s31, $0x1;
	s8 =	simm.s32 @!p6 $0x12400;
	v29 =	vshll.u32 @!p1 v29, $0x3;
	v24 =	vsel @!p0 vm0, $0x1100, v24;
	vm0 =	vcmask @!p0 $0x2F2C  }
0x46f: {  	[tilespmem:v32+s8+$0x0] =	vst.idx.msk @!p6 $0xffff, v26;
	s8 =	simm.s32 @!p5 $0x14400;
	v26 =	vand.u32 @!p1 $0xC00, v29;
	v24 =	vsel @!p0 vm0, $0x1180, v24;
	vm0 =	vcmask @!p0 $0x3330  }
0x470: {  	v29 =	vld.idx.msk @!p5 [tilespmem:v34+s8+$0x0], $0xffff;
	v24 =	vsel @!p0 vm0, $0x1200, v24;
	vm0 =	vcmask @!p0 $0x3734;
	s8 =	spop (v2sf);
	(v2sf) =	vpush v18, $0xE  }
0x471: {  	v26 =	vor.u32 @!p1 v26, v30;
	v24 =	vsel @!p0 vm0, $0x1280, v24;
	vm0 =	vcmask @!p0 $0x3B38;
	p6 =	slt.s32 s8, $0xF4200  }
0x472: {  	v24 =	vsel @!p0 vm0, $0x1300, v24;
	v30 =	vimm.s32 @!p6 $0x1380;
	vm0 =	vcmask @!p6 $0x300  }
0x473: {  	v28 =	vor.u32 @!p1 $0x800, v28;
	s10 =	sadd.s32 @!p0 $0xFFFFFFFD, s25;
	v30 =	vsel @!p6 vm0, $0x0, v30;
	vm0 =	vcmask @!p6 $0x704  }
0x474: {  	v31 =	vmov @!p0 s10;
	s10 =	simm.s32 @!p5 $0x12400;
	v30 =	vsel @!p6 vm0, $0x80, v30;
	vm0 =	vcmask @!p6 $0xB08  }
0x475: {  	[tilespmem:v19+s10+$0x0] =	vst.idx.msk @!p5 $0xffff, v29;
	s10 =	simm.s32 @!p4 $0x14400;
	v19 =	vor.u32 @!p1 v22, v26;
	v22 =	vsel @!p6 vm0, $0x100, v30;
	vm0 =	vcmask @!p6 $0xF0C  }
0x476: {  	v29 =	vand.u32 @!p0 $0x7C, v31;
	v26 =	vld.idx.msk @!p4 [tilespmem:v33+s10+$0x0], $0xffff;
	v22 =	vsel @!p6 vm0, $0x180, v22;
	vm0 =	vcmask @!p6 $0x1310  }
0x477: {  	v30 =	vshll.u32 @!p0 v31, $0x3;
	v22 =	vsel @!p6 vm0, $0x200, v22;
	vm0 =	vcmask @!p6 $0x1714  }
0x478: {  	v30 =	vand.u32 @!p0 $0xC00, v30;
	v22 =	vsel @!p6 vm0, $0x280, v22;
	vm0 =	vcmask @!p6 $0x1B18  }
0x479: {  	v29 =	vor.u32 @!p0 v30, v29;
	v22 =	vsel @!p6 vm0, $0x300, v22;
	vm0 =	vcmask @!p6 $0x1F1C  }
0x47a: {  	s10 =	simm.s32 @!p4 $0x12400;
	v30 =	vlaneseq.u32 @!p0;
	v22 =	vsel @!p6 vm0, $0x380, v22;
	vm0 =	vcmask @!p6 $0x2320  }
0x47b: {  	s7 =	sadd.s32 @!p1 $0xFFF0BE00, s7;
	[tilespmem:v20+s10+$0x0] =	vst.idx.msk @!p4 $0xffff, v26;
	s10 =	simm.s32 @!p3 $0x14400;
	v20 =	vmul.u32 @!p0 $0x80, v30;
	v22 =	vsel @!p6 vm0, $0x1000, v22;
	vm0 =	vcmask @!p6 $0x2724  }
0x47c: {  	v26 =	vadd.s32 @!p1 s7, v28;
	v25 =	vld.idx.msk @!p3 [tilespmem:v25+s10+$0x0], $0xffff;
	v22 =	vsel @!p6 vm0, $0x1080, v22;
	vm0 =	vcmask @!p6 $0x2B28  }
0x47d: {  	s7 =	sadd.s32 @!p0 $0xFFF0BE00, s9;
	v20 =	vor.u32 @!p0 $0x800, v20;
	v22 =	vsel @!p6 vm0, $0x1100, v22;
	vm0 =	vcmask @!p6 $0x2F2C  }
0x47e: {  	v20 =	vadd.s32 @!p0 s7, v20;
	v22 =	vsel @!p6 vm0, $0x1180, v22;
	vm0 =	vcmask @!p6 $0x3330  }
0x47f: {  	v22 =	vsel @!p6 vm0, $0x1200, v22;
	vm0 =	vcmask @!p6 $0x3734;
	s7 =	spop (v2sf);
	(v2sf) =	vpush v18, $0xF  }
0x480: {  	s9 =	simm.s32 @!p3 $0x12400;
	v18 =	vlaneseq.u32 @!p6;
	v22 =	vsel @!p6 vm0, $0x1280, v22;
	vm0 =	vcmask @!p6 $0x3B38;
	p4 =	slt.s32 s7, $0xF4200  }
0x481: {  	[tilespmem:v21+s9+$0x0] =	vst.idx.msk @!p3 $0xffff, v25;
	s9 =	simm.s32 @!p2 $0x14400;
	v21 =	vsel @!p6 vm0, $0x1300, v22;
	v22 =	vimm.s32 @!p4 $0x1380;
	vm0 =	vcmask @!p4 $0x300  }
0x482: {  	v18 =	vmul.u32 @!p6 $0x80, v18;
	v25 =	vld.idx.msk @!p2 [tilespmem:v27+s9+$0x0], $0xffff;
	v22 =	vsel @!p4 vm0, $0x0, v22;
	vm0 =	vcmask @!p4 $0x704  }
0x483: {  	v24 =	vor.u32 @!p0 v24, v29;
	v22 =	vsel @!p4 vm0, $0x80, v22;
	vm0 =	vcmask @!p4 $0xB08  }
0x484: {  	s8 =	sadd.s32 @!p6 $0xFFF0BE00, s8;
	v18 =	vor.u32 @!p6 $0x800, v18;
	v22 =	vsel @!p4 vm0, $0x100, v22;
	vm0 =	vcmask @!p4 $0xF0C  }
0x485: {  	v18 =	vadd.s32 @!p6 s8, v18;
	s8 =	sadd.s32 @!p6 $0xFFFFFFFE, s25;
	v22 =	vsel @!p4 vm0, $0x180, v22;
	vm0 =	vcmask @!p4 $0x1310  }
0x486: {  	v27 =	vmov @!p6 s8;
	s8 =	simm.s32 @!p2 $0x12400;
	v22 =	vsel @!p4 vm0, $0x200, v22;
	vm0 =	vcmask @!p4 $0x1714  }
0x487: {  	[tilespmem:v23+s8+$0x0] =	vst.idx.msk @!p2 $0xffff, v25;
	s8 =	simm.s32 @!p1 $0x14400;
	v23 =	vand.u32 @!p6 $0x7D, v27;
	v22 =	vsel @!p4 vm0, $0x280, v22;
	vm0 =	vcmask @!p4 $0x1B18  }
0x488: {  	v25 =	vld.idx.msk @!p1 [tilespmem:v26+s8+$0x0], $0xffff;
	v26 =	vshll.u32 @!p6 v27, $0x3;
	v22 =	vsel @!p4 vm0, $0x300, v22;
	vm0 =	vcmask @!p4 $0x1F1C  }
0x489: {  	v26 =	vand.u32 @!p6 $0xC00, v26;
	v22 =	vsel @!p4 vm0, $0x380, v22;
	vm0 =	vcmask @!p4 $0x2320  }
0x48a: {  	v23 =	vor.u32 @!p6 v26, v23;
	v22 =	vsel @!p4 vm0, $0x1000, v22;
	vm0 =	vcmask @!p4 $0x2724  }
0x48b: {  	v26 =	vlaneseq.u32 @!p4;
	v22 =	vsel @!p4 vm0, $0x1080, v22;
	vm0 =	vcmask @!p4 $0x2B28  }
0x48c: {  	s8 =	simm.s32 @!p1 $0x12400;
	v26 =	vmul.u32 @!p4 $0x80, v26;
	v22 =	vsel @!p4 vm0, $0x1100, v22;
	vm0 =	vcmask @!p4 $0x2F2C  }
0x48d: {  	[tilespmem:v19+s8+$0x0] =	vst.idx.msk @!p1 $0xffff, v25;
	s8 =	simm.s32 @!p0 $0x14400;
	v19 =	vor.u32 @!p6 v21, v23;
	v21 =	vsel @!p4 vm0, $0x1180, v22;
	vm0 =	vcmask @!p4 $0x3330  }
0x48e: {  	s7 =	sadd.s32 @!p4 $0xFFF0BE00, s7;
	v22 =	vor.u32 @!p4 $0x800, v26;
	v20 =	vld.idx.msk @!p0 [tilespmem:v20+s8+$0x0], $0xffff;
	v21 =	vsel @!p4 vm0, $0x1200, v21;
	vm0 =	vcmask @!p4 $0x3734;
	s8 =	spop (v2sf)  }
0x48f: {  	v22 =	vadd.s32 @!p4 s7, v22;
	v21 =	vsel @!p4 vm0, $0x1280, v21;
	vm0 =	vcmask @!p4 $0x3B38;
	p1 =	slt.s32 s8, $0xF4200  }
0x490: {  	s7 =	sadd.s32 @!p4 $0xFFFFFFFF, s25;
	v21 =	vsel @!p4 vm0, $0x1300, v21;
	v23 =	vimm.s32 @!p1 $0x1380;
	vm0 =	vcmask @!p1 $0x300  }
0x491: {  	v25 =	vmov @!p4 s7;
	v23 =	vsel @!p1 vm0, $0x0, v23;
	vm0 =	vcmask @!p1 $0x704  }
0x492: {  	s7 =	simm.s32 @!p0 $0x12400;
	v26 =	vand.u32 @!p4 $0x7E, v25;
	v23 =	vsel @!p1 vm0, $0x80, v23;
	vm0 =	vcmask @!p1 $0xB08  }
0x493: {  	[tilespmem:v24+s7+$0x0] =	vst.idx.msk @!p0 $0xffff, v20;
	s7 =	simm.s32 @!p6 $0x14400;
	v20 =	vshll.u32 @!p4 v25, $0x3;
	v23 =	vsel @!p1 vm0, $0x100, v23;
	vm0 =	vcmask @!p1 $0xF0C  }
0x494: {  	v24 =	vlaneseq.u32 @!p1;
	v18 =	vld.idx.msk @!p6 [tilespmem:v18+s7+$0x0], $0xffff;
	v23 =	vsel @!p1 vm0, $0x180, v23;
	vm0 =	vcmask @!p1 $0x1310  }
0x495: {  	v20 =	vand.u32 @!p4 $0xC00, v20;
	v23 =	vsel @!p1 vm0, $0x200, v23;
	vm0 =	vcmask @!p1 $0x1714  }
0x496: {  	v24 =	vmul.u32 @!p1 $0x80, v24;
	v23 =	vsel @!p1 vm0, $0x280, v23;
	vm0 =	vcmask @!p1 $0x1B18  }
0x497: {  	v20 =	vor.u32 @!p4 v20, v26;
	v23 =	vsel @!p1 vm0, $0x300, v23;
	vm0 =	vcmask @!p1 $0x1F1C  }
0x498: {  	s7 =	simm.s32 @!p6 $0x12400;
	v20 =	vor.u32 @!p4 v21, v20;
	v21 =	vsel @!p1 vm0, $0x380, v23;
	vm0 =	vcmask @!p1 $0x2320  }
0x499: {  	s8 =	sadd.s32 @!p1 $0xFFF0BE00, s8;
	[tilespmem:v19+s7+$0x0] =	vst.idx.msk @!p6 $0xffff, v18;
	s7 =	simm.s32 @!p4 $0x14400;
	v18 =	vor.u32 @!p1 $0x800, v24;
	v19 =	vsel @!p1 vm0, $0x1000, v21;
	vm0 =	vcmask @!p1 $0x2724  }
0x49a: {  	v21 =	vld.idx.msk @!p4 [tilespmem:v22+s7+$0x0], $0xffff;
	v18 =	vadd.s32 @!p1 s8, v18;
	v19 =	vsel @!p1 vm0, $0x1080, v19;
	vm0 =	vcmask @!p1 $0x2B28  }
0x49b: {  	v22 =	vmov @!p1 s25;
	v19 =	vsel @!p1 vm0, $0x1100, v19;
	vm0 =	vcmask @!p1 $0x2F2C  }
0x49c: {  	v23 =	vand.u32 @!p1 $0x7F, v22;
	v19 =	vsel @!p1 vm0, $0x1180, v19;
	vm0 =	vcmask @!p1 $0x3330  }
0x49d: {  	v22 =	vshll.u32 @!p1 v22, $0x3;
	v19 =	vsel @!p1 vm0, $0x1200, v19;
	vm0 =	vcmask @!p1 $0x3734  }
0x49e: {  	s7 =	simm.s32 @!p4 $0x12400;
	v22 =	vand.u32 @!p1 $0xC00, v22;
	v19 =	vsel @!p1 vm0, $0x1280, v19;
	vm0 =	vcmask @!p1 $0x3B38  }
0x49f: {  	[tilespmem:v20+s7+$0x0] =	vst.idx.msk @!p4 $0xffff, v21;
	s7 =	simm.s32 @!p1 $0x14400;
	v20 =	vor.u32 @!p1 v22, v23;
	v19 =	vsel @!p1 vm0, $0x1300, v19  }
0x4a0: {  	v18 =	vld.idx.msk @!p1 [tilespmem:v18+s7+$0x0], $0xffff;
	v19 =	vor.u32 @!p1 v19, v20  }
.Ltmp10:
0x4a1: {  	_ = 	snop;
	(pc) =	sbr.rel .LBB2_10-.Ltmp10, $3  }
0x4a2: {  	_ =	sdelay $0x1  }
0x4a3: {  	s7 =	simm.s32 @!p1 $0x12400  }
0x4a4: {  	[tilespmem:v19+s7+$0x0] =	vst.idx.msk @!p1 $0xffff, v18  }
.LBB2_12:
0x4a5: {  	_ =	sfence.sel $0x180000  }
0x4a6: {  	[bflag:$0x0] =	sbarrier.arrive $0xFFFF  }
0x4a7: {  	_ =	strace $0x90000047  }
0x4a8: {  	s0 =	stileid.u32;
	[bflag:$0x2] =	sbarrier.arrive $0xFFFF  }
0x4a9: {  	p0 =	sne.s32 s0, $0x0;
	s0 =	rddreg [dreg:$0x6]  }
0x4aa: {  	s0 =	sadd.s32 @!p0 $0x100000, s0  }
0x4ab: {  	[sflag:s0] =	ssyncadd.tile.s32 @!p0 $0x1;
	_ =	shalt  }
.Lfunc_end2:
_tile_overlayer_lowered:
.L_overlay_start_2:
0x4ac: {  	(tag) =	ssettag $0x2  }
0x4ad: {  	s0 =	rddreg [dreg:$0x0];
	s2 =	stileid.u32  }
0x4ae: {  	s1 =	rddreg [dreg:$0x1];
	p0 =	sne.s32 s2, $0x0  }
0x4af: {  	s3 =	rddreg [dreg:$0x2];
	[bflag:$0x3] =	sbarrier.arrive $0xFFFF;
	s2 =	simm.s32 @!p0 $0x1C04  }
0x4b0: {  	[timem:s3], [sflag:s2] =	dma.local @!p0 [hbm:s0], s1  }
0x4b1: {  	s0 =	simm.s32 @!p0 $0x4  }
0x4b2: {  	_ =	swait.ge @!p0 [sflag:s0], s1  }
0x4b3: {  	s1 =	ssub.s32 @!p0 $0x0, s1;
	[sflag:s0] =	ssyncset.done @!p0 $0x0  }
0x4b4: {  	[sflag:s0] =	ssyncadd.s32 @!p0 s1  }
0x4b5: {  	[bflag:$0x3] =	sbarrier.arrive $0xFFFF  }
0x4b6: {  	_ =	shalt  }

</sc_bundles>
